<compile_context>
chip_gen: v7x
topology: tpu7x:2x2x1
jax: 0.10.2.dev20260603
libtpu: 0.0.44.dev20260713+nightly
codegen_flags: <defaults>
</compile_context>

<pallas_src>
import functools

import jax
import jax.numpy as jnp
import numpy as np
from jax import lax
from jax.experimental import pallas as pl
from jax.experimental.pallas import tpu as pltpu
from jax.experimental.pallas import tpu_sc as plsc

N = 10000
E = 160000
D = 200
NE = 4
STEPS = 6
G = 64

NC = 2
NS = 16
DH = 128
DP = 2 * DH
EPT = E // NS
BB = 125
NB = EPT // BB
CH = 40
NCH = NB // CH
ACCN = 10240
RPT = ACCN // NS
RB = 80
NRB = RPT // RB

_F32 = jnp.float32


def _make_sc_scatter():
    mesh = plsc.VectorSubcoreMesh(
        core_axis_name="c", subcore_axis_name="s", num_cores=NC, num_subcores=NS
    )

    @functools.partial(
        pl.kernel,
        out_type=jax.ShapeDtypeStruct((NC, ACCN, DH), _F32),
        mesh=mesh,
        scratch_types=[
            pltpu.VMEM((CH, BB), jnp.int32),
            pltpu.VMEM((CH, BB), jnp.int32),
            pltpu.VMEM((BB, DH), _F32),
            pltpu.VMEM((BB, DH), _F32),
            pltpu.VMEM_SHARED((ACCN, DH), _F32),
            pltpu.SemaphoreType.DMA,
            pltpu.SemaphoreType.DMA,
            pltpu.SemaphoreType.DMA,
            pltpu.SemaphoreType.DMA,
        ],
    )
    def sc_scatter(ht_hbm, fidx_hbm, dst_hbm, zeros_hbm, out_hbm,
                   fidx_v, dst_v, buf0, buf1, acc_sh, sem0, sem1, ssem0, ssem1):
        c = lax.axis_index("c")
        s = lax.axis_index("s")

        pltpu.sync_copy(zeros_hbm, acc_sh.at[pl.ds(s * RPT, RPT)])

        plsc.subcore_barrier()

        @pl.loop(0, NCH)
        def _chunk(k):
            pltpu.sync_copy(fidx_hbm.at[c, s, pl.ds(k * CH, CH)], fidx_v)
            pltpu.sync_copy(dst_hbm.at[s, pl.ds(k * CH, CH)], dst_v)
            pltpu.async_copy(ht_hbm.at[fidx_v.at[0]], buf0, sem0)

            @pl.loop(0, CH // 2)
            def _body(j2):
                b0 = 2 * j2
                pltpu.make_async_copy(ht_hbm.at[fidx_v.at[b0]], buf0, sem0).wait()

                @pl.when(j2 > 0)
                def _():
                    pltpu.make_async_copy(
                        buf1, acc_sh.at[dst_v.at[b0 - 1]], ssem1).wait()

                pltpu.async_copy(ht_hbm.at[fidx_v.at[b0 + 1]], buf1, sem1)
                pltpu.async_copy(buf0, acc_sh.at[dst_v.at[b0]], ssem0, add=True)
                pltpu.make_async_copy(ht_hbm.at[fidx_v.at[b0 + 1]], buf1,
                                      sem1).wait()

                @pl.when(b0 + 2 < CH)
                def _():
                    pltpu.make_async_copy(
                        buf0, acc_sh.at[dst_v.at[b0]], ssem0).wait()
                    pltpu.async_copy(ht_hbm.at[fidx_v.at[b0 + 2]], buf0, sem0)

                pltpu.async_copy(buf1, acc_sh.at[dst_v.at[b0 + 1]], ssem1,
                                 add=True)

            pltpu.make_async_copy(buf0, acc_sh.at[dst_v.at[CH - 2]], ssem0).wait()
            pltpu.make_async_copy(buf1, acc_sh.at[dst_v.at[CH - 1]], ssem1).wait()

        plsc.subcore_barrier()

        base = s * RPT
        pltpu.sync_copy(acc_sh.at[pl.ds(base, RPT)], out_hbm.at[c, pl.ds(base, RPT)])

    return sc_scatter


_sc_cache = []


def _sc_scatter(ht, fidx, dsti, zeros):
    if not _sc_cache:
        _sc_cache.append(_make_sc_scatter())
    return _sc_cache[0](ht, fidx, dsti, zeros)


_BN = 2000
_NBLK = N // _BN


def _ht_body(h_ref, wm_ref, bm_ref, ht_ref):
    h = h_ref[...]
    for t in range(NE):
        full = jnp.dot(h, wm_ref[t], preferred_element_type=_F32) + bm_ref[t]
        ht_ref[0, t] = full[:, 0:DH]
        ht_ref[1, t] = full[:, DH:DP]


def _ht_kernel(h, wmT, bm):
    return pl.pallas_call(
        _ht_body,
        grid=(_NBLK,),
        in_specs=[
            pl.BlockSpec((_BN, D), lambda i: (i, 0)),
            pl.BlockSpec((NE, D, DP), lambda i: (0, 0, 0)),
            pl.BlockSpec((NE, 1, DP), lambda i: (0, 0, 0)),
        ],
        out_specs=pl.BlockSpec((NC, NE, _BN, DH), lambda i: (0, 0, i, 0)),
        out_shape=jax.ShapeDtypeStruct((NC, NE, N, DH), _F32),
    )(h, wmT, bm)


def _gru_body(h_ref, ap_ref, wih_ref, whh_ref, bih_ref, bhh_ref,
              wm_ref, bm_ref, hnew_ref, ht_ref):
    h = h_ref[...]
    a = jnp.concatenate([ap_ref[0], ap_ref[1]], axis=1)[:, 0:D]
    gi = jnp.dot(a, wih_ref[...], preferred_element_type=_F32) + bih_ref[...]
    gh = jnp.dot(h, whh_ref[...], preferred_element_type=_F32) + bhh_ref[...]
    i_r = gi[:, 0:D]
    i_z = gi[:, D:2 * D]
    i_n = gi[:, 2 * D:3 * D]
    h_r = gh[:, 0:D]
    h_z = gh[:, D:2 * D]
    h_n = gh[:, 2 * D:3 * D]
    r = jax.nn.sigmoid(i_r + h_r)
    z = jax.nn.sigmoid(i_z + h_z)
    n = jnp.tanh(i_n + r * h_n)
    hn = (1.0 - z) * n + z * h
    hnew_ref[...] = hn
    for t in range(NE):
        full = jnp.dot(hn, wm_ref[t], preferred_element_type=_F32) + bm_ref[t]
        ht_ref[0, t] = full[:, 0:DH]
        ht_ref[1, t] = full[:, DH:DP]


def _gru_kernel(h, ap, wihT, whhT, bih, bhh, wmT, bm):
    return pl.pallas_call(
        _gru_body,
        grid=(_NBLK,),
        in_specs=[
            pl.BlockSpec((_BN, D), lambda i: (i, 0)),
            pl.BlockSpec((NC, _BN, DH), lambda i: (0, i, 0)),
            pl.BlockSpec((D, 3 * D), lambda i: (0, 0)),
            pl.BlockSpec((D, 3 * D), lambda i: (0, 0)),
            pl.BlockSpec((1, 3 * D), lambda i: (0, 0)),
            pl.BlockSpec((1, 3 * D), lambda i: (0, 0)),
            pl.BlockSpec((NE, D, DP), lambda i: (0, 0, 0)),
            pl.BlockSpec((NE, 1, DP), lambda i: (0, 0, 0)),
        ],
        out_specs=[
            pl.BlockSpec((_BN, D), lambda i: (i, 0)),
            pl.BlockSpec((NC, NE, _BN, DH), lambda i: (0, 0, i, 0)),
        ],
        out_shape=[
            jax.ShapeDtypeStruct((N, D), _F32),
            jax.ShapeDtypeStruct((NC, NE, N, DH), _F32),
        ],
    )(h, ap, wihT, whhT, bih, bhh, wmT, bm)


def _gru_last_body(h_ref, ap_ref, wih_ref, whh_ref, bih_ref, bhh_ref,
                   hnew_ref):
    h = h_ref[...]
    a = jnp.concatenate([ap_ref[0], ap_ref[1]], axis=1)[:, 0:D]
    gi = jnp.dot(a, wih_ref[...], preferred_element_type=_F32) + bih_ref[...]
    gh = jnp.dot(h, whh_ref[...], preferred_element_type=_F32) + bhh_ref[...]
    r = jax.nn.sigmoid(gi[:, 0:D] + gh[:, 0:D])
    z = jax.nn.sigmoid(gi[:, D:2 * D] + gh[:, D:2 * D])
    n = jnp.tanh(gi[:, 2 * D:3 * D] + r * gh[:, 2 * D:3 * D])
    hnew_ref[...] = (1.0 - z) * n + z * h


def _gru_last_kernel(h, ap, wihT, whhT, bih, bhh):
    return pl.pallas_call(
        _gru_last_body,
        grid=(_NBLK,),
        in_specs=[
            pl.BlockSpec((_BN, D), lambda i: (i, 0)),
            pl.BlockSpec((NC, _BN, DH), lambda i: (0, i, 0)),
            pl.BlockSpec((D, 3 * D), lambda i: (0, 0)),
            pl.BlockSpec((D, 3 * D), lambda i: (0, 0)),
            pl.BlockSpec((1, 3 * D), lambda i: (0, 0)),
            pl.BlockSpec((1, 3 * D), lambda i: (0, 0)),
        ],
        out_specs=pl.BlockSpec((_BN, D), lambda i: (i, 0)),
        out_shape=jax.ShapeDtypeStruct((N, D), _F32),
    )(h, ap, wihT, whhT, bih, bhh)


def _head_body(loc_ref, h_ref, gid_ref, y_ref, scal_ref,
               s3g_ref, s2g_ref, s3l_ref, s2l_ref, l1_ref, l2_ref, lb_ref,
               val_ref, pred_ref, loss_ref, seg_acc, cnt_acc):
    i = pl.program_id(0)
    w0 = scal_ref[0]
    w1 = scal_ref[1]
    w2 = scal_ref[2]
    cb1 = scal_ref[3]
    cw2 = scal_ref[4]
    cb2 = scal_ref[5]

    loc = loc_ref[...]
    x = jnp.concatenate([loc, h_ref[...]], axis=1)

    def conv_pool(v, s3, s2, n3):
        L = v.shape[1]
        y = jax.nn.relu(w0 * v[:, 0:L - 2] + w1 * v[:, 1:L - 1]
                        + w2 * v[:, 2:L] + cb1)
        p = jnp.dot(y, s3[0], preferred_element_type=_F32)
        for k in range(1, n3):
            p = jnp.maximum(p, jnp.dot(y, s3[k], preferred_element_type=_F32))
        q = jax.nn.relu(cw2 * p + cb2)
        r = jnp.maximum(
            jnp.dot(q, s2[0], preferred_element_type=_F32),
            jnp.dot(q, s2[1], preferred_element_type=_F32),
        )
        return r

    f_g = conv_pool(x, s3g_ref, s2g_ref, 3)
    f_l = conv_pool(loc, s3l_ref, s2l_ref, 3)
    zv = jnp.dot(f_g, l1_ref[...], preferred_element_type=_F32) + lb_ref[0:1, :]
    yv = jnp.dot(f_l, l2_ref[...], preferred_element_type=_F32) + lb_ref[1:2, :]
    res = zv * yv

    gid = gid_ref[...]
    gids = lax.broadcasted_iota(jnp.int32, (_BN, G), 1)
    oh = (gid == gids).astype(_F32)
    seg = lax.dot_general(oh, res, (((0,), (0,)), ((), ())),
                          preferred_element_type=_F32)
    cnt = lax.dot_general(oh, jnp.ones((_BN, 1), _F32),
                          (((0,), (0,)), ((), ())),
                          preferred_element_type=_F32)

    @pl.when(i == 0)
    def _():
        seg_acc[...] = jnp.zeros_like(seg_acc)
        cnt_acc[...] = jnp.zeros_like(cnt_acc)

    seg_acc[...] += seg
    cnt_acc[...] += cnt

    @pl.when(i == _NBLK - 1)
    def _():
        res_g = seg_acc[...] / jnp.maximum(cnt_acc[...], 1.0)
        m = jnp.max(res_g, axis=1, keepdims=True)
        ex = jnp.exp(res_g - m)
        se = jnp.sum(ex, axis=1, keepdims=True)
        probs = ex / se
        val_ref[...] = jnp.max(probs, axis=1, keepdims=True)
        p1gt = probs[:, 1:2] > probs[:, 0:1]
        pred_ref[...] = p1gt.astype(jnp.int32)
        logp = res_g - m - jnp.log(se)
        yv_ = y_ref[...]
        pick = jnp.where(yv_ == 1, logp[:, 1:2], logp[:, 0:1])
        loss_ref[...] = -jnp.sum(pick, keepdims=True).reshape(1, 1) / G


def _head_kernel(loc, h, gid2, y2, scal, s3g, s2g, s3l, s2l, l1T, l2T, lb):
    return pl.pallas_call(
        _head_body,
        grid=(_NBLK,),
        in_specs=[
            pl.BlockSpec((_BN, D), lambda i: (i, 0)),
            pl.BlockSpec((_BN, D), lambda i: (i, 0)),
            pl.BlockSpec((_BN, 1), lambda i: (i, 0)),
            pl.BlockSpec((G, 1), lambda i: (0, 0)),
            pl.BlockSpec(memory_space=pltpu.SMEM),
            pl.BlockSpec((3, 398, 198), lambda i: (0, 0, 0)),
            pl.BlockSpec((2, 198, 99), lambda i: (0, 0, 0)),
            pl.BlockSpec((3, 198, 98), lambda i: (0, 0, 0)),
            pl.BlockSpec((2, 98, 49), lambda i: (0, 0, 0)),
            pl.BlockSpec((99, 2), lambda i: (0, 0)),
            pl.BlockSpec((49, 2), lambda i: (0, 0)),
            pl.BlockSpec((2, 2), lambda i: (0, 0)),
        ],
        out_specs=[
            pl.BlockSpec((G, 1), lambda i: (0, 0)),
            pl.BlockSpec((G, 1), lambda i: (0, 0)),
            pl.BlockSpec((1, 1), lambda i: (0, 0)),
        ],
        out_shape=[
            jax.ShapeDtypeStruct((G, 1), _F32),
            jax.ShapeDtypeStruct((G, 1), jnp.int32),
            jax.ShapeDtypeStruct((1, 1), _F32),
        ],
        scratch_shapes=[
            pltpu.VMEM((G, 2), _F32),
            pltpu.VMEM((G, 1), _F32),
        ],
    )(loc, h, gid2, y2, scal, s3g, s2g, s3l, s2l, l1T, l2T, lb)


def _pool_selectors(L, k, s):
    P = (L - k) // s + 1
    S = np.zeros((k, L, P), np.float32)
    for j in range(P):
        for t in range(k):
            S[t, s * j + t, j] = 1.0
    return S


def kernel(local, edge_index, e_type, graph_ids, y, W_msg, b_msg, W_ih, W_hh,
           b_ih, b_hh, conv1_w, conv1_b, conv2_w, conv2_b, lin1_w, lin1_b,
           lin2_w, lin2_b):
    src = edge_index[0]
    dst = edge_index[1]

    fidx0 = (e_type.astype(jnp.int32) * N + src.astype(jnp.int32)).reshape(NS, NB, BB)
    fidx = jnp.stack([fidx0, fidx0 + NE * N])
    dsti = dst.astype(jnp.int32).reshape(NS, NB, BB)
    zeros = jnp.zeros((RPT, DH), _F32)

    wmT = jnp.pad(W_msg.transpose(0, 2, 1),
                  ((0, 0), (0, 0), (0, DP - D)))
    bm = jnp.pad(b_msg, ((0, 0), (0, DP - D))).reshape(NE, 1, DP)
    wihT = W_ih.T
    whhT = W_hh.T
    bih = b_ih.reshape(1, 3 * D)
    bhh = b_hh.reshape(1, 3 * D)

    scal = jnp.stack([conv1_w[0, 0, 0], conv1_w[0, 0, 1], conv1_w[0, 0, 2],
                      conv1_b[0], conv2_w[0, 0, 0], conv2_b[0]])
    s3g = jnp.asarray(_pool_selectors(398, 3, 2))
    s2g = jnp.asarray(_pool_selectors(198, 2, 2))
    s3l = jnp.asarray(_pool_selectors(198, 3, 2))
    s2l = jnp.asarray(_pool_selectors(98, 2, 2))
    l1T = lin1_w.T
    l2T = lin2_w.T
    lb = jnp.stack([lin1_b, lin2_b])

    gid2 = graph_ids.astype(jnp.int32).reshape(N, 1)
    y2 = y.astype(jnp.int32).reshape(G, 1)

    h = local
    ht = _ht_kernel(h, wmT, bm).reshape(NC * NE * N, DH)
    for step in range(STEPS):
        ap = _sc_scatter(ht, fidx, dsti, zeros)
        if step < STEPS - 1:
            h, ht4 = _gru_kernel(h, ap, wihT, whhT, bih, bhh, wmT, bm)
            ht = ht4.reshape(NC * NE * N, DH)
        else:
            h = _gru_last_kernel(h, ap, wihT, whhT, bih, bhh)

    val, pred, loss = _head_kernel(local, h, gid2, y2, scal, s3g, s2g, s3l,
                                   s2l, l1T, l2T, lb)
    return (val.reshape(G), pred.reshape(G), loss.reshape(()))

# --- scband reference (transcript-rebuilt; emitter-appended) ---
"""Pipeline reference for scband-devign-72060961292350 (READ-ONLY COPY).

The authoritative reference and input builder live on the scoring server;
editing this copy changes nothing except your own understanding.
"""

import jax, jax.numpy as jnp
import numpy as np

N = 10000
E = 160000
D = 200
NE = 4
STEPS = 6
G = 64


def setup_inputs(seed: int = 0) -> dict:
    key = jax.random.key(seed)
    ks = jax.random.split(key, 16)
    s = 0.05
    inp = {}
    inp["local"] = jax.random.normal(ks[0], (N, D), dtype=jnp.float32)
    inp["edge_index"] = jax.random.randint(ks[1], (2, E), 0, N)
    inp["e_type"] = jax.random.randint(ks[2], (E,), 0, NE)
    inp["graph_ids"] = jnp.sort(jax.random.randint(ks[3], (N,), 0, G))
    inp["y"] = jax.random.randint(ks[4], (G,), 0, 2)
    inp["W_msg"] = jax.random.normal(ks[5], (NE, D, D), dtype=jnp.float32) * s
    inp["b_msg"] = jnp.zeros((NE, D), dtype=jnp.float32)
    inp["W_ih"] = jax.random.normal(ks[6], (3 * D, D), dtype=jnp.float32) * s
    inp["W_hh"] = jax.random.normal(ks[7], (3 * D, D), dtype=jnp.float32) * s
    inp["b_ih"] = jnp.zeros((3 * D,), dtype=jnp.float32)
    inp["b_hh"] = jnp.zeros((3 * D,), dtype=jnp.float32)
    inp["conv1_w"] = jax.random.normal(ks[8], (1, 1, 3), dtype=jnp.float32) * s
    inp["conv1_b"] = jnp.zeros((1,), dtype=jnp.float32)
    inp["conv2_w"] = jax.random.normal(ks[9], (1, 1, 1), dtype=jnp.float32) * s
    inp["conv2_b"] = jnp.zeros((1,), dtype=jnp.float32)
    inp["lin1_w"] = jax.random.normal(ks[10], (2, 99), dtype=jnp.float32) * s
    inp["lin1_b"] = jnp.zeros((2,), dtype=jnp.float32)
    inp["lin2_w"] = jax.random.normal(ks[11], (2, 49), dtype=jnp.float32) * s
    inp["lin2_b"] = jnp.zeros((2,), dtype=jnp.float32)
    return inp


def _conv1d(x, w, b):
    return jax.lax.conv_general_dilated(x, w, window_strides=(1,), padding='VALID') + b[None, :, None]


def _maxpool(x, k, s):
    return jax.lax.reduce_window(x, -jnp.inf, jax.lax.max, (1, 1, k), (1, 1, s), 'VALID')


def _pipeline(x, c1w, c1b, c2w, c2b):
    x = jax.nn.relu(_conv1d(x, c1w, c1b))
    x = _maxpool(x, 3, 2)
    x = jax.nn.relu(_conv1d(x, c2w, c2b))
    # dropout is identity in eval mode
    x = _maxpool(x, 2, 2)
    return x.reshape(x.shape[0], -1)


def _ggnn(local, src, dst, e_type, W_msg, b_msg, W_ih, W_hh, b_ih, b_hh):
    h = local
    for _ in range(STEPS):
        msg = jnp.einsum('ei,eoi->eo', h[src], W_msg[e_type]) + b_msg[e_type]
        a = jax.ops.segment_sum(msg, dst, num_segments=N)
        gi = a @ W_ih.T + b_ih
        gh = h @ W_hh.T + b_hh
        i_r, i_z, i_n = jnp.split(gi, 3, axis=1)
        h_r, h_z, h_n = jnp.split(gh, 3, axis=1)
        r = jax.nn.sigmoid(i_r + h_r)
        z = jax.nn.sigmoid(i_z + h_z)
        n = jnp.tanh(i_n + r * h_n)
        h = (1.0 - z) * n + z * h
    return h


def reference(local, edge_index, e_type, graph_ids, y, W_msg, b_msg, W_ih, W_hh, b_ih, b_hh, conv1_w, conv1_b, conv2_w, conv2_b, lin1_w, lin1_b, lin2_w, lin2_b):
    src = edge_index[0]
    dst = edge_index[1]
    feature = _ggnn(local, src, dst, e_type, W_msg, b_msg, W_ih, W_hh, b_ih, b_hh)
    gf = jnp.concatenate([local, feature], axis=1)[:, None, :]
    loc = local[:, None, :]
    z_vec = _pipeline(gf, conv1_w, conv1_b, conv2_w, conv2_b) @ lin1_w.T + lin1_b
    y_vec = _pipeline(loc, conv1_w, conv1_b, conv2_w, conv2_b) @ lin2_w.T + lin2_b
    res = z_vec * y_vec
    seg = jax.ops.segment_sum(res, graph_ids, num_segments=G)
    cnt = jax.ops.segment_sum(jnp.ones((N,), dtype=jnp.float32), graph_ids, num_segments=G)
    res_g = seg / jnp.clip(cnt, 1.0)[:, None]
    logp = jax.nn.log_softmax(res_g, axis=1)
    loss = -jnp.mean(jnp.take_along_axis(logp, y[:, None], axis=1))
    probs = jax.nn.softmax(res_g, axis=1)
    value = jnp.max(probs, axis=1)
    predicted = jnp.argmax(probs, axis=1)
    return (value, predicted, loss)

if __name__ == "__main__":
    import jax
    _d = setup_inputs()
    print(jax.jit(kernel)(*tuple(_d.values())))

</pallas_src>

<mosaic_0001>
#map = affine_map<(d0, d1) -> (0, 0)>
#map1 = affine_map<(d0, d1) -> (0, 0, 0, 0)>
#map2 = affine_map<(d0, d1) -> (0, 0, 0)>
module attributes {stable_mosaic.version = 14 : i64} {
  func.func @sc_scatter(%arg0: i32, %arg1: i32, %arg2: memref<80000x128xf32, #tpu.memory_space<hbm>>, %arg3: memref<2x16x80x125xi32, #tpu.memory_space<hbm>>, %arg4: memref<16x80x125xi32, #tpu.memory_space<hbm>>, %arg5: memref<640x128xf32, #tpu.memory_space<hbm>>, %arg6: memref<2x10240x128xf32, #tpu.memory_space<hbm>>, %arg7: memref<40x125xi32, #tpu.memory_space<vmem>>, %arg8: memref<40x125xi32, #tpu.memory_space<vmem>>, %arg9: memref<125x128xf32, #tpu.memory_space<vmem>>, %arg10: memref<125x128xf32, #tpu.memory_space<vmem>>, %arg11: memref<10240x128xf32, #tpu.memory_space<vmem_shared>>, %arg12: memref<!tpu.dma_semaphore, #tpu.memory_space<semaphore_mem>>, %arg13: memref<!tpu.dma_semaphore, #tpu.memory_space<semaphore_mem>>, %arg14: memref<!tpu.dma_semaphore, #tpu.memory_space<semaphore_mem>>, %arg15: memref<!tpu.dma_semaphore, #tpu.memory_space<semaphore_mem>>) attributes {dimension_semantics = [#tpu.dimension_semantics<core_parallel>, #tpu.dimension_semantics<subcore_parallel>], iteration_bounds = array<i64: 2, 16>, scalar_prefetch = 0 : i64, scratch_operands = 9 : i64, tpu.core_type = #tpu.core_type<sc_vector_subcore>, window_params = [{transform_indices = #map}, {transform_indices = #map1}, {transform_indices = #map2}, {transform_indices = #map}, {transform_indices = #map2}]} {
    %mul3A = arith.constant 640 : i32
    %mul3A_0 = arith.muli %arg1, %mul3A : i32
    "tpu.region"() ({
      %run_scoped3A = tpu.sem_alloc : memref<!tpu.dma_semaphore, #tpu.memory_space<semaphore_mem>>
      %dma_start3A = arith.constant 0 : i32
      %dma_start3A_8 = tpu.memref_slice %arg11[%mul3A_0, %dma_start3A] : memref<10240x128xf32, #tpu.memory_space<vmem_shared>> -> memref<640x128xf32, #tpu.memory_space<vmem_shared>>
      tpu.enqueue_dma source(%arg5 : memref<640x128xf32, #tpu.memory_space<hbm>>) target(%dma_start3A_8 : memref<640x128xf32, #tpu.memory_space<vmem_shared>>) target_semaphore(%run_scoped3A : memref<!tpu.dma_semaphore, #tpu.memory_space<semaphore_mem>>)
      %dma_wait3A = arith.constant 0 : i32
      %dma_wait3A_9 = tpu.memref_slice %arg11[%mul3A_0, %dma_wait3A] : memref<10240x128xf32, #tpu.memory_space<vmem_shared>> -> memref<640x128xf32, #tpu.memory_space<vmem_shared>>
      tpu.wait_dma2 semaphore(%run_scoped3A : memref<!tpu.dma_semaphore, #tpu.memory_space<semaphore_mem>>) src(%arg5 : memref<640x128xf32, #tpu.memory_space<hbm>>) dst(%dma_wait3A_9 : memref<640x128xf32, #tpu.memory_space<vmem_shared>>)
      tpu.yield
    }) : () -> ()
    %barrier3A = arith.constant 0 : index
    tpu.barrier barrier_id(%barrier3A)
    %scan3A = arith.constant 0 : i32
    %scan3A_1 = arith.constant 2 : i32
    %scan3A_2 = arith.addi %scan3A, %scan3A_1 : i32
    %scan3A_3 = arith.constant 1 : i32
    scf.for %scan3A_8 = %scan3A to %scan3A_2 step %scan3A_3  : i32 {
      %mul3A_9 = arith.constant 1 : i32
      %mul3A_10 = arith.muli %scan3A_8, %mul3A_9 : i32
      %add3A = arith.constant 0 : i32
      %add3A_11 = arith.addi %add3A, %mul3A_10 : i32
      %mul3A_12 = arith.constant 40 : i32
      %mul3A_13 = arith.muli %add3A_11, %mul3A_12 : i32
      "tpu.region"() ({
        %run_scoped3A = tpu.sem_alloc : memref<!tpu.dma_semaphore, #tpu.memory_space<semaphore_mem>>
        %dma_start3A_40 = arith.constant 0 : i32
        %dma_start3A_41 = tpu.memref_slice %arg3[%arg0, %arg1, %mul3A_13, %dma_start3A_40] : memref<2x16x80x125xi32, #tpu.memory_space<hbm>> -> memref<1x1x40x125xi32, #tpu.memory_space<hbm>>
        %dma_start3A_42 = tpu.memref_squeeze %dma_start3A_41 : memref<1x1x40x125xi32, #tpu.memory_space<hbm>> -> memref<40x125xi32, #tpu.memory_space<hbm>>
        %dma_start3A_43 = arith.constant 0 : i32
        %dma_start3A_44 = tpu.memref_slice %arg3[%arg0, %arg1, %mul3A_13, %dma_start3A_43] : memref<2x16x80x125xi32, #tpu.memory_space<hbm>> -> memref<1x1x40x125xi32, #tpu.memory_space<hbm>>
        %dma_start3A_45 = tpu.memref_squeeze %dma_start3A_44 : memref<1x1x40x125xi32, #tpu.memory_space<hbm>> -> memref<40x125xi32, #tpu.memory_space<hbm>>
        tpu.enqueue_dma source(%dma_start3A_45 : memref<40x125xi32, #tpu.memory_space<hbm>>) target(%arg7 : memref<40x125xi32, #tpu.memory_space<vmem>>) target_semaphore(%run_scoped3A : memref<!tpu.dma_semaphore, #tpu.memory_space<semaphore_mem>>)
        %dma_wait3A_46 = arith.constant 0 : i32
        %dma_wait3A_47 = tpu.memref_slice %arg3[%arg0, %arg1, %mul3A_13, %dma_wait3A_46] : memref<2x16x80x125xi32, #tpu.memory_space<hbm>> -> memref<1x1x40x125xi32, #tpu.memory_space<hbm>>
        %dma_wait3A_48 = tpu.memref_squeeze %dma_wait3A_47 : memref<1x1x40x125xi32, #tpu.memory_space<hbm>> -> memref<40x125xi32, #tpu.memory_space<hbm>>
        %dma_wait3A_49 = arith.constant 0 : i32
        %dma_wait3A_50 = tpu.memref_slice %arg3[%arg0, %arg1, %mul3A_13, %dma_wait3A_49] : memref<2x16x80x125xi32, #tpu.memory_space<hbm>> -> memref<1x1x40x125xi32, #tpu.memory_space<hbm>>
        %dma_wait3A_51 = tpu.memref_squeeze %dma_wait3A_50 : memref<1x1x40x125xi32, #tpu.memory_space<hbm>> -> memref<40x125xi32, #tpu.memory_space<hbm>>
        tpu.wait_dma2 semaphore(%run_scoped3A : memref<!tpu.dma_semaphore, #tpu.memory_space<semaphore_mem>>) src(%dma_wait3A_51 : memref<40x125xi32, #tpu.memory_space<hbm>>) dst(%arg7 : memref<40x125xi32, #tpu.memory_space<vmem>>)
        tpu.yield
      }) : () -> ()
      %mul3A_14 = arith.constant 40 : i32
      %mul3A_15 = arith.muli %add3A_11, %mul3A_14 : i32
      "tpu.region"() ({
        %run_scoped3A = tpu.sem_alloc : memref<!tpu.dma_semaphore, #tpu.memory_space<semaphore_mem>>
        %dma_start3A_40 = arith.constant 0 : i32
        %dma_start3A_41 = tpu.memref_slice %arg4[%arg1, %mul3A_15, %dma_start3A_40] : memref<16x80x125xi32, #tpu.memory_space<hbm>> -> memref<1x40x125xi32, #tpu.memory_space<hbm>>
        %dma_start3A_42 = tpu.memref_squeeze %dma_start3A_41 : memref<1x40x125xi32, #tpu.memory_space<hbm>> -> memref<40x125xi32, #tpu.memory_space<hbm>>
        %dma_start3A_43 = arith.constant 0 : i32
        %dma_start3A_44 = tpu.memref_slice %arg4[%arg1, %mul3A_15, %dma_start3A_43] : memref<16x80x125xi32, #tpu.memory_space<hbm>> -> memref<1x40x125xi32, #tpu.memory_space<hbm>>
        %dma_start3A_45 = tpu.memref_squeeze %dma_start3A_44 : memref<1x40x125xi32, #tpu.memory_space<hbm>> -> memref<40x125xi32, #tpu.memory_space<hbm>>
        tpu.enqueue_dma source(%dma_start3A_45 : memref<40x125xi32, #tpu.memory_space<hbm>>) target(%arg8 : memref<40x125xi32, #tpu.memory_space<vmem>>) target_semaphore(%run_scoped3A : memref<!tpu.dma_semaphore, #tpu.memory_space<semaphore_mem>>)
        %dma_wait3A_46 = arith.constant 0 : i32
        %dma_wait3A_47 = tpu.memref_slice %arg4[%arg1, %mul3A_15, %dma_wait3A_46] : memref<16x80x125xi32, #tpu.memory_space<hbm>> -> memref<1x40x125xi32, #tpu.memory_space<hbm>>
        %dma_wait3A_48 = tpu.memref_squeeze %dma_wait3A_47 : memref<1x40x125xi32, #tpu.memory_space<hbm>> -> memref<40x125xi32, #tpu.memory_space<hbm>>
        %dma_wait3A_49 = arith.constant 0 : i32
        %dma_wait3A_50 = tpu.memref_slice %arg4[%arg1, %mul3A_15, %dma_wait3A_49] : memref<16x80x125xi32, #tpu.memory_space<hbm>> -> memref<1x40x125xi32, #tpu.memory_space<hbm>>
        %dma_wait3A_51 = tpu.memref_squeeze %dma_wait3A_50 : memref<1x40x125xi32, #tpu.memory_space<hbm>> -> memref<40x125xi32, #tpu.memory_space<hbm>>
        tpu.wait_dma2 semaphore(%run_scoped3A : memref<!tpu.dma_semaphore, #tpu.memory_space<semaphore_mem>>) src(%dma_wait3A_51 : memref<40x125xi32, #tpu.memory_space<hbm>>) dst(%arg8 : memref<40x125xi32, #tpu.memory_space<vmem>>)
        tpu.yield
      }) : () -> ()
      %dma_start3A = arith.constant 0 : i32
      %dma_start3A_16 = arith.constant 0 : i32
      %dma_start3A_17 = tpu.memref_slice %arg7[%dma_start3A, %dma_start3A_16] : memref<40x125xi32, #tpu.memory_space<vmem>> -> memref<1x125xi32, #tpu.memory_space<vmem>>
      %dma_start3A_18 = tpu.memref_squeeze %dma_start3A_17 : memref<1x125xi32, #tpu.memory_space<vmem>> -> memref<125xi32, #tpu.memory_space<vmem>>
      %dma_start3A_19 = arith.constant 0 : i32
      %dma_start3A_20 = arith.constant 0 : i32
      %dma_start3A_21 = tpu.memref_slice %arg2[%dma_start3A_19, %dma_start3A_20] : memref<80000x128xf32, #tpu.memory_space<hbm>> -> memref<80000x128xf32, #tpu.memory_space<hbm>>
      tpu.enqueue_indirect_dma source(%dma_start3A_21 : memref<80000x128xf32, #tpu.memory_space<hbm>>) target(%arg9 : memref<125x128xf32, #tpu.memory_space<vmem>>) offsets(%dma_start3A_18 : memref<125xi32, #tpu.memory_space<vmem>>) semaphore(%arg12 : memref<!tpu.dma_semaphore, #tpu.memory_space<semaphore_mem>>)
      %scan3A_22 = arith.constant 0 : i32
      %scan3A_23 = arith.constant 20 : i32
      %scan3A_24 = arith.addi %scan3A_22, %scan3A_23 : i32
      %scan3A_25 = arith.constant 1 : i32
      scf.for %scan3A_40 = %scan3A_22 to %scan3A_24 step %scan3A_25  : i32 {
        %mul3A_41 = arith.constant 1 : i32
        %mul3A_42 = arith.muli %scan3A_40, %mul3A_41 : i32
        %add3A_43 = arith.constant 0 : i32
        %add3A_44 = arith.addi %add3A_43, %mul3A_42 : i32
        %mul3A_45 = arith.constant 2 : i32
        %mul3A_46 = arith.muli %mul3A_45, %add3A_44 : i32
        %dma_wait3A_47 = arith.constant 0 : i32
        %dma_wait3A_48 = tpu.memref_slice %arg7[%mul3A_46, %dma_wait3A_47] : memref<40x125xi32, #tpu.memory_space<vmem>> -> memref<1x125xi32, #tpu.memory_space<vmem>>
        %dma_wait3A_49 = tpu.memref_squeeze %dma_wait3A_48 : memref<1x125xi32, #tpu.memory_space<vmem>> -> memref<125xi32, #tpu.memory_space<vmem>>
        %dma_wait3A_50 = arith.constant 0 : i32
        %dma_wait3A_51 = arith.constant 0 : i32
        %dma_wait3A_52 = tpu.memref_slice %arg2[%dma_wait3A_50, %dma_wait3A_51] : memref<80000x128xf32, #tpu.memory_space<hbm>> -> memref<80000x128xf32, #tpu.memory_space<hbm>>
        tpu.wait_indirect_dma semaphore(%arg12 : memref<!tpu.dma_semaphore, #tpu.memory_space<semaphore_mem>>) src(%dma_wait3A_52 : memref<80000x128xf32, #tpu.memory_space<hbm>>) dst(%arg9 : memref<125x128xf32, #tpu.memory_space<vmem>>)
        %gt3A = arith.constant 0 : i32
        %gt3A_53 = arith.cmpi sgt, %add3A_44, %gt3A : i32
        %convert_element_type3A = arith.extui %gt3A_53 : i1 to i32
        %cond3A = arith.constant 0 : i32
        %cond3A_54 = arith.cmpi ne, %convert_element_type3A, %cond3A : i32
        scf.if %cond3A_54 {
          %sub3A = arith.constant 1 : i32
          %sub3A_91 = arith.subi %mul3A_46, %sub3A : i32
          %dma_wait3A_92 = arith.constant 0 : i32
          %dma_wait3A_93 = tpu.memref_slice %arg8[%sub3A_91, %dma_wait3A_92] : memref<40x125xi32, #tpu.memory_space<vmem>> -> memref<1x125xi32, #tpu.memory_space<vmem>>
          %dma_wait3A_94 = tpu.memref_squeeze %dma_wait3A_93 : memref<1x125xi32, #tpu.memory_space<vmem>> -> memref<125xi32, #tpu.memory_space<vmem>>
          %dma_wait3A_95 = arith.constant 0 : i32
          %dma_wait3A_96 = arith.constant 0 : i32
          %dma_wait3A_97 = tpu.memref_slice %arg11[%dma_wait3A_95, %dma_wait3A_96] : memref<10240x128xf32, #tpu.memory_space<vmem_shared>> -> memref<10240x128xf32, #tpu.memory_space<vmem_shared>>
          tpu.wait_indirect_dma semaphore(%arg15 : memref<!tpu.dma_semaphore, #tpu.memory_space<semaphore_mem>>) src(%arg10 : memref<125x128xf32, #tpu.memory_space<vmem>>) dst(%dma_wait3A_97 : memref<10240x128xf32, #tpu.memory_space<vmem_shared>>)
        } else {
        }
        %add3A_55 = arith.constant 1 : i32
        %add3A_56 = arith.addi %mul3A_46, %add3A_55 : i32
        %dma_start3A_57 = arith.constant 0 : i32
        %dma_start3A_58 = tpu.memref_slice %arg7[%add3A_56, %dma_start3A_57] : memref<40x125xi32, #tpu.memory_space<vmem>> -> memref<1x125xi32, #tpu.memory_space<vmem>>
        %dma_start3A_59 = tpu.memref_squeeze %dma_start3A_58 : memref<1x125xi32, #tpu.memory_space<vmem>> -> memref<125xi32, #tpu.memory_space<vmem>>
        %dma_start3A_60 = arith.constant 0 : i32
        %dma_start3A_61 = arith.constant 0 : i32
        %dma_start3A_62 = tpu.memref_slice %arg2[%dma_start3A_60, %dma_start3A_61] : memref<80000x128xf32, #tpu.memory_space<hbm>> -> memref<80000x128xf32, #tpu.memory_space<hbm>>
        tpu.enqueue_indirect_dma source(%dma_start3A_62 : memref<80000x128xf32, #tpu.memory_space<hbm>>) target(%arg10 : memref<125x128xf32, #tpu.memory_space<vmem>>) offsets(%dma_start3A_59 : memref<125xi32, #tpu.memory_space<vmem>>) semaphore(%arg13 : memref<!tpu.dma_semaphore, #tpu.memory_space<semaphore_mem>>)
        %dma_start3A_63 = arith.constant 0 : i32
        %dma_start3A_64 = tpu.memref_slice %arg8[%mul3A_46, %dma_start3A_63] : memref<40x125xi32, #tpu.memory_space<vmem>> -> memref<1x125xi32, #tpu.memory_space<vmem>>
        %dma_start3A_65 = tpu.memref_squeeze %dma_start3A_64 : memref<1x125xi32, #tpu.memory_space<vmem>> -> memref<125xi32, #tpu.memory_space<vmem>>
        %dma_start3A_66 = arith.constant 0 : i32
        %dma_start3A_67 = arith.constant 0 : i32
        %dma_start3A_68 = tpu.memref_slice %arg11[%dma_start3A_66, %dma_start3A_67] : memref<10240x128xf32, #tpu.memory_space<vmem_shared>> -> memref<10240x128xf32, #tpu.memory_space<vmem_shared>>
        tpu.enqueue_indirect_dma source(%arg9 : memref<125x128xf32, #tpu.memory_space<vmem>>) target(%dma_start3A_68 : memref<10240x128xf32, #tpu.memory_space<vmem_shared>>) offsets(%dma_start3A_65 : memref<125xi32, #tpu.memory_space<vmem>>) semaphore(%arg14 : memref<!tpu.dma_semaphore, #tpu.memory_space<semaphore_mem>>) {add = true}
        %add3A_69 = arith.constant 1 : i32
        %add3A_70 = arith.addi %mul3A_46, %add3A_69 : i32
        %dma_wait3A_71 = arith.constant 0 : i32
        %dma_wait3A_72 = tpu.memref_slice %arg7[%add3A_70, %dma_wait3A_71] : memref<40x125xi32, #tpu.memory_space<vmem>> -> memref<1x125xi32, #tpu.memory_space<vmem>>
        %dma_wait3A_73 = tpu.memref_squeeze %dma_wait3A_72 : memref<1x125xi32, #tpu.memory_space<vmem>> -> memref<125xi32, #tpu.memory_space<vmem>>
        %dma_wait3A_74 = arith.constant 0 : i32
        %dma_wait3A_75 = arith.constant 0 : i32
        %dma_wait3A_76 = tpu.memref_slice %arg2[%dma_wait3A_74, %dma_wait3A_75] : memref<80000x128xf32, #tpu.memory_space<hbm>> -> memref<80000x128xf32, #tpu.memory_space<hbm>>
        tpu.wait_indirect_dma semaphore(%arg13 : memref<!tpu.dma_semaphore, #tpu.memory_space<semaphore_mem>>) src(%dma_wait3A_76 : memref<80000x128xf32, #tpu.memory_space<hbm>>) dst(%arg10 : memref<125x128xf32, #tpu.memory_space<vmem>>)
        %add3A_77 = arith.constant 2 : i32
        %add3A_78 = arith.addi %mul3A_46, %add3A_77 : i32
        %lt3A = arith.constant 40 : i32
        %lt3A_79 = arith.cmpi slt, %add3A_78, %lt3A : i32
        %convert_element_type3A_80 = arith.extui %lt3A_79 : i1 to i32
        %cond3A_81 = arith.constant 0 : i32
        %cond3A_82 = arith.cmpi ne, %convert_element_type3A_80, %cond3A_81 : i32
        scf.if %cond3A_82 {
          %dma_wait3A_91 = arith.constant 0 : i32
          %dma_wait3A_92 = tpu.memref_slice %arg8[%mul3A_46, %dma_wait3A_91] : memref<40x125xi32, #tpu.memory_space<vmem>> -> memref<1x125xi32, #tpu.memory_space<vmem>>
          %dma_wait3A_93 = tpu.memref_squeeze %dma_wait3A_92 : memref<1x125xi32, #tpu.memory_space<vmem>> -> memref<125xi32, #tpu.memory_space<vmem>>
          %dma_wait3A_94 = arith.constant 0 : i32
          %dma_wait3A_95 = arith.constant 0 : i32
          %dma_wait3A_96 = tpu.memref_slice %arg11[%dma_wait3A_94, %dma_wait3A_95] : memref<10240x128xf32, #tpu.memory_space<vmem_shared>> -> memref<10240x128xf32, #tpu.memory_space<vmem_shared>>
          tpu.wait_indirect_dma semaphore(%arg14 : memref<!tpu.dma_semaphore, #tpu.memory_space<semaphore_mem>>) src(%arg9 : memref<125x128xf32, #tpu.memory_space<vmem>>) dst(%dma_wait3A_96 : memref<10240x128xf32, #tpu.memory_space<vmem_shared>>)
          %add3A_97 = arith.constant 2 : i32
          %add3A_98 = arith.addi %mul3A_46, %add3A_97 : i32
          %dma_start3A_99 = arith.constant 0 : i32
          %dma_start3A_100 = tpu.memref_slice %arg7[%add3A_98, %dma_start3A_99] : memref<40x125xi32, #tpu.memory_space<vmem>> -> memref<1x125xi32, #tpu.memory_space<vmem>>
          %dma_start3A_101 = tpu.memref_squeeze %dma_start3A_100 : memref<1x125xi32, #tpu.memory_space<vmem>> -> memref<125xi32, #tpu.memory_space<vmem>>
          %dma_start3A_102 = arith.constant 0 : i32
          %dma_start3A_103 = arith.constant 0 : i32
          %dma_start3A_104 = tpu.memref_slice %arg2[%dma_start3A_102, %dma_start3A_103] : memref<80000x128xf32, #tpu.memory_space<hbm>> -> memref<80000x128xf32, #tpu.memory_space<hbm>>
          tpu.enqueue_indirect_dma source(%dma_start3A_104 : memref<80000x128xf32, #tpu.memory_space<hbm>>) target(%arg9 : memref<125x128xf32, #tpu.memory_space<vmem>>) offsets(%dma_start3A_101 : memref<125xi32, #tpu.memory_space<vmem>>) semaphore(%arg12 : memref<!tpu.dma_semaphore, #tpu.memory_space<semaphore_mem>>)
        } else {
        }
        %add3A_83 = arith.constant 1 : i32
        %add3A_84 = arith.addi %mul3A_46, %add3A_83 : i32
        %dma_start3A_85 = arith.constant 0 : i32
        %dma_start3A_86 = tpu.memref_slice %arg8[%add3A_84, %dma_start3A_85] : memref<40x125xi32, #tpu.memory_space<vmem>> -> memref<1x125xi32, #tpu.memory_space<vmem>>
        %dma_start3A_87 = tpu.memref_squeeze %dma_start3A_86 : memref<1x125xi32, #tpu.memory_space<vmem>> -> memref<125xi32, #tpu.memory_space<vmem>>
        %dma_start3A_88 = arith.constant 0 : i32
        %dma_start3A_89 = arith.constant 0 : i32
        %dma_start3A_90 = tpu.memref_slice %arg11[%dma_start3A_88, %dma_start3A_89] : memref<10240x128xf32, #tpu.memory_space<vmem_shared>> -> memref<10240x128xf32, #tpu.memory_space<vmem_shared>>
        tpu.enqueue_indirect_dma source(%arg10 : memref<125x128xf32, #tpu.memory_space<vmem>>) target(%dma_start3A_90 : memref<10240x128xf32, #tpu.memory_space<vmem_shared>>) offsets(%dma_start3A_87 : memref<125xi32, #tpu.memory_space<vmem>>) semaphore(%arg15 : memref<!tpu.dma_semaphore, #tpu.memory_space<semaphore_mem>>) {add = true}
      }
      %scan3A_26 = arith.constant 20 : i32
      %dma_wait3A = arith.constant 38 : i32
      %dma_wait3A_27 = arith.constant 0 : i32
      %dma_wait3A_28 = tpu.memref_slice %arg8[%dma_wait3A, %dma_wait3A_27] : memref<40x125xi32, #tpu.memory_space<vmem>> -> memref<1x125xi32, #tpu.memory_space<vmem>>
      %dma_wait3A_29 = tpu.memref_squeeze %dma_wait3A_28 : memref<1x125xi32, #tpu.memory_space<vmem>> -> memref<125xi32, #tpu.memory_space<vmem>>
      %dma_wait3A_30 = arith.constant 0 : i32
      %dma_wait3A_31 = arith.constant 0 : i32
      %dma_wait3A_32 = tpu.memref_slice %arg11[%dma_wait3A_30, %dma_wait3A_31] : memref<10240x128xf32, #tpu.memory_space<vmem_shared>> -> memref<10240x128xf32, #tpu.memory_space<vmem_shared>>
      tpu.wait_indirect_dma semaphore(%arg14 : memref<!tpu.dma_semaphore, #tpu.memory_space<semaphore_mem>>) src(%arg9 : memref<125x128xf32, #tpu.memory_space<vmem>>) dst(%dma_wait3A_32 : memref<10240x128xf32, #tpu.memory_space<vmem_shared>>)
      %dma_wait3A_33 = arith.constant 39 : i32
      %dma_wait3A_34 = arith.constant 0 : i32
      %dma_wait3A_35 = tpu.memref_slice %arg8[%dma_wait3A_33, %dma_wait3A_34] : memref<40x125xi32, #tpu.memory_space<vmem>> -> memref<1x125xi32, #tpu.memory_space<vmem>>
      %dma_wait3A_36 = tpu.memref_squeeze %dma_wait3A_35 : memref<1x125xi32, #tpu.memory_space<vmem>> -> memref<125xi32, #tpu.memory_space<vmem>>
      %dma_wait3A_37 = arith.constant 0 : i32
      %dma_wait3A_38 = arith.constant 0 : i32
      %dma_wait3A_39 = tpu.memref_slice %arg11[%dma_wait3A_37, %dma_wait3A_38] : memref<10240x128xf32, #tpu.memory_space<vmem_shared>> -> memref<10240x128xf32, #tpu.memory_space<vmem_shared>>
      tpu.wait_indirect_dma semaphore(%arg15 : memref<!tpu.dma_semaphore, #tpu.memory_space<semaphore_mem>>) src(%arg10 : memref<125x128xf32, #tpu.memory_space<vmem>>) dst(%dma_wait3A_39 : memref<10240x128xf32, #tpu.memory_space<vmem_shared>>)
    }
    %scan3A_4 = arith.constant 2 : i32
    %barrier3A_5 = arith.constant 0 : index
    tpu.barrier barrier_id(%barrier3A_5)
    %mul3A_6 = arith.constant 640 : i32
    %mul3A_7 = arith.muli %arg1, %mul3A_6 : i32
    "tpu.region"() ({
      %run_scoped3A = tpu.sem_alloc : memref<!tpu.dma_semaphore, #tpu.memory_space<semaphore_mem>>
      %dma_start3A = arith.constant 0 : i32
      %dma_start3A_8 = tpu.memref_slice %arg6[%arg0, %mul3A_7, %dma_start3A] : memref<2x10240x128xf32, #tpu.memory_space<hbm>> -> memref<1x640x128xf32, #tpu.memory_space<hbm>>
      %dma_start3A_9 = tpu.memref_squeeze %dma_start3A_8 : memref<1x640x128xf32, #tpu.memory_space<hbm>> -> memref<640x128xf32, #tpu.memory_space<hbm>>
      %dma_start3A_10 = arith.constant 0 : i32
      %dma_start3A_11 = tpu.memref_slice %arg11[%mul3A_7, %dma_start3A_10] : memref<10240x128xf32, #tpu.memory_space<vmem_shared>> -> memref<640x128xf32, #tpu.memory_space<vmem_shared>>
      tpu.enqueue_dma source(%dma_start3A_11 : memref<640x128xf32, #tpu.memory_space<vmem_shared>>) target(%dma_start3A_9 : memref<640x128xf32, #tpu.memory_space<hbm>>) target_semaphore(%run_scoped3A : memref<!tpu.dma_semaphore, #tpu.memory_space<semaphore_mem>>)
      %dma_wait3A = arith.constant 0 : i32
      %dma_wait3A_12 = tpu.memref_slice %arg6[%arg0, %mul3A_7, %dma_wait3A] : memref<2x10240x128xf32, #tpu.memory_space<hbm>> -> memref<1x640x128xf32, #tpu.memory_space<hbm>>
      %dma_wait3A_13 = tpu.memref_squeeze %dma_wait3A_12 : memref<1x640x128xf32, #tpu.memory_space<hbm>> -> memref<640x128xf32, #tpu.memory_space<hbm>>
      %dma_wait3A_14 = arith.constant 0 : i32
      %dma_wait3A_15 = tpu.memref_slice %arg11[%mul3A_7, %dma_wait3A_14] : memref<10240x128xf32, #tpu.memory_space<vmem_shared>> -> memref<640x128xf32, #tpu.memory_space<vmem_shared>>
      tpu.wait_dma2 semaphore(%run_scoped3A : memref<!tpu.dma_semaphore, #tpu.memory_space<semaphore_mem>>) src(%dma_wait3A_15 : memref<640x128xf32, #tpu.memory_space<vmem_shared>>) dst(%dma_wait3A_13 : memref<640x128xf32, #tpu.memory_space<hbm>>)
      tpu.yield
    }) : () -> ()
    return
  }
}

#map = affine_map<(d0, d1) -> (0, 0)>
#map1 = affine_map<(d0, d1) -> (0, 0, 0, 0)>
#map2 = affine_map<(d0, d1) -> (0, 0, 0)>
module attributes {stable_mosaic.version = 14 : i64} {
  func.func @sc_scatter(%arg0: i32, %arg1: i32, %arg2: memref<80000x128xf32, #tpu.memory_space<hbm>>, %arg3: memref<2x16x80x125xi32, #tpu.memory_space<hbm>>, %arg4: memref<16x80x125xi32, #tpu.memory_space<hbm>>, %arg5: memref<640x128xf32, #tpu.memory_space<hbm>>, %arg6: memref<2x10240x128xf32, #tpu.memory_space<hbm>>, %arg7: memref<40x125xi32, #tpu.memory_space<vmem>>, %arg8: memref<40x125xi32, #tpu.memory_space<vmem>>, %arg9: memref<125x128xf32, #tpu.memory_space<vmem>>, %arg10: memref<125x128xf32, #tpu.memory_space<vmem>>, %arg11: memref<10240x128xf32, #tpu.memory_space<vmem_shared>>, %arg12: memref<!tpu.dma_semaphore, #tpu.memory_space<semaphore_mem>>, %arg13: memref<!tpu.dma_semaphore, #tpu.memory_space<semaphore_mem>>, %arg14: memref<!tpu.dma_semaphore, #tpu.memory_space<semaphore_mem>>, %arg15: memref<!tpu.dma_semaphore, #tpu.memory_space<semaphore_mem>>) attributes {dimension_semantics = [#tpu.dimension_semantics<core_parallel>, #tpu.dimension_semantics<subcore_parallel>], iteration_bounds = array<i64: 2, 16>, scalar_prefetch = 0 : i64, scratch_operands = 9 : i64, tpu.core_type = #tpu.core_type<sc_vector_subcore>, window_params = [{transform_indices = #map}, {transform_indices = #map1}, {transform_indices = #map2}, {transform_indices = #map}, {transform_indices = #map2}]} {
    %mul3A = arith.constant 640 : i32
    %mul3A_0 = arith.muli %arg1, %mul3A : i32
    "tpu.region"() ({
      %run_scoped3A = tpu.sem_alloc : memref<!tpu.dma_semaphore, #tpu.memory_space<semaphore_mem>>
      %dma_start3A = arith.constant 0 : i32
      %dma_start3A_8 = tpu.memref_slice %arg11[%mul3A_0, %dma_start3A] : memref<10240x128xf32, #tpu.memory_space<vmem_shared>> -> memref<640x128xf32, #tpu.memory_space<vmem_shared>>
      tpu.enqueue_dma source(%arg5 : memref<640x128xf32, #tpu.memory_space<hbm>>) target(%dma_start3A_8 : memref<640x128xf32, #tpu.memory_space<vmem_shared>>) target_semaphore(%run_scoped3A : memref<!tpu.dma_semaphore, #tpu.memory_space<semaphore_mem>>)
      %dma_wait3A = arith.constant 0 : i32
      %dma_wait3A_9 = tpu.memref_slice %arg11[%mul3A_0, %dma_wait3A] : memref<10240x128xf32, #tpu.memory_space<vmem_shared>> -> memref<640x128xf32, #tpu.memory_space<vmem_shared>>
      tpu.wait_dma2 semaphore(%run_scoped3A : memref<!tpu.dma_semaphore, #tpu.memory_space<semaphore_mem>>) src(%arg5 : memref<640x128xf32, #tpu.memory_space<hbm>>) dst(%dma_wait3A_9 : memref<640x128xf32, #tpu.memory_space<vmem_shared>>)
      tpu.yield
    }) : () -> ()
    %barrier3A = arith.constant 0 : index
    tpu.barrier barrier_id(%barrier3A)
    %scan3A = arith.constant 0 : i32
    %scan3A_1 = arith.constant 2 : i32
    %scan3A_2 = arith.addi %scan3A, %scan3A_1 : i32
    %scan3A_3 = arith.constant 1 : i32
    scf.for %scan3A_8 = %scan3A to %scan3A_2 step %scan3A_3  : i32 {
      %mul3A_9 = arith.constant 1 : i32
      %mul3A_10 = arith.muli %scan3A_8, %mul3A_9 : i32
      %add3A = arith.constant 0 : i32
      %add3A_11 = arith.addi %add3A, %mul3A_10 : i32
      %mul3A_12 = arith.constant 40 : i32
      %mul3A_13 = arith.muli %add3A_11, %mul3A_12 : i32
      "tpu.region"() ({
        %run_scoped3A = tpu.sem_alloc : memref<!tpu.dma_semaphore, #tpu.memory_space<semaphore_mem>>
        %dma_start3A_40 = arith.constant 0 : i32
        %dma_start3A_41 = tpu.memref_slice %arg3[%arg0, %arg1, %mul3A_13, %dma_start3A_40] : memref<2x16x80x125xi32, #tpu.memory_space<hbm>> -> memref<1x1x40x125xi32, #tpu.memory_space<hbm>>
        %dma_start3A_42 = tpu.memref_squeeze %dma_start3A_41 : memref<1x1x40x125xi32, #tpu.memory_space<hbm>> -> memref<40x125xi32, #tpu.memory_space<hbm>>
        %dma_start3A_43 = arith.constant 0 : i32
        %dma_start3A_44 = tpu.memref_slice %arg3[%arg0, %arg1, %mul3A_13, %dma_start3A_43] : memref<2x16x80x125xi32, #tpu.memory_space<hbm>> -> memref<1x1x40x125xi32, #tpu.memory_space<hbm>>
        %dma_start3A_45 = tpu.memref_squeeze %dma_start3A_44 : memref<1x1x40x125xi32, #tpu.memory_space<hbm>> -> memref<40x125xi32, #tpu.memory_space<hbm>>
        tpu.enqueue_dma source(%dma_start3A_45 : memref<40x125xi32, #tpu.memory_space<hbm>>) target(%arg7 : memref<40x125xi32, #tpu.memory_space<vmem>>) target_semaphore(%run_scoped3A : memref<!tpu.dma_semaphore, #tpu.memory_space<semaphore_mem>>)
        %dma_wait3A_46 = arith.constant 0 : i32
        %dma_wait3A_47 = tpu.memref_slice %arg3[%arg0, %arg1, %mul3A_13, %dma_wait3A_46] : memref<2x16x80x125xi32, #tpu.memory_space<hbm>> -> memref<1x1x40x125xi32, #tpu.memory_space<hbm>>
        %dma_wait3A_48 = tpu.memref_squeeze %dma_wait3A_47 : memref<1x1x40x125xi32, #tpu.memory_space<hbm>> -> memref<40x125xi32, #tpu.memory_space<hbm>>
        %dma_wait3A_49 = arith.constant 0 : i32
        %dma_wait3A_50 = tpu.memref_slice %arg3[%arg0, %arg1, %mul3A_13, %dma_wait3A_49] : memref<2x16x80x125xi32, #tpu.memory_space<hbm>> -> memref<1x1x40x125xi32, #tpu.memory_space<hbm>>
        %dma_wait3A_51 = tpu.memref_squeeze %dma_wait3A_50 : memref<1x1x40x125xi32, #tpu.memory_space<hbm>> -> memref<40x125xi32, #tpu.memory_space<hbm>>
        tpu.wait_dma2 semaphore(%run_scoped3A : memref<!tpu.dma_semaphore, #tpu.memory_space<semaphore_mem>>) src(%dma_wait3A_51 : memref<40x125xi32, #tpu.memory_space<hbm>>) dst(%arg7 : memref<40x125xi32, #tpu.memory_space<vmem>>)
        tpu.yield
      }) : () -> ()
      %mul3A_14 = arith.constant 40 : i32
      %mul3A_15 = arith.muli %add3A_11, %mul3A_14 : i32
      "tpu.region"() ({
        %run_scoped3A = tpu.sem_alloc : memref<!tpu.dma_semaphore, #tpu.memory_space<semaphore_mem>>
        %dma_start3A_40 = arith.constant 0 : i32
        %dma_start3A_41 = tpu.memref_slice %arg4[%arg1, %mul3A_15, %dma_start3A_40] : memref<16x80x125xi32, #tpu.memory_space<hbm>> -> memref<1x40x125xi32, #tpu.memory_space<hbm>>
        %dma_start3A_42 = tpu.memref_squeeze %dma_start3A_41 : memref<1x40x125xi32, #tpu.memory_space<hbm>> -> memref<40x125xi32, #tpu.memory_space<hbm>>
        %dma_start3A_43 = arith.constant 0 : i32
        %dma_start3A_44 = tpu.memref_slice %arg4[%arg1, %mul3A_15, %dma_start3A_43] : memref<16x80x125xi32, #tpu.memory_space<hbm>> -> memref<1x40x125xi32, #tpu.memory_space<hbm>>
        %dma_start3A_45 = tpu.memref_squeeze %dma_start3A_44 : memref<1x40x125xi32, #tpu.memory_space<hbm>> -> memref<40x125xi32, #tpu.memory_space<hbm>>
        tpu.enqueue_dma source(%dma_start3A_45 : memref<40x125xi32, #tpu.memory_space<hbm>>) target(%arg8 : memref<40x125xi32, #tpu.memory_space<vmem>>) target_semaphore(%run_scoped3A : memref<!tpu.dma_semaphore, #tpu.memory_space<semaphore_mem>>)
        %dma_wait3A_46 = arith.constant 0 : i32
        %dma_wait3A_47 = tpu.memref_slice %arg4[%arg1, %mul3A_15, %dma_wait3A_46] : memref<16x80x125xi32, #tpu.memory_space<hbm>> -> memref<1x40x125xi32, #tpu.memory_space<hbm>>
        %dma_wait3A_48 = tpu.memref_squeeze %dma_wait3A_47 : memref<1x40x125xi32, #tpu.memory_space<hbm>> -> memref<40x125xi32, #tpu.memory_space<hbm>>
        %dma_wait3A_49 = arith.constant 0 : i32
        %dma_wait3A_50 = tpu.memref_slice %arg4[%arg1, %mul3A_15, %dma_wait3A_49] : memref<16x80x125xi32, #tpu.memory_space<hbm>> -> memref<1x40x125xi32, #tpu.memory_space<hbm>>
        %dma_wait3A_51 = tpu.memref_squeeze %dma_wait3A_50 : memref<1x40x125xi32, #tpu.memory_space<hbm>> -> memref<40x125xi32, #tpu.memory_space<hbm>>
        tpu.wait_dma2 semaphore(%run_scoped3A : memref<!tpu.dma_semaphore, #tpu.memory_space<semaphore_mem>>) src(%dma_wait3A_51 : memref<40x125xi32, #tpu.memory_space<hbm>>) dst(%arg8 : memref<40x125xi32, #tpu.memory_space<vmem>>)
        tpu.yield
      }) : () -> ()
      %dma_start3A = arith.constant 0 : i32
      %dma_start3A_16 = arith.constant 0 : i32
      %dma_start3A_17 = tpu.memref_slice %arg7[%dma_start3A, %dma_start3A_16] : memref<40x125xi32, #tpu.memory_space<vmem>> -> memref<1x125xi32, #tpu.memory_space<vmem>>
      %dma_start3A_18 = tpu.memref_squeeze %dma_start3A_17 : memref<1x125xi32, #tpu.memory_space<vmem>> -> memref<125xi32, #tpu.memory_space<vmem>>
      %dma_start3A_19 = arith.constant 0 : i32
      %dma_start3A_20 = arith.constant 0 : i32
      %dma_start3A_21 = tpu.memref_slice %arg2[%dma_start3A_19, %dma_start3A_20] : memref<80000x128xf32, #tpu.memory_space<hbm>> -> memref<80000x128xf32, #tpu.memory_space<hbm>>
      tpu.enqueue_indirect_dma source(%dma_start3A_21 : memref<80000x128xf32, #tpu.memory_space<hbm>>) target(%arg9 : memref<125x128xf32, #tpu.memory_space<vmem>>) offsets(%dma_start3A_18 : memref<125xi32, #tpu.memory_space<vmem>>) semaphore(%arg12 : memref<!tpu.dma_semaphore, #tpu.memory_space<semaphore_mem>>)
      %scan3A_22 = arith.constant 0 : i32
      %scan3A_23 = arith.constant 20 : i32
      %scan3A_24 = arith.addi %scan3A_22, %scan3A_23 : i32
      %scan3A_25 = arith.constant 1 : i32
      scf.for %scan3A_40 = %scan3A_22 to %scan3A_24 step %scan3A_25  : i32 {
        %mul3A_41 = arith.constant 1 : i32
        %mul3A_42 = arith.muli %scan3A_40, %mul3A_41 : i32
        %add3A_43 = arith.constant 0 : i32
        %add3A_44 = arith.addi %add3A_43, %mul3A_42 : i32
        %mul3A_45 = arith.constant 2 : i32
        %mul3A_46 = arith.muli %mul3A_45, %add3A_44 : i32
        %dma_wait3A_47 = arith.constant 0 : i32
        %dma_wait3A_48 = tpu.memref_slice %arg7[%mul3A_46, %dma_wait3A_47] : memref<40x125xi32, #tpu.memory_space<vmem>> -> memref<1x125xi32, #tpu.memory_space<vmem>>
        %dma_wait3A_49 = tpu.memref_squeeze %dma_wait3A_48 : memref<1x125xi32, #tpu.memory_space<vmem>> -> memref<125xi32, #tpu.memory_space<vmem>>
        %dma_wait3A_50 = arith.constant 0 : i32
        %dma_wait3A_51 = arith.constant 0 : i32
        %dma_wait3A_52 = tpu.memref_slice %arg2[%dma_wait3A_50, %dma_wait3A_51] : memref<80000x128xf32, #tpu.memory_space<hbm>> -> memref<80000x128xf32, #tpu.memory_space<hbm>>
        tpu.wait_indirect_dma semaphore(%arg12 : memref<!tpu.dma_semaphore, #tpu.memory_space<semaphore_mem>>) src(%dma_wait3A_52 : memref<80000x128xf32, #tpu.memory_space<hbm>>) dst(%arg9 : memref<125x128xf32, #tpu.memory_space<vmem>>)
        %gt3A = arith.constant 0 : i32
        %gt3A_53 = arith.cmpi sgt, %add3A_44, %gt3A : i32
        %convert_element_type3A = arith.extui %gt3A_53 : i1 to i32
        %cond3A = arith.constant 0 : i32
        %cond3A_54 = arith.cmpi ne, %convert_element_type3A, %cond3A : i32
        scf.if %cond3A_54 {
          %sub3A = arith.constant 1 : i32
          %sub3A_91 = arith.subi %mul3A_46, %sub3A : i32
          %dma_wait3A_92 = arith.constant 0 : i32
          %dma_wait3A_93 = tpu.memref_slice %arg8[%sub3A_91, %dma_wait3A_92] : memref<40x125xi32, #tpu.memory_space<vmem>> -> memref<1x125xi32, #tpu.memory_space<vmem>>
          %dma_wait3A_94 = tpu.memref_squeeze %dma_wait3A_93 : memref<1x125xi32, #tpu.memory_space<vmem>> -> memref<125xi32, #tpu.memory_space<vmem>>
          %dma_wait3A_95 = arith.constant 0 : i32
          %dma_wait3A_96 = arith.constant 0 : i32
          %dma_wait3A_97 = tpu.memref_slice %arg11[%dma_wait3A_95, %dma_wait3A_96] : memref<10240x128xf32, #tpu.memory_space<vmem_shared>> -> memref<10240x128xf32, #tpu.memory_space<vmem_shared>>
          tpu.wait_indirect_dma semaphore(%arg15 : memref<!tpu.dma_semaphore, #tpu.memory_space<semaphore_mem>>) src(%arg10 : memref<125x128xf32, #tpu.memory_space<vmem>>) dst(%dma_wait3A_97 : memref<10240x128xf32, #tpu.memory_space<vmem_shared>>)
        } else {
        }
        %add3A_55 = arith.constant 1 : i32
        %add3A_56 = arith.addi %mul3A_46, %add3A_55 : i32
        %dma_start3A_57 = arith.constant 0 : i32
        %dma_start3A_58 = tpu.memref_slice %arg7[%add3A_56, %dma_start3A_57] : memref<40x125xi32, #tpu.memory_space<vmem>> -> memref<1x125xi32, #tpu.memory_space<vmem>>
        %dma_start3A_59 = tpu.memref_squeeze %dma_start3A_58 : memref<1x125xi32, #tpu.memory_space<vmem>> -> memref<125xi32, #tpu.memory_space<vmem>>
        %dma_start3A_60 = arith.constant 0 : i32
        %dma_start3A_61 = arith.constant 0 : i32
        %dma_start3A_62 = tpu.memref_slice %arg2[%dma_start3A_60, %dma_start3A_61] : memref<80000x128xf32, #tpu.memory_space<hbm>> -> memref<80000x128xf32, #tpu.memory_space<hbm>>
        tpu.enqueue_indirect_dma source(%dma_start3A_62 : memref<80000x128xf32, #tpu.memory_space<hbm>>) target(%arg10 : memref<125x128xf32, #tpu.memory_space<vmem>>) offsets(%dma_start3A_59 : memref<125xi32, #tpu.memory_space<vmem>>) semaphore(%arg13 : memref<!tpu.dma_semaphore, #tpu.memory_space<semaphore_mem>>)
        %dma_start3A_63 = arith.constant 0 : i32
        %dma_start3A_64 = tpu.memref_slice %arg8[%mul3A_46, %dma_start3A_63] : memref<40x125xi32, #tpu.memory_space<vmem>> -> memref<1x125xi32, #tpu.memory_space<vmem>>
        %dma_start3A_65 = tpu.memref_squeeze %dma_start3A_64 : memref<1x125xi32, #tpu.memory_space<vmem>> -> memref<125xi32, #tpu.memory_space<vmem>>
        %dma_start3A_66 = arith.constant 0 : i32
        %dma_start3A_67 = arith.constant 0 : i32
        %dma_start3A_68 = tpu.memref_slice %arg11[%dma_start3A_66, %dma_start3A_67] : memref<10240x128xf32, #tpu.memory_space<vmem_shared>> -> memref<10240x128xf32, #tpu.memory_space<vmem_shared>>
        tpu.enqueue_indirect_dma source(%arg9 : memref<125x128xf32, #tpu.memory_space<vmem>>) target(%dma_start3A_68 : memref<10240x128xf32, #tpu.memory_space<vmem_shared>>) offsets(%dma_start3A_65 : memref<125xi32, #tpu.memory_space<vmem>>) semaphore(%arg14 : memref<!tpu.dma_semaphore, #tpu.memory_space<semaphore_mem>>) {add = true}
        %add3A_69 = arith.constant 1 : i32
        %add3A_70 = arith.addi %mul3A_46, %add3A_69 : i32
        %dma_wait3A_71 = arith.constant 0 : i32
        %dma_wait3A_72 = tpu.memref_slice %arg7[%add3A_70, %dma_wait3A_71] : memref<40x125xi32, #tpu.memory_space<vmem>> -> memref<1x125xi32, #tpu.memory_space<vmem>>
        %dma_wait3A_73 = tpu.memref_squeeze %dma_wait3A_72 : memref<1x125xi32, #tpu.memory_space<vmem>> -> memref<125xi32, #tpu.memory_space<vmem>>
        %dma_wait3A_74 = arith.constant 0 : i32
        %dma_wait3A_75 = arith.constant 0 : i32
        %dma_wait3A_76 = tpu.memref_slice %arg2[%dma_wait3A_74, %dma_wait3A_75] : memref<80000x128xf32, #tpu.memory_space<hbm>> -> memref<80000x128xf32, #tpu.memory_space<hbm>>
        tpu.wait_indirect_dma semaphore(%arg13 : memref<!tpu.dma_semaphore, #tpu.memory_space<semaphore_mem>>) src(%dma_wait3A_76 : memref<80000x128xf32, #tpu.memory_space<hbm>>) dst(%arg10 : memref<125x128xf32, #tpu.memory_space<vmem>>)
        %add3A_77 = arith.constant 2 : i32
        %add3A_78 = arith.addi %mul3A_46, %add3A_77 : i32
        %lt3A = arith.constant 40 : i32
        %lt3A_79 = arith.cmpi slt, %add3A_78, %lt3A : i32
        %convert_element_type3A_80 = arith.extui %lt3A_79 : i1 to i32
        %cond3A_81 = arith.constant 0 : i32
        %cond3A_82 = arith.cmpi ne, %convert_element_type3A_80, %cond3A_81 : i32
        scf.if %cond3A_82 {
          %dma_wait3A_91 = arith.constant 0 : i32
          %dma_wait3A_92 = tpu.memref_slice %arg8[%mul3A_46, %dma_wait3A_91] : memref<40x125xi32, #tpu.memory_space<vmem>> -> memref<1x125xi32, #tpu.memory_space<vmem>>
          %dma_wait3A_93 = tpu.memref_squeeze %dma_wait3A_92 : memref<1x125xi32, #tpu.memory_space<vmem>> -> memref<125xi32, #tpu.memory_space<vmem>>
          %dma_wait3A_94 = arith.constant 0 : i32
          %dma_wait3A_95 = arith.constant 0 : i32
          %dma_wait3A_96 = tpu.memref_slice %arg11[%dma_wait3A_94, %dma_wait3A_95] : memref<10240x128xf32, #tpu.memory_space<vmem_shared>> -> memref<10240x128xf32, #tpu.memory_space<vmem_shared>>
          tpu.wait_indirect_dma semaphore(%arg14 : memref<!tpu.dma_semaphore, #tpu.memory_space<semaphore_mem>>) src(%arg9 : memref<125x128xf32, #tpu.memory_space<vmem>>) dst(%dma_wait3A_96 : memref<10240x128xf32, #tpu.memory_space<vmem_shared>>)
          %add3A_97 = arith.constant 2 : i32
          %add3A_98 = arith.addi %mul3A_46, %add3A_97 : i32
          %dma_start3A_99 = arith.constant 0 : i32
          %dma_start3A_100 = tpu.memref_slice %arg7[%add3A_98, %dma_start3A_99] : memref<40x125xi32, #tpu.memory_space<vmem>> -> memref<1x125xi32, #tpu.memory_space<vmem>>
          %dma_start3A_101 = tpu.memref_squeeze %dma_start3A_100 : memref<1x125xi32, #tpu.memory_space<vmem>> -> memref<125xi32, #tpu.memory_space<vmem>>
          %dma_start3A_102 = arith.constant 0 : i32
          %dma_start3A_103 = arith.constant 0 : i32
          %dma_start3A_104 = tpu.memref_slice %arg2[%dma_start3A_102, %dma_start3A_103] : memref<80000x128xf32, #tpu.memory_space<hbm>> -> memref<80000x128xf32, #tpu.memory_space<hbm>>
          tpu.enqueue_indirect_dma source(%dma_start3A_104 : memref<80000x128xf32, #tpu.memory_space<hbm>>) target(%arg9 : memref<125x128xf32, #tpu.memory_space<vmem>>) offsets(%dma_start3A_101 : memref<125xi32, #tpu.memory_space<vmem>>) semaphore(%arg12 : memref<!tpu.dma_semaphore, #tpu.memory_space<semaphore_mem>>)
        } else {
        }
        %add3A_83 = arith.constant 1 : i32
        %add3A_84 = arith.addi %mul3A_46, %add3A_83 : i32
        %dma_start3A_85 = arith.constant 0 : i32
        %dma_start3A_86 = tpu.memref_slice %arg8[%add3A_84, %dma_start3A_85] : memref<40x125xi32, #tpu.memory_space<vmem>> -> memref<1x125xi32, #tpu.memory_space<vmem>>
        %dma_start3A_87 = tpu.memref_squeeze %dma_start3A_86 : memref<1x125xi32, #tpu.memory_space<vmem>> -> memref<125xi32, #tpu.memory_space<vmem>>
        %dma_start3A_88 = arith.constant 0 : i32
        %dma_start3A_89 = arith.constant 0 : i32
        %dma_start3A_90 = tpu.memref_slice %arg11[%dma_start3A_88, %dma_start3A_89] : memref<10240x128xf32, #tpu.memory_space<vmem_shared>> -> memref<10240x128xf32, #tpu.memory_space<vmem_shared>>
        tpu.enqueue_indirect_dma source(%arg10 : memref<125x128xf32, #tpu.memory_space<vmem>>) target(%dma_start3A_90 : memref<10240x128xf32, #tpu.memory_space<vmem_shared>>) offsets(%dma_start3A_87 : memref<125xi32, #tpu.memory_space<vmem>>) semaphore(%arg15 : memref<!tpu.dma_semaphore, #tpu.memory_space<semaphore_mem>>) {add = true}
      }
      %scan3A_26 = arith.constant 20 : i32
      %dma_wait3A = arith.constant 38 : i32
      %dma_wait3A_27 = arith.constant 0 : i32
      %dma_wait3A_28 = tpu.memref_slice %arg8[%dma_wait3A, %dma_wait3A_27] : memref<40x125xi32, #tpu.memory_space<vmem>> -> memref<1x125xi32, #tpu.memory_space<vmem>>
      %dma_wait3A_29 = tpu.memref_squeeze %dma_wait3A_28 : memref<1x125xi32, #tpu.memory_space<vmem>> -> memref<125xi32, #tpu.memory_space<vmem>>
      %dma_wait3A_30 = arith.constant 0 : i32
      %dma_wait3A_31 = arith.constant 0 : i32
      %dma_wait3A_32 = tpu.memref_slice %arg11[%dma_wait3A_30, %dma_wait3A_31] : memref<10240x128xf32, #tpu.memory_space<vmem_shared>> -> memref<10240x128xf32, #tpu.memory_space<vmem_shared>>
      tpu.wait_indirect_dma semaphore(%arg14 : memref<!tpu.dma_semaphore, #tpu.memory_space<semaphore_mem>>) src(%arg9 : memref<125x128xf32, #tpu.memory_space<vmem>>) dst(%dma_wait3A_32 : memref<10240x128xf32, #tpu.memory_space<vmem_shared>>)
      %dma_wait3A_33 = arith.constant 39 : i32
      %dma_wait3A_34 = arith.constant 0 : i32
      %dma_wait3A_35 = tpu.memref_slice %arg8[%dma_wait3A_33, %dma_wait3A_34] : memref<40x125xi32, #tpu.memory_space<vmem>> -> memref<1x125xi32, #tpu.memory_space<vmem>>
      %dma_wait3A_36 = tpu.memref_squeeze %dma_wait3A_35 : memref<1x125xi32, #tpu.memory_space<vmem>> -> memref<125xi32, #tpu.memory_space<vmem>>
      %dma_wait3A_37 = arith.constant 0 : i32
      %dma_wait3A_38 = arith.constant 0 : i32
      %dma_wait3A_39 = tpu.memref_slice %arg11[%dma_wait3A_37, %dma_wait3A_38] : memref<10240x128xf32, #tpu.memory_space<vmem_shared>> -> memref<10240x128xf32, #tpu.memory_space<vmem_shared>>
      tpu.wait_indirect_dma semaphore(%arg15 : memref<!tpu.dma_semaphore, #tpu.memory_space<semaphore_mem>>) src(%arg10 : memref<125x128xf32, #tpu.memory_space<vmem>>) dst(%dma_wait3A_39 : memref<10240x128xf32, #tpu.memory_space<vmem_shared>>)
    }
    %scan3A_4 = arith.constant 2 : i32
    %barrier3A_5 = arith.constant 0 : index
    tpu.barrier barrier_id(%barrier3A_5)
    %mul3A_6 = arith.constant 640 : i32
    %mul3A_7 = arith.muli %arg1, %mul3A_6 : i32
    "tpu.region"() ({
      %run_scoped3A = tpu.sem_alloc : memref<!tpu.dma_semaphore, #tpu.memory_space<semaphore_mem>>
      %dma_start3A = arith.constant 0 : i32
      %dma_start3A_8 = tpu.memref_slice %arg6[%arg0, %mul3A_7, %dma_start3A] : memref<2x10240x128xf32, #tpu.memory_space<hbm>> -> memref<1x640x128xf32, #tpu.memory_space<hbm>>
      %dma_start3A_9 = tpu.memref_squeeze %dma_start3A_8 : memref<1x640x128xf32, #tpu.memory_space<hbm>> -> memref<640x128xf32, #tpu.memory_space<hbm>>
      %dma_start3A_10 = arith.constant 0 : i32
      %dma_start3A_11 = tpu.memref_slice %arg11[%mul3A_7, %dma_start3A_10] : memref<10240x128xf32, #tpu.memory_space<vmem_shared>> -> memref<640x128xf32, #tpu.memory_space<vmem_shared>>
      tpu.enqueue_dma source(%dma_start3A_11 : memref<640x128xf32, #tpu.memory_space<vmem_shared>>) target(%dma_start3A_9 : memref<640x128xf32, #tpu.memory_space<hbm>>) target_semaphore(%run_scoped3A : memref<!tpu.dma_semaphore, #tpu.memory_space<semaphore_mem>>)
      %dma_wait3A = arith.constant 0 : i32
      %dma_wait3A_12 = tpu.memref_slice %arg6[%arg0, %mul3A_7, %dma_wait3A] : memref<2x10240x128xf32, #tpu.memory_space<hbm>> -> memref<1x640x128xf32, #tpu.memory_space<hbm>>
      %dma_wait3A_13 = tpu.memref_squeeze %dma_wait3A_12 : memref<1x640x128xf32, #tpu.memory_space<hbm>> -> memref<640x128xf32, #tpu.memory_space<hbm>>
      %dma_wait3A_14 = arith.constant 0 : i32
      %dma_wait3A_15 = tpu.memref_slice %arg11[%mul3A_7, %dma_wait3A_14] : memref<10240x128xf32, #tpu.memory_space<vmem_shared>> -> memref<640x128xf32, #tpu.memory_space<vmem_shared>>
      tpu.wait_dma2 semaphore(%run_scoped3A : memref<!tpu.dma_semaphore, #tpu.memory_space<semaphore_mem>>) src(%dma_wait3A_15 : memref<640x128xf32, #tpu.memory_space<vmem_shared>>) dst(%dma_wait3A_13 : memref<640x128xf32, #tpu.memory_space<hbm>>)
      tpu.yield
    }) : () -> ()
    return
  }
}

#map = affine_map<(d0, d1) -> (0, 0)>
#map1 = affine_map<(d0, d1) -> (0, 0, 0, 0)>
#map2 = affine_map<(d0, d1) -> (0, 0, 0)>
module attributes {stable_mosaic.version = 14 : i64} {
  func.func @sc_scatter(%arg0: i32, %arg1: i32, %arg2: memref<80000x128xf32, #tpu.memory_space<hbm>>, %arg3: memref<2x16x80x125xi32, #tpu.memory_space<hbm>>, %arg4: memref<16x80x125xi32, #tpu.memory_space<hbm>>, %arg5: memref<640x128xf32, #tpu.memory_space<hbm>>, %arg6: memref<2x10240x128xf32, #tpu.memory_space<hbm>>, %arg7: memref<40x125xi32, #tpu.memory_space<vmem>>, %arg8: memref<40x125xi32, #tpu.memory_space<vmem>>, %arg9: memref<125x128xf32, #tpu.memory_space<vmem>>, %arg10: memref<125x128xf32, #tpu.memory_space<vmem>>, %arg11: memref<10240x128xf32, #tpu.memory_space<vmem_shared>>, %arg12: memref<!tpu.dma_semaphore, #tpu.memory_space<semaphore_mem>>, %arg13: memref<!tpu.dma_semaphore, #tpu.memory_space<semaphore_mem>>, %arg14: memref<!tpu.dma_semaphore, #tpu.memory_space<semaphore_mem>>, %arg15: memref<!tpu.dma_semaphore, #tpu.memory_space<semaphore_mem>>) attributes {dimension_semantics = [#tpu.dimension_semantics<core_parallel>, #tpu.dimension_semantics<subcore_parallel>], iteration_bounds = array<i64: 2, 16>, scalar_prefetch = 0 : i64, scratch_operands = 9 : i64, tpu.core_type = #tpu.core_type<sc_vector_subcore>, window_params = [{transform_indices = #map}, {transform_indices = #map1}, {transform_indices = #map2}, {transform_indices = #map}, {transform_indices = #map2}]} {
    %mul3A = arith.constant 640 : i32
    %mul3A_0 = arith.muli %arg1, %mul3A : i32
    "tpu.region"() ({
      %run_scoped3A = tpu.sem_alloc : memref<!tpu.dma_semaphore, #tpu.memory_space<semaphore_mem>>
      %dma_start3A = arith.constant 0 : i32
      %dma_start3A_8 = tpu.memref_slice %arg11[%mul3A_0, %dma_start3A] : memref<10240x128xf32, #tpu.memory_space<vmem_shared>> -> memref<640x128xf32, #tpu.memory_space<vmem_shared>>
      tpu.enqueue_dma source(%arg5 : memref<640x128xf32, #tpu.memory_space<hbm>>) target(%dma_start3A_8 : memref<640x128xf32, #tpu.memory_space<vmem_shared>>) target_semaphore(%run_scoped3A : memref<!tpu.dma_semaphore, #tpu.memory_space<semaphore_mem>>)
      %dma_wait3A = arith.constant 0 : i32
      %dma_wait3A_9 = tpu.memref_slice %arg11[%mul3A_0, %dma_wait3A] : memref<10240x128xf32, #tpu.memory_space<vmem_shared>> -> memref<640x128xf32, #tpu.memory_space<vmem_shared>>
      tpu.wait_dma2 semaphore(%run_scoped3A : memref<!tpu.dma_semaphore, #tpu.memory_space<semaphore_mem>>) src(%arg5 : memref<640x128xf32, #tpu.memory_space<hbm>>) dst(%dma_wait3A_9 : memref<640x128xf32, #tpu.memory_space<vmem_shared>>)
      tpu.yield
    }) : () -> ()
    %barrier3A = arith.constant 0 : index
    tpu.barrier barrier_id(%barrier3A)
    %scan3A = arith.constant 0 : i32
    %scan3A_1 = arith.constant 2 : i32
    %scan3A_2 = arith.addi %scan3A, %scan3A_1 : i32
    %scan3A_3 = arith.constant 1 : i32
    scf.for %scan3A_8 = %scan3A to %scan3A_2 step %scan3A_3  : i32 {
      %mul3A_9 = arith.constant 1 : i32
      %mul3A_10 = arith.muli %scan3A_8, %mul3A_9 : i32
      %add3A = arith.constant 0 : i32
      %add3A_11 = arith.addi %add3A, %mul3A_10 : i32
      %mul3A_12 = arith.constant 40 : i32
      %mul3A_13 = arith.muli %add3A_11, %mul3A_12 : i32
      "tpu.region"() ({
        %run_scoped3A = tpu.sem_alloc : memref<!tpu.dma_semaphore, #tpu.memory_space<semaphore_mem>>
        %dma_start3A_40 = arith.constant 0 : i32
        %dma_start3A_41 = tpu.memref_slice %arg3[%arg0, %arg1, %mul3A_13, %dma_start3A_40] : memref<2x16x80x125xi32, #tpu.memory_space<hbm>> -> memref<1x1x40x125xi32, #tpu.memory_space<hbm>>
        %dma_start3A_42 = tpu.memref_squeeze %dma_start3A_41 : memref<1x1x40x125xi32, #tpu.memory_space<hbm>> -> memref<40x125xi32, #tpu.memory_space<hbm>>
        %dma_start3A_43 = arith.constant 0 : i32
        %dma_start3A_44 = tpu.memref_slice %arg3[%arg0, %arg1, %mul3A_13, %dma_start3A_43] : memref<2x16x80x125xi32, #tpu.memory_space<hbm>> -> memref<1x1x40x125xi32, #tpu.memory_space<hbm>>
        %dma_start3A_45 = tpu.memref_squeeze %dma_start3A_44 : memref<1x1x40x125xi32, #tpu.memory_space<hbm>> -> memref<40x125xi32, #tpu.memory_space<hbm>>
        tpu.enqueue_dma source(%dma_start3A_45 : memref<40x125xi32, #tpu.memory_space<hbm>>) target(%arg7 : memref<40x125xi32, #tpu.memory_space<vmem>>) target_semaphore(%run_scoped3A : memref<!tpu.dma_semaphore, #tpu.memory_space<semaphore_mem>>)
        %dma_wait3A_46 = arith.constant 0 : i32
        %dma_wait3A_47 = tpu.memref_slice %arg3[%arg0, %arg1, %mul3A_13, %dma_wait3A_46] : memref<2x16x80x125xi32, #tpu.memory_space<hbm>> -> memref<1x1x40x125xi32, #tpu.memory_space<hbm>>
        %dma_wait3A_48 = tpu.memref_squeeze %dma_wait3A_47 : memref<1x1x40x125xi32, #tpu.memory_space<hbm>> -> memref<40x125xi32, #tpu.memory_space<hbm>>
        %dma_wait3A_49 = arith.constant 0 : i32
        %dma_wait3A_50 = tpu.memref_slice %arg3[%arg0, %arg1, %mul3A_13, %dma_wait3A_49] : memref<2x16x80x125xi32, #tpu.memory_space<hbm>> -> memref<1x1x40x125xi32, #tpu.memory_space<hbm>>
        %dma_wait3A_51 = tpu.memref_squeeze %dma_wait3A_50 : memref<1x1x40x125xi32, #tpu.memory_space<hbm>> -> memref<40x125xi32, #tpu.memory_space<hbm>>
        tpu.wait_dma2 semaphore(%run_scoped3A : memref<!tpu.dma_semaphore, #tpu.memory_space<semaphore_mem>>) src(%dma_wait3A_51 : memref<40x125xi32, #tpu.memory_space<hbm>>) dst(%arg7 : memref<40x125xi32, #tpu.memory_space<vmem>>)
        tpu.yield
      }) : () -> ()
      %mul3A_14 = arith.constant 40 : i32
      %mul3A_15 = arith.muli %add3A_11, %mul3A_14 : i32
      "tpu.region"() ({
        %run_scoped3A = tpu.sem_alloc : memref<!tpu.dma_semaphore, #tpu.memory_space<semaphore_mem>>
        %dma_start3A_40 = arith.constant 0 : i32
        %dma_start3A_41 = tpu.memref_slice %arg4[%arg1, %mul3A_15, %dma_start3A_40] : memref<16x80x125xi32, #tpu.memory_space<hbm>> -> memref<1x40x125xi32, #tpu.memory_space<hbm>>
        %dma_start3A_42 = tpu.memref_squeeze %dma_start3A_41 : memref<1x40x125xi32, #tpu.memory_space<hbm>> -> memref<40x125xi32, #tpu.memory_space<hbm>>
        %dma_start3A_43 = arith.constant 0 : i32
        %dma_start3A_44 = tpu.memref_slice %arg4[%arg1, %mul3A_15, %dma_start3A_43] : memref<16x80x125xi32, #tpu.memory_space<hbm>> -> memref<1x40x125xi32, #tpu.memory_space<hbm>>
        %dma_start3A_45 = tpu.memref_squeeze %dma_start3A_44 : memref<1x40x125xi32, #tpu.memory_space<hbm>> -> memref<40x125xi32, #tpu.memory_space<hbm>>
        tpu.enqueue_dma source(%dma_start3A_45 : memref<40x125xi32, #tpu.memory_space<hbm>>) target(%arg8 : memref<40x125xi32, #tpu.memory_space<vmem>>) target_semaphore(%run_scoped3A : memref<!tpu.dma_semaphore, #tpu.memory_space<semaphore_mem>>)
        %dma_wait3A_46 = arith.constant 0 : i32
        %dma_wait3A_47 = tpu.memref_slice %arg4[%arg1, %mul3A_15, %dma_wait3A_46] : memref<16x80x125xi32, #tpu.memory_space<hbm>> -> memref<1x40x125xi32, #tpu.memory_space<hbm>>
        %dma_wait3A_48 = tpu.memref_squeeze %dma_wait3A_47 : memref<1x40x125xi32, #tpu.memory_space<hbm>> -> memref<40x125xi32, #tpu.memory_space<hbm>>
        %dma_wait3A_49 = arith.constant 0 : i32
        %dma_wait3A_50 = tpu.memref_slice %arg4[%arg1, %mul3A_15, %dma_wait3A_49] : memref<16x80x125xi32, #tpu.memory_space<hbm>> -> memref<1x40x125xi32, #tpu.memory_space<hbm>>
        %dma_wait3A_51 = tpu.memref_squeeze %dma_wait3A_50 : memref<1x40x125xi32, #tpu.memory_space<hbm>> -> memref<40x125xi32, #tpu.memory_space<hbm>>
        tpu.wait_dma2 semaphore(%run_scoped3A : memref<!tpu.dma_semaphore, #tpu.memory_space<semaphore_mem>>) src(%dma_wait3A_51 : memref<40x125xi32, #tpu.memory_space<hbm>>) dst(%arg8 : memref<40x125xi32, #tpu.memory_space<vmem>>)
        tpu.yield
      }) : () -> ()
      %dma_start3A = arith.constant 0 : i32
      %dma_start3A_16 = arith.constant 0 : i32
      %dma_start3A_17 = tpu.memref_slice %arg7[%dma_start3A, %dma_start3A_16] : memref<40x125xi32, #tpu.memory_space<vmem>> -> memref<1x125xi32, #tpu.memory_space<vmem>>
      %dma_start3A_18 = tpu.memref_squeeze %dma_start3A_17 : memref<1x125xi32, #tpu.memory_space<vmem>> -> memref<125xi32, #tpu.memory_space<vmem>>
      %dma_start3A_19 = arith.constant 0 : i32
      %dma_start3A_20 = arith.constant 0 : i32
      %dma_start3A_21 = tpu.memref_slice %arg2[%dma_start3A_19, %dma_start3A_20] : memref<80000x128xf32, #tpu.memory_space<hbm>> -> memref<80000x128xf32, #tpu.memory_space<hbm>>
      tpu.enqueue_indirect_dma source(%dma_start3A_21 : memref<80000x128xf32, #tpu.memory_space<hbm>>) target(%arg9 : memref<125x128xf32, #tpu.memory_space<vmem>>) offsets(%dma_start3A_18 : memref<125xi32, #tpu.memory_space<vmem>>) semaphore(%arg12 : memref<!tpu.dma_semaphore, #tpu.memory_space<semaphore_mem>>)
      %scan3A_22 = arith.constant 0 : i32
      %scan3A_23 = arith.constant 20 : i32
      %scan3A_24 = arith.addi %scan3A_22, %scan3A_23 : i32
      %scan3A_25 = arith.constant 1 : i32
      scf.for %scan3A_40 = %scan3A_22 to %scan3A_24 step %scan3A_25  : i32 {
        %mul3A_41 = arith.constant 1 : i32
        %mul3A_42 = arith.muli %scan3A_40, %mul3A_41 : i32
        %add3A_43 = arith.constant 0 : i32
        %add3A_44 = arith.addi %add3A_43, %mul3A_42 : i32
        %mul3A_45 = arith.constant 2 : i32
        %mul3A_46 = arith.muli %mul3A_45, %add3A_44 : i32
        %dma_wait3A_47 = arith.constant 0 : i32
        %dma_wait3A_48 = tpu.memref_slice %arg7[%mul3A_46, %dma_wait3A_47] : memref<40x125xi32, #tpu.memory_space<vmem>> -> memref<1x125xi32, #tpu.memory_space<vmem>>
        %dma_wait3A_49 = tpu.memref_squeeze %dma_wait3A_48 : memref<1x125xi32, #tpu.memory_space<vmem>> -> memref<125xi32, #tpu.memory_space<vmem>>
        %dma_wait3A_50 = arith.constant 0 : i32
        %dma_wait3A_51 = arith.constant 0 : i32
        %dma_wait3A_52 = tpu.memref_slice %arg2[%dma_wait3A_50, %dma_wait3A_51] : memref<80000x128xf32, #tpu.memory_space<hbm>> -> memref<80000x128xf32, #tpu.memory_space<hbm>>
        tpu.wait_indirect_dma semaphore(%arg12 : memref<!tpu.dma_semaphore, #tpu.memory_space<semaphore_mem>>) src(%dma_wait3A_52 : memref<80000x128xf32, #tpu.memory_space<hbm>>) dst(%arg9 : memref<125x128xf32, #tpu.memory_space<vmem>>)
        %gt3A = arith.constant 0 : i32
        %gt3A_53 = arith.cmpi sgt, %add3A_44, %gt3A : i32
        %convert_element_type3A = arith.extui %gt3A_53 : i1 to i32
        %cond3A = arith.constant 0 : i32
        %cond3A_54 = arith.cmpi ne, %convert_element_type3A, %cond3A : i32
        scf.if %cond3A_54 {
          %sub3A = arith.constant 1 : i32
          %sub3A_91 = arith.subi %mul3A_46, %sub3A : i32
          %dma_wait3A_92 = arith.constant 0 : i32
          %dma_wait3A_93 = tpu.memref_slice %arg8[%sub3A_91, %dma_wait3A_92] : memref<40x125xi32, #tpu.memory_space<vmem>> -> memref<1x125xi32, #tpu.memory_space<vmem>>
          %dma_wait3A_94 = tpu.memref_squeeze %dma_wait3A_93 : memref<1x125xi32, #tpu.memory_space<vmem>> -> memref<125xi32, #tpu.memory_space<vmem>>
          %dma_wait3A_95 = arith.constant 0 : i32
          %dma_wait3A_96 = arith.constant 0 : i32
          %dma_wait3A_97 = tpu.memref_slice %arg11[%dma_wait3A_95, %dma_wait3A_96] : memref<10240x128xf32, #tpu.memory_space<vmem_shared>> -> memref<10240x128xf32, #tpu.memory_space<vmem_shared>>
          tpu.wait_indirect_dma semaphore(%arg15 : memref<!tpu.dma_semaphore, #tpu.memory_space<semaphore_mem>>) src(%arg10 : memref<125x128xf32, #tpu.memory_space<vmem>>) dst(%dma_wait3A_97 : memref<10240x128xf32, #tpu.memory_space<vmem_shared>>)
        } else {
        }
        %add3A_55 = arith.constant 1 : i32
        %add3A_56 = arith.addi %mul3A_46, %add3A_55 : i32
        %dma_start3A_57 = arith.constant 0 : i32
        %dma_start3A_58 = tpu.memref_slice %arg7[%add3A_56, %dma_start3A_57] : memref<40x125xi32, #tpu.memory_space<vmem>> -> memref<1x125xi32, #tpu.memory_space<vmem>>
        %dma_start3A_59 = tpu.memref_squeeze %dma_start3A_58 : memref<1x125xi32, #tpu.memory_space<vmem>> -> memref<125xi32, #tpu.memory_space<vmem>>
        %dma_start3A_60 = arith.constant 0 : i32
        %dma_start3A_61 = arith.constant 0 : i32
        %dma_start3A_62 = tpu.memref_slice %arg2[%dma_start3A_60, %dma_start3A_61] : memref<80000x128xf32, #tpu.memory_space<hbm>> -> memref<80000x128xf32, #tpu.memory_space<hbm>>
        tpu.enqueue_indirect_dma source(%dma_start3A_62 : memref<80000x128xf32, #tpu.memory_space<hbm>>) target(%arg10 : memref<125x128xf32, #tpu.memory_space<vmem>>) offsets(%dma_start3A_59 : memref<125xi32, #tpu.memory_space<vmem>>) semaphore(%arg13 : memref<!tpu.dma_semaphore, #tpu.memory_space<semaphore_mem>>)
        %dma_start3A_63 = arith.constant 0 : i32
        %dma_start3A_64 = tpu.memref_slice %arg8[%mul3A_46, %dma_start3A_63] : memref<40x125xi32, #tpu.memory_space<vmem>> -> memref<1x125xi32, #tpu.memory_space<vmem>>
        %dma_start3A_65 = tpu.memref_squeeze %dma_start3A_64 : memref<1x125xi32, #tpu.memory_space<vmem>> -> memref<125xi32, #tpu.memory_space<vmem>>
        %dma_start3A_66 = arith.constant 0 : i32
        %dma_start3A_67 = arith.constant 0 : i32
        %dma_start3A_68 = tpu.memref_slice %arg11[%dma_start3A_66, %dma_start3A_67] : memref<10240x128xf32, #tpu.memory_space<vmem_shared>> -> memref<10240x128xf32, #tpu.memory_space<vmem_shared>>
        tpu.enqueue_indirect_dma source(%arg9 : memref<125x128xf32, #tpu.memory_space<vmem>>) target(%dma_start3A_68 : memref<10240x128xf32, #tpu.memory_space<vmem_shared>>) offsets(%dma_start3A_65 : memref<125xi32, #tpu.memory_space<vmem>>) semaphore(%arg14 : memref<!tpu.dma_semaphore, #tpu.memory_space<semaphore_mem>>) {add = true}
        %add3A_69 = arith.constant 1 : i32
        %add3A_70 = arith.addi %mul3A_46, %add3A_69 : i32
        %dma_wait3A_71 = arith.constant 0 : i32
        %dma_wait3A_72 = tpu.memref_slice %arg7[%add3A_70, %dma_wait3A_71] : memref<40x125xi32, #tpu.memory_space<vmem>> -> memref<1x125xi32, #tpu.memory_space<vmem>>
        %dma_wait3A_73 = tpu.memref_squeeze %dma_wait3A_72 : memref<1x125xi32, #tpu.memory_space<vmem>> -> memref<125xi32, #tpu.memory_space<vmem>>
        %dma_wait3A_74 = arith.constant 0 : i32
        %dma_wait3A_75 = arith.constant 0 : i32
        %dma_wait3A_76 = tpu.memref_slice %arg2[%dma_wait3A_74, %dma_wait3A_75] : memref<80000x128xf32, #tpu.memory_space<hbm>> -> memref<80000x128xf32, #tpu.memory_space<hbm>>
        tpu.wait_indirect_dma semaphore(%arg13 : memref<!tpu.dma_semaphore, #tpu.memory_space<semaphore_mem>>) src(%dma_wait3A_76 : memref<80000x128xf32, #tpu.memory_space<hbm>>) dst(%arg10 : memref<125x128xf32, #tpu.memory_space<vmem>>)
        %add3A_77 = arith.constant 2 : i32
        %add3A_78 = arith.addi %mul3A_46, %add3A_77 : i32
        %lt3A = arith.constant 40 : i32
        %lt3A_79 = arith.cmpi slt, %add3A_78, %lt3A : i32
        %convert_element_type3A_80 = arith.extui %lt3A_79 : i1 to i32
        %cond3A_81 = arith.constant 0 : i32
        %cond3A_82 = arith.cmpi ne, %convert_element_type3A_80, %cond3A_81 : i32
        scf.if %cond3A_82 {
          %dma_wait3A_91 = arith.constant 0 : i32
          %dma_wait3A_92 = tpu.memref_slice %arg8[%mul3A_46, %dma_wait3A_91] : memref<40x125xi32, #tpu.memory_space<vmem>> -> memref<1x125xi32, #tpu.memory_space<vmem>>
          %dma_wait3A_93 = tpu.memref_squeeze %dma_wait3A_92 : memref<1x125xi32, #tpu.memory_space<vmem>> -> memref<125xi32, #tpu.memory_space<vmem>>
          %dma_wait3A_94 = arith.constant 0 : i32
          %dma_wait3A_95 = arith.constant 0 : i32
          %dma_wait3A_96 = tpu.memref_slice %arg11[%dma_wait3A_94, %dma_wait3A_95] : memref<10240x128xf32, #tpu.memory_space<vmem_shared>> -> memref<10240x128xf32, #tpu.memory_space<vmem_shared>>
          tpu.wait_indirect_dma semaphore(%arg14 : memref<!tpu.dma_semaphore, #tpu.memory_space<semaphore_mem>>) src(%arg9 : memref<125x128xf32, #tpu.memory_space<vmem>>) dst(%dma_wait3A_96 : memref<10240x128xf32, #tpu.memory_space<vmem_shared>>)
          %add3A_97 = arith.constant 2 : i32
          %add3A_98 = arith.addi %mul3A_46, %add3A_97 : i32
          %dma_start3A_99 = arith.constant 0 : i32
          %dma_start3A_100 = tpu.memref_slice %arg7[%add3A_98, %dma_start3A_99] : memref<40x125xi32, #tpu.memory_space<vmem>> -> memref<1x125xi32, #tpu.memory_space<vmem>>
          %dma_start3A_101 = tpu.memref_squeeze %dma_start3A_100 : memref<1x125xi32, #tpu.memory_space<vmem>> -> memref<125xi32, #tpu.memory_space<vmem>>
          %dma_start3A_102 = arith.constant 0 : i32
          %dma_start3A_103 = arith.constant 0 : i32
          %dma_start3A_104 = tpu.memref_slice %arg2[%dma_start3A_102, %dma_start3A_103] : memref<80000x128xf32, #tpu.memory_space<hbm>> -> memref<80000x128xf32, #tpu.memory_space<hbm>>
          tpu.enqueue_indirect_dma source(%dma_start3A_104 : memref<80000x128xf32, #tpu.memory_space<hbm>>) target(%arg9 : memref<125x128xf32, #tpu.memory_space<vmem>>) offsets(%dma_start3A_101 : memref<125xi32, #tpu.memory_space<vmem>>) semaphore(%arg12 : memref<!tpu.dma_semaphore, #tpu.memory_space<semaphore_mem>>)
        } else {
        }
        %add3A_83 = arith.constant 1 : i32
        %add3A_84 = arith.addi %mul3A_46, %add3A_83 : i32
        %dma_start3A_85 = arith.constant 0 : i32
        %dma_start3A_86 = tpu.memref_slice %arg8[%add3A_84, %dma_start3A_85] : memref<40x125xi32, #tpu.memory_space<vmem>> -> memref<1x125xi32, #tpu.memory_space<vmem>>
        %dma_start3A_87 = tpu.memref_squeeze %dma_start3A_86 : memref<1x125xi32, #tpu.memory_space<vmem>> -> memref<125xi32, #tpu.memory_space<vmem>>
        %dma_start3A_88 = arith.constant 0 : i32
        %dma_start3A_89 = arith.constant 0 : i32
        %dma_start3A_90 = tpu.memref_slice %arg11[%dma_start3A_88, %dma_start3A_89] : memref<10240x128xf32, #tpu.memory_space<vmem_shared>> -> memref<10240x128xf32, #tpu.memory_space<vmem_shared>>
        tpu.enqueue_indirect_dma source(%arg10 : memref<125x128xf32, #tpu.memory_space<vmem>>) target(%dma_start3A_90 : memref<10240x128xf32, #tpu.memory_space<vmem_shared>>) offsets(%dma_start3A_87 : memref<125xi32, #tpu.memory_space<vmem>>) semaphore(%arg15 : memref<!tpu.dma_semaphore, #tpu.memory_space<semaphore_mem>>) {add = true}
      }
      %scan3A_26 = arith.constant 20 : i32
      %dma_wait3A = arith.constant 38 : i32
      %dma_wait3A_27 = arith.constant 0 : i32
      %dma_wait3A_28 = tpu.memref_slice %arg8[%dma_wait3A, %dma_wait3A_27] : memref<40x125xi32, #tpu.memory_space<vmem>> -> memref<1x125xi32, #tpu.memory_space<vmem>>
      %dma_wait3A_29 = tpu.memref_squeeze %dma_wait3A_28 : memref<1x125xi32, #tpu.memory_space<vmem>> -> memref<125xi32, #tpu.memory_space<vmem>>
      %dma_wait3A_30 = arith.constant 0 : i32
      %dma_wait3A_31 = arith.constant 0 : i32
      %dma_wait3A_32 = tpu.memref_slice %arg11[%dma_wait3A_30, %dma_wait3A_31] : memref<10240x128xf32, #tpu.memory_space<vmem_shared>> -> memref<10240x128xf32, #tpu.memory_space<vmem_shared>>
      tpu.wait_indirect_dma semaphore(%arg14 : memref<!tpu.dma_semaphore, #tpu.memory_space<semaphore_mem>>) src(%arg9 : memref<125x128xf32, #tpu.memory_space<vmem>>) dst(%dma_wait3A_32 : memref<10240x128xf32, #tpu.memory_space<vmem_shared>>)
      %dma_wait3A_33 = arith.constant 39 : i32
      %dma_wait3A_34 = arith.constant 0 : i32
      %dma_wait3A_35 = tpu.memref_slice %arg8[%dma_wait3A_33, %dma_wait3A_34] : memref<40x125xi32, #tpu.memory_space<vmem>> -> memref<1x125xi32, #tpu.memory_space<vmem>>
      %dma_wait3A_36 = tpu.memref_squeeze %dma_wait3A_35 : memref<1x125xi32, #tpu.memory_space<vmem>> -> memref<125xi32, #tpu.memory_space<vmem>>
      %dma_wait3A_37 = arith.constant 0 : i32
      %dma_wait3A_38 = arith.constant 0 : i32
      %dma_wait3A_39 = tpu.memref_slice %arg11[%dma_wait3A_37, %dma_wait3A_38] : memref<10240x128xf32, #tpu.memory_space<vmem_shared>> -> memref<10240x128xf32, #tpu.memory_space<vmem_shared>>
      tpu.wait_indirect_dma semaphore(%arg15 : memref<!tpu.dma_semaphore, #tpu.memory_space<semaphore_mem>>) src(%arg10 : memref<125x128xf32, #tpu.memory_space<vmem>>) dst(%dma_wait3A_39 : memref<10240x128xf32, #tpu.memory_space<vmem_shared>>)
    }
    %scan3A_4 = arith.constant 2 : i32
    %barrier3A_5 = arith.constant 0 : index
    tpu.barrier barrier_id(%barrier3A_5)
    %mul3A_6 = arith.constant 640 : i32
    %mul3A_7 = arith.muli %arg1, %mul3A_6 : i32
    "tpu.region"() ({
      %run_scoped3A = tpu.sem_alloc : memref<!tpu.dma_semaphore, #tpu.memory_space<semaphore_mem>>
      %dma_start3A = arith.constant 0 : i32
      %dma_start3A_8 = tpu.memref_slice %arg6[%arg0, %mul3A_7, %dma_start3A] : memref<2x10240x128xf32, #tpu.memory_space<hbm>> -> memref<1x640x128xf32, #tpu.memory_space<hbm>>
      %dma_start3A_9 = tpu.memref_squeeze %dma_start3A_8 : memref<1x640x128xf32, #tpu.memory_space<hbm>> -> memref<640x128xf32, #tpu.memory_space<hbm>>
      %dma_start3A_10 = arith.constant 0 : i32
      %dma_start3A_11 = tpu.memref_slice %arg11[%mul3A_7, %dma_start3A_10] : memref<10240x128xf32, #tpu.memory_space<vmem_shared>> -> memref<640x128xf32, #tpu.memory_space<vmem_shared>>
      tpu.enqueue_dma source(%dma_start3A_11 : memref<640x128xf32, #tpu.memory_space<vmem_shared>>) target(%dma_start3A_9 : memref<640x128xf32, #tpu.memory_space<hbm>>) target_semaphore(%run_scoped3A : memref<!tpu.dma_semaphore, #tpu.memory_space<semaphore_mem>>)
      %dma_wait3A = arith.constant 0 : i32
      %dma_wait3A_12 = tpu.memref_slice %arg6[%arg0, %mul3A_7, %dma_wait3A] : memref<2x10240x128xf32, #tpu.memory_space<hbm>> -> memref<1x640x128xf32, #tpu.memory_space<hbm>>
      %dma_wait3A_13 = tpu.memref_squeeze %dma_wait3A_12 : memref<1x640x128xf32, #tpu.memory_space<hbm>> -> memref<640x128xf32, #tpu.memory_space<hbm>>
      %dma_wait3A_14 = arith.constant 0 : i32
      %dma_wait3A_15 = tpu.memref_slice %arg11[%mul3A_7, %dma_wait3A_14] : memref<10240x128xf32, #tpu.memory_space<vmem_shared>> -> memref<640x128xf32, #tpu.memory_space<vmem_shared>>
      tpu.wait_dma2 semaphore(%run_scoped3A : memref<!tpu.dma_semaphore, #tpu.memory_space<semaphore_mem>>) src(%dma_wait3A_15 : memref<640x128xf32, #tpu.memory_space<vmem_shared>>) dst(%dma_wait3A_13 : memref<640x128xf32, #tpu.memory_space<hbm>>)
      tpu.yield
    }) : () -> ()
    return
  }
}

#map = affine_map<(d0, d1) -> (0, 0)>
#map1 = affine_map<(d0, d1) -> (0, 0, 0, 0)>
#map2 = affine_map<(d0, d1) -> (0, 0, 0)>
module attributes {stable_mosaic.version = 14 : i64} {
  func.func @sc_scatter(%arg0: i32, %arg1: i32, %arg2: memref<80000x128xf32, #tpu.memory_space<hbm>>, %arg3: memref<2x16x80x125xi32, #tpu.memory_space<hbm>>, %arg4: memref<16x80x125xi32, #tpu.memory_space<hbm>>, %arg5: memref<640x128xf32, #tpu.memory_space<hbm>>, %arg6: memref<2x10240x128xf32, #tpu.memory_space<hbm>>, %arg7: memref<40x125xi32, #tpu.memory_space<vmem>>, %arg8: memref<40x125xi32, #tpu.memory_space<vmem>>, %arg9: memref<125x128xf32, #tpu.memory_space<vmem>>, %arg10: memref<125x128xf32, #tpu.memory_space<vmem>>, %arg11: memref<10240x128xf32, #tpu.memory_space<vmem_shared>>, %arg12: memref<!tpu.dma_semaphore, #tpu.memory_space<semaphore_mem>>, %arg13: memref<!tpu.dma_semaphore, #tpu.memory_space<semaphore_mem>>, %arg14: memref<!tpu.dma_semaphore, #tpu.memory_space<semaphore_mem>>, %arg15: memref<!tpu.dma_semaphore, #tpu.memory_space<semaphore_mem>>) attributes {dimension_semantics = [#tpu.dimension_semantics<core_parallel>, #tpu.dimension_semantics<subcore_parallel>], iteration_bounds = array<i64: 2, 16>, scalar_prefetch = 0 : i64, scratch_operands = 9 : i64, tpu.core_type = #tpu.core_type<sc_vector_subcore>, window_params = [{transform_indices = #map}, {transform_indices = #map1}, {transform_indices = #map2}, {transform_indices = #map}, {transform_indices = #map2}]} {
    %mul3A = arith.constant 640 : i32
    %mul3A_0 = arith.muli %arg1, %mul3A : i32
    "tpu.region"() ({
      %run_scoped3A = tpu.sem_alloc : memref<!tpu.dma_semaphore, #tpu.memory_space<semaphore_mem>>
      %dma_start3A = arith.constant 0 : i32
      %dma_start3A_8 = tpu.memref_slice %arg11[%mul3A_0, %dma_start3A] : memref<10240x128xf32, #tpu.memory_space<vmem_shared>> -> memref<640x128xf32, #tpu.memory_space<vmem_shared>>
      tpu.enqueue_dma source(%arg5 : memref<640x128xf32, #tpu.memory_space<hbm>>) target(%dma_start3A_8 : memref<640x128xf32, #tpu.memory_space<vmem_shared>>) target_semaphore(%run_scoped3A : memref<!tpu.dma_semaphore, #tpu.memory_space<semaphore_mem>>)
      %dma_wait3A = arith.constant 0 : i32
      %dma_wait3A_9 = tpu.memref_slice %arg11[%mul3A_0, %dma_wait3A] : memref<10240x128xf32, #tpu.memory_space<vmem_shared>> -> memref<640x128xf32, #tpu.memory_space<vmem_shared>>
      tpu.wait_dma2 semaphore(%run_scoped3A : memref<!tpu.dma_semaphore, #tpu.memory_space<semaphore_mem>>) src(%arg5 : memref<640x128xf32, #tpu.memory_space<hbm>>) dst(%dma_wait3A_9 : memref<640x128xf32, #tpu.memory_space<vmem_shared>>)
      tpu.yield
    }) : () -> ()
    %barrier3A = arith.constant 0 : index
    tpu.barrier barrier_id(%barrier3A)
    %scan3A = arith.constant 0 : i32
    %scan3A_1 = arith.constant 2 : i32
    %scan3A_2 = arith.addi %scan3A, %scan3A_1 : i32
    %scan3A_3 = arith.constant 1 : i32
    scf.for %scan3A_8 = %scan3A to %scan3A_2 step %scan3A_3  : i32 {
      %mul3A_9 = arith.constant 1 : i32
      %mul3A_10 = arith.muli %scan3A_8, %mul3A_9 : i32
      %add3A = arith.constant 0 : i32
      %add3A_11 = arith.addi %add3A, %mul3A_10 : i32
      %mul3A_12 = arith.constant 40 : i32
      %mul3A_13 = arith.muli %add3A_11, %mul3A_12 : i32
      "tpu.region"() ({
        %run_scoped3A = tpu.sem_alloc : memref<!tpu.dma_semaphore, #tpu.memory_space<semaphore_mem>>
        %dma_start3A_40 = arith.constant 0 : i32
        %dma_start3A_41 = tpu.memref_slice %arg3[%arg0, %arg1, %mul3A_13, %dma_start3A_40] : memref<2x16x80x125xi32, #tpu.memory_space<hbm>> -> memref<1x1x40x125xi32, #tpu.memory_space<hbm>>
        %dma_start3A_42 = tpu.memref_squeeze %dma_start3A_41 : memref<1x1x40x125xi32, #tpu.memory_space<hbm>> -> memref<40x125xi32, #tpu.memory_space<hbm>>
        %dma_start3A_43 = arith.constant 0 : i32
        %dma_start3A_44 = tpu.memref_slice %arg3[%arg0, %arg1, %mul3A_13, %dma_start3A_43] : memref<2x16x80x125xi32, #tpu.memory_space<hbm>> -> memref<1x1x40x125xi32, #tpu.memory_space<hbm>>
        %dma_start3A_45 = tpu.memref_squeeze %dma_start3A_44 : memref<1x1x40x125xi32, #tpu.memory_space<hbm>> -> memref<40x125xi32, #tpu.memory_space<hbm>>
        tpu.enqueue_dma source(%dma_start3A_45 : memref<40x125xi32, #tpu.memory_space<hbm>>) target(%arg7 : memref<40x125xi32, #tpu.memory_space<vmem>>) target_semaphore(%run_scoped3A : memref<!tpu.dma_semaphore, #tpu.memory_space<semaphore_mem>>)
        %dma_wait3A_46 = arith.constant 0 : i32
        %dma_wait3A_47 = tpu.memref_slice %arg3[%arg0, %arg1, %mul3A_13, %dma_wait3A_46] : memref<2x16x80x125xi32, #tpu.memory_space<hbm>> -> memref<1x1x40x125xi32, #tpu.memory_space<hbm>>
        %dma_wait3A_48 = tpu.memref_squeeze %dma_wait3A_47 : memref<1x1x40x125xi32, #tpu.memory_space<hbm>> -> memref<40x125xi32, #tpu.memory_space<hbm>>
        %dma_wait3A_49 = arith.constant 0 : i32
        %dma_wait3A_50 = tpu.memref_slice %arg3[%arg0, %arg1, %mul3A_13, %dma_wait3A_49] : memref<2x16x80x125xi32, #tpu.memory_space<hbm>> -> memref<1x1x40x125xi32, #tpu.memory_space<hbm>>
        %dma_wait3A_51 = tpu.memref_squeeze %dma_wait3A_50 : memref<1x1x40x125xi32, #tpu.memory_space<hbm>> -> memref<40x125xi32, #tpu.memory_space<hbm>>
        tpu.wait_dma2 semaphore(%run_scoped3A : memref<!tpu.dma_semaphore, #tpu.memory_space<semaphore_mem>>) src(%dma_wait3A_51 : memref<40x125xi32, #tpu.memory_space<hbm>>) dst(%arg7 : memref<40x125xi32, #tpu.memory_space<vmem>>)
        tpu.yield
      }) : () -> ()
      %mul3A_14 = arith.constant 40 : i32
      %mul3A_15 = arith.muli %add3A_11, %mul3A_14 : i32
      "tpu.region"() ({
        %run_scoped3A = tpu.sem_alloc : memref<!tpu.dma_semaphore, #tpu.memory_space<semaphore_mem>>
        %dma_start3A_40 = arith.constant 0 : i32
        %dma_start3A_41 = tpu.memref_slice %arg4[%arg1, %mul3A_15, %dma_start3A_40] : memref<16x80x125xi32, #tpu.memory_space<hbm>> -> memref<1x40x125xi32, #tpu.memory_space<hbm>>
        %dma_start3A_42 = tpu.memref_squeeze %dma_start3A_41 : memref<1x40x125xi32, #tpu.memory_space<hbm>> -> memref<40x125xi32, #tpu.memory_space<hbm>>
        %dma_start3A_43 = arith.constant 0 : i32
        %dma_start3A_44 = tpu.memref_slice %arg4[%arg1, %mul3A_15, %dma_start3A_43] : memref<16x80x125xi32, #tpu.memory_space<hbm>> -> memref<1x40x125xi32, #tpu.memory_space<hbm>>
        %dma_start3A_45 = tpu.memref_squeeze %dma_start3A_44 : memref<1x40x125xi32, #tpu.memory_space<hbm>> -> memref<40x125xi32, #tpu.memory_space<hbm>>
        tpu.enqueue_dma source(%dma_start3A_45 : memref<40x125xi32, #tpu.memory_space<hbm>>) target(%arg8 : memref<40x125xi32, #tpu.memory_space<vmem>>) target_semaphore(%run_scoped3A : memref<!tpu.dma_semaphore, #tpu.memory_space<semaphore_mem>>)
        %dma_wait3A_46 = arith.constant 0 : i32
        %dma_wait3A_47 = tpu.memref_slice %arg4[%arg1, %mul3A_15, %dma_wait3A_46] : memref<16x80x125xi32, #tpu.memory_space<hbm>> -> memref<1x40x125xi32, #tpu.memory_space<hbm>>
        %dma_wait3A_48 = tpu.memref_squeeze %dma_wait3A_47 : memref<1x40x125xi32, #tpu.memory_space<hbm>> -> memref<40x125xi32, #tpu.memory_space<hbm>>
        %dma_wait3A_49 = arith.constant 0 : i32
        %dma_wait3A_50 = tpu.memref_slice %arg4[%arg1, %mul3A_15, %dma_wait3A_49] : memref<16x80x125xi32, #tpu.memory_space<hbm>> -> memref<1x40x125xi32, #tpu.memory_space<hbm>>
        %dma_wait3A_51 = tpu.memref_squeeze %dma_wait3A_50 : memref<1x40x125xi32, #tpu.memory_space<hbm>> -> memref<40x125xi32, #tpu.memory_space<hbm>>
        tpu.wait_dma2 semaphore(%run_scoped3A : memref<!tpu.dma_semaphore, #tpu.memory_space<semaphore_mem>>) src(%dma_wait3A_51 : memref<40x125xi32, #tpu.memory_space<hbm>>) dst(%arg8 : memref<40x125xi32, #tpu.memory_space<vmem>>)
        tpu.yield
      }) : () -> ()
      %dma_start3A = arith.constant 0 : i32
      %dma_start3A_16 = arith.constant 0 : i32
      %dma_start3A_17 = tpu.memref_slice %arg7[%dma_start3A, %dma_start3A_16] : memref<40x125xi32, #tpu.memory_space<vmem>> -> memref<1x125xi32, #tpu.memory_space<vmem>>
      %dma_start3A_18 = tpu.memref_squeeze %dma_start3A_17 : memref<1x125xi32, #tpu.memory_space<vmem>> -> memref<125xi32, #tpu.memory_space<vmem>>
      %dma_start3A_19 = arith.constant 0 : i32
      %dma_start3A_20 = arith.constant 0 : i32
      %dma_start3A_21 = tpu.memref_slice %arg2[%dma_start3A_19, %dma_start3A_20] : memref<80000x128xf32, #tpu.memory_space<hbm>> -> memref<80000x128xf32, #tpu.memory_space<hbm>>
      tpu.enqueue_indirect_dma source(%dma_start3A_21 : memref<80000x128xf32, #tpu.memory_space<hbm>>) target(%arg9 : memref<125x128xf32, #tpu.memory_space<vmem>>) offsets(%dma_start3A_18 : memref<125xi32, #tpu.memory_space<vmem>>) semaphore(%arg12 : memref<!tpu.dma_semaphore, #tpu.memory_space<semaphore_mem>>)
      %scan3A_22 = arith.constant 0 : i32
      %scan3A_23 = arith.constant 20 : i32
      %scan3A_24 = arith.addi %scan3A_22, %scan3A_23 : i32
      %scan3A_25 = arith.constant 1 : i32
      scf.for %scan3A_40 = %scan3A_22 to %scan3A_24 step %scan3A_25  : i32 {
        %mul3A_41 = arith.constant 1 : i32
        %mul3A_42 = arith.muli %scan3A_40, %mul3A_41 : i32
        %add3A_43 = arith.constant 0 : i32
        %add3A_44 = arith.addi %add3A_43, %mul3A_42 : i32
        %mul3A_45 = arith.constant 2 : i32
        %mul3A_46 = arith.muli %mul3A_45, %add3A_44 : i32
        %dma_wait3A_47 = arith.constant 0 : i32
        %dma_wait3A_48 = tpu.memref_slice %arg7[%mul3A_46, %dma_wait3A_47] : memref<40x125xi32, #tpu.memory_space<vmem>> -> memref<1x125xi32, #tpu.memory_space<vmem>>
        %dma_wait3A_49 = tpu.memref_squeeze %dma_wait3A_48 : memref<1x125xi32, #tpu.memory_space<vmem>> -> memref<125xi32, #tpu.memory_space<vmem>>
        %dma_wait3A_50 = arith.constant 0 : i32
        %dma_wait3A_51 = arith.constant 0 : i32
        %dma_wait3A_52 = tpu.memref_slice %arg2[%dma_wait3A_50, %dma_wait3A_51] : memref<80000x128xf32, #tpu.memory_space<hbm>> -> memref<80000x128xf32, #tpu.memory_space<hbm>>
        tpu.wait_indirect_dma semaphore(%arg12 : memref<!tpu.dma_semaphore, #tpu.memory_space<semaphore_mem>>) src(%dma_wait3A_52 : memref<80000x128xf32, #tpu.memory_space<hbm>>) dst(%arg9 : memref<125x128xf32, #tpu.memory_space<vmem>>)
        %gt3A = arith.constant 0 : i32
        %gt3A_53 = arith.cmpi sgt, %add3A_44, %gt3A : i32
        %convert_element_type3A = arith.extui %gt3A_53 : i1 to i32
        %cond3A = arith.constant 0 : i32
        %cond3A_54 = arith.cmpi ne, %convert_element_type3A, %cond3A : i32
        scf.if %cond3A_54 {
          %sub3A = arith.constant 1 : i32
          %sub3A_91 = arith.subi %mul3A_46, %sub3A : i32
          %dma_wait3A_92 = arith.constant 0 : i32
          %dma_wait3A_93 = tpu.memref_slice %arg8[%sub3A_91, %dma_wait3A_92] : memref<40x125xi32, #tpu.memory_space<vmem>> -> memref<1x125xi32, #tpu.memory_space<vmem>>
          %dma_wait3A_94 = tpu.memref_squeeze %dma_wait3A_93 : memref<1x125xi32, #tpu.memory_space<vmem>> -> memref<125xi32, #tpu.memory_space<vmem>>
          %dma_wait3A_95 = arith.constant 0 : i32
          %dma_wait3A_96 = arith.constant 0 : i32
          %dma_wait3A_97 = tpu.memref_slice %arg11[%dma_wait3A_95, %dma_wait3A_96] : memref<10240x128xf32, #tpu.memory_space<vmem_shared>> -> memref<10240x128xf32, #tpu.memory_space<vmem_shared>>
          tpu.wait_indirect_dma semaphore(%arg15 : memref<!tpu.dma_semaphore, #tpu.memory_space<semaphore_mem>>) src(%arg10 : memref<125x128xf32, #tpu.memory_space<vmem>>) dst(%dma_wait3A_97 : memref<10240x128xf32, #tpu.memory_space<vmem_shared>>)
        } else {
        }
        %add3A_55 = arith.constant 1 : i32
        %add3A_56 = arith.addi %mul3A_46, %add3A_55 : i32
        %dma_start3A_57 = arith.constant 0 : i32
        %dma_start3A_58 = tpu.memref_slice %arg7[%add3A_56, %dma_start3A_57] : memref<40x125xi32, #tpu.memory_space<vmem>> -> memref<1x125xi32, #tpu.memory_space<vmem>>
        %dma_start3A_59 = tpu.memref_squeeze %dma_start3A_58 : memref<1x125xi32, #tpu.memory_space<vmem>> -> memref<125xi32, #tpu.memory_space<vmem>>
        %dma_start3A_60 = arith.constant 0 : i32
        %dma_start3A_61 = arith.constant 0 : i32
        %dma_start3A_62 = tpu.memref_slice %arg2[%dma_start3A_60, %dma_start3A_61] : memref<80000x128xf32, #tpu.memory_space<hbm>> -> memref<80000x128xf32, #tpu.memory_space<hbm>>
        tpu.enqueue_indirect_dma source(%dma_start3A_62 : memref<80000x128xf32, #tpu.memory_space<hbm>>) target(%arg10 : memref<125x128xf32, #tpu.memory_space<vmem>>) offsets(%dma_start3A_59 : memref<125xi32, #tpu.memory_space<vmem>>) semaphore(%arg13 : memref<!tpu.dma_semaphore, #tpu.memory_space<semaphore_mem>>)
        %dma_start3A_63 = arith.constant 0 : i32
        %dma_start3A_64 = tpu.memref_slice %arg8[%mul3A_46, %dma_start3A_63] : memref<40x125xi32, #tpu.memory_space<vmem>> -> memref<1x125xi32, #tpu.memory_space<vmem>>
        %dma_start3A_65 = tpu.memref_squeeze %dma_start3A_64 : memref<1x125xi32, #tpu.memory_space<vmem>> -> memref<125xi32, #tpu.memory_space<vmem>>
        %dma_start3A_66 = arith.constant 0 : i32
        %dma_start3A_67 = arith.constant 0 : i32
        %dma_start3A_68 = tpu.memref_slice %arg11[%dma_start3A_66, %dma_start3A_67] : memref<10240x128xf32, #tpu.memory_space<vmem_shared>> -> memref<10240x128xf32, #tpu.memory_space<vmem_shared>>
        tpu.enqueue_indirect_dma source(%arg9 : memref<125x128xf32, #tpu.memory_space<vmem>>) target(%dma_start3A_68 : memref<10240x128xf32, #tpu.memory_space<vmem_shared>>) offsets(%dma_start3A_65 : memref<125xi32, #tpu.memory_space<vmem>>) semaphore(%arg14 : memref<!tpu.dma_semaphore, #tpu.memory_space<semaphore_mem>>) {add = true}
        %add3A_69 = arith.constant 1 : i32
        %add3A_70 = arith.addi %mul3A_46, %add3A_69 : i32
        %dma_wait3A_71 = arith.constant 0 : i32
        %dma_wait3A_72 = tpu.memref_slice %arg7[%add3A_70, %dma_wait3A_71] : memref<40x125xi32, #tpu.memory_space<vmem>> -> memref<1x125xi32, #tpu.memory_space<vmem>>
        %dma_wait3A_73 = tpu.memref_squeeze %dma_wait3A_72 : memref<1x125xi32, #tpu.memory_space<vmem>> -> memref<125xi32, #tpu.memory_space<vmem>>
        %dma_wait3A_74 = arith.constant 0 : i32
        %dma_wait3A_75 = arith.constant 0 : i32
        %dma_wait3A_76 = tpu.memref_slice %arg2[%dma_wait3A_74, %dma_wait3A_75] : memref<80000x128xf32, #tpu.memory_space<hbm>> -> memref<80000x128xf32, #tpu.memory_space<hbm>>
        tpu.wait_indirect_dma semaphore(%arg13 : memref<!tpu.dma_semaphore, #tpu.memory_space<semaphore_mem>>) src(%dma_wait3A_76 : memref<80000x128xf32, #tpu.memory_space<hbm>>) dst(%arg10 : memref<125x128xf32, #tpu.memory_space<vmem>>)
        %add3A_77 = arith.constant 2 : i32
        %add3A_78 = arith.addi %mul3A_46, %add3A_77 : i32
        %lt3A = arith.constant 40 : i32
        %lt3A_79 = arith.cmpi slt, %add3A_78, %lt3A : i32
        %convert_element_type3A_80 = arith.extui %lt3A_79 : i1 to i32
        %cond3A_81 = arith.constant 0 : i32
        %cond3A_82 = arith.cmpi ne, %convert_element_type3A_80, %cond3A_81 : i32
        scf.if %cond3A_82 {
          %dma_wait3A_91 = arith.constant 0 : i32
          %dma_wait3A_92 = tpu.memref_slice %arg8[%mul3A_46, %dma_wait3A_91] : memref<40x125xi32, #tpu.memory_space<vmem>> -> memref<1x125xi32, #tpu.memory_space<vmem>>
          %dma_wait3A_93 = tpu.memref_squeeze %dma_wait3A_92 : memref<1x125xi32, #tpu.memory_space<vmem>> -> memref<125xi32, #tpu.memory_space<vmem>>
          %dma_wait3A_94 = arith.constant 0 : i32
          %dma_wait3A_95 = arith.constant 0 : i32
          %dma_wait3A_96 = tpu.memref_slice %arg11[%dma_wait3A_94, %dma_wait3A_95] : memref<10240x128xf32, #tpu.memory_space<vmem_shared>> -> memref<10240x128xf32, #tpu.memory_space<vmem_shared>>
          tpu.wait_indirect_dma semaphore(%arg14 : memref<!tpu.dma_semaphore, #tpu.memory_space<semaphore_mem>>) src(%arg9 : memref<125x128xf32, #tpu.memory_space<vmem>>) dst(%dma_wait3A_96 : memref<10240x128xf32, #tpu.memory_space<vmem_shared>>)
          %add3A_97 = arith.constant 2 : i32
          %add3A_98 = arith.addi %mul3A_46, %add3A_97 : i32
          %dma_start3A_99 = arith.constant 0 : i32
          %dma_start3A_100 = tpu.memref_slice %arg7[%add3A_98, %dma_start3A_99] : memref<40x125xi32, #tpu.memory_space<vmem>> -> memref<1x125xi32, #tpu.memory_space<vmem>>
          %dma_start3A_101 = tpu.memref_squeeze %dma_start3A_100 : memref<1x125xi32, #tpu.memory_space<vmem>> -> memref<125xi32, #tpu.memory_space<vmem>>
          %dma_start3A_102 = arith.constant 0 : i32
          %dma_start3A_103 = arith.constant 0 : i32
          %dma_start3A_104 = tpu.memref_slice %arg2[%dma_start3A_102, %dma_start3A_103] : memref<80000x128xf32, #tpu.memory_space<hbm>> -> memref<80000x128xf32, #tpu.memory_space<hbm>>
          tpu.enqueue_indirect_dma source(%dma_start3A_104 : memref<80000x128xf32, #tpu.memory_space<hbm>>) target(%arg9 : memref<125x128xf32, #tpu.memory_space<vmem>>) offsets(%dma_start3A_101 : memref<125xi32, #tpu.memory_space<vmem>>) semaphore(%arg12 : memref<!tpu.dma_semaphore, #tpu.memory_space<semaphore_mem>>)
        } else {
        }
        %add3A_83 = arith.constant 1 : i32
        %add3A_84 = arith.addi %mul3A_46, %add3A_83 : i32
        %dma_start3A_85 = arith.constant 0 : i32
        %dma_start3A_86 = tpu.memref_slice %arg8[%add3A_84, %dma_start3A_85] : memref<40x125xi32, #tpu.memory_space<vmem>> -> memref<1x125xi32, #tpu.memory_space<vmem>>
        %dma_start3A_87 = tpu.memref_squeeze %dma_start3A_86 : memref<1x125xi32, #tpu.memory_space<vmem>> -> memref<125xi32, #tpu.memory_space<vmem>>
        %dma_start3A_88 = arith.constant 0 : i32
        %dma_start3A_89 = arith.constant 0 : i32
        %dma_start3A_90 = tpu.memref_slice %arg11[%dma_start3A_88, %dma_start3A_89] : memref<10240x128xf32, #tpu.memory_space<vmem_shared>> -> memref<10240x128xf32, #tpu.memory_space<vmem_shared>>
        tpu.enqueue_indirect_dma source(%arg10 : memref<125x128xf32, #tpu.memory_space<vmem>>) target(%dma_start3A_90 : memref<10240x128xf32, #tpu.memory_space<vmem_shared>>) offsets(%dma_start3A_87 : memref<125xi32, #tpu.memory_space<vmem>>) semaphore(%arg15 : memref<!tpu.dma_semaphore, #tpu.memory_space<semaphore_mem>>) {add = true}
      }
      %scan3A_26 = arith.constant 20 : i32
      %dma_wait3A = arith.constant 38 : i32
      %dma_wait3A_27 = arith.constant 0 : i32
      %dma_wait3A_28 = tpu.memref_slice %arg8[%dma_wait3A, %dma_wait3A_27] : memref<40x125xi32, #tpu.memory_space<vmem>> -> memref<1x125xi32, #tpu.memory_space<vmem>>
      %dma_wait3A_29 = tpu.memref_squeeze %dma_wait3A_28 : memref<1x125xi32, #tpu.memory_space<vmem>> -> memref<125xi32, #tpu.memory_space<vmem>>
      %dma_wait3A_30 = arith.constant 0 : i32
      %dma_wait3A_31 = arith.constant 0 : i32
      %dma_wait3A_32 = tpu.memref_slice %arg11[%dma_wait3A_30, %dma_wait3A_31] : memref<10240x128xf32, #tpu.memory_space<vmem_shared>> -> memref<10240x128xf32, #tpu.memory_space<vmem_shared>>
      tpu.wait_indirect_dma semaphore(%arg14 : memref<!tpu.dma_semaphore, #tpu.memory_space<semaphore_mem>>) src(%arg9 : memref<125x128xf32, #tpu.memory_space<vmem>>) dst(%dma_wait3A_32 : memref<10240x128xf32, #tpu.memory_space<vmem_shared>>)
      %dma_wait3A_33 = arith.constant 39 : i32
      %dma_wait3A_34 = arith.constant 0 : i32
      %dma_wait3A_35 = tpu.memref_slice %arg8[%dma_wait3A_33, %dma_wait3A_34] : memref<40x125xi32, #tpu.memory_space<vmem>> -> memref<1x125xi32, #tpu.memory_space<vmem>>
      %dma_wait3A_36 = tpu.memref_squeeze %dma_wait3A_35 : memref<1x125xi32, #tpu.memory_space<vmem>> -> memref<125xi32, #tpu.memory_space<vmem>>
      %dma_wait3A_37 = arith.constant 0 : i32
      %dma_wait3A_38 = arith.constant 0 : i32
      %dma_wait3A_39 = tpu.memref_slice %arg11[%dma_wait3A_37, %dma_wait3A_38] : memref<10240x128xf32, #tpu.memory_space<vmem_shared>> -> memref<10240x128xf32, #tpu.memory_space<vmem_shared>>
      tpu.wait_indirect_dma semaphore(%arg15 : memref<!tpu.dma_semaphore, #tpu.memory_space<semaphore_mem>>) src(%arg10 : memref<125x128xf32, #tpu.memory_space<vmem>>) dst(%dma_wait3A_39 : memref<10240x128xf32, #tpu.memory_space<vmem_shared>>)
    }
    %scan3A_4 = arith.constant 2 : i32
    %barrier3A_5 = arith.constant 0 : index
    tpu.barrier barrier_id(%barrier3A_5)
    %mul3A_6 = arith.constant 640 : i32
    %mul3A_7 = arith.muli %arg1, %mul3A_6 : i32
    "tpu.region"() ({
      %run_scoped3A = tpu.sem_alloc : memref<!tpu.dma_semaphore, #tpu.memory_space<semaphore_mem>>
      %dma_start3A = arith.constant 0 : i32
      %dma_start3A_8 = tpu.memref_slice %arg6[%arg0, %mul3A_7, %dma_start3A] : memref<2x10240x128xf32, #tpu.memory_space<hbm>> -> memref<1x640x128xf32, #tpu.memory_space<hbm>>
      %dma_start3A_9 = tpu.memref_squeeze %dma_start3A_8 : memref<1x640x128xf32, #tpu.memory_space<hbm>> -> memref<640x128xf32, #tpu.memory_space<hbm>>
      %dma_start3A_10 = arith.constant 0 : i32
      %dma_start3A_11 = tpu.memref_slice %arg11[%mul3A_7, %dma_start3A_10] : memref<10240x128xf32, #tpu.memory_space<vmem_shared>> -> memref<640x128xf32, #tpu.memory_space<vmem_shared>>
      tpu.enqueue_dma source(%dma_start3A_11 : memref<640x128xf32, #tpu.memory_space<vmem_shared>>) target(%dma_start3A_9 : memref<640x128xf32, #tpu.memory_space<hbm>>) target_semaphore(%run_scoped3A : memref<!tpu.dma_semaphore, #tpu.memory_space<semaphore_mem>>)
      %dma_wait3A = arith.constant 0 : i32
      %dma_wait3A_12 = tpu.memref_slice %arg6[%arg0, %mul3A_7, %dma_wait3A] : memref<2x10240x128xf32, #tpu.memory_space<hbm>> -> memref<1x640x128xf32, #tpu.memory_space<hbm>>
      %dma_wait3A_13 = tpu.memref_squeeze %dma_wait3A_12 : memref<1x640x128xf32, #tpu.memory_space<hbm>> -> memref<640x128xf32, #tpu.memory_space<hbm>>
      %dma_wait3A_14 = arith.constant 0 : i32
      %dma_wait3A_15 = tpu.memref_slice %arg11[%mul3A_7, %dma_wait3A_14] : memref<10240x128xf32, #tpu.memory_space<vmem_shared>> -> memref<640x128xf32, #tpu.memory_space<vmem_shared>>
      tpu.wait_dma2 semaphore(%run_scoped3A : memref<!tpu.dma_semaphore, #tpu.memory_space<semaphore_mem>>) src(%dma_wait3A_15 : memref<640x128xf32, #tpu.memory_space<vmem_shared>>) dst(%dma_wait3A_13 : memref<640x128xf32, #tpu.memory_space<hbm>>)
      tpu.yield
    }) : () -> ()
    return
  }
}

#map = affine_map<(d0, d1) -> (0, 0)>
#map1 = affine_map<(d0, d1) -> (0, 0, 0, 0)>
#map2 = affine_map<(d0, d1) -> (0, 0, 0)>
module attributes {stable_mosaic.version = 14 : i64} {
  func.func @sc_scatter(%arg0: i32, %arg1: i32, %arg2: memref<80000x128xf32, #tpu.memory_space<hbm>>, %arg3: memref<2x16x80x125xi32, #tpu.memory_space<hbm>>, %arg4: memref<16x80x125xi32, #tpu.memory_space<hbm>>, %arg5: memref<640x128xf32, #tpu.memory_space<hbm>>, %arg6: memref<2x10240x128xf32, #tpu.memory_space<hbm>>, %arg7: memref<40x125xi32, #tpu.memory_space<vmem>>, %arg8: memref<40x125xi32, #tpu.memory_space<vmem>>, %arg9: memref<125x128xf32, #tpu.memory_space<vmem>>, %arg10: memref<125x128xf32, #tpu.memory_space<vmem>>, %arg11: memref<10240x128xf32, #tpu.memory_space<vmem_shared>>, %arg12: memref<!tpu.dma_semaphore, #tpu.memory_space<semaphore_mem>>, %arg13: memref<!tpu.dma_semaphore, #tpu.memory_space<semaphore_mem>>, %arg14: memref<!tpu.dma_semaphore, #tpu.memory_space<semaphore_mem>>, %arg15: memref<!tpu.dma_semaphore, #tpu.memory_space<semaphore_mem>>) attributes {dimension_semantics = [#tpu.dimension_semantics<core_parallel>, #tpu.dimension_semantics<subcore_parallel>], iteration_bounds = array<i64: 2, 16>, scalar_prefetch = 0 : i64, scratch_operands = 9 : i64, tpu.core_type = #tpu.core_type<sc_vector_subcore>, window_params = [{transform_indices = #map}, {transform_indices = #map1}, {transform_indices = #map2}, {transform_indices = #map}, {transform_indices = #map2}]} {
    %mul3A = arith.constant 640 : i32
    %mul3A_0 = arith.muli %arg1, %mul3A : i32
    "tpu.region"() ({
      %run_scoped3A = tpu.sem_alloc : memref<!tpu.dma_semaphore, #tpu.memory_space<semaphore_mem>>
      %dma_start3A = arith.constant 0 : i32
      %dma_start3A_8 = tpu.memref_slice %arg11[%mul3A_0, %dma_start3A] : memref<10240x128xf32, #tpu.memory_space<vmem_shared>> -> memref<640x128xf32, #tpu.memory_space<vmem_shared>>
      tpu.enqueue_dma source(%arg5 : memref<640x128xf32, #tpu.memory_space<hbm>>) target(%dma_start3A_8 : memref<640x128xf32, #tpu.memory_space<vmem_shared>>) target_semaphore(%run_scoped3A : memref<!tpu.dma_semaphore, #tpu.memory_space<semaphore_mem>>)
      %dma_wait3A = arith.constant 0 : i32
      %dma_wait3A_9 = tpu.memref_slice %arg11[%mul3A_0, %dma_wait3A] : memref<10240x128xf32, #tpu.memory_space<vmem_shared>> -> memref<640x128xf32, #tpu.memory_space<vmem_shared>>
      tpu.wait_dma2 semaphore(%run_scoped3A : memref<!tpu.dma_semaphore, #tpu.memory_space<semaphore_mem>>) src(%arg5 : memref<640x128xf32, #tpu.memory_space<hbm>>) dst(%dma_wait3A_9 : memref<640x128xf32, #tpu.memory_space<vmem_shared>>)
      tpu.yield
    }) : () -> ()
    %barrier3A = arith.constant 0 : index
    tpu.barrier barrier_id(%barrier3A)
    %scan3A = arith.constant 0 : i32
    %scan3A_1 = arith.constant 2 : i32
    %scan3A_2 = arith.addi %scan3A, %scan3A_1 : i32
    %scan3A_3 = arith.constant 1 : i32
    scf.for %scan3A_8 = %scan3A to %scan3A_2 step %scan3A_3  : i32 {
      %mul3A_9 = arith.constant 1 : i32
      %mul3A_10 = arith.muli %scan3A_8, %mul3A_9 : i32
      %add3A = arith.constant 0 : i32
      %add3A_11 = arith.addi %add3A, %mul3A_10 : i32
      %mul3A_12 = arith.constant 40 : i32
      %mul3A_13 = arith.muli %add3A_11, %mul3A_12 : i32
      "tpu.region"() ({
        %run_scoped3A = tpu.sem_alloc : memref<!tpu.dma_semaphore, #tpu.memory_space<semaphore_mem>>
        %dma_start3A_40 = arith.constant 0 : i32
        %dma_start3A_41 = tpu.memref_slice %arg3[%arg0, %arg1, %mul3A_13, %dma_start3A_40] : memref<2x16x80x125xi32, #tpu.memory_space<hbm>> -> memref<1x1x40x125xi32, #tpu.memory_space<hbm>>
        %dma_start3A_42 = tpu.memref_squeeze %dma_start3A_41 : memref<1x1x40x125xi32, #tpu.memory_space<hbm>> -> memref<40x125xi32, #tpu.memory_space<hbm>>
        %dma_start3A_43 = arith.constant 0 : i32
        %dma_start3A_44 = tpu.memref_slice %arg3[%arg0, %arg1, %mul3A_13, %dma_start3A_43] : memref<2x16x80x125xi32, #tpu.memory_space<hbm>> -> memref<1x1x40x125xi32, #tpu.memory_space<hbm>>
        %dma_start3A_45 = tpu.memref_squeeze %dma_start3A_44 : memref<1x1x40x125xi32, #tpu.memory_space<hbm>> -> memref<40x125xi32, #tpu.memory_space<hbm>>
        tpu.enqueue_dma source(%dma_start3A_45 : memref<40x125xi32, #tpu.memory_space<hbm>>) target(%arg7 : memref<40x125xi32, #tpu.memory_space<vmem>>) target_semaphore(%run_scoped3A : memref<!tpu.dma_semaphore, #tpu.memory_space<semaphore_mem>>)
        %dma_wait3A_46 = arith.constant 0 : i32
        %dma_wait3A_47 = tpu.memref_slice %arg3[%arg0, %arg1, %mul3A_13, %dma_wait3A_46] : memref<2x16x80x125xi32, #tpu.memory_space<hbm>> -> memref<1x1x40x125xi32, #tpu.memory_space<hbm>>
        %dma_wait3A_48 = tpu.memref_squeeze %dma_wait3A_47 : memref<1x1x40x125xi32, #tpu.memory_space<hbm>> -> memref<40x125xi32, #tpu.memory_space<hbm>>
        %dma_wait3A_49 = arith.constant 0 : i32
        %dma_wait3A_50 = tpu.memref_slice %arg3[%arg0, %arg1, %mul3A_13, %dma_wait3A_49] : memref<2x16x80x125xi32, #tpu.memory_space<hbm>> -> memref<1x1x40x125xi32, #tpu.memory_space<hbm>>
        %dma_wait3A_51 = tpu.memref_squeeze %dma_wait3A_50 : memref<1x1x40x125xi32, #tpu.memory_space<hbm>> -> memref<40x125xi32, #tpu.memory_space<hbm>>
        tpu.wait_dma2 semaphore(%run_scoped3A : memref<!tpu.dma_semaphore, #tpu.memory_space<semaphore_mem>>) src(%dma_wait3A_51 : memref<40x125xi32, #tpu.memory_space<hbm>>) dst(%arg7 : memref<40x125xi32, #tpu.memory_space<vmem>>)
        tpu.yield
      }) : () -> ()
      %mul3A_14 = arith.constant 40 : i32
      %mul3A_15 = arith.muli %add3A_11, %mul3A_14 : i32
      "tpu.region"() ({
        %run_scoped3A = tpu.sem_alloc : memref<!tpu.dma_semaphore, #tpu.memory_space<semaphore_mem>>
        %dma_start3A_40 = arith.constant 0 : i32
        %dma_start3A_41 = tpu.memref_slice %arg4[%arg1, %mul3A_15, %dma_start3A_40] : memref<16x80x125xi32, #tpu.memory_space<hbm>> -> memref<1x40x125xi32, #tpu.memory_space<hbm>>
        %dma_start3A_42 = tpu.memref_squeeze %dma_start3A_41 : memref<1x40x125xi32, #tpu.memory_space<hbm>> -> memref<40x125xi32, #tpu.memory_space<hbm>>
        %dma_start3A_43 = arith.constant 0 : i32
        %dma_start3A_44 = tpu.memref_slice %arg4[%arg1, %mul3A_15, %dma_start3A_43] : memref<16x80x125xi32, #tpu.memory_space<hbm>> -> memref<1x40x125xi32, #tpu.memory_space<hbm>>
        %dma_start3A_45 = tpu.memref_squeeze %dma_start3A_44 : memref<1x40x125xi32, #tpu.memory_space<hbm>> -> memref<40x125xi32, #tpu.memory_space<hbm>>
        tpu.enqueue_dma source(%dma_start3A_45 : memref<40x125xi32, #tpu.memory_space<hbm>>) target(%arg8 : memref<40x125xi32, #tpu.memory_space<vmem>>) target_semaphore(%run_scoped3A : memref<!tpu.dma_semaphore, #tpu.memory_space<semaphore_mem>>)
        %dma_wait3A_46 = arith.constant 0 : i32
        %dma_wait3A_47 = tpu.memref_slice %arg4[%arg1, %mul3A_15, %dma_wait3A_46] : memref<16x80x125xi32, #tpu.memory_space<hbm>> -> memref<1x40x125xi32, #tpu.memory_space<hbm>>
        %dma_wait3A_48 = tpu.memref_squeeze %dma_wait3A_47 : memref<1x40x125xi32, #tpu.memory_space<hbm>> -> memref<40x125xi32, #tpu.memory_space<hbm>>
        %dma_wait3A_49 = arith.constant 0 : i32
        %dma_wait3A_50 = tpu.memref_slice %arg4[%arg1, %mul3A_15, %dma_wait3A_49] : memref<16x80x125xi32, #tpu.memory_space<hbm>> -> memref<1x40x125xi32, #tpu.memory_space<hbm>>
        %dma_wait3A_51 = tpu.memref_squeeze %dma_wait3A_50 : memref<1x40x125xi32, #tpu.memory_space<hbm>> -> memref<40x125xi32, #tpu.memory_space<hbm>>
        tpu.wait_dma2 semaphore(%run_scoped3A : memref<!tpu.dma_semaphore, #tpu.memory_space<semaphore_mem>>) src(%dma_wait3A_51 : memref<40x125xi32, #tpu.memory_space<hbm>>) dst(%arg8 : memref<40x125xi32, #tpu.memory_space<vmem>>)
        tpu.yield
      }) : () -> ()
      %dma_start3A = arith.constant 0 : i32
      %dma_start3A_16 = arith.constant 0 : i32
      %dma_start3A_17 = tpu.memref_slice %arg7[%dma_start3A, %dma_start3A_16] : memref<40x125xi32, #tpu.memory_space<vmem>> -> memref<1x125xi32, #tpu.memory_space<vmem>>
      %dma_start3A_18 = tpu.memref_squeeze %dma_start3A_17 : memref<1x125xi32, #tpu.memory_space<vmem>> -> memref<125xi32, #tpu.memory_space<vmem>>
      %dma_start3A_19 = arith.constant 0 : i32
      %dma_start3A_20 = arith.constant 0 : i32
      %dma_start3A_21 = tpu.memref_slice %arg2[%dma_start3A_19, %dma_start3A_20] : memref<80000x128xf32, #tpu.memory_space<hbm>> -> memref<80000x128xf32, #tpu.memory_space<hbm>>
      tpu.enqueue_indirect_dma source(%dma_start3A_21 : memref<80000x128xf32, #tpu.memory_space<hbm>>) target(%arg9 : memref<125x128xf32, #tpu.memory_space<vmem>>) offsets(%dma_start3A_18 : memref<125xi32, #tpu.memory_space<vmem>>) semaphore(%arg12 : memref<!tpu.dma_semaphore, #tpu.memory_space<semaphore_mem>>)
      %scan3A_22 = arith.constant 0 : i32
      %scan3A_23 = arith.constant 20 : i32
      %scan3A_24 = arith.addi %scan3A_22, %scan3A_23 : i32
      %scan3A_25 = arith.constant 1 : i32
      scf.for %scan3A_40 = %scan3A_22 to %scan3A_24 step %scan3A_25  : i32 {
        %mul3A_41 = arith.constant 1 : i32
        %mul3A_42 = arith.muli %scan3A_40, %mul3A_41 : i32
        %add3A_43 = arith.constant 0 : i32
        %add3A_44 = arith.addi %add3A_43, %mul3A_42 : i32
        %mul3A_45 = arith.constant 2 : i32
        %mul3A_46 = arith.muli %mul3A_45, %add3A_44 : i32
        %dma_wait3A_47 = arith.constant 0 : i32
        %dma_wait3A_48 = tpu.memref_slice %arg7[%mul3A_46, %dma_wait3A_47] : memref<40x125xi32, #tpu.memory_space<vmem>> -> memref<1x125xi32, #tpu.memory_space<vmem>>
        %dma_wait3A_49 = tpu.memref_squeeze %dma_wait3A_48 : memref<1x125xi32, #tpu.memory_space<vmem>> -> memref<125xi32, #tpu.memory_space<vmem>>
        %dma_wait3A_50 = arith.constant 0 : i32
        %dma_wait3A_51 = arith.constant 0 : i32
        %dma_wait3A_52 = tpu.memref_slice %arg2[%dma_wait3A_50, %dma_wait3A_51] : memref<80000x128xf32, #tpu.memory_space<hbm>> -> memref<80000x128xf32, #tpu.memory_space<hbm>>
        tpu.wait_indirect_dma semaphore(%arg12 : memref<!tpu.dma_semaphore, #tpu.memory_space<semaphore_mem>>) src(%dma_wait3A_52 : memref<80000x128xf32, #tpu.memory_space<hbm>>) dst(%arg9 : memref<125x128xf32, #tpu.memory_space<vmem>>)
        %gt3A = arith.constant 0 : i32
        %gt3A_53 = arith.cmpi sgt, %add3A_44, %gt3A : i32
        %convert_element_type3A = arith.extui %gt3A_53 : i1 to i32
        %cond3A = arith.constant 0 : i32
        %cond3A_54 = arith.cmpi ne, %convert_element_type3A, %cond3A : i32
        scf.if %cond3A_54 {
          %sub3A = arith.constant 1 : i32
          %sub3A_91 = arith.subi %mul3A_46, %sub3A : i32
          %dma_wait3A_92 = arith.constant 0 : i32
          %dma_wait3A_93 = tpu.memref_slice %arg8[%sub3A_91, %dma_wait3A_92] : memref<40x125xi32, #tpu.memory_space<vmem>> -> memref<1x125xi32, #tpu.memory_space<vmem>>
          %dma_wait3A_94 = tpu.memref_squeeze %dma_wait3A_93 : memref<1x125xi32, #tpu.memory_space<vmem>> -> memref<125xi32, #tpu.memory_space<vmem>>
          %dma_wait3A_95 = arith.constant 0 : i32
          %dma_wait3A_96 = arith.constant 0 : i32
          %dma_wait3A_97 = tpu.memref_slice %arg11[%dma_wait3A_95, %dma_wait3A_96] : memref<10240x128xf32, #tpu.memory_space<vmem_shared>> -> memref<10240x128xf32, #tpu.memory_space<vmem_shared>>
          tpu.wait_indirect_dma semaphore(%arg15 : memref<!tpu.dma_semaphore, #tpu.memory_space<semaphore_mem>>) src(%arg10 : memref<125x128xf32, #tpu.memory_space<vmem>>) dst(%dma_wait3A_97 : memref<10240x128xf32, #tpu.memory_space<vmem_shared>>)
        } else {
        }
        %add3A_55 = arith.constant 1 : i32
        %add3A_56 = arith.addi %mul3A_46, %add3A_55 : i32
        %dma_start3A_57 = arith.constant 0 : i32
        %dma_start3A_58 = tpu.memref_slice %arg7[%add3A_56, %dma_start3A_57] : memref<40x125xi32, #tpu.memory_space<vmem>> -> memref<1x125xi32, #tpu.memory_space<vmem>>
        %dma_start3A_59 = tpu.memref_squeeze %dma_start3A_58 : memref<1x125xi32, #tpu.memory_space<vmem>> -> memref<125xi32, #tpu.memory_space<vmem>>
        %dma_start3A_60 = arith.constant 0 : i32
        %dma_start3A_61 = arith.constant 0 : i32
        %dma_start3A_62 = tpu.memref_slice %arg2[%dma_start3A_60, %dma_start3A_61] : memref<80000x128xf32, #tpu.memory_space<hbm>> -> memref<80000x128xf32, #tpu.memory_space<hbm>>
        tpu.enqueue_indirect_dma source(%dma_start3A_62 : memref<80000x128xf32, #tpu.memory_space<hbm>>) target(%arg10 : memref<125x128xf32, #tpu.memory_space<vmem>>) offsets(%dma_start3A_59 : memref<125xi32, #tpu.memory_space<vmem>>) semaphore(%arg13 : memref<!tpu.dma_semaphore, #tpu.memory_space<semaphore_mem>>)
        %dma_start3A_63 = arith.constant 0 : i32
        %dma_start3A_64 = tpu.memref_slice %arg8[%mul3A_46, %dma_start3A_63] : memref<40x125xi32, #tpu.memory_space<vmem>> -> memref<1x125xi32, #tpu.memory_space<vmem>>
        %dma_start3A_65 = tpu.memref_squeeze %dma_start3A_64 : memref<1x125xi32, #tpu.memory_space<vmem>> -> memref<125xi32, #tpu.memory_space<vmem>>
        %dma_start3A_66 = arith.constant 0 : i32
        %dma_start3A_67 = arith.constant 0 : i32
        %dma_start3A_68 = tpu.memref_slice %arg11[%dma_start3A_66, %dma_start3A_67] : memref<10240x128xf32, #tpu.memory_space<vmem_shared>> -> memref<10240x128xf32, #tpu.memory_space<vmem_shared>>
        tpu.enqueue_indirect_dma source(%arg9 : memref<125x128xf32, #tpu.memory_space<vmem>>) target(%dma_start3A_68 : memref<10240x128xf32, #tpu.memory_space<vmem_shared>>) offsets(%dma_start3A_65 : memref<125xi32, #tpu.memory_space<vmem>>) semaphore(%arg14 : memref<!tpu.dma_semaphore, #tpu.memory_space<semaphore_mem>>) {add = true}
        %add3A_69 = arith.constant 1 : i32
        %add3A_70 = arith.addi %mul3A_46, %add3A_69 : i32
        %dma_wait3A_71 = arith.constant 0 : i32
        %dma_wait3A_72 = tpu.memref_slice %arg7[%add3A_70, %dma_wait3A_71] : memref<40x125xi32, #tpu.memory_space<vmem>> -> memref<1x125xi32, #tpu.memory_space<vmem>>
        %dma_wait3A_73 = tpu.memref_squeeze %dma_wait3A_72 : memref<1x125xi32, #tpu.memory_space<vmem>> -> memref<125xi32, #tpu.memory_space<vmem>>
        %dma_wait3A_74 = arith.constant 0 : i32
        %dma_wait3A_75 = arith.constant 0 : i32
        %dma_wait3A_76 = tpu.memref_slice %arg2[%dma_wait3A_74, %dma_wait3A_75] : memref<80000x128xf32, #tpu.memory_space<hbm>> -> memref<80000x128xf32, #tpu.memory_space<hbm>>
        tpu.wait_indirect_dma semaphore(%arg13 : memref<!tpu.dma_semaphore, #tpu.memory_space<semaphore_mem>>) src(%dma_wait3A_76 : memref<80000x128xf32, #tpu.memory_space<hbm>>) dst(%arg10 : memref<125x128xf32, #tpu.memory_space<vmem>>)
        %add3A_77 = arith.constant 2 : i32
        %add3A_78 = arith.addi %mul3A_46, %add3A_77 : i32
        %lt3A = arith.constant 40 : i32
        %lt3A_79 = arith.cmpi slt, %add3A_78, %lt3A : i32
        %convert_element_type3A_80 = arith.extui %lt3A_79 : i1 to i32
        %cond3A_81 = arith.constant 0 : i32
        %cond3A_82 = arith.cmpi ne, %convert_element_type3A_80, %cond3A_81 : i32
        scf.if %cond3A_82 {
          %dma_wait3A_91 = arith.constant 0 : i32
          %dma_wait3A_92 = tpu.memref_slice %arg8[%mul3A_46, %dma_wait3A_91] : memref<40x125xi32, #tpu.memory_space<vmem>> -> memref<1x125xi32, #tpu.memory_space<vmem>>
          %dma_wait3A_93 = tpu.memref_squeeze %dma_wait3A_92 : memref<1x125xi32, #tpu.memory_space<vmem>> -> memref<125xi32, #tpu.memory_space<vmem>>
          %dma_wait3A_94 = arith.constant 0 : i32
          %dma_wait3A_95 = arith.constant 0 : i32
          %dma_wait3A_96 = tpu.memref_slice %arg11[%dma_wait3A_94, %dma_wait3A_95] : memref<10240x128xf32, #tpu.memory_space<vmem_shared>> -> memref<10240x128xf32, #tpu.memory_space<vmem_shared>>
          tpu.wait_indirect_dma semaphore(%arg14 : memref<!tpu.dma_semaphore, #tpu.memory_space<semaphore_mem>>) src(%arg9 : memref<125x128xf32, #tpu.memory_space<vmem>>) dst(%dma_wait3A_96 : memref<10240x128xf32, #tpu.memory_space<vmem_shared>>)
          %add3A_97 = arith.constant 2 : i32
          %add3A_98 = arith.addi %mul3A_46, %add3A_97 : i32
          %dma_start3A_99 = arith.constant 0 : i32
          %dma_start3A_100 = tpu.memref_slice %arg7[%add3A_98, %dma_start3A_99] : memref<40x125xi32, #tpu.memory_space<vmem>> -> memref<1x125xi32, #tpu.memory_space<vmem>>
          %dma_start3A_101 = tpu.memref_squeeze %dma_start3A_100 : memref<1x125xi32, #tpu.memory_space<vmem>> -> memref<125xi32, #tpu.memory_space<vmem>>
          %dma_start3A_102 = arith.constant 0 : i32
          %dma_start3A_103 = arith.constant 0 : i32
          %dma_start3A_104 = tpu.memref_slice %arg2[%dma_start3A_102, %dma_start3A_103] : memref<80000x128xf32, #tpu.memory_space<hbm>> -> memref<80000x128xf32, #tpu.memory_space<hbm>>
          tpu.enqueue_indirect_dma source(%dma_start3A_104 : memref<80000x128xf32, #tpu.memory_space<hbm>>) target(%arg9 : memref<125x128xf32, #tpu.memory_space<vmem>>) offsets(%dma_start3A_101 : memref<125xi32, #tpu.memory_space<vmem>>) semaphore(%arg12 : memref<!tpu.dma_semaphore, #tpu.memory_space<semaphore_mem>>)
        } else {
        }
        %add3A_83 = arith.constant 1 : i32
        %add3A_84 = arith.addi %mul3A_46, %add3A_83 : i32
        %dma_start3A_85 = arith.constant 0 : i32
        %dma_start3A_86 = tpu.memref_slice %arg8[%add3A_84, %dma_start3A_85] : memref<40x125xi32, #tpu.memory_space<vmem>> -> memref<1x125xi32, #tpu.memory_space<vmem>>
        %dma_start3A_87 = tpu.memref_squeeze %dma_start3A_86 : memref<1x125xi32, #tpu.memory_space<vmem>> -> memref<125xi32, #tpu.memory_space<vmem>>
        %dma_start3A_88 = arith.constant 0 : i32
        %dma_start3A_89 = arith.constant 0 : i32
        %dma_start3A_90 = tpu.memref_slice %arg11[%dma_start3A_88, %dma_start3A_89] : memref<10240x128xf32, #tpu.memory_space<vmem_shared>> -> memref<10240x128xf32, #tpu.memory_space<vmem_shared>>
        tpu.enqueue_indirect_dma source(%arg10 : memref<125x128xf32, #tpu.memory_space<vmem>>) target(%dma_start3A_90 : memref<10240x128xf32, #tpu.memory_space<vmem_shared>>) offsets(%dma_start3A_87 : memref<125xi32, #tpu.memory_space<vmem>>) semaphore(%arg15 : memref<!tpu.dma_semaphore, #tpu.memory_space<semaphore_mem>>) {add = true}
      }
      %scan3A_26 = arith.constant 20 : i32
      %dma_wait3A = arith.constant 38 : i32
      %dma_wait3A_27 = arith.constant 0 : i32
      %dma_wait3A_28 = tpu.memref_slice %arg8[%dma_wait3A, %dma_wait3A_27] : memref<40x125xi32, #tpu.memory_space<vmem>> -> memref<1x125xi32, #tpu.memory_space<vmem>>
      %dma_wait3A_29 = tpu.memref_squeeze %dma_wait3A_28 : memref<1x125xi32, #tpu.memory_space<vmem>> -> memref<125xi32, #tpu.memory_space<vmem>>
      %dma_wait3A_30 = arith.constant 0 : i32
      %dma_wait3A_31 = arith.constant 0 : i32
      %dma_wait3A_32 = tpu.memref_slice %arg11[%dma_wait3A_30, %dma_wait3A_31] : memref<10240x128xf32, #tpu.memory_space<vmem_shared>> -> memref<10240x128xf32, #tpu.memory_space<vmem_shared>>
      tpu.wait_indirect_dma semaphore(%arg14 : memref<!tpu.dma_semaphore, #tpu.memory_space<semaphore_mem>>) src(%arg9 : memref<125x128xf32, #tpu.memory_space<vmem>>) dst(%dma_wait3A_32 : memref<10240x128xf32, #tpu.memory_space<vmem_shared>>)
      %dma_wait3A_33 = arith.constant 39 : i32
      %dma_wait3A_34 = arith.constant 0 : i32
      %dma_wait3A_35 = tpu.memref_slice %arg8[%dma_wait3A_33, %dma_wait3A_34] : memref<40x125xi32, #tpu.memory_space<vmem>> -> memref<1x125xi32, #tpu.memory_space<vmem>>
      %dma_wait3A_36 = tpu.memref_squeeze %dma_wait3A_35 : memref<1x125xi32, #tpu.memory_space<vmem>> -> memref<125xi32, #tpu.memory_space<vmem>>
      %dma_wait3A_37 = arith.constant 0 : i32
      %dma_wait3A_38 = arith.constant 0 : i32
      %dma_wait3A_39 = tpu.memref_slice %arg11[%dma_wait3A_37, %dma_wait3A_38] : memref<10240x128xf32, #tpu.memory_space<vmem_shared>> -> memref<10240x128xf32, #tpu.memory_space<vmem_shared>>
      tpu.wait_indirect_dma semaphore(%arg15 : memref<!tpu.dma_semaphore, #tpu.memory_space<semaphore_mem>>) src(%arg10 : memref<125x128xf32, #tpu.memory_space<vmem>>) dst(%dma_wait3A_39 : memref<10240x128xf32, #tpu.memory_space<vmem_shared>>)
    }
    %scan3A_4 = arith.constant 2 : i32
    %barrier3A_5 = arith.constant 0 : index
    tpu.barrier barrier_id(%barrier3A_5)
    %mul3A_6 = arith.constant 640 : i32
    %mul3A_7 = arith.muli %arg1, %mul3A_6 : i32
    "tpu.region"() ({
      %run_scoped3A = tpu.sem_alloc : memref<!tpu.dma_semaphore, #tpu.memory_space<semaphore_mem>>
      %dma_start3A = arith.constant 0 : i32
      %dma_start3A_8 = tpu.memref_slice %arg6[%arg0, %mul3A_7, %dma_start3A] : memref<2x10240x128xf32, #tpu.memory_space<hbm>> -> memref<1x640x128xf32, #tpu.memory_space<hbm>>
      %dma_start3A_9 = tpu.memref_squeeze %dma_start3A_8 : memref<1x640x128xf32, #tpu.memory_space<hbm>> -> memref<640x128xf32, #tpu.memory_space<hbm>>
      %dma_start3A_10 = arith.constant 0 : i32
      %dma_start3A_11 = tpu.memref_slice %arg11[%mul3A_7, %dma_start3A_10] : memref<10240x128xf32, #tpu.memory_space<vmem_shared>> -> memref<640x128xf32, #tpu.memory_space<vmem_shared>>
      tpu.enqueue_dma source(%dma_start3A_11 : memref<640x128xf32, #tpu.memory_space<vmem_shared>>) target(%dma_start3A_9 : memref<640x128xf32, #tpu.memory_space<hbm>>) target_semaphore(%run_scoped3A : memref<!tpu.dma_semaphore, #tpu.memory_space<semaphore_mem>>)
      %dma_wait3A = arith.constant 0 : i32
      %dma_wait3A_12 = tpu.memref_slice %arg6[%arg0, %mul3A_7, %dma_wait3A] : memref<2x10240x128xf32, #tpu.memory_space<hbm>> -> memref<1x640x128xf32, #tpu.memory_space<hbm>>
      %dma_wait3A_13 = tpu.memref_squeeze %dma_wait3A_12 : memref<1x640x128xf32, #tpu.memory_space<hbm>> -> memref<640x128xf32, #tpu.memory_space<hbm>>
      %dma_wait3A_14 = arith.constant 0 : i32
      %dma_wait3A_15 = tpu.memref_slice %arg11[%mul3A_7, %dma_wait3A_14] : memref<10240x128xf32, #tpu.memory_space<vmem_shared>> -> memref<640x128xf32, #tpu.memory_space<vmem_shared>>
      tpu.wait_dma2 semaphore(%run_scoped3A : memref<!tpu.dma_semaphore, #tpu.memory_space<semaphore_mem>>) src(%dma_wait3A_15 : memref<640x128xf32, #tpu.memory_space<vmem_shared>>) dst(%dma_wait3A_13 : memref<640x128xf32, #tpu.memory_space<hbm>>)
      tpu.yield
    }) : () -> ()
    return
  }
}

#map = affine_map<(d0, d1) -> (0, 0)>
#map1 = affine_map<(d0, d1) -> (0, 0, 0, 0)>
#map2 = affine_map<(d0, d1) -> (0, 0, 0)>
module attributes {stable_mosaic.version = 14 : i64} {
  func.func @sc_scatter(%arg0: i32, %arg1: i32, %arg2: memref<80000x128xf32, #tpu.memory_space<hbm>>, %arg3: memref<2x16x80x125xi32, #tpu.memory_space<hbm>>, %arg4: memref<16x80x125xi32, #tpu.memory_space<hbm>>, %arg5: memref<640x128xf32, #tpu.memory_space<hbm>>, %arg6: memref<2x10240x128xf32, #tpu.memory_space<hbm>>, %arg7: memref<40x125xi32, #tpu.memory_space<vmem>>, %arg8: memref<40x125xi32, #tpu.memory_space<vmem>>, %arg9: memref<125x128xf32, #tpu.memory_space<vmem>>, %arg10: memref<125x128xf32, #tpu.memory_space<vmem>>, %arg11: memref<10240x128xf32, #tpu.memory_space<vmem_shared>>, %arg12: memref<!tpu.dma_semaphore, #tpu.memory_space<semaphore_mem>>, %arg13: memref<!tpu.dma_semaphore, #tpu.memory_space<semaphore_mem>>, %arg14: memref<!tpu.dma_semaphore, #tpu.memory_space<semaphore_mem>>, %arg15: memref<!tpu.dma_semaphore, #tpu.memory_space<semaphore_mem>>) attributes {dimension_semantics = [#tpu.dimension_semantics<core_parallel>, #tpu.dimension_semantics<subcore_parallel>], iteration_bounds = array<i64: 2, 16>, scalar_prefetch = 0 : i64, scratch_operands = 9 : i64, tpu.core_type = #tpu.core_type<sc_vector_subcore>, window_params = [{transform_indices = #map}, {transform_indices = #map1}, {transform_indices = #map2}, {transform_indices = #map}, {transform_indices = #map2}]} {
    %mul3A = arith.constant 640 : i32
    %mul3A_0 = arith.muli %arg1, %mul3A : i32
    "tpu.region"() ({
      %run_scoped3A = tpu.sem_alloc : memref<!tpu.dma_semaphore, #tpu.memory_space<semaphore_mem>>
      %dma_start3A = arith.constant 0 : i32
      %dma_start3A_8 = tpu.memref_slice %arg11[%mul3A_0, %dma_start3A] : memref<10240x128xf32, #tpu.memory_space<vmem_shared>> -> memref<640x128xf32, #tpu.memory_space<vmem_shared>>
      tpu.enqueue_dma source(%arg5 : memref<640x128xf32, #tpu.memory_space<hbm>>) target(%dma_start3A_8 : memref<640x128xf32, #tpu.memory_space<vmem_shared>>) target_semaphore(%run_scoped3A : memref<!tpu.dma_semaphore, #tpu.memory_space<semaphore_mem>>)
      %dma_wait3A = arith.constant 0 : i32
      %dma_wait3A_9 = tpu.memref_slice %arg11[%mul3A_0, %dma_wait3A] : memref<10240x128xf32, #tpu.memory_space<vmem_shared>> -> memref<640x128xf32, #tpu.memory_space<vmem_shared>>
      tpu.wait_dma2 semaphore(%run_scoped3A : memref<!tpu.dma_semaphore, #tpu.memory_space<semaphore_mem>>) src(%arg5 : memref<640x128xf32, #tpu.memory_space<hbm>>) dst(%dma_wait3A_9 : memref<640x128xf32, #tpu.memory_space<vmem_shared>>)
      tpu.yield
    }) : () -> ()
    %barrier3A = arith.constant 0 : index
    tpu.barrier barrier_id(%barrier3A)
    %scan3A = arith.constant 0 : i32
    %scan3A_1 = arith.constant 2 : i32
    %scan3A_2 = arith.addi %scan3A, %scan3A_1 : i32
    %scan3A_3 = arith.constant 1 : i32
    scf.for %scan3A_8 = %scan3A to %scan3A_2 step %scan3A_3  : i32 {
      %mul3A_9 = arith.constant 1 : i32
      %mul3A_10 = arith.muli %scan3A_8, %mul3A_9 : i32
      %add3A = arith.constant 0 : i32
      %add3A_11 = arith.addi %add3A, %mul3A_10 : i32
      %mul3A_12 = arith.constant 40 : i32
      %mul3A_13 = arith.muli %add3A_11, %mul3A_12 : i32
      "tpu.region"() ({
        %run_scoped3A = tpu.sem_alloc : memref<!tpu.dma_semaphore, #tpu.memory_space<semaphore_mem>>
        %dma_start3A_40 = arith.constant 0 : i32
        %dma_start3A_41 = tpu.memref_slice %arg3[%arg0, %arg1, %mul3A_13, %dma_start3A_40] : memref<2x16x80x125xi32, #tpu.memory_space<hbm>> -> memref<1x1x40x125xi32, #tpu.memory_space<hbm>>
        %dma_start3A_42 = tpu.memref_squeeze %dma_start3A_41 : memref<1x1x40x125xi32, #tpu.memory_space<hbm>> -> memref<40x125xi32, #tpu.memory_space<hbm>>
        %dma_start3A_43 = arith.constant 0 : i32
        %dma_start3A_44 = tpu.memref_slice %arg3[%arg0, %arg1, %mul3A_13, %dma_start3A_43] : memref<2x16x80x125xi32, #tpu.memory_space<hbm>> -> memref<1x1x40x125xi32, #tpu.memory_space<hbm>>
        %dma_start3A_45 = tpu.memref_squeeze %dma_start3A_44 : memref<1x1x40x125xi32, #tpu.memory_space<hbm>> -> memref<40x125xi32, #tpu.memory_space<hbm>>
        tpu.enqueue_dma source(%dma_start3A_45 : memref<40x125xi32, #tpu.memory_space<hbm>>) target(%arg7 : memref<40x125xi32, #tpu.memory_space<vmem>>) target_semaphore(%run_scoped3A : memref<!tpu.dma_semaphore, #tpu.memory_space<semaphore_mem>>)
        %dma_wait3A_46 = arith.constant 0 : i32
        %dma_wait3A_47 = tpu.memref_slice %arg3[%arg0, %arg1, %mul3A_13, %dma_wait3A_46] : memref<2x16x80x125xi32, #tpu.memory_space<hbm>> -> memref<1x1x40x125xi32, #tpu.memory_space<hbm>>
        %dma_wait3A_48 = tpu.memref_squeeze %dma_wait3A_47 : memref<1x1x40x125xi32, #tpu.memory_space<hbm>> -> memref<40x125xi32, #tpu.memory_space<hbm>>
        %dma_wait3A_49 = arith.constant 0 : i32
        %dma_wait3A_50 = tpu.memref_slice %arg3[%arg0, %arg1, %mul3A_13, %dma_wait3A_49] : memref<2x16x80x125xi32, #tpu.memory_space<hbm>> -> memref<1x1x40x125xi32, #tpu.memory_space<hbm>>
        %dma_wait3A_51 = tpu.memref_squeeze %dma_wait3A_50 : memref<1x1x40x125xi32, #tpu.memory_space<hbm>> -> memref<40x125xi32, #tpu.memory_space<hbm>>
        tpu.wait_dma2 semaphore(%run_scoped3A : memref<!tpu.dma_semaphore, #tpu.memory_space<semaphore_mem>>) src(%dma_wait3A_51 : memref<40x125xi32, #tpu.memory_space<hbm>>) dst(%arg7 : memref<40x125xi32, #tpu.memory_space<vmem>>)
        tpu.yield
      }) : () -> ()
      %mul3A_14 = arith.constant 40 : i32
      %mul3A_15 = arith.muli %add3A_11, %mul3A_14 : i32
      "tpu.region"() ({
        %run_scoped3A = tpu.sem_alloc : memref<!tpu.dma_semaphore, #tpu.memory_space<semaphore_mem>>
        %dma_start3A_40 = arith.constant 0 : i32
        %dma_start3A_41 = tpu.memref_slice %arg4[%arg1, %mul3A_15, %dma_start3A_40] : memref<16x80x125xi32, #tpu.memory_space<hbm>> -> memref<1x40x125xi32, #tpu.memory_space<hbm>>
        %dma_start3A_42 = tpu.memref_squeeze %dma_start3A_41 : memref<1x40x125xi32, #tpu.memory_space<hbm>> -> memref<40x125xi32, #tpu.memory_space<hbm>>
        %dma_start3A_43 = arith.constant 0 : i32
        %dma_start3A_44 = tpu.memref_slice %arg4[%arg1, %mul3A_15, %dma_start3A_43] : memref<16x80x125xi32, #tpu.memory_space<hbm>> -> memref<1x40x125xi32, #tpu.memory_space<hbm>>
        %dma_start3A_45 = tpu.memref_squeeze %dma_start3A_44 : memref<1x40x125xi32, #tpu.memory_space<hbm>> -> memref<40x125xi32, #tpu.memory_space<hbm>>
        tpu.enqueue_dma source(%dma_start3A_45 : memref<40x125xi32, #tpu.memory_space<hbm>>) target(%arg8 : memref<40x125xi32, #tpu.memory_space<vmem>>) target_semaphore(%run_scoped3A : memref<!tpu.dma_semaphore, #tpu.memory_space<semaphore_mem>>)
        %dma_wait3A_46 = arith.constant 0 : i32
        %dma_wait3A_47 = tpu.memref_slice %arg4[%arg1, %mul3A_15, %dma_wait3A_46] : memref<16x80x125xi32, #tpu.memory_space<hbm>> -> memref<1x40x125xi32, #tpu.memory_space<hbm>>
        %dma_wait3A_48 = tpu.memref_squeeze %dma_wait3A_47 : memref<1x40x125xi32, #tpu.memory_space<hbm>> -> memref<40x125xi32, #tpu.memory_space<hbm>>
        %dma_wait3A_49 = arith.constant 0 : i32
        %dma_wait3A_50 = tpu.memref_slice %arg4[%arg1, %mul3A_15, %dma_wait3A_49] : memref<16x80x125xi32, #tpu.memory_space<hbm>> -> memref<1x40x125xi32, #tpu.memory_space<hbm>>
        %dma_wait3A_51 = tpu.memref_squeeze %dma_wait3A_50 : memref<1x40x125xi32, #tpu.memory_space<hbm>> -> memref<40x125xi32, #tpu.memory_space<hbm>>
        tpu.wait_dma2 semaphore(%run_scoped3A : memref<!tpu.dma_semaphore, #tpu.memory_space<semaphore_mem>>) src(%dma_wait3A_51 : memref<40x125xi32, #tpu.memory_space<hbm>>) dst(%arg8 : memref<40x125xi32, #tpu.memory_space<vmem>>)
        tpu.yield
      }) : () -> ()
      %dma_start3A = arith.constant 0 : i32
      %dma_start3A_16 = arith.constant 0 : i32
      %dma_start3A_17 = tpu.memref_slice %arg7[%dma_start3A, %dma_start3A_16] : memref<40x125xi32, #tpu.memory_space<vmem>> -> memref<1x125xi32, #tpu.memory_space<vmem>>
      %dma_start3A_18 = tpu.memref_squeeze %dma_start3A_17 : memref<1x125xi32, #tpu.memory_space<vmem>> -> memref<125xi32, #tpu.memory_space<vmem>>
      %dma_start3A_19 = arith.constant 0 : i32
      %dma_start3A_20 = arith.constant 0 : i32
      %dma_start3A_21 = tpu.memref_slice %arg2[%dma_start3A_19, %dma_start3A_20] : memref<80000x128xf32, #tpu.memory_space<hbm>> -> memref<80000x128xf32, #tpu.memory_space<hbm>>
      tpu.enqueue_indirect_dma source(%dma_start3A_21 : memref<80000x128xf32, #tpu.memory_space<hbm>>) target(%arg9 : memref<125x128xf32, #tpu.memory_space<vmem>>) offsets(%dma_start3A_18 : memref<125xi32, #tpu.memory_space<vmem>>) semaphore(%arg12 : memref<!tpu.dma_semaphore, #tpu.memory_space<semaphore_mem>>)
      %scan3A_22 = arith.constant 0 : i32
      %scan3A_23 = arith.constant 20 : i32
      %scan3A_24 = arith.addi %scan3A_22, %scan3A_23 : i32
      %scan3A_25 = arith.constant 1 : i32
      scf.for %scan3A_40 = %scan3A_22 to %scan3A_24 step %scan3A_25  : i32 {
        %mul3A_41 = arith.constant 1 : i32
        %mul3A_42 = arith.muli %scan3A_40, %mul3A_41 : i32
        %add3A_43 = arith.constant 0 : i32
        %add3A_44 = arith.addi %add3A_43, %mul3A_42 : i32
        %mul3A_45 = arith.constant 2 : i32
        %mul3A_46 = arith.muli %mul3A_45, %add3A_44 : i32
        %dma_wait3A_47 = arith.constant 0 : i32
        %dma_wait3A_48 = tpu.memref_slice %arg7[%mul3A_46, %dma_wait3A_47] : memref<40x125xi32, #tpu.memory_space<vmem>> -> memref<1x125xi32, #tpu.memory_space<vmem>>
        %dma_wait3A_49 = tpu.memref_squeeze %dma_wait3A_48 : memref<1x125xi32, #tpu.memory_space<vmem>> -> memref<125xi32, #tpu.memory_space<vmem>>
        %dma_wait3A_50 = arith.constant 0 : i32
        %dma_wait3A_51 = arith.constant 0 : i32
        %dma_wait3A_52 = tpu.memref_slice %arg2[%dma_wait3A_50, %dma_wait3A_51] : memref<80000x128xf32, #tpu.memory_space<hbm>> -> memref<80000x128xf32, #tpu.memory_space<hbm>>
        tpu.wait_indirect_dma semaphore(%arg12 : memref<!tpu.dma_semaphore, #tpu.memory_space<semaphore_mem>>) src(%dma_wait3A_52 : memref<80000x128xf32, #tpu.memory_space<hbm>>) dst(%arg9 : memref<125x128xf32, #tpu.memory_space<vmem>>)
        %gt3A = arith.constant 0 : i32
        %gt3A_53 = arith.cmpi sgt, %add3A_44, %gt3A : i32
        %convert_element_type3A = arith.extui %gt3A_53 : i1 to i32
        %cond3A = arith.constant 0 : i32
        %cond3A_54 = arith.cmpi ne, %convert_element_type3A, %cond3A : i32
        scf.if %cond3A_54 {
          %sub3A = arith.constant 1 : i32
          %sub3A_91 = arith.subi %mul3A_46, %sub3A : i32
          %dma_wait3A_92 = arith.constant 0 : i32
          %dma_wait3A_93 = tpu.memref_slice %arg8[%sub3A_91, %dma_wait3A_92] : memref<40x125xi32, #tpu.memory_space<vmem>> -> memref<1x125xi32, #tpu.memory_space<vmem>>
          %dma_wait3A_94 = tpu.memref_squeeze %dma_wait3A_93 : memref<1x125xi32, #tpu.memory_space<vmem>> -> memref<125xi32, #tpu.memory_space<vmem>>
          %dma_wait3A_95 = arith.constant 0 : i32
          %dma_wait3A_96 = arith.constant 0 : i32
          %dma_wait3A_97 = tpu.memref_slice %arg11[%dma_wait3A_95, %dma_wait3A_96] : memref<10240x128xf32, #tpu.memory_space<vmem_shared>> -> memref<10240x128xf32, #tpu.memory_space<vmem_shared>>
          tpu.wait_indirect_dma semaphore(%arg15 : memref<!tpu.dma_semaphore, #tpu.memory_space<semaphore_mem>>) src(%arg10 : memref<125x128xf32, #tpu.memory_space<vmem>>) dst(%dma_wait3A_97 : memref<10240x128xf32, #tpu.memory_space<vmem_shared>>)
        } else {
        }
        %add3A_55 = arith.constant 1 : i32
        %add3A_56 = arith.addi %mul3A_46, %add3A_55 : i32
        %dma_start3A_57 = arith.constant 0 : i32
        %dma_start3A_58 = tpu.memref_slice %arg7[%add3A_56, %dma_start3A_57] : memref<40x125xi32, #tpu.memory_space<vmem>> -> memref<1x125xi32, #tpu.memory_space<vmem>>
        %dma_start3A_59 = tpu.memref_squeeze %dma_start3A_58 : memref<1x125xi32, #tpu.memory_space<vmem>> -> memref<125xi32, #tpu.memory_space<vmem>>
        %dma_start3A_60 = arith.constant 0 : i32
        %dma_start3A_61 = arith.constant 0 : i32
        %dma_start3A_62 = tpu.memref_slice %arg2[%dma_start3A_60, %dma_start3A_61] : memref<80000x128xf32, #tpu.memory_space<hbm>> -> memref<80000x128xf32, #tpu.memory_space<hbm>>
        tpu.enqueue_indirect_dma source(%dma_start3A_62 : memref<80000x128xf32, #tpu.memory_space<hbm>>) target(%arg10 : memref<125x128xf32, #tpu.memory_space<vmem>>) offsets(%dma_start3A_59 : memref<125xi32, #tpu.memory_space<vmem>>) semaphore(%arg13 : memref<!tpu.dma_semaphore, #tpu.memory_space<semaphore_mem>>)
        %dma_start3A_63 = arith.constant 0 : i32
        %dma_start3A_64 = tpu.memref_slice %arg8[%mul3A_46, %dma_start3A_63] : memref<40x125xi32, #tpu.memory_space<vmem>> -> memref<1x125xi32, #tpu.memory_space<vmem>>
        %dma_start3A_65 = tpu.memref_squeeze %dma_start3A_64 : memref<1x125xi32, #tpu.memory_space<vmem>> -> memref<125xi32, #tpu.memory_space<vmem>>
        %dma_start3A_66 = arith.constant 0 : i32
        %dma_start3A_67 = arith.constant 0 : i32
        %dma_start3A_68 = tpu.memref_slice %arg11[%dma_start3A_66, %dma_start3A_67] : memref<10240x128xf32, #tpu.memory_space<vmem_shared>> -> memref<10240x128xf32, #tpu.memory_space<vmem_shared>>
        tpu.enqueue_indirect_dma source(%arg9 : memref<125x128xf32, #tpu.memory_space<vmem>>) target(%dma_start3A_68 : memref<10240x128xf32, #tpu.memory_space<vmem_shared>>) offsets(%dma_start3A_65 : memref<125xi32, #tpu.memory_space<vmem>>) semaphore(%arg14 : memref<!tpu.dma_semaphore, #tpu.memory_space<semaphore_mem>>) {add = true}
        %add3A_69 = arith.constant 1 : i32
        %add3A_70 = arith.addi %mul3A_46, %add3A_69 : i32
        %dma_wait3A_71 = arith.constant 0 : i32
        %dma_wait3A_72 = tpu.memref_slice %arg7[%add3A_70, %dma_wait3A_71] : memref<40x125xi32, #tpu.memory_space<vmem>> -> memref<1x125xi32, #tpu.memory_space<vmem>>
        %dma_wait3A_73 = tpu.memref_squeeze %dma_wait3A_72 : memref<1x125xi32, #tpu.memory_space<vmem>> -> memref<125xi32, #tpu.memory_space<vmem>>
        %dma_wait3A_74 = arith.constant 0 : i32
        %dma_wait3A_75 = arith.constant 0 : i32
        %dma_wait3A_76 = tpu.memref_slice %arg2[%dma_wait3A_74, %dma_wait3A_75] : memref<80000x128xf32, #tpu.memory_space<hbm>> -> memref<80000x128xf32, #tpu.memory_space<hbm>>
        tpu.wait_indirect_dma semaphore(%arg13 : memref<!tpu.dma_semaphore, #tpu.memory_space<semaphore_mem>>) src(%dma_wait3A_76 : memref<80000x128xf32, #tpu.memory_space<hbm>>) dst(%arg10 : memref<125x128xf32, #tpu.memory_space<vmem>>)
        %add3A_77 = arith.constant 2 : i32
        %add3A_78 = arith.addi %mul3A_46, %add3A_77 : i32
        %lt3A = arith.constant 40 : i32
        %lt3A_79 = arith.cmpi slt, %add3A_78, %lt3A : i32
        %convert_element_type3A_80 = arith.extui %lt3A_79 : i1 to i32
        %cond3A_81 = arith.constant 0 : i32
        %cond3A_82 = arith.cmpi ne, %convert_element_type3A_80, %cond3A_81 : i32
        scf.if %cond3A_82 {
          %dma_wait3A_91 = arith.constant 0 : i32
          %dma_wait3A_92 = tpu.memref_slice %arg8[%mul3A_46, %dma_wait3A_91] : memref<40x125xi32, #tpu.memory_space<vmem>> -> memref<1x125xi32, #tpu.memory_space<vmem>>
          %dma_wait3A_93 = tpu.memref_squeeze %dma_wait3A_92 : memref<1x125xi32, #tpu.memory_space<vmem>> -> memref<125xi32, #tpu.memory_space<vmem>>
          %dma_wait3A_94 = arith.constant 0 : i32
          %dma_wait3A_95 = arith.constant 0 : i32
          %dma_wait3A_96 = tpu.memref_slice %arg11[%dma_wait3A_94, %dma_wait3A_95] : memref<10240x128xf32, #tpu.memory_space<vmem_shared>> -> memref<10240x128xf32, #tpu.memory_space<vmem_shared>>
          tpu.wait_indirect_dma semaphore(%arg14 : memref<!tpu.dma_semaphore, #tpu.memory_space<semaphore_mem>>) src(%arg9 : memref<125x128xf32, #tpu.memory_space<vmem>>) dst(%dma_wait3A_96 : memref<10240x128xf32, #tpu.memory_space<vmem_shared>>)
          %add3A_97 = arith.constant 2 : i32
          %add3A_98 = arith.addi %mul3A_46, %add3A_97 : i32
          %dma_start3A_99 = arith.constant 0 : i32
          %dma_start3A_100 = tpu.memref_slice %arg7[%add3A_98, %dma_start3A_99] : memref<40x125xi32, #tpu.memory_space<vmem>> -> memref<1x125xi32, #tpu.memory_space<vmem>>
          %dma_start3A_101 = tpu.memref_squeeze %dma_start3A_100 : memref<1x125xi32, #tpu.memory_space<vmem>> -> memref<125xi32, #tpu.memory_space<vmem>>
          %dma_start3A_102 = arith.constant 0 : i32
          %dma_start3A_103 = arith.constant 0 : i32
          %dma_start3A_104 = tpu.memref_slice %arg2[%dma_start3A_102, %dma_start3A_103] : memref<80000x128xf32, #tpu.memory_space<hbm>> -> memref<80000x128xf32, #tpu.memory_space<hbm>>
          tpu.enqueue_indirect_dma source(%dma_start3A_104 : memref<80000x128xf32, #tpu.memory_space<hbm>>) target(%arg9 : memref<125x128xf32, #tpu.memory_space<vmem>>) offsets(%dma_start3A_101 : memref<125xi32, #tpu.memory_space<vmem>>) semaphore(%arg12 : memref<!tpu.dma_semaphore, #tpu.memory_space<semaphore_mem>>)
        } else {
        }
        %add3A_83 = arith.constant 1 : i32
        %add3A_84 = arith.addi %mul3A_46, %add3A_83 : i32
        %dma_start3A_85 = arith.constant 0 : i32
        %dma_start3A_86 = tpu.memref_slice %arg8[%add3A_84, %dma_start3A_85] : memref<40x125xi32, #tpu.memory_space<vmem>> -> memref<1x125xi32, #tpu.memory_space<vmem>>
        %dma_start3A_87 = tpu.memref_squeeze %dma_start3A_86 : memref<1x125xi32, #tpu.memory_space<vmem>> -> memref<125xi32, #tpu.memory_space<vmem>>
        %dma_start3A_88 = arith.constant 0 : i32
        %dma_start3A_89 = arith.constant 0 : i32
        %dma_start3A_90 = tpu.memref_slice %arg11[%dma_start3A_88, %dma_start3A_89] : memref<10240x128xf32, #tpu.memory_space<vmem_shared>> -> memref<10240x128xf32, #tpu.memory_space<vmem_shared>>
        tpu.enqueue_indirect_dma source(%arg10 : memref<125x128xf32, #tpu.memory_space<vmem>>) target(%dma_start3A_90 : memref<10240x128xf32, #tpu.memory_space<vmem_shared>>) offsets(%dma_start3A_87 : memref<125xi32, #tpu.memory_space<vmem>>) semaphore(%arg15 : memref<!tpu.dma_semaphore, #tpu.memory_space<semaphore_mem>>) {add = true}
      }
      %scan3A_26 = arith.constant 20 : i32
      %dma_wait3A = arith.constant 38 : i32
      %dma_wait3A_27 = arith.constant 0 : i32
      %dma_wait3A_28 = tpu.memref_slice %arg8[%dma_wait3A, %dma_wait3A_27] : memref<40x125xi32, #tpu.memory_space<vmem>> -> memref<1x125xi32, #tpu.memory_space<vmem>>
      %dma_wait3A_29 = tpu.memref_squeeze %dma_wait3A_28 : memref<1x125xi32, #tpu.memory_space<vmem>> -> memref<125xi32, #tpu.memory_space<vmem>>
      %dma_wait3A_30 = arith.constant 0 : i32
      %dma_wait3A_31 = arith.constant 0 : i32
      %dma_wait3A_32 = tpu.memref_slice %arg11[%dma_wait3A_30, %dma_wait3A_31] : memref<10240x128xf32, #tpu.memory_space<vmem_shared>> -> memref<10240x128xf32, #tpu.memory_space<vmem_shared>>
      tpu.wait_indirect_dma semaphore(%arg14 : memref<!tpu.dma_semaphore, #tpu.memory_space<semaphore_mem>>) src(%arg9 : memref<125x128xf32, #tpu.memory_space<vmem>>) dst(%dma_wait3A_32 : memref<10240x128xf32, #tpu.memory_space<vmem_shared>>)
      %dma_wait3A_33 = arith.constant 39 : i32
      %dma_wait3A_34 = arith.constant 0 : i32
      %dma_wait3A_35 = tpu.memref_slice %arg8[%dma_wait3A_33, %dma_wait3A_34] : memref<40x125xi32, #tpu.memory_space<vmem>> -> memref<1x125xi32, #tpu.memory_space<vmem>>
      %dma_wait3A_36 = tpu.memref_squeeze %dma_wait3A_35 : memref<1x125xi32, #tpu.memory_space<vmem>> -> memref<125xi32, #tpu.memory_space<vmem>>
      %dma_wait3A_37 = arith.constant 0 : i32
      %dma_wait3A_38 = arith.constant 0 : i32
      %dma_wait3A_39 = tpu.memref_slice %arg11[%dma_wait3A_37, %dma_wait3A_38] : memref<10240x128xf32, #tpu.memory_space<vmem_shared>> -> memref<10240x128xf32, #tpu.memory_space<vmem_shared>>
      tpu.wait_indirect_dma semaphore(%arg15 : memref<!tpu.dma_semaphore, #tpu.memory_space<semaphore_mem>>) src(%arg10 : memref<125x128xf32, #tpu.memory_space<vmem>>) dst(%dma_wait3A_39 : memref<10240x128xf32, #tpu.memory_space<vmem_shared>>)
    }
    %scan3A_4 = arith.constant 2 : i32
    %barrier3A_5 = arith.constant 0 : index
    tpu.barrier barrier_id(%barrier3A_5)
    %mul3A_6 = arith.constant 640 : i32
    %mul3A_7 = arith.muli %arg1, %mul3A_6 : i32
    "tpu.region"() ({
      %run_scoped3A = tpu.sem_alloc : memref<!tpu.dma_semaphore, #tpu.memory_space<semaphore_mem>>
      %dma_start3A = arith.constant 0 : i32
      %dma_start3A_8 = tpu.memref_slice %arg6[%arg0, %mul3A_7, %dma_start3A] : memref<2x10240x128xf32, #tpu.memory_space<hbm>> -> memref<1x640x128xf32, #tpu.memory_space<hbm>>
      %dma_start3A_9 = tpu.memref_squeeze %dma_start3A_8 : memref<1x640x128xf32, #tpu.memory_space<hbm>> -> memref<640x128xf32, #tpu.memory_space<hbm>>
      %dma_start3A_10 = arith.constant 0 : i32
      %dma_start3A_11 = tpu.memref_slice %arg11[%mul3A_7, %dma_start3A_10] : memref<10240x128xf32, #tpu.memory_space<vmem_shared>> -> memref<640x128xf32, #tpu.memory_space<vmem_shared>>
      tpu.enqueue_dma source(%dma_start3A_11 : memref<640x128xf32, #tpu.memory_space<vmem_shared>>) target(%dma_start3A_9 : memref<640x128xf32, #tpu.memory_space<hbm>>) target_semaphore(%run_scoped3A : memref<!tpu.dma_semaphore, #tpu.memory_space<semaphore_mem>>)
      %dma_wait3A = arith.constant 0 : i32
      %dma_wait3A_12 = tpu.memref_slice %arg6[%arg0, %mul3A_7, %dma_wait3A] : memref<2x10240x128xf32, #tpu.memory_space<hbm>> -> memref<1x640x128xf32, #tpu.memory_space<hbm>>
      %dma_wait3A_13 = tpu.memref_squeeze %dma_wait3A_12 : memref<1x640x128xf32, #tpu.memory_space<hbm>> -> memref<640x128xf32, #tpu.memory_space<hbm>>
      %dma_wait3A_14 = arith.constant 0 : i32
      %dma_wait3A_15 = tpu.memref_slice %arg11[%mul3A_7, %dma_wait3A_14] : memref<10240x128xf32, #tpu.memory_space<vmem_shared>> -> memref<640x128xf32, #tpu.memory_space<vmem_shared>>
      tpu.wait_dma2 semaphore(%run_scoped3A : memref<!tpu.dma_semaphore, #tpu.memory_space<semaphore_mem>>) src(%dma_wait3A_15 : memref<640x128xf32, #tpu.memory_space<vmem_shared>>) dst(%dma_wait3A_13 : memref<640x128xf32, #tpu.memory_space<hbm>>)
      tpu.yield
    }) : () -> ()
    return
  }
}

module attributes {stable_mosaic.version = 14 : i64} {
  func.func @_ht_body(%arg0: i32, %arg1: memref<2000x200xf32, #tpu.memory_space<vmem>>, %arg2: memref<4x200x256xf32, #tpu.memory_space<vmem>>, %arg3: memref<4x1x256xf32, #tpu.memory_space<vmem>>, %arg4: memref<2x4x2000x128xf32, #tpu.memory_space<vmem>>) attributes {dimension_semantics = [#tpu.dimension_semantics<arbitrary>], iteration_bounds = array<i64: 5>, scalar_prefetch = 0 : i64, scratch_operands = 0 : i64, tpu.core_type = #tpu.core_type<tc>, window_params = [{transform_indices = @transform_0, window_bounds = array<i64: 2000, 200>}, {pipeline_mode = #tpu.pipeline_mode<synchronous>, transform_indices = @transform_1, window_bounds = array<i64: 4, 200, 256>}, {pipeline_mode = #tpu.pipeline_mode<synchronous>, transform_indices = @transform_2, window_bounds = array<i64: 4, 1, 256>}, {transform_indices = @transform_3, window_bounds = array<i64: 2, 4, 2000, 128>}]} {
    %get3A = arith.constant 0 : index
    %get3A_0 = arith.constant 0 : index
    %get3A_1 = vector.load %arg1[%get3A, %get3A_0] : memref<2000x200xf32, #tpu.memory_space<vmem>>, vector<2000x200xf32>
    %get3A_2 = arith.constant 0 : index
    %get3A_3 = arith.constant 0 : index
    %get3A_4 = arith.constant 0 : index
    %get3A_5 = vector.load %arg2[%get3A_2, %get3A_3, %get3A_4] : memref<4x200x256xf32, #tpu.memory_space<vmem>>, vector<1x200x256xf32>
    %get3A_6 = vector.shape_cast %get3A_5 : vector<1x200x256xf32> to vector<200x256xf32>
    %dot_general3A = arith.constant dense<0.000000e+00> : vector<2000x256xf32>
    %dot_general3A_7 = tpu.matmul %get3A_1, %get3A_6, %dot_general3A {dimension_numbers = #tpu.dot_dimension_numbers<[1], [0], [0], [1], [0, 0, 1, 1], [], []>, transpose_lhs_hint = false} : vector<2000x200xf32>, vector<200x256xf32>, vector<2000x256xf32> -> vector<2000x256xf32>
    %get3A_8 = arith.constant 0 : index
    %get3A_9 = arith.constant 0 : index
    %get3A_10 = arith.constant 0 : index
    %get3A_11 = vector.load %arg3[%get3A_8, %get3A_9, %get3A_10] : memref<4x1x256xf32, #tpu.memory_space<vmem>>, vector<1x1x256xf32>
    %get3A_12 = vector.shape_cast %get3A_11 : vector<1x1x256xf32> to vector<1x256xf32>
    %add3A = vector.broadcast %get3A_12 : vector<1x256xf32> to vector<2000x256xf32>
    %add3A_13 = arith.addf %dot_general3A_7, %add3A : vector<2000x256xf32>
    %slice3A = vector.extract_strided_slice %add3A_13 {offsets = [0, 0], sizes = [2000, 128], strides = [1, 1]} : vector<2000x256xf32> to vector<2000x128xf32>
    %swap3A = arith.constant 0 : index
    %swap3A_14 = arith.constant 0 : index
    %swap3A_15 = arith.constant 0 : index
    %swap3A_16 = arith.constant 0 : index
    %swap3A_17 = vector.load %arg4[%swap3A, %swap3A_14, %swap3A_15, %swap3A_16] : memref<2x4x2000x128xf32, #tpu.memory_space<vmem>>, vector<1x1x2000x128xf32>
    %swap3A_18 = vector.shape_cast %swap3A_17 : vector<1x1x2000x128xf32> to vector<2000x128xf32>
    %swap3A_19 = vector.shape_cast %slice3A : vector<2000x128xf32> to vector<1x1x2000x128xf32>
    tpu.vector_store %arg4[%swap3A, %swap3A_14, %swap3A_15, %swap3A_16], %swap3A_19 {strides = array<i32>} : memref<2x4x2000x128xf32, #tpu.memory_space<vmem>>, vector<1x1x2000x128xf32>,
    %slice3A_20 = vector.extract_strided_slice %add3A_13 {offsets = [0, 128], sizes = [2000, 128], strides = [1, 1]} : vector<2000x256xf32> to vector<2000x128xf32>
    %swap3A_21 = arith.constant 1 : index
    %swap3A_22 = arith.constant 0 : index
    %swap3A_23 = arith.constant 0 : index
    %swap3A_24 = arith.constant 0 : index
    %swap3A_25 = vector.load %arg4[%swap3A_21, %swap3A_22, %swap3A_23, %swap3A_24] : memref<2x4x2000x128xf32, #tpu.memory_space<vmem>>, vector<1x1x2000x128xf32>
    %swap3A_26 = vector.shape_cast %swap3A_25 : vector<1x1x2000x128xf32> to vector<2000x128xf32>
    %swap3A_27 = vector.shape_cast %slice3A_20 : vector<2000x128xf32> to vector<1x1x2000x128xf32>
    tpu.vector_store %arg4[%swap3A_21, %swap3A_22, %swap3A_23, %swap3A_24], %swap3A_27 {strides = array<i32>} : memref<2x4x2000x128xf32, #tpu.memory_space<vmem>>, vector<1x1x2000x128xf32>,
    %get3A_28 = arith.constant 1 : index
    %get3A_29 = arith.constant 0 : index
    %get3A_30 = arith.constant 0 : index
    %get3A_31 = vector.load %arg2[%get3A_28, %get3A_29, %get3A_30] : memref<4x200x256xf32, #tpu.memory_space<vmem>>, vector<1x200x256xf32>
    %get3A_32 = vector.shape_cast %get3A_31 : vector<1x200x256xf32> to vector<200x256xf32>
    %dot_general3A_33 = arith.constant dense<0.000000e+00> : vector<2000x256xf32>
    %dot_general3A_34 = tpu.matmul %get3A_1, %get3A_32, %dot_general3A_33 {dimension_numbers = #tpu.dot_dimension_numbers<[1], [0], [0], [1], [0, 0, 1, 1], [], []>, transpose_lhs_hint = false} : vector<2000x200xf32>, vector<200x256xf32>, vector<2000x256xf32> -> vector<2000x256xf32>
    %get3A_35 = arith.constant 1 : index
    %get3A_36 = arith.constant 0 : index
    %get3A_37 = arith.constant 0 : index
    %get3A_38 = vector.load %arg3[%get3A_35, %get3A_36, %get3A_37] : memref<4x1x256xf32, #tpu.memory_space<vmem>>, vector<1x1x256xf32>
    %get3A_39 = vector.shape_cast %get3A_38 : vector<1x1x256xf32> to vector<1x256xf32>
    %add3A_40 = vector.broadcast %get3A_39 : vector<1x256xf32> to vector<2000x256xf32>
    %add3A_41 = arith.addf %dot_general3A_34, %add3A_40 : vector<2000x256xf32>
    %slice3A_42 = vector.extract_strided_slice %add3A_41 {offsets = [0, 0], sizes = [2000, 128], strides = [1, 1]} : vector<2000x256xf32> to vector<2000x128xf32>
    %swap3A_43 = arith.constant 0 : index
    %swap3A_44 = arith.constant 1 : index
    %swap3A_45 = arith.constant 0 : index
    %swap3A_46 = arith.constant 0 : index
    %swap3A_47 = vector.load %arg4[%swap3A_43, %swap3A_44, %swap3A_45, %swap3A_46] : memref<2x4x2000x128xf32, #tpu.memory_space<vmem>>, vector<1x1x2000x128xf32>
    %swap3A_48 = vector.shape_cast %swap3A_47 : vector<1x1x2000x128xf32> to vector<2000x128xf32>
    %swap3A_49 = vector.shape_cast %slice3A_42 : vector<2000x128xf32> to vector<1x1x2000x128xf32>
    tpu.vector_store %arg4[%swap3A_43, %swap3A_44, %swap3A_45, %swap3A_46], %swap3A_49 {strides = array<i32>} : memref<2x4x2000x128xf32, #tpu.memory_space<vmem>>, vector<1x1x2000x128xf32>,
    %slice3A_50 = vector.extract_strided_slice %add3A_41 {offsets = [0, 128], sizes = [2000, 128], strides = [1, 1]} : vector<2000x256xf32> to vector<2000x128xf32>
    %swap3A_51 = arith.constant 1 : index
    %swap3A_52 = arith.constant 1 : index
    %swap3A_53 = arith.constant 0 : index
    %swap3A_54 = arith.constant 0 : index
    %swap3A_55 = vector.load %arg4[%swap3A_51, %swap3A_52, %swap3A_53, %swap3A_54] : memref<2x4x2000x128xf32, #tpu.memory_space<vmem>>, vector<1x1x2000x128xf32>
    %swap3A_56 = vector.shape_cast %swap3A_55 : vector<1x1x2000x128xf32> to vector<2000x128xf32>
    %swap3A_57 = vector.shape_cast %slice3A_50 : vector<2000x128xf32> to vector<1x1x2000x128xf32>
    tpu.vector_store %arg4[%swap3A_51, %swap3A_52, %swap3A_53, %swap3A_54], %swap3A_57 {strides = array<i32>} : memref<2x4x2000x128xf32, #tpu.memory_space<vmem>>, vector<1x1x2000x128xf32>,
    %get3A_58 = arith.constant 2 : index
    %get3A_59 = arith.constant 0 : index
    %get3A_60 = arith.constant 0 : index
    %get3A_61 = vector.load %arg2[%get3A_58, %get3A_59, %get3A_60] : memref<4x200x256xf32, #tpu.memory_space<vmem>>, vector<1x200x256xf32>
    %get3A_62 = vector.shape_cast %get3A_61 : vector<1x200x256xf32> to vector<200x256xf32>
    %dot_general3A_63 = arith.constant dense<0.000000e+00> : vector<2000x256xf32>
    %dot_general3A_64 = tpu.matmul %get3A_1, %get3A_62, %dot_general3A_63 {dimension_numbers = #tpu.dot_dimension_numbers<[1], [0], [0], [1], [0, 0, 1, 1], [], []>, transpose_lhs_hint = false} : vector<2000x200xf32>, vector<200x256xf32>, vector<2000x256xf32> -> vector<2000x256xf32>
    %get3A_65 = arith.constant 2 : index
    %get3A_66 = arith.constant 0 : index
    %get3A_67 = arith.constant 0 : index
    %get3A_68 = vector.load %arg3[%get3A_65, %get3A_66, %get3A_67] : memref<4x1x256xf32, #tpu.memory_space<vmem>>, vector<1x1x256xf32>
    %get3A_69 = vector.shape_cast %get3A_68 : vector<1x1x256xf32> to vector<1x256xf32>
    %add3A_70 = vector.broadcast %get3A_69 : vector<1x256xf32> to vector<2000x256xf32>
    %add3A_71 = arith.addf %dot_general3A_64, %add3A_70 : vector<2000x256xf32>
    %slice3A_72 = vector.extract_strided_slice %add3A_71 {offsets = [0, 0], sizes = [2000, 128], strides = [1, 1]} : vector<2000x256xf32> to vector<2000x128xf32>
    %swap3A_73 = arith.constant 0 : index
    %swap3A_74 = arith.constant 2 : index
    %swap3A_75 = arith.constant 0 : index
    %swap3A_76 = arith.constant 0 : index
    %swap3A_77 = vector.load %arg4[%swap3A_73, %swap3A_74, %swap3A_75, %swap3A_76] : memref<2x4x2000x128xf32, #tpu.memory_space<vmem>>, vector<1x1x2000x128xf32>
    %swap3A_78 = vector.shape_cast %swap3A_77 : vector<1x1x2000x128xf32> to vector<2000x128xf32>
    %swap3A_79 = vector.shape_cast %slice3A_72 : vector<2000x128xf32> to vector<1x1x2000x128xf32>
    tpu.vector_store %arg4[%swap3A_73, %swap3A_74, %swap3A_75, %swap3A_76], %swap3A_79 {strides = array<i32>} : memref<2x4x2000x128xf32, #tpu.memory_space<vmem>>, vector<1x1x2000x128xf32>,
    %slice3A_80 = vector.extract_strided_slice %add3A_71 {offsets = [0, 128], sizes = [2000, 128], strides = [1, 1]} : vector<2000x256xf32> to vector<2000x128xf32>
    %swap3A_81 = arith.constant 1 : index
    %swap3A_82 = arith.constant 2 : index
    %swap3A_83 = arith.constant 0 : index
    %swap3A_84 = arith.constant 0 : index
    %swap3A_85 = vector.load %arg4[%swap3A_81, %swap3A_82, %swap3A_83, %swap3A_84] : memref<2x4x2000x128xf32, #tpu.memory_space<vmem>>, vector<1x1x2000x128xf32>
    %swap3A_86 = vector.shape_cast %swap3A_85 : vector<1x1x2000x128xf32> to vector<2000x128xf32>
    %swap3A_87 = vector.shape_cast %slice3A_80 : vector<2000x128xf32> to vector<1x1x2000x128xf32>
    tpu.vector_store %arg4[%swap3A_81, %swap3A_82, %swap3A_83, %swap3A_84], %swap3A_87 {strides = array<i32>} : memref<2x4x2000x128xf32, #tpu.memory_space<vmem>>, vector<1x1x2000x128xf32>,
    %get3A_88 = arith.constant 3 : index
    %get3A_89 = arith.constant 0 : index
    %get3A_90 = arith.constant 0 : index
    %get3A_91 = vector.load %arg2[%get3A_88, %get3A_89, %get3A_90] : memref<4x200x256xf32, #tpu.memory_space<vmem>>, vector<1x200x256xf32>
    %get3A_92 = vector.shape_cast %get3A_91 : vector<1x200x256xf32> to vector<200x256xf32>
    %dot_general3A_93 = arith.constant dense<0.000000e+00> : vector<2000x256xf32>
    %dot_general3A_94 = tpu.matmul %get3A_1, %get3A_92, %dot_general3A_93 {dimension_numbers = #tpu.dot_dimension_numbers<[1], [0], [0], [1], [0, 0, 1, 1], [], []>, transpose_lhs_hint = false} : vector<2000x200xf32>, vector<200x256xf32>, vector<2000x256xf32> -> vector<2000x256xf32>
    %get3A_95 = arith.constant 3 : index
    %get3A_96 = arith.constant 0 : index
    %get3A_97 = arith.constant 0 : index
    %get3A_98 = vector.load %arg3[%get3A_95, %get3A_96, %get3A_97] : memref<4x1x256xf32, #tpu.memory_space<vmem>>, vector<1x1x256xf32>
    %get3A_99 = vector.shape_cast %get3A_98 : vector<1x1x256xf32> to vector<1x256xf32>
    %add3A_100 = vector.broadcast %get3A_99 : vector<1x256xf32> to vector<2000x256xf32>
    %add3A_101 = arith.addf %dot_general3A_94, %add3A_100 : vector<2000x256xf32>
    %slice3A_102 = vector.extract_strided_slice %add3A_101 {offsets = [0, 0], sizes = [2000, 128], strides = [1, 1]} : vector<2000x256xf32> to vector<2000x128xf32>
    %swap3A_103 = arith.constant 0 : index
    %swap3A_104 = arith.constant 3 : index
    %swap3A_105 = arith.constant 0 : index
    %swap3A_106 = arith.constant 0 : index
    %swap3A_107 = vector.load %arg4[%swap3A_103, %swap3A_104, %swap3A_105, %swap3A_106] : memref<2x4x2000x128xf32, #tpu.memory_space<vmem>>, vector<1x1x2000x128xf32>
    %swap3A_108 = vector.shape_cast %swap3A_107 : vector<1x1x2000x128xf32> to vector<2000x128xf32>
    %swap3A_109 = vector.shape_cast %slice3A_102 : vector<2000x128xf32> to vector<1x1x2000x128xf32>
    tpu.vector_store %arg4[%swap3A_103, %swap3A_104, %swap3A_105, %swap3A_106], %swap3A_109 {strides = array<i32>} : memref<2x4x2000x128xf32, #tpu.memory_space<vmem>>, vector<1x1x2000x128xf32>,
    %slice3A_110 = vector.extract_strided_slice %add3A_101 {offsets = [0, 128], sizes = [2000, 128], strides = [1, 1]} : vector<2000x256xf32> to vector<2000x128xf32>
    %swap3A_111 = arith.constant 1 : index
    %swap3A_112 = arith.constant 3 : index
    %swap3A_113 = arith.constant 0 : index
    %swap3A_114 = arith.constant 0 : index
    %swap3A_115 = vector.load %arg4[%swap3A_111, %swap3A_112, %swap3A_113, %swap3A_114] : memref<2x4x2000x128xf32, #tpu.memory_space<vmem>>, vector<1x1x2000x128xf32>
    %swap3A_116 = vector.shape_cast %swap3A_115 : vector<1x1x2000x128xf32> to vector<2000x128xf32>
    %swap3A_117 = vector.shape_cast %slice3A_110 : vector<2000x128xf32> to vector<1x1x2000x128xf32>
    tpu.vector_store %arg4[%swap3A_111, %swap3A_112, %swap3A_113, %swap3A_114], %swap3A_117 {strides = array<i32>} : memref<2x4x2000x128xf32, #tpu.memory_space<vmem>>, vector<1x1x2000x128xf32>,
    return
  }
  func.func @transform_0(%arg0: i32) -> (i32, i32) {
    %c0_i32 = arith.constant 0 : i32
    %c0_i32_0 = arith.constant 0 : i32
    return %arg0, %c0_i32 : i32, i32
  }
  func.func @transform_1(%arg0: i32) -> (i32, i32, i32) {
    %c0_i32 = arith.constant 0 : i32
    %c0_i32_0 = arith.constant 0 : i32
    %c0_i32_1 = arith.constant 0 : i32
    %c0_i32_2 = arith.constant 0 : i32
    return %c0_i32, %c0_i32_0, %c0_i32_1 : i32, i32, i32
  }
  func.func @transform_2(%arg0: i32) -> (i32, i32, i32) {
    %c0_i32 = arith.constant 0 : i32
    %c0_i32_0 = arith.constant 0 : i32
    %c0_i32_1 = arith.constant 0 : i32
    %c0_i32_2 = arith.constant 0 : i32
    return %c0_i32, %c0_i32_0, %c0_i32_1 : i32, i32, i32
  }
  func.func @transform_3(%arg0: i32) -> (i32, i32, i32, i32) {
    %c0_i32 = arith.constant 0 : i32
    %c0_i32_0 = arith.constant 0 : i32
    %c0_i32_1 = arith.constant 0 : i32
    %c0_i32_2 = arith.constant 0 : i32
    return %c0_i32, %c0_i32_0, %arg0, %c0_i32_1 : i32, i32, i32, i32
  }
}

module attributes {stable_mosaic.version = 14 : i64} {
  func.func @_gru_body(%arg0: i32, %arg1: memref<2000x200xf32, #tpu.memory_space<vmem>>, %arg2: memref<2x2000x128xf32, #tpu.memory_space<vmem>>, %arg3: memref<200x600xf32, #tpu.memory_space<vmem>>, %arg4: memref<200x600xf32, #tpu.memory_space<vmem>>, %arg5: memref<1x600xf32, #tpu.memory_space<vmem>>, %arg6: memref<1x600xf32, #tpu.memory_space<vmem>>, %arg7: memref<4x200x256xf32, #tpu.memory_space<vmem>>, %arg8: memref<4x1x256xf32, #tpu.memory_space<vmem>>, %arg9: memref<2000x200xf32, #tpu.memory_space<vmem>>, %arg10: memref<2x4x2000x128xf32, #tpu.memory_space<vmem>>) attributes {dimension_semantics = [#tpu.dimension_semantics<arbitrary>], iteration_bounds = array<i64: 5>, scalar_prefetch = 0 : i64, scratch_operands = 0 : i64, tpu.core_type = #tpu.core_type<tc>, window_params = [{transform_indices = @transform_0, window_bounds = array<i64: 2000, 200>}, {transform_indices = @transform_1, window_bounds = array<i64: 2, 2000, 128>}, {pipeline_mode = #tpu.pipeline_mode<synchronous>, transform_indices = @transform_2, window_bounds = array<i64: 200, 600>}, {pipeline_mode = #tpu.pipeline_mode<synchronous>, transform_indices = @transform_3, window_bounds = array<i64: 200, 600>}, {pipeline_mode = #tpu.pipeline_mode<synchronous>, transform_indices = @transform_4, window_bounds = array<i64: 1, 600>}, {pipeline_mode = #tpu.pipeline_mode<synchronous>, transform_indices = @transform_5, window_bounds = array<i64: 1, 600>}, {pipeline_mode = #tpu.pipeline_mode<synchronous>, transform_indices = @transform_6, window_bounds = array<i64: 4, 200, 256>}, {pipeline_mode = #tpu.pipeline_mode<synchronous>, transform_indices = @transform_7, window_bounds = array<i64: 4, 1, 256>}, {transform_indices = @transform_8, window_bounds = array<i64: 2000, 200>}, {transform_indices = @transform_9, window_bounds = array<i64: 2, 4, 2000, 128>}]} {
    %get3A = arith.constant 0 : index
    %get3A_0 = arith.constant 0 : index
    %get3A_1 = vector.load %arg1[%get3A, %get3A_0] : memref<2000x200xf32, #tpu.memory_space<vmem>>, vector<2000x200xf32>
    %get3A_2 = arith.constant 0 : index
    %get3A_3 = arith.constant 0 : index
    %get3A_4 = arith.constant 0 : index
    %get3A_5 = vector.load %arg2[%get3A_2, %get3A_3, %get3A_4] : memref<2x2000x128xf32, #tpu.memory_space<vmem>>, vector<1x2000x128xf32>
    %get3A_6 = vector.shape_cast %get3A_5 : vector<1x2000x128xf32> to vector<2000x128xf32>
    %get3A_7 = arith.constant 1 : index
    %get3A_8 = arith.constant 0 : index
    %get3A_9 = arith.constant 0 : index
    %get3A_10 = vector.load %arg2[%get3A_7, %get3A_8, %get3A_9] : memref<2x2000x128xf32, #tpu.memory_space<vmem>>, vector<1x2000x128xf32>
    %get3A_11 = vector.shape_cast %get3A_10 : vector<1x2000x128xf32> to vector<2000x128xf32>
    %concatenate3A = tpu.concatenate %get3A_6, %get3A_11 in 1 : vector<2000x128xf32>, vector<2000x128xf32> -> vector<2000x256xf32>
    %slice3A = vector.extract_strided_slice %concatenate3A {offsets = [0, 0], sizes = [2000, 200], strides = [1, 1]} : vector<2000x256xf32> to vector<2000x200xf32>
    %get3A_12 = arith.constant 0 : index
    %get3A_13 = arith.constant 0 : index
    %get3A_14 = vector.load %arg3[%get3A_12, %get3A_13] : memref<200x600xf32, #tpu.memory_space<vmem>>, vector<200x600xf32>
    %dot_general3A = arith.constant dense<0.000000e+00> : vector<2000x600xf32>
    %dot_general3A_15 = tpu.matmul %slice3A, %get3A_14, %dot_general3A {dimension_numbers = #tpu.dot_dimension_numbers<[1], [0], [0], [1], [0, 0, 1, 1], [], []>, transpose_lhs_hint = false} : vector<2000x200xf32>, vector<200x600xf32>, vector<2000x600xf32> -> vector<2000x600xf32>
    %get3A_16 = arith.constant 0 : index
    %get3A_17 = arith.constant 0 : index
    %get3A_18 = vector.load %arg5[%get3A_16, %get3A_17] : memref<1x600xf32, #tpu.memory_space<vmem>>, vector<1x600xf32>
    %add3A = vector.broadcast %get3A_18 : vector<1x600xf32> to vector<2000x600xf32>
    %add3A_19 = arith.addf %dot_general3A_15, %add3A : vector<2000x600xf32>
    %get3A_20 = arith.constant 0 : index
    %get3A_21 = arith.constant 0 : index
    %get3A_22 = vector.load %arg4[%get3A_20, %get3A_21] : memref<200x600xf32, #tpu.memory_space<vmem>>, vector<200x600xf32>
    %dot_general3A_23 = arith.constant dense<0.000000e+00> : vector<2000x600xf32>
    %dot_general3A_24 = tpu.matmul %get3A_1, %get3A_22, %dot_general3A_23 {dimension_numbers = #tpu.dot_dimension_numbers<[1], [0], [0], [1], [0, 0, 1, 1], [], []>, transpose_lhs_hint = false} : vector<2000x200xf32>, vector<200x600xf32>, vector<2000x600xf32> -> vector<2000x600xf32>
    %get3A_25 = arith.constant 0 : index
    %get3A_26 = arith.constant 0 : index
    %get3A_27 = vector.load %arg6[%get3A_25, %get3A_26] : memref<1x600xf32, #tpu.memory_space<vmem>>, vector<1x600xf32>
    %add3A_28 = vector.broadcast %get3A_27 : vector<1x600xf32> to vector<2000x600xf32>
    %add3A_29 = arith.addf %dot_general3A_24, %add3A_28 : vector<2000x600xf32>
    %slice3A_30 = vector.extract_strided_slice %add3A_19 {offsets = [0, 0], sizes = [2000, 200], strides = [1, 1]} : vector<2000x600xf32> to vector<2000x200xf32>
    %slice3A_31 = vector.extract_strided_slice %add3A_19 {offsets = [0, 200], sizes = [2000, 200], strides = [1, 1]} : vector<2000x600xf32> to vector<2000x200xf32>
    %slice3A_32 = vector.extract_strided_slice %add3A_19 {offsets = [0, 400], sizes = [2000, 200], strides = [1, 1]} : vector<2000x600xf32> to vector<2000x200xf32>
    %slice3A_33 = vector.extract_strided_slice %add3A_29 {offsets = [0, 0], sizes = [2000, 200], strides = [1, 1]} : vector<2000x600xf32> to vector<2000x200xf32>
    %slice3A_34 = vector.extract_strided_slice %add3A_29 {offsets = [0, 200], sizes = [2000, 200], strides = [1, 1]} : vector<2000x600xf32> to vector<2000x200xf32>
    %slice3A_35 = vector.extract_strided_slice %add3A_29 {offsets = [0, 400], sizes = [2000, 200], strides = [1, 1]} : vector<2000x600xf32> to vector<2000x200xf32>
    %add3A_36 = arith.addf %slice3A_30, %slice3A_33 : vector<2000x200xf32>
    %logistic3A = arith.negf %add3A_36 : vector<2000x200xf32>
    %logistic3A_37 = math.exp %logistic3A : vector<2000x200xf32>
    %logistic3A_38 = arith.constant 1.000000e+00 : f32
    %logistic3A_39 = vector.broadcast %logistic3A_38 : f32 to vector<2000x200xf32>
    %logistic3A_40 = arith.addf %logistic3A_39, %logistic3A_37 : vector<2000x200xf32>
    %logistic3A_41 = arith.divf %logistic3A_39, %logistic3A_40 : vector<2000x200xf32>
    %add3A_42 = arith.addf %slice3A_31, %slice3A_34 : vector<2000x200xf32>
    %logistic3A_43 = arith.negf %add3A_42 : vector<2000x200xf32>
    %logistic3A_44 = math.exp %logistic3A_43 : vector<2000x200xf32>
    %logistic3A_45 = arith.constant 1.000000e+00 : f32
    %logistic3A_46 = vector.broadcast %logistic3A_45 : f32 to vector<2000x200xf32>
    %logistic3A_47 = arith.addf %logistic3A_46, %logistic3A_44 : vector<2000x200xf32>
    %logistic3A_48 = arith.divf %logistic3A_46, %logistic3A_47 : vector<2000x200xf32>
    %mul3A = arith.mulf %logistic3A_41, %slice3A_35 : vector<2000x200xf32>
    %add3A_49 = arith.addf %slice3A_32, %mul3A : vector<2000x200xf32>
    %tanh3A = math.tanh %add3A_49 : vector<2000x200xf32>
    %sub3A = arith.constant 1.000000e+00 : f32
    %sub3A_50 = vector.broadcast %sub3A : f32 to vector<2000x200xf32>
    %sub3A_51 = arith.subf %sub3A_50, %logistic3A_48 : vector<2000x200xf32>
    %mul3A_52 = arith.mulf %sub3A_51, %tanh3A : vector<2000x200xf32>
    %mul3A_53 = arith.mulf %logistic3A_48, %get3A_1 : vector<2000x200xf32>
    %add3A_54 = arith.addf %mul3A_52, %mul3A_53 : vector<2000x200xf32>
    %swap3A = arith.constant 0 : index
    %swap3A_55 = arith.constant 0 : index
    %swap3A_56 = vector.load %arg9[%swap3A, %swap3A_55] : memref<2000x200xf32, #tpu.memory_space<vmem>>, vector<2000x200xf32>
    tpu.vector_store %arg9[%swap3A, %swap3A_55], %add3A_54 {strides = array<i32>} : memref<2000x200xf32, #tpu.memory_space<vmem>>, vector<2000x200xf32>,
    %get3A_57 = arith.constant 0 : index
    %get3A_58 = arith.constant 0 : index
    %get3A_59 = arith.constant 0 : index
    %get3A_60 = vector.load %arg7[%get3A_57, %get3A_58, %get3A_59] : memref<4x200x256xf32, #tpu.memory_space<vmem>>, vector<1x200x256xf32>
    %get3A_61 = vector.shape_cast %get3A_60 : vector<1x200x256xf32> to vector<200x256xf32>
    %dot_general3A_62 = arith.constant dense<0.000000e+00> : vector<2000x256xf32>
    %dot_general3A_63 = tpu.matmul %add3A_54, %get3A_61, %dot_general3A_62 {dimension_numbers = #tpu.dot_dimension_numbers<[1], [0], [0], [1], [0, 0, 1, 1], [], []>, transpose_lhs_hint = false} : vector<2000x200xf32>, vector<200x256xf32>, vector<2000x256xf32> -> vector<2000x256xf32>
    %get3A_64 = arith.constant 0 : index
    %get3A_65 = arith.constant 0 : index
    %get3A_66 = arith.constant 0 : index
    %get3A_67 = vector.load %arg8[%get3A_64, %get3A_65, %get3A_66] : memref<4x1x256xf32, #tpu.memory_space<vmem>>, vector<1x1x256xf32>
    %get3A_68 = vector.shape_cast %get3A_67 : vector<1x1x256xf32> to vector<1x256xf32>
    %add3A_69 = vector.broadcast %get3A_68 : vector<1x256xf32> to vector<2000x256xf32>
    %add3A_70 = arith.addf %dot_general3A_63, %add3A_69 : vector<2000x256xf32>
    %slice3A_71 = vector.extract_strided_slice %add3A_70 {offsets = [0, 0], sizes = [2000, 128], strides = [1, 1]} : vector<2000x256xf32> to vector<2000x128xf32>
    %swap3A_72 = arith.constant 0 : index
    %swap3A_73 = arith.constant 0 : index
    %swap3A_74 = arith.constant 0 : index
    %swap3A_75 = arith.constant 0 : index
    %swap3A_76 = vector.load %arg10[%swap3A_72, %swap3A_73, %swap3A_74, %swap3A_75] : memref<2x4x2000x128xf32, #tpu.memory_space<vmem>>, vector<1x1x2000x128xf32>
    %swap3A_77 = vector.shape_cast %swap3A_76 : vector<1x1x2000x128xf32> to vector<2000x128xf32>
    %swap3A_78 = vector.shape_cast %slice3A_71 : vector<2000x128xf32> to vector<1x1x2000x128xf32>
    tpu.vector_store %arg10[%swap3A_72, %swap3A_73, %swap3A_74, %swap3A_75], %swap3A_78 {strides = array<i32>} : memref<2x4x2000x128xf32, #tpu.memory_space<vmem>>, vector<1x1x2000x128xf32>,
    %slice3A_79 = vector.extract_strided_slice %add3A_70 {offsets = [0, 128], sizes = [2000, 128], strides = [1, 1]} : vector<2000x256xf32> to vector<2000x128xf32>
    %swap3A_80 = arith.constant 1 : index
    %swap3A_81 = arith.constant 0 : index
    %swap3A_82 = arith.constant 0 : index
    %swap3A_83 = arith.constant 0 : index
    %swap3A_84 = vector.load %arg10[%swap3A_80, %swap3A_81, %swap3A_82, %swap3A_83] : memref<2x4x2000x128xf32, #tpu.memory_space<vmem>>, vector<1x1x2000x128xf32>
    %swap3A_85 = vector.shape_cast %swap3A_84 : vector<1x1x2000x128xf32> to vector<2000x128xf32>
    %swap3A_86 = vector.shape_cast %slice3A_79 : vector<2000x128xf32> to vector<1x1x2000x128xf32>
    tpu.vector_store %arg10[%swap3A_80, %swap3A_81, %swap3A_82, %swap3A_83], %swap3A_86 {strides = array<i32>} : memref<2x4x2000x128xf32, #tpu.memory_space<vmem>>, vector<1x1x2000x128xf32>,
    %get3A_87 = arith.constant 1 : index
    %get3A_88 = arith.constant 0 : index
    %get3A_89 = arith.constant 0 : index
    %get3A_90 = vector.load %arg7[%get3A_87, %get3A_88, %get3A_89] : memref<4x200x256xf32, #tpu.memory_space<vmem>>, vector<1x200x256xf32>
    %get3A_91 = vector.shape_cast %get3A_90 : vector<1x200x256xf32> to vector<200x256xf32>
    %dot_general3A_92 = arith.constant dense<0.000000e+00> : vector<2000x256xf32>
    %dot_general3A_93 = tpu.matmul %add3A_54, %get3A_91, %dot_general3A_92 {dimension_numbers = #tpu.dot_dimension_numbers<[1], [0], [0], [1], [0, 0, 1, 1], [], []>, transpose_lhs_hint = false} : vector<2000x200xf32>, vector<200x256xf32>, vector<2000x256xf32> -> vector<2000x256xf32>
    %get3A_94 = arith.constant 1 : index
    %get3A_95 = arith.constant 0 : index
    %get3A_96 = arith.constant 0 : index
    %get3A_97 = vector.load %arg8[%get3A_94, %get3A_95, %get3A_96] : memref<4x1x256xf32, #tpu.memory_space<vmem>>, vector<1x1x256xf32>
    %get3A_98 = vector.shape_cast %get3A_97 : vector<1x1x256xf32> to vector<1x256xf32>
    %add3A_99 = vector.broadcast %get3A_98 : vector<1x256xf32> to vector<2000x256xf32>
    %add3A_100 = arith.addf %dot_general3A_93, %add3A_99 : vector<2000x256xf32>
    %slice3A_101 = vector.extract_strided_slice %add3A_100 {offsets = [0, 0], sizes = [2000, 128], strides = [1, 1]} : vector<2000x256xf32> to vector<2000x128xf32>
    %swap3A_102 = arith.constant 0 : index
    %swap3A_103 = arith.constant 1 : index
    %swap3A_104 = arith.constant 0 : index
    %swap3A_105 = arith.constant 0 : index
    %swap3A_106 = vector.load %arg10[%swap3A_102, %swap3A_103, %swap3A_104, %swap3A_105] : memref<2x4x2000x128xf32, #tpu.memory_space<vmem>>, vector<1x1x2000x128xf32>
    %swap3A_107 = vector.shape_cast %swap3A_106 : vector<1x1x2000x128xf32> to vector<2000x128xf32>
    %swap3A_108 = vector.shape_cast %slice3A_101 : vector<2000x128xf32> to vector<1x1x2000x128xf32>
    tpu.vector_store %arg10[%swap3A_102, %swap3A_103, %swap3A_104, %swap3A_105], %swap3A_108 {strides = array<i32>} : memref<2x4x2000x128xf32, #tpu.memory_space<vmem>>, vector<1x1x2000x128xf32>,
    %slice3A_109 = vector.extract_strided_slice %add3A_100 {offsets = [0, 128], sizes = [2000, 128], strides = [1, 1]} : vector<2000x256xf32> to vector<2000x128xf32>
    %swap3A_110 = arith.constant 1 : index
    %swap3A_111 = arith.constant 1 : index
    %swap3A_112 = arith.constant 0 : index
    %swap3A_113 = arith.constant 0 : index
    %swap3A_114 = vector.load %arg10[%swap3A_110, %swap3A_111, %swap3A_112, %swap3A_113] : memref<2x4x2000x128xf32, #tpu.memory_space<vmem>>, vector<1x1x2000x128xf32>
    %swap3A_115 = vector.shape_cast %swap3A_114 : vector<1x1x2000x128xf32> to vector<2000x128xf32>
    %swap3A_116 = vector.shape_cast %slice3A_109 : vector<2000x128xf32> to vector<1x1x2000x128xf32>
    tpu.vector_store %arg10[%swap3A_110, %swap3A_111, %swap3A_112, %swap3A_113], %swap3A_116 {strides = array<i32>} : memref<2x4x2000x128xf32, #tpu.memory_space<vmem>>, vector<1x1x2000x128xf32>,
    %get3A_117 = arith.constant 2 : index
    %get3A_118 = arith.constant 0 : index
    %get3A_119 = arith.constant 0 : index
    %get3A_120 = vector.load %arg7[%get3A_117, %get3A_118, %get3A_119] : memref<4x200x256xf32, #tpu.memory_space<vmem>>, vector<1x200x256xf32>
    %get3A_121 = vector.shape_cast %get3A_120 : vector<1x200x256xf32> to vector<200x256xf32>
    %dot_general3A_122 = arith.constant dense<0.000000e+00> : vector<2000x256xf32>
    %dot_general3A_123 = tpu.matmul %add3A_54, %get3A_121, %dot_general3A_122 {dimension_numbers = #tpu.dot_dimension_numbers<[1], [0], [0], [1], [0, 0, 1, 1], [], []>, transpose_lhs_hint = false} : vector<2000x200xf32>, vector<200x256xf32>, vector<2000x256xf32> -> vector<2000x256xf32>
    %get3A_124 = arith.constant 2 : index
    %get3A_125 = arith.constant 0 : index
    %get3A_126 = arith.constant 0 : index
    %get3A_127 = vector.load %arg8[%get3A_124, %get3A_125, %get3A_126] : memref<4x1x256xf32, #tpu.memory_space<vmem>>, vector<1x1x256xf32>
    %get3A_128 = vector.shape_cast %get3A_127 : vector<1x1x256xf32> to vector<1x256xf32>
    %add3A_129 = vector.broadcast %get3A_128 : vector<1x256xf32> to vector<2000x256xf32>
    %add3A_130 = arith.addf %dot_general3A_123, %add3A_129 : vector<2000x256xf32>
    %slice3A_131 = vector.extract_strided_slice %add3A_130 {offsets = [0, 0], sizes = [2000, 128], strides = [1, 1]} : vector<2000x256xf32> to vector<2000x128xf32>
    %swap3A_132 = arith.constant 0 : index
    %swap3A_133 = arith.constant 2 : index
    %swap3A_134 = arith.constant 0 : index
    %swap3A_135 = arith.constant 0 : index
    %swap3A_136 = vector.load %arg10[%swap3A_132, %swap3A_133, %swap3A_134, %swap3A_135] : memref<2x4x2000x128xf32, #tpu.memory_space<vmem>>, vector<1x1x2000x128xf32>
    %swap3A_137 = vector.shape_cast %swap3A_136 : vector<1x1x2000x128xf32> to vector<2000x128xf32>
    %swap3A_138 = vector.shape_cast %slice3A_131 : vector<2000x128xf32> to vector<1x1x2000x128xf32>
    tpu.vector_store %arg10[%swap3A_132, %swap3A_133, %swap3A_134, %swap3A_135], %swap3A_138 {strides = array<i32>} : memref<2x4x2000x128xf32, #tpu.memory_space<vmem>>, vector<1x1x2000x128xf32>,
    %slice3A_139 = vector.extract_strided_slice %add3A_130 {offsets = [0, 128], sizes = [2000, 128], strides = [1, 1]} : vector<2000x256xf32> to vector<2000x128xf32>
    %swap3A_140 = arith.constant 1 : index
    %swap3A_141 = arith.constant 2 : index
    %swap3A_142 = arith.constant 0 : index
    %swap3A_143 = arith.constant 0 : index
    %swap3A_144 = vector.load %arg10[%swap3A_140, %swap3A_141, %swap3A_142, %swap3A_143] : memref<2x4x2000x128xf32, #tpu.memory_space<vmem>>, vector<1x1x2000x128xf32>
    %swap3A_145 = vector.shape_cast %swap3A_144 : vector<1x1x2000x128xf32> to vector<2000x128xf32>
    %swap3A_146 = vector.shape_cast %slice3A_139 : vector<2000x128xf32> to vector<1x1x2000x128xf32>
    tpu.vector_store %arg10[%swap3A_140, %swap3A_141, %swap3A_142, %swap3A_143], %swap3A_146 {strides = array<i32>} : memref<2x4x2000x128xf32, #tpu.memory_space<vmem>>, vector<1x1x2000x128xf32>,
    %get3A_147 = arith.constant 3 : index
    %get3A_148 = arith.constant 0 : index
    %get3A_149 = arith.constant 0 : index
    %get3A_150 = vector.load %arg7[%get3A_147, %get3A_148, %get3A_149] : memref<4x200x256xf32, #tpu.memory_space<vmem>>, vector<1x200x256xf32>
    %get3A_151 = vector.shape_cast %get3A_150 : vector<1x200x256xf32> to vector<200x256xf32>
    %dot_general3A_152 = arith.constant dense<0.000000e+00> : vector<2000x256xf32>
    %dot_general3A_153 = tpu.matmul %add3A_54, %get3A_151, %dot_general3A_152 {dimension_numbers = #tpu.dot_dimension_numbers<[1], [0], [0], [1], [0, 0, 1, 1], [], []>, transpose_lhs_hint = false} : vector<2000x200xf32>, vector<200x256xf32>, vector<2000x256xf32> -> vector<2000x256xf32>
    %get3A_154 = arith.constant 3 : index
    %get3A_155 = arith.constant 0 : index
    %get3A_156 = arith.constant 0 : index
    %get3A_157 = vector.load %arg8[%get3A_154, %get3A_155, %get3A_156] : memref<4x1x256xf32, #tpu.memory_space<vmem>>, vector<1x1x256xf32>
    %get3A_158 = vector.shape_cast %get3A_157 : vector<1x1x256xf32> to vector<1x256xf32>
    %add3A_159 = vector.broadcast %get3A_158 : vector<1x256xf32> to vector<2000x256xf32>
    %add3A_160 = arith.addf %dot_general3A_153, %add3A_159 : vector<2000x256xf32>
    %slice3A_161 = vector.extract_strided_slice %add3A_160 {offsets = [0, 0], sizes = [2000, 128], strides = [1, 1]} : vector<2000x256xf32> to vector<2000x128xf32>
    %swap3A_162 = arith.constant 0 : index
    %swap3A_163 = arith.constant 3 : index
    %swap3A_164 = arith.constant 0 : index
    %swap3A_165 = arith.constant 0 : index
    %swap3A_166 = vector.load %arg10[%swap3A_162, %swap3A_163, %swap3A_164, %swap3A_165] : memref<2x4x2000x128xf32, #tpu.memory_space<vmem>>, vector<1x1x2000x128xf32>
    %swap3A_167 = vector.shape_cast %swap3A_166 : vector<1x1x2000x128xf32> to vector<2000x128xf32>
    %swap3A_168 = vector.shape_cast %slice3A_161 : vector<2000x128xf32> to vector<1x1x2000x128xf32>
    tpu.vector_store %arg10[%swap3A_162, %swap3A_163, %swap3A_164, %swap3A_165], %swap3A_168 {strides = array<i32>} : memref<2x4x2000x128xf32, #tpu.memory_space<vmem>>, vector<1x1x2000x128xf32>,
    %slice3A_169 = vector.extract_strided_slice %add3A_160 {offsets = [0, 128], sizes = [2000, 128], strides = [1, 1]} : vector<2000x256xf32> to vector<2000x128xf32>
    %swap3A_170 = arith.constant 1 : index
    %swap3A_171 = arith.constant 3 : index
    %swap3A_172 = arith.constant 0 : index
    %swap3A_173 = arith.constant 0 : index
    %swap3A_174 = vector.load %arg10[%swap3A_170, %swap3A_171, %swap3A_172, %swap3A_173] : memref<2x4x2000x128xf32, #tpu.memory_space<vmem>>, vector<1x1x2000x128xf32>
    %swap3A_175 = vector.shape_cast %swap3A_174 : vector<1x1x2000x128xf32> to vector<2000x128xf32>
    %swap3A_176 = vector.shape_cast %slice3A_169 : vector<2000x128xf32> to vector<1x1x2000x128xf32>
    tpu.vector_store %arg10[%swap3A_170, %swap3A_171, %swap3A_172, %swap3A_173], %swap3A_176 {strides = array<i32>} : memref<2x4x2000x128xf32, #tpu.memory_space<vmem>>, vector<1x1x2000x128xf32>,
    return
  }
  func.func @transform_0(%arg0: i32) -> (i32, i32) {
    %c0_i32 = arith.constant 0 : i32
    %c0_i32_0 = arith.constant 0 : i32
    return %arg0, %c0_i32 : i32, i32
  }
  func.func @transform_1(%arg0: i32) -> (i32, i32, i32) {
    %c0_i32 = arith.constant 0 : i32
    %c0_i32_0 = arith.constant 0 : i32
    %c0_i32_1 = arith.constant 0 : i32
    return %c0_i32, %arg0, %c0_i32_0 : i32, i32, i32
  }
  func.func @transform_2(%arg0: i32) -> (i32, i32) {
    %c0_i32 = arith.constant 0 : i32
    %c0_i32_0 = arith.constant 0 : i32
    %c0_i32_1 = arith.constant 0 : i32
    return %c0_i32, %c0_i32_0 : i32, i32
  }
  func.func @transform_3(%arg0: i32) -> (i32, i32) {
    %c0_i32 = arith.constant 0 : i32
    %c0_i32_0 = arith.constant 0 : i32
    %c0_i32_1 = arith.constant 0 : i32
    return %c0_i32, %c0_i32_0 : i32, i32
  }
  func.func @transform_4(%arg0: i32) -> (i32, i32) {
    %c0_i32 = arith.constant 0 : i32
    %c0_i32_0 = arith.constant 0 : i32
    %c0_i32_1 = arith.constant 0 : i32
    return %c0_i32, %c0_i32_0 : i32, i32
  }
  func.func @transform_5(%arg0: i32) -> (i32, i32) {
    %c0_i32 = arith.constant 0 : i32
    %c0_i32_0 = arith.constant 0 : i32
    %c0_i32_1 = arith.constant 0 : i32
    return %c0_i32, %c0_i32_0 : i32, i32
  }
  func.func @transform_6(%arg0: i32) -> (i32, i32, i32) {
    %c0_i32 = arith.constant 0 : i32
    %c0_i32_0 = arith.constant 0 : i32
    %c0_i32_1 = arith.constant 0 : i32
    %c0_i32_2 = arith.constant 0 : i32
    return %c0_i32, %c0_i32_0, %c0_i32_1 : i32, i32, i32
  }
  func.func @transform_7(%arg0: i32) -> (i32, i32, i32) {
    %c0_i32 = arith.constant 0 : i32
    %c0_i32_0 = arith.constant 0 : i32
    %c0_i32_1 = arith.constant 0 : i32
    %c0_i32_2 = arith.constant 0 : i32
    return %c0_i32, %c0_i32_0, %c0_i32_1 : i32, i32, i32
  }
  func.func @transform_8(%arg0: i32) -> (i32, i32) {
    %c0_i32 = arith.constant 0 : i32
    %c0_i32_0 = arith.constant 0 : i32
    return %arg0, %c0_i32 : i32, i32
  }
  func.func @transform_9(%arg0: i32) -> (i32, i32, i32, i32) {
    %c0_i32 = arith.constant 0 : i32
    %c0_i32_0 = arith.constant 0 : i32
    %c0_i32_1 = arith.constant 0 : i32
    %c0_i32_2 = arith.constant 0 : i32
    return %c0_i32, %c0_i32_0, %arg0, %c0_i32_1 : i32, i32, i32, i32
  }
}

module attributes {stable_mosaic.version = 14 : i64} {
  func.func @_gru_last_body(%arg0: i32, %arg1: memref<2000x200xf32, #tpu.memory_space<vmem>>, %arg2: memref<2x2000x128xf32, #tpu.memory_space<vmem>>, %arg3: memref<200x600xf32, #tpu.memory_space<vmem>>, %arg4: memref<200x600xf32, #tpu.memory_space<vmem>>, %arg5: memref<1x600xf32, #tpu.memory_space<vmem>>, %arg6: memref<1x600xf32, #tpu.memory_space<vmem>>, %arg7: memref<2000x200xf32, #tpu.memory_space<vmem>>) attributes {dimension_semantics = [#tpu.dimension_semantics<arbitrary>], iteration_bounds = array<i64: 5>, scalar_prefetch = 0 : i64, scratch_operands = 0 : i64, tpu.core_type = #tpu.core_type<tc>, window_params = [{transform_indices = @transform_0, window_bounds = array<i64: 2000, 200>}, {transform_indices = @transform_1, window_bounds = array<i64: 2, 2000, 128>}, {pipeline_mode = #tpu.pipeline_mode<synchronous>, transform_indices = @transform_2, window_bounds = array<i64: 200, 600>}, {pipeline_mode = #tpu.pipeline_mode<synchronous>, transform_indices = @transform_3, window_bounds = array<i64: 200, 600>}, {pipeline_mode = #tpu.pipeline_mode<synchronous>, transform_indices = @transform_4, window_bounds = array<i64: 1, 600>}, {pipeline_mode = #tpu.pipeline_mode<synchronous>, transform_indices = @transform_5, window_bounds = array<i64: 1, 600>}, {transform_indices = @transform_6, window_bounds = array<i64: 2000, 200>}]} {
    %get3A = arith.constant 0 : index
    %get3A_0 = arith.constant 0 : index
    %get3A_1 = vector.load %arg1[%get3A, %get3A_0] : memref<2000x200xf32, #tpu.memory_space<vmem>>, vector<2000x200xf32>
    %get3A_2 = arith.constant 0 : index
    %get3A_3 = arith.constant 0 : index
    %get3A_4 = arith.constant 0 : index
    %get3A_5 = vector.load %arg2[%get3A_2, %get3A_3, %get3A_4] : memref<2x2000x128xf32, #tpu.memory_space<vmem>>, vector<1x2000x128xf32>
    %get3A_6 = vector.shape_cast %get3A_5 : vector<1x2000x128xf32> to vector<2000x128xf32>
    %get3A_7 = arith.constant 1 : index
    %get3A_8 = arith.constant 0 : index
    %get3A_9 = arith.constant 0 : index
    %get3A_10 = vector.load %arg2[%get3A_7, %get3A_8, %get3A_9] : memref<2x2000x128xf32, #tpu.memory_space<vmem>>, vector<1x2000x128xf32>
    %get3A_11 = vector.shape_cast %get3A_10 : vector<1x2000x128xf32> to vector<2000x128xf32>
    %concatenate3A = tpu.concatenate %get3A_6, %get3A_11 in 1 : vector<2000x128xf32>, vector<2000x128xf32> -> vector<2000x256xf32>
    %slice3A = vector.extract_strided_slice %concatenate3A {offsets = [0, 0], sizes = [2000, 200], strides = [1, 1]} : vector<2000x256xf32> to vector<2000x200xf32>
    %get3A_12 = arith.constant 0 : index
    %get3A_13 = arith.constant 0 : index
    %get3A_14 = vector.load %arg3[%get3A_12, %get3A_13] : memref<200x600xf32, #tpu.memory_space<vmem>>, vector<200x600xf32>
    %dot_general3A = arith.constant dense<0.000000e+00> : vector<2000x600xf32>
    %dot_general3A_15 = tpu.matmul %slice3A, %get3A_14, %dot_general3A {dimension_numbers = #tpu.dot_dimension_numbers<[1], [0], [0], [1], [0, 0, 1, 1], [], []>, transpose_lhs_hint = false} : vector<2000x200xf32>, vector<200x600xf32>, vector<2000x600xf32> -> vector<2000x600xf32>
    %get3A_16 = arith.constant 0 : index
    %get3A_17 = arith.constant 0 : index
    %get3A_18 = vector.load %arg5[%get3A_16, %get3A_17] : memref<1x600xf32, #tpu.memory_space<vmem>>, vector<1x600xf32>
    %add3A = vector.broadcast %get3A_18 : vector<1x600xf32> to vector<2000x600xf32>
    %add3A_19 = arith.addf %dot_general3A_15, %add3A : vector<2000x600xf32>
    %get3A_20 = arith.constant 0 : index
    %get3A_21 = arith.constant 0 : index
    %get3A_22 = vector.load %arg4[%get3A_20, %get3A_21] : memref<200x600xf32, #tpu.memory_space<vmem>>, vector<200x600xf32>
    %dot_general3A_23 = arith.constant dense<0.000000e+00> : vector<2000x600xf32>
    %dot_general3A_24 = tpu.matmul %get3A_1, %get3A_22, %dot_general3A_23 {dimension_numbers = #tpu.dot_dimension_numbers<[1], [0], [0], [1], [0, 0, 1, 1], [], []>, transpose_lhs_hint = false} : vector<2000x200xf32>, vector<200x600xf32>, vector<2000x600xf32> -> vector<2000x600xf32>
    %get3A_25 = arith.constant 0 : index
    %get3A_26 = arith.constant 0 : index
    %get3A_27 = vector.load %arg6[%get3A_25, %get3A_26] : memref<1x600xf32, #tpu.memory_space<vmem>>, vector<1x600xf32>
    %add3A_28 = vector.broadcast %get3A_27 : vector<1x600xf32> to vector<2000x600xf32>
    %add3A_29 = arith.addf %dot_general3A_24, %add3A_28 : vector<2000x600xf32>
    %slice3A_30 = vector.extract_strided_slice %add3A_19 {offsets = [0, 0], sizes = [2000, 200], strides = [1, 1]} : vector<2000x600xf32> to vector<2000x200xf32>
    %slice3A_31 = vector.extract_strided_slice %add3A_29 {offsets = [0, 0], sizes = [2000, 200], strides = [1, 1]} : vector<2000x600xf32> to vector<2000x200xf32>
    %add3A_32 = arith.addf %slice3A_30, %slice3A_31 : vector<2000x200xf32>
    %logistic3A = arith.negf %add3A_32 : vector<2000x200xf32>
    %logistic3A_33 = math.exp %logistic3A : vector<2000x200xf32>
    %logistic3A_34 = arith.constant 1.000000e+00 : f32
    %logistic3A_35 = vector.broadcast %logistic3A_34 : f32 to vector<2000x200xf32>
    %logistic3A_36 = arith.addf %logistic3A_35, %logistic3A_33 : vector<2000x200xf32>
    %logistic3A_37 = arith.divf %logistic3A_35, %logistic3A_36 : vector<2000x200xf32>
    %slice3A_38 = vector.extract_strided_slice %add3A_19 {offsets = [0, 200], sizes = [2000, 200], strides = [1, 1]} : vector<2000x600xf32> to vector<2000x200xf32>
    %slice3A_39 = vector.extract_strided_slice %add3A_29 {offsets = [0, 200], sizes = [2000, 200], strides = [1, 1]} : vector<2000x600xf32> to vector<2000x200xf32>
    %add3A_40 = arith.addf %slice3A_38, %slice3A_39 : vector<2000x200xf32>
    %logistic3A_41 = arith.negf %add3A_40 : vector<2000x200xf32>
    %logistic3A_42 = math.exp %logistic3A_41 : vector<2000x200xf32>
    %logistic3A_43 = arith.constant 1.000000e+00 : f32
    %logistic3A_44 = vector.broadcast %logistic3A_43 : f32 to vector<2000x200xf32>
    %logistic3A_45 = arith.addf %logistic3A_44, %logistic3A_42 : vector<2000x200xf32>
    %logistic3A_46 = arith.divf %logistic3A_44, %logistic3A_45 : vector<2000x200xf32>
    %slice3A_47 = vector.extract_strided_slice %add3A_19 {offsets = [0, 400], sizes = [2000, 200], strides = [1, 1]} : vector<2000x600xf32> to vector<2000x200xf32>
    %slice3A_48 = vector.extract_strided_slice %add3A_29 {offsets = [0, 400], sizes = [2000, 200], strides = [1, 1]} : vector<2000x600xf32> to vector<2000x200xf32>
    %mul3A = arith.mulf %logistic3A_37, %slice3A_48 : vector<2000x200xf32>
    %add3A_49 = arith.addf %slice3A_47, %mul3A : vector<2000x200xf32>
    %tanh3A = math.tanh %add3A_49 : vector<2000x200xf32>
    %sub3A = arith.constant 1.000000e+00 : f32
    %sub3A_50 = vector.broadcast %sub3A : f32 to vector<2000x200xf32>
    %sub3A_51 = arith.subf %sub3A_50, %logistic3A_46 : vector<2000x200xf32>
    %mul3A_52 = arith.mulf %sub3A_51, %tanh3A : vector<2000x200xf32>
    %mul3A_53 = arith.mulf %logistic3A_46, %get3A_1 : vector<2000x200xf32>
    %add3A_54 = arith.addf %mul3A_52, %mul3A_53 : vector<2000x200xf32>
    %swap3A = arith.constant 0 : index
    %swap3A_55 = arith.constant 0 : index
    %swap3A_56 = vector.load %arg7[%swap3A, %swap3A_55] : memref<2000x200xf32, #tpu.memory_space<vmem>>, vector<2000x200xf32>
    tpu.vector_store %arg7[%swap3A, %swap3A_55], %add3A_54 {strides = array<i32>} : memref<2000x200xf32, #tpu.memory_space<vmem>>, vector<2000x200xf32>,
    return
  }
  func.func @transform_0(%arg0: i32) -> (i32, i32) {
    %c0_i32 = arith.constant 0 : i32
    %c0_i32_0 = arith.constant 0 : i32
    return %arg0, %c0_i32 : i32, i32
  }
  func.func @transform_1(%arg0: i32) -> (i32, i32, i32) {
    %c0_i32 = arith.constant 0 : i32
    %c0_i32_0 = arith.constant 0 : i32
    %c0_i32_1 = arith.constant 0 : i32
    return %c0_i32, %arg0, %c0_i32_0 : i32, i32, i32
  }
  func.func @transform_2(%arg0: i32) -> (i32, i32) {
    %c0_i32 = arith.constant 0 : i32
    %c0_i32_0 = arith.constant 0 : i32
    %c0_i32_1 = arith.constant 0 : i32
    return %c0_i32, %c0_i32_0 : i32, i32
  }
  func.func @transform_3(%arg0: i32) -> (i32, i32) {
    %c0_i32 = arith.constant 0 : i32
    %c0_i32_0 = arith.constant 0 : i32
    %c0_i32_1 = arith.constant 0 : i32
    return %c0_i32, %c0_i32_0 : i32, i32
  }
  func.func @transform_4(%arg0: i32) -> (i32, i32) {
    %c0_i32 = arith.constant 0 : i32
    %c0_i32_0 = arith.constant 0 : i32
    %c0_i32_1 = arith.constant 0 : i32
    return %c0_i32, %c0_i32_0 : i32, i32
  }
  func.func @transform_5(%arg0: i32) -> (i32, i32) {
    %c0_i32 = arith.constant 0 : i32
    %c0_i32_0 = arith.constant 0 : i32
    %c0_i32_1 = arith.constant 0 : i32
    return %c0_i32, %c0_i32_0 : i32, i32
  }
  func.func @transform_6(%arg0: i32) -> (i32, i32) {
    %c0_i32 = arith.constant 0 : i32
    %c0_i32_0 = arith.constant 0 : i32
    return %arg0, %c0_i32 : i32, i32
  }
}

module attributes {stable_mosaic.version = 14 : i64} {
  func.func @_head_body(%arg0: i32, %arg1: memref<2000x200xf32, #tpu.memory_space<vmem>>, %arg2: memref<2000x200xf32, #tpu.memory_space<vmem>>, %arg3: memref<2000x1xi32, #tpu.memory_space<vmem>>, %arg4: memref<64x1xi32, #tpu.memory_space<vmem>>, %arg5: memref<6xf32, #tpu.memory_space<smem>>, %arg6: memref<3x398x198xf32, #tpu.memory_space<vmem>>, %arg7: memref<2x198x99xf32, #tpu.memory_space<vmem>>, %arg8: memref<3x198x98xf32, #tpu.memory_space<vmem>>, %arg9: memref<2x98x49xf32, #tpu.memory_space<vmem>>, %arg10: memref<99x2xf32, #tpu.memory_space<vmem>>, %arg11: memref<49x2xf32, #tpu.memory_space<vmem>>, %arg12: memref<2x2xf32, #tpu.memory_space<vmem>>, %arg13: memref<64x1xf32, #tpu.memory_space<vmem>>, %arg14: memref<64x1xi32, #tpu.memory_space<vmem>>, %arg15: memref<1x1xf32, #tpu.memory_space<vmem>>, %arg16: memref<64x2xf32, #tpu.memory_space<vmem>>, %arg17: memref<64x1xf32, #tpu.memory_space<vmem>>) attributes {dimension_semantics = [#tpu.dimension_semantics<arbitrary>], iteration_bounds = array<i64: 5>, scalar_prefetch = 0 : i64, scratch_operands = 2 : i64, tpu.core_type = #tpu.core_type<tc>, window_params = [{transform_indices = @transform_0, window_bounds = array<i64: 2000, 200>}, {transform_indices = @transform_1, window_bounds = array<i64: 2000, 200>}, {transform_indices = @transform_2, window_bounds = array<i64: 2000, 1>}, {pipeline_mode = #tpu.pipeline_mode<synchronous>, transform_indices = @transform_3, window_bounds = array<i64: 64, 1>}, {transform_indices = @transform_4, window_bounds = array<i64: 6>}, {pipeline_mode = #tpu.pipeline_mode<synchronous>, transform_indices = @transform_5, window_bounds = array<i64: 3, 398, 198>}, {pipeline_mode = #tpu.pipeline_mode<synchronous>, transform_indices = @transform_6, window_bounds = array<i64: 2, 198, 99>}, {pipeline_mode = #tpu.pipeline_mode<synchronous>, transform_indices = @transform_7, window_bounds = array<i64: 3, 198, 98>}, {pipeline_mode = #tpu.pipeline_mode<synchronous>, transform_indices = @transform_8, window_bounds = array<i64: 2, 98, 49>}, {pipeline_mode = #tpu.pipeline_mode<synchronous>, transform_indices = @transform_9, window_bounds = array<i64: 99, 2>}, {pipeline_mode = #tpu.pipeline_mode<synchronous>, transform_indices = @transform_10, window_bounds = array<i64: 49, 2>}, {pipeline_mode = #tpu.pipeline_mode<synchronous>, transform_indices = @transform_11, window_bounds = array<i64: 2, 2>}, {pipeline_mode = #tpu.pipeline_mode<synchronous>, transform_indices = @transform_12, window_bounds = array<i64: 64, 1>}, {pipeline_mode = #tpu.pipeline_mode<synchronous>, transform_indices = @transform_13, window_bounds = array<i64: 64, 1>}, {pipeline_mode = #tpu.pipeline_mode<synchronous>, transform_indices = @transform_14, window_bounds = array<i64: 1, 1>}]} {
    %get3A = arith.constant 0 : index
    %get3A_0 = memref.load %arg5[%get3A] : memref<6xf32, #tpu.memory_space<smem>>
    %get3A_1 = arith.constant 1 : index
    %get3A_2 = memref.load %arg5[%get3A_1] : memref<6xf32, #tpu.memory_space<smem>>
    %get3A_3 = arith.constant 2 : index
    %get3A_4 = memref.load %arg5[%get3A_3] : memref<6xf32, #tpu.memory_space<smem>>
    %get3A_5 = arith.constant 3 : index
    %get3A_6 = memref.load %arg5[%get3A_5] : memref<6xf32, #tpu.memory_space<smem>>
    %get3A_7 = arith.constant 4 : index
    %get3A_8 = memref.load %arg5[%get3A_7] : memref<6xf32, #tpu.memory_space<smem>>
    %get3A_9 = arith.constant 5 : index
    %get3A_10 = memref.load %arg5[%get3A_9] : memref<6xf32, #tpu.memory_space<smem>>
    %get3A_11 = arith.constant 0 : index
    %get3A_12 = arith.constant 0 : index
    %get3A_13 = vector.load %arg1[%get3A_11, %get3A_12] : memref<2000x200xf32, #tpu.memory_space<vmem>>, vector<2000x200xf32>
    %get3A_14 = arith.constant 0 : index
    %get3A_15 = arith.constant 0 : index
    %get3A_16 = vector.load %arg2[%get3A_14, %get3A_15] : memref<2000x200xf32, #tpu.memory_space<vmem>>, vector<2000x200xf32>
    %concatenate3A = tpu.concatenate %get3A_13, %get3A_16 in 1 : vector<2000x200xf32>, vector<2000x200xf32> -> vector<2000x400xf32>
    %slice3A = vector.extract_strided_slice %concatenate3A {offsets = [0, 0], sizes = [2000, 398], strides = [1, 1]} : vector<2000x400xf32> to vector<2000x398xf32>
    %mul3A = vector.broadcast %get3A_0 : f32 to vector<2000x398xf32>
    %mul3A_17 = arith.mulf %mul3A, %slice3A : vector<2000x398xf32>
    %slice3A_18 = vector.extract_strided_slice %concatenate3A {offsets = [0, 1], sizes = [2000, 398], strides = [1, 1]} : vector<2000x400xf32> to vector<2000x398xf32>
    %mul3A_19 = vector.broadcast %get3A_2 : f32 to vector<2000x398xf32>
    %mul3A_20 = arith.mulf %mul3A_19, %slice3A_18 : vector<2000x398xf32>
    %add3A = arith.addf %mul3A_17, %mul3A_20 : vector<2000x398xf32>
    %slice3A_21 = vector.extract_strided_slice %concatenate3A {offsets = [0, 2], sizes = [2000, 398], strides = [1, 1]} : vector<2000x400xf32> to vector<2000x398xf32>
    %mul3A_22 = vector.broadcast %get3A_4 : f32 to vector<2000x398xf32>
    %mul3A_23 = arith.mulf %mul3A_22, %slice3A_21 : vector<2000x398xf32>
    %add3A_24 = arith.addf %add3A, %mul3A_23 : vector<2000x398xf32>
    %add3A_25 = vector.broadcast %get3A_6 : f32 to vector<2000x398xf32>
    %add3A_26 = arith.addf %add3A_24, %add3A_25 : vector<2000x398xf32>
    %max3A = arith.constant 0.000000e+00 : f32
    %max3A_27 = vector.broadcast %max3A : f32 to vector<2000x398xf32>
    %max3A_28 = arith.maximumf %add3A_26, %max3A_27 : vector<2000x398xf32>
    %get3A_29 = arith.constant 0 : index
    %get3A_30 = arith.constant 0 : index
    %get3A_31 = arith.constant 0 : index
    %get3A_32 = vector.load %arg6[%get3A_29, %get3A_30, %get3A_31] : memref<3x398x198xf32, #tpu.memory_space<vmem>>, vector<1x398x198xf32>
    %get3A_33 = vector.shape_cast %get3A_32 : vector<1x398x198xf32> to vector<398x198xf32>
    %dot_general3A = arith.constant dense<0.000000e+00> : vector<2000x198xf32>
    %dot_general3A_34 = tpu.matmul %max3A_28, %get3A_33, %dot_general3A {dimension_numbers = #tpu.dot_dimension_numbers<[1], [0], [0], [1], [0, 0, 1, 1], [], []>, transpose_lhs_hint = false} : vector<2000x398xf32>, vector<398x198xf32>, vector<2000x198xf32> -> vector<2000x198xf32>
    %get3A_35 = arith.constant 1 : index
    %get3A_36 = arith.constant 0 : index
    %get3A_37 = arith.constant 0 : index
    %get3A_38 = vector.load %arg6[%get3A_35, %get3A_36, %get3A_37] : memref<3x398x198xf32, #tpu.memory_space<vmem>>, vector<1x398x198xf32>
    %get3A_39 = vector.shape_cast %get3A_38 : vector<1x398x198xf32> to vector<398x198xf32>
    %dot_general3A_40 = arith.constant dense<0.000000e+00> : vector<2000x198xf32>
    %dot_general3A_41 = tpu.matmul %max3A_28, %get3A_39, %dot_general3A_40 {dimension_numbers = #tpu.dot_dimension_numbers<[1], [0], [0], [1], [0, 0, 1, 1], [], []>, transpose_lhs_hint = false} : vector<2000x398xf32>, vector<398x198xf32>, vector<2000x198xf32> -> vector<2000x198xf32>
    %max3A_42 = arith.maximumf %dot_general3A_34, %dot_general3A_41 : vector<2000x198xf32>
    %get3A_43 = arith.constant 2 : index
    %get3A_44 = arith.constant 0 : index
    %get3A_45 = arith.constant 0 : index
    %get3A_46 = vector.load %arg6[%get3A_43, %get3A_44, %get3A_45] : memref<3x398x198xf32, #tpu.memory_space<vmem>>, vector<1x398x198xf32>
    %get3A_47 = vector.shape_cast %get3A_46 : vector<1x398x198xf32> to vector<398x198xf32>
    %dot_general3A_48 = arith.constant dense<0.000000e+00> : vector<2000x198xf32>
    %dot_general3A_49 = tpu.matmul %max3A_28, %get3A_47, %dot_general3A_48 {dimension_numbers = #tpu.dot_dimension_numbers<[1], [0], [0], [1], [0, 0, 1, 1], [], []>, transpose_lhs_hint = false} : vector<2000x398xf32>, vector<398x198xf32>, vector<2000x198xf32> -> vector<2000x198xf32>
    %max3A_50 = arith.maximumf %max3A_42, %dot_general3A_49 : vector<2000x198xf32>
    %mul3A_51 = vector.broadcast %get3A_8 : f32 to vector<2000x198xf32>
    %mul3A_52 = arith.mulf %mul3A_51, %max3A_50 : vector<2000x198xf32>
    %add3A_53 = vector.broadcast %get3A_10 : f32 to vector<2000x198xf32>
    %add3A_54 = arith.addf %mul3A_52, %add3A_53 : vector<2000x198xf32>
    %max3A_55 = arith.constant 0.000000e+00 : f32
    %max3A_56 = vector.broadcast %max3A_55 : f32 to vector<2000x198xf32>
    %max3A_57 = arith.maximumf %add3A_54, %max3A_56 : vector<2000x198xf32>
    %get3A_58 = arith.constant 0 : index
    %get3A_59 = arith.constant 0 : index
    %get3A_60 = arith.constant 0 : index
    %get3A_61 = vector.load %arg7[%get3A_58, %get3A_59, %get3A_60] : memref<2x198x99xf32, #tpu.memory_space<vmem>>, vector<1x198x99xf32>
    %get3A_62 = vector.shape_cast %get3A_61 : vector<1x198x99xf32> to vector<198x99xf32>
    %dot_general3A_63 = arith.constant dense<0.000000e+00> : vector<2000x99xf32>
    %dot_general3A_64 = tpu.matmul %max3A_57, %get3A_62, %dot_general3A_63 {dimension_numbers = #tpu.dot_dimension_numbers<[1], [0], [0], [1], [0, 0, 1, 1], [], []>, transpose_lhs_hint = false} : vector<2000x198xf32>, vector<198x99xf32>, vector<2000x99xf32> -> vector<2000x99xf32>
    %get3A_65 = arith.constant 1 : index
    %get3A_66 = arith.constant 0 : index
    %get3A_67 = arith.constant 0 : index
    %get3A_68 = vector.load %arg7[%get3A_65, %get3A_66, %get3A_67] : memref<2x198x99xf32, #tpu.memory_space<vmem>>, vector<1x198x99xf32>
    %get3A_69 = vector.shape_cast %get3A_68 : vector<1x198x99xf32> to vector<198x99xf32>
    %dot_general3A_70 = arith.constant dense<0.000000e+00> : vector<2000x99xf32>
    %dot_general3A_71 = tpu.matmul %max3A_57, %get3A_69, %dot_general3A_70 {dimension_numbers = #tpu.dot_dimension_numbers<[1], [0], [0], [1], [0, 0, 1, 1], [], []>, transpose_lhs_hint = false} : vector<2000x198xf32>, vector<198x99xf32>, vector<2000x99xf32> -> vector<2000x99xf32>
    %max3A_72 = arith.maximumf %dot_general3A_64, %dot_general3A_71 : vector<2000x99xf32>
    %slice3A_73 = vector.extract_strided_slice %get3A_13 {offsets = [0, 0], sizes = [2000, 198], strides = [1, 1]} : vector<2000x200xf32> to vector<2000x198xf32>
    %mul3A_74 = vector.broadcast %get3A_0 : f32 to vector<2000x198xf32>
    %mul3A_75 = arith.mulf %mul3A_74, %slice3A_73 : vector<2000x198xf32>
    %slice3A_76 = vector.extract_strided_slice %get3A_13 {offsets = [0, 1], sizes = [2000, 198], strides = [1, 1]} : vector<2000x200xf32> to vector<2000x198xf32>
    %mul3A_77 = vector.broadcast %get3A_2 : f32 to vector<2000x198xf32>
    %mul3A_78 = arith.mulf %mul3A_77, %slice3A_76 : vector<2000x198xf32>
    %add3A_79 = arith.addf %mul3A_75, %mul3A_78 : vector<2000x198xf32>
    %slice3A_80 = vector.extract_strided_slice %get3A_13 {offsets = [0, 2], sizes = [2000, 198], strides = [1, 1]} : vector<2000x200xf32> to vector<2000x198xf32>
    %mul3A_81 = vector.broadcast %get3A_4 : f32 to vector<2000x198xf32>
    %mul3A_82 = arith.mulf %mul3A_81, %slice3A_80 : vector<2000x198xf32>
    %add3A_83 = arith.addf %add3A_79, %mul3A_82 : vector<2000x198xf32>
    %add3A_84 = vector.broadcast %get3A_6 : f32 to vector<2000x198xf32>
    %add3A_85 = arith.addf %add3A_83, %add3A_84 : vector<2000x198xf32>
    %max3A_86 = arith.constant 0.000000e+00 : f32
    %max3A_87 = vector.broadcast %max3A_86 : f32 to vector<2000x198xf32>
    %max3A_88 = arith.maximumf %add3A_85, %max3A_87 : vector<2000x198xf32>
    %get3A_89 = arith.constant 0 : index
    %get3A_90 = arith.constant 0 : index
    %get3A_91 = arith.constant 0 : index
    %get3A_92 = vector.load %arg8[%get3A_89, %get3A_90, %get3A_91] : memref<3x198x98xf32, #tpu.memory_space<vmem>>, vector<1x198x98xf32>
    %get3A_93 = vector.shape_cast %get3A_92 : vector<1x198x98xf32> to vector<198x98xf32>
    %dot_general3A_94 = arith.constant dense<0.000000e+00> : vector<2000x98xf32>
    %dot_general3A_95 = tpu.matmul %max3A_88, %get3A_93, %dot_general3A_94 {dimension_numbers = #tpu.dot_dimension_numbers<[1], [0], [0], [1], [0, 0, 1, 1], [], []>, transpose_lhs_hint = false} : vector<2000x198xf32>, vector<198x98xf32>, vector<2000x98xf32> -> vector<2000x98xf32>
    %get3A_96 = arith.constant 1 : index
    %get3A_97 = arith.constant 0 : index
    %get3A_98 = arith.constant 0 : index
    %get3A_99 = vector.load %arg8[%get3A_96, %get3A_97, %get3A_98] : memref<3x198x98xf32, #tpu.memory_space<vmem>>, vector<1x198x98xf32>
    %get3A_100 = vector.shape_cast %get3A_99 : vector<1x198x98xf32> to vector<198x98xf32>
    %dot_general3A_101 = arith.constant dense<0.000000e+00> : vector<2000x98xf32>
    %dot_general3A_102 = tpu.matmul %max3A_88, %get3A_100, %dot_general3A_101 {dimension_numbers = #tpu.dot_dimension_numbers<[1], [0], [0], [1], [0, 0, 1, 1], [], []>, transpose_lhs_hint = false} : vector<2000x198xf32>, vector<198x98xf32>, vector<2000x98xf32> -> vector<2000x98xf32>
    %max3A_103 = arith.maximumf %dot_general3A_95, %dot_general3A_102 : vector<2000x98xf32>
    %get3A_104 = arith.constant 2 : index
    %get3A_105 = arith.constant 0 : index
    %get3A_106 = arith.constant 0 : index
    %get3A_107 = vector.load %arg8[%get3A_104, %get3A_105, %get3A_106] : memref<3x198x98xf32, #tpu.memory_space<vmem>>, vector<1x198x98xf32>
    %get3A_108 = vector.shape_cast %get3A_107 : vector<1x198x98xf32> to vector<198x98xf32>
    %dot_general3A_109 = arith.constant dense<0.000000e+00> : vector<2000x98xf32>
    %dot_general3A_110 = tpu.matmul %max3A_88, %get3A_108, %dot_general3A_109 {dimension_numbers = #tpu.dot_dimension_numbers<[1], [0], [0], [1], [0, 0, 1, 1], [], []>, transpose_lhs_hint = false} : vector<2000x198xf32>, vector<198x98xf32>, vector<2000x98xf32> -> vector<2000x98xf32>
    %max3A_111 = arith.maximumf %max3A_103, %dot_general3A_110 : vector<2000x98xf32>
    %mul3A_112 = vector.broadcast %get3A_8 : f32 to vector<2000x98xf32>
    %mul3A_113 = arith.mulf %mul3A_112, %max3A_111 : vector<2000x98xf32>
    %add3A_114 = vector.broadcast %get3A_10 : f32 to vector<2000x98xf32>
    %add3A_115 = arith.addf %mul3A_113, %add3A_114 : vector<2000x98xf32>
    %max3A_116 = arith.constant 0.000000e+00 : f32
    %max3A_117 = vector.broadcast %max3A_116 : f32 to vector<2000x98xf32>
    %max3A_118 = arith.maximumf %add3A_115, %max3A_117 : vector<2000x98xf32>
    %get3A_119 = arith.constant 0 : index
    %get3A_120 = arith.constant 0 : index
    %get3A_121 = arith.constant 0 : index
    %get3A_122 = vector.load %arg9[%get3A_119, %get3A_120, %get3A_121] : memref<2x98x49xf32, #tpu.memory_space<vmem>>, vector<1x98x49xf32>
    %get3A_123 = vector.shape_cast %get3A_122 : vector<1x98x49xf32> to vector<98x49xf32>
    %dot_general3A_124 = arith.constant dense<0.000000e+00> : vector<2000x49xf32>
    %dot_general3A_125 = tpu.matmul %max3A_118, %get3A_123, %dot_general3A_124 {dimension_numbers = #tpu.dot_dimension_numbers<[1], [0], [0], [1], [0, 0, 1, 1], [], []>, transpose_lhs_hint = false} : vector<2000x98xf32>, vector<98x49xf32>, vector<2000x49xf32> -> vector<2000x49xf32>
    %get3A_126 = arith.constant 1 : index
    %get3A_127 = arith.constant 0 : index
    %get3A_128 = arith.constant 0 : index
    %get3A_129 = vector.load %arg9[%get3A_126, %get3A_127, %get3A_128] : memref<2x98x49xf32, #tpu.memory_space<vmem>>, vector<1x98x49xf32>
    %get3A_130 = vector.shape_cast %get3A_129 : vector<1x98x49xf32> to vector<98x49xf32>
    %dot_general3A_131 = arith.constant dense<0.000000e+00> : vector<2000x49xf32>
    %dot_general3A_132 = tpu.matmul %max3A_118, %get3A_130, %dot_general3A_131 {dimension_numbers = #tpu.dot_dimension_numbers<[1], [0], [0], [1], [0, 0, 1, 1], [], []>, transpose_lhs_hint = false} : vector<2000x98xf32>, vector<98x49xf32>, vector<2000x49xf32> -> vector<2000x49xf32>
    %max3A_133 = arith.maximumf %dot_general3A_125, %dot_general3A_132 : vector<2000x49xf32>
    %get3A_134 = arith.constant 0 : index
    %get3A_135 = arith.constant 0 : index
    %get3A_136 = vector.load %arg10[%get3A_134, %get3A_135] : memref<99x2xf32, #tpu.memory_space<vmem>>, vector<99x2xf32>
    %dot_general3A_137 = arith.constant dense<0.000000e+00> : vector<2000x2xf32>
    %dot_general3A_138 = tpu.matmul %max3A_72, %get3A_136, %dot_general3A_137 {dimension_numbers = #tpu.dot_dimension_numbers<[1], [0], [0], [1], [0, 0, 1, 1], [], []>, transpose_lhs_hint = false} : vector<2000x99xf32>, vector<99x2xf32>, vector<2000x2xf32> -> vector<2000x2xf32>
    %get3A_139 = arith.constant 0 : index
    %get3A_140 = arith.constant 0 : index
    %get3A_141 = vector.load %arg12[%get3A_139, %get3A_140] : memref<2x2xf32, #tpu.memory_space<vmem>>, vector<1x2xf32>
    %add3A_142 = vector.broadcast %get3A_141 : vector<1x2xf32> to vector<2000x2xf32>
    %add3A_143 = arith.addf %dot_general3A_138, %add3A_142 : vector<2000x2xf32>
    %get3A_144 = arith.constant 0 : index
    %get3A_145 = arith.constant 0 : index
    %get3A_146 = vector.load %arg11[%get3A_144, %get3A_145] : memref<49x2xf32, #tpu.memory_space<vmem>>, vector<49x2xf32>
    %dot_general3A_147 = arith.constant dense<0.000000e+00> : vector<2000x2xf32>
    %dot_general3A_148 = tpu.matmul %max3A_133, %get3A_146, %dot_general3A_147 {dimension_numbers = #tpu.dot_dimension_numbers<[1], [0], [0], [1], [0, 0, 1, 1], [], []>, transpose_lhs_hint = false} : vector<2000x49xf32>, vector<49x2xf32>, vector<2000x2xf32> -> vector<2000x2xf32>
    %get3A_149 = arith.constant 1 : index
    %get3A_150 = arith.constant 0 : index
    %get3A_151 = vector.load %arg12[%get3A_149, %get3A_150] : memref<2x2xf32, #tpu.memory_space<vmem>>, vector<1x2xf32>
    %add3A_152 = vector.broadcast %get3A_151 : vector<1x2xf32> to vector<2000x2xf32>
    %add3A_153 = arith.addf %dot_general3A_148, %add3A_152 : vector<2000x2xf32>
    %mul3A_154 = arith.mulf %add3A_143, %add3A_153 : vector<2000x2xf32>
    %get3A_155 = arith.constant 0 : index
    %get3A_156 = arith.constant 0 : index
    %get3A_157 = vector.load %arg3[%get3A_155, %get3A_156] : memref<2000x1xi32, #tpu.memory_space<vmem>>, vector<2000x1xi32>
    %iota3A = tpu.iota {dimensions = array<i32: 1>} : vector<2000x64xi32>
    %eq3A = vector.broadcast %get3A_157 : vector<2000x1xi32> to vector<2000x64xi32>
    %eq3A_158 = arith.cmpi eq, %eq3A, %iota3A : vector<2000x64xi32>
    %convert_element_type3A = arith.extui %eq3A_158 : vector<2000x64xi1> to vector<2000x64xi32>
    %convert_element_type3A_159 = arith.sitofp %convert_element_type3A : vector<2000x64xi32> to vector<2000x64xf32>
    %dot_general3A_160 = arith.constant dense<0.000000e+00> : vector<64x2xf32>
    %dot_general3A_161 = tpu.matmul %convert_element_type3A_159, %mul3A_154, %dot_general3A_160 {dimension_numbers = #tpu.dot_dimension_numbers<[0], [0], [1], [1], [0, 1, 1, 1], [], []>, transpose_lhs_hint = false} : vector<2000x64xf32>, vector<2000x2xf32>, vector<64x2xf32> -> vector<64x2xf32>
    %broadcast_in_dim3A = arith.constant 1.000000e+00 : f32
    %broadcast_in_dim3A_162 = vector.broadcast %broadcast_in_dim3A : f32 to vector<2000x1xf32>
    %dot_general3A_163 = arith.constant dense<0.000000e+00> : vector<64x1xf32>
    %dot_general3A_164 = tpu.matmul %convert_element_type3A_159, %broadcast_in_dim3A_162, %dot_general3A_163 {dimension_numbers = #tpu.dot_dimension_numbers<[0], [0], [1], [1], [0, 1, 1, 1], [], []>, transpose_lhs_hint = false} : vector<2000x64xf32>, vector<2000x1xf32>, vector<64x1xf32> -> vector<64x1xf32>
    %eq3A_165 = arith.constant 0 : i32
    %eq3A_166 = arith.cmpi eq, %arg0, %eq3A_165 : i32
    %convert_element_type3A_167 = arith.extui %eq3A_166 : i1 to i32
    %cond3A = arith.constant 0 : i32
    %cond3A_168 = arith.cmpi ne, %convert_element_type3A_167, %cond3A : i32
    scf.if %cond3A_168 {
      %broadcast_in_dim3A_187 = arith.constant 0.000000e+00 : f32
      %broadcast_in_dim3A_188 = vector.broadcast %broadcast_in_dim3A_187 : f32 to vector<64x2xf32>
      %swap3A_189 = arith.constant 0 : index
      %swap3A_190 = arith.constant 0 : index
      %swap3A_191 = vector.load %arg16[%swap3A_189, %swap3A_190] : memref<64x2xf32, #tpu.memory_space<vmem>>, vector<64x2xf32>
      tpu.vector_store %arg16[%swap3A_189, %swap3A_190], %broadcast_in_dim3A_188 {strides = array<i32>} : memref<64x2xf32, #tpu.memory_space<vmem>>, vector<64x2xf32>,
      %broadcast_in_dim3A_192 = arith.constant 0.000000e+00 : f32
      %broadcast_in_dim3A_193 = vector.broadcast %broadcast_in_dim3A_192 : f32 to vector<64x1xf32>
      %swap3A_194 = arith.constant 0 : index
      %swap3A_195 = arith.constant 0 : index
      %swap3A_196 = vector.load %arg17[%swap3A_194, %swap3A_195] : memref<64x1xf32, #tpu.memory_space<vmem>>, vector<64x1xf32>
      tpu.vector_store %arg17[%swap3A_194, %swap3A_195], %broadcast_in_dim3A_193 {strides = array<i32>} : memref<64x1xf32, #tpu.memory_space<vmem>>, vector<64x1xf32>,
    } else {
    }
    %get3A_169 = arith.constant 0 : index
    %get3A_170 = arith.constant 0 : index
    %get3A_171 = vector.load %arg16[%get3A_169, %get3A_170] : memref<64x2xf32, #tpu.memory_space<vmem>>, vector<64x2xf32>
    %add3A_172 = arith.addf %get3A_171, %dot_general3A_161 : vector<64x2xf32>
    %swap3A = arith.constant 0 : index
    %swap3A_173 = arith.constant 0 : index
    %swap3A_174 = vector.load %arg16[%swap3A, %swap3A_173] : memref<64x2xf32, #tpu.memory_space<vmem>>, vector<64x2xf32>
    tpu.vector_store %arg16[%swap3A, %swap3A_173], %add3A_172 {strides = array<i32>} : memref<64x2xf32, #tpu.memory_space<vmem>>, vector<64x2xf32>,
    %get3A_175 = arith.constant 0 : index
    %get3A_176 = arith.constant 0 : index
    %get3A_177 = vector.load %arg17[%get3A_175, %get3A_176] : memref<64x1xf32, #tpu.memory_space<vmem>>, vector<64x1xf32>
    %add3A_178 = arith.addf %get3A_177, %dot_general3A_164 : vector<64x1xf32>
    %swap3A_179 = arith.constant 0 : index
    %swap3A_180 = arith.constant 0 : index
    %swap3A_181 = vector.load %arg17[%swap3A_179, %swap3A_180] : memref<64x1xf32, #tpu.memory_space<vmem>>, vector<64x1xf32>
    tpu.vector_store %arg17[%swap3A_179, %swap3A_180], %add3A_178 {strides = array<i32>} : memref<64x1xf32, #tpu.memory_space<vmem>>, vector<64x1xf32>,
    %eq3A_182 = arith.constant 4 : i32
    %eq3A_183 = arith.cmpi eq, %arg0, %eq3A_182 : i32
    %convert_element_type3A_184 = arith.extui %eq3A_183 : i1 to i32
    %cond3A_185 = arith.constant 0 : i32
    %cond3A_186 = arith.cmpi ne, %convert_element_type3A_184, %cond3A_185 : i32
    scf.if %cond3A_186 {
      %get3A_187 = arith.constant 0 : index
      %get3A_188 = arith.constant 0 : index
      %get3A_189 = vector.load %arg16[%get3A_187, %get3A_188] : memref<64x2xf32, #tpu.memory_space<vmem>>, vector<64x2xf32>
      %get3A_190 = arith.constant 0 : index
      %get3A_191 = arith.constant 0 : index
      %get3A_192 = vector.load %arg17[%get3A_190, %get3A_191] : memref<64x1xf32, #tpu.memory_space<vmem>>, vector<64x1xf32>
      %max3A_193 = arith.constant 1.000000e+00 : f32
      %max3A_194 = vector.broadcast %max3A_193 : f32 to vector<64x1xf32>
      %max3A_195 = arith.maximumf %get3A_192, %max3A_194 : vector<64x1xf32>
      %div3A = vector.broadcast %max3A_195 : vector<64x1xf32> to vector<64x2xf32>
      %div3A_196 = arith.divf %get3A_189, %div3A : vector<64x2xf32>
      %reduce_max3A = arith.constant dense<0xFF800000> : vector<64xf32>
      %reduce_max3A_197 = vector.multi_reduction <maximumf>, %div3A_196, %reduce_max3A [1] : vector<64x2xf32> to vector<64xf32>
      %broadcast_in_dim3A_198 = vector.shape_cast %reduce_max3A_197 : vector<64xf32> to vector<64x1xf32>
      %sub3A = vector.broadcast %broadcast_in_dim3A_198 : vector<64x1xf32> to vector<64x2xf32>
      %sub3A_199 = arith.subf %div3A_196, %sub3A : vector<64x2xf32>
      %exp3A = math.exp %sub3A_199 : vector<64x2xf32>
      %reduce_sum3A = arith.constant dense<0.000000e+00> : vector<64xf32>
      %reduce_sum3A_200 = vector.multi_reduction <add>, %exp3A, %reduce_sum3A [1] : vector<64x2xf32> to vector<64xf32>
      %broadcast_in_dim3A_201 = vector.shape_cast %reduce_sum3A_200 : vector<64xf32> to vector<64x1xf32>
      %div3A_202 = vector.broadcast %broadcast_in_dim3A_201 : vector<64x1xf32> to vector<64x2xf32>
      %div3A_203 = arith.divf %exp3A, %div3A_202 : vector<64x2xf32>
      %reduce_max3A_204 = arith.constant dense<0xFF800000> : vector<64xf32>
      %reduce_max3A_205 = vector.multi_reduction <maximumf>, %div3A_203, %reduce_max3A_204 [1] : vector<64x2xf32> to vector<64xf32>
      %broadcast_in_dim3A_206 = vector.shape_cast %reduce_max3A_205 : vector<64xf32> to vector<64x1xf32>
      %swap3A_207 = arith.constant 0 : index
      %swap3A_208 = arith.constant 0 : index
      %swap3A_209 = vector.load %arg13[%swap3A_207, %swap3A_208] : memref<64x1xf32, #tpu.memory_space<vmem>>, vector<64x1xf32>
      tpu.vector_store %arg13[%swap3A_207, %swap3A_208], %broadcast_in_dim3A_206 {strides = array<i32>} : memref<64x1xf32, #tpu.memory_space<vmem>>, vector<64x1xf32>,
      %slice3A_210 = vector.extract_strided_slice %div3A_203 {offsets = [0, 1], sizes = [64, 1], strides = [1, 1]} : vector<64x2xf32> to vector<64x1xf32>
      %slice3A_211 = vector.extract_strided_slice %div3A_203 {offsets = [0, 0], sizes = [64, 1], strides = [1, 1]} : vector<64x2xf32> to vector<64x1xf32>
      %gt3A = arith.cmpf ogt, %slice3A_210, %slice3A_211 : vector<64x1xf32>
      %convert_element_type3A_212 = arith.extui %gt3A : vector<64x1xi1> to vector<64x1xi32>
      %swap3A_213 = arith.constant 0 : index
      %swap3A_214 = arith.constant 0 : index
      %swap3A_215 = vector.load %arg14[%swap3A_213, %swap3A_214] : memref<64x1xi32, #tpu.memory_space<vmem>>, vector<64x1xi32>
      tpu.vector_store %arg14[%swap3A_213, %swap3A_214], %convert_element_type3A_212 {strides = array<i32>} : memref<64x1xi32, #tpu.memory_space<vmem>>, vector<64x1xi32>,
      %sub3A_216 = vector.broadcast %broadcast_in_dim3A_198 : vector<64x1xf32> to vector<64x2xf32>
      %sub3A_217 = arith.subf %div3A_196, %sub3A_216 : vector<64x2xf32>
      %log3A = math.log %broadcast_in_dim3A_201 : vector<64x1xf32>
      %sub3A_218 = vector.broadcast %log3A : vector<64x1xf32> to vector<64x2xf32>
      %sub3A_219 = arith.subf %sub3A_217, %sub3A_218 : vector<64x2xf32>
      %get3A_220 = arith.constant 0 : index
      %get3A_221 = arith.constant 0 : index
      %get3A_222 = vector.load %arg4[%get3A_220, %get3A_221] : memref<64x1xi32, #tpu.memory_space<vmem>>, vector<64x1xi32>
      %eq3A_223 = arith.constant 1 : i32
      %eq3A_224 = vector.broadcast %eq3A_223 : i32 to vector<64x1xi32>
      %eq3A_225 = arith.cmpi eq, %get3A_222, %eq3A_224 : vector<64x1xi32>
      %slice3A_226 = vector.extract_strided_slice %sub3A_219 {offsets = [0, 1], sizes = [64, 1], strides = [1, 1]} : vector<64x2xf32> to vector<64x1xf32>
      %slice3A_227 = vector.extract_strided_slice %sub3A_219 {offsets = [0, 0], sizes = [64, 1], strides = [1, 1]} : vector<64x2xf32> to vector<64x1xf32>
      %select_n3A = arith.select %eq3A_225, %slice3A_226, %slice3A_227 : vector<64x1xi1>, vector<64x1xf32>
      %reduce_sum3A_228 = vector.shape_cast %select_n3A : vector<64x1xf32> to vector<1x64x1xf32>
      %reduce_sum3A_229 = arith.constant dense<0.000000e+00> : vector<1xf32>
      %reduce_sum3A_230 = vector.multi_reduction <add>, %reduce_sum3A_228, %reduce_sum3A_229 [1, 2] : vector<1x64x1xf32> to vector<1xf32>
      %reduce_sum3A_231 = vector.shape_cast %reduce_sum3A_230 : vector<1xf32> to vector<1x1x1xf32>
      %reduce_sum3A_232 = vector.extract %reduce_sum3A_231[0, 0, 0] : f32 from vector<1x1x1xf32>
      %broadcast_in_dim3A_233 = vector.broadcast %reduce_sum3A_232 : f32 to vector<1x1xf32>
      %neg3A = arith.constant 0.000000e+00 : f32
      %neg3A_234 = vector.broadcast %neg3A : f32 to vector<1x1xf32>
      %neg3A_235 = arith.subf %neg3A_234, %broadcast_in_dim3A_233 : vector<1x1xf32>
      %div3A_236 = arith.constant 6.400000e+01 : f32
      %div3A_237 = vector.broadcast %div3A_236 : f32 to vector<1x1xf32>
      %div3A_238 = arith.divf %neg3A_235, %div3A_237 : vector<1x1xf32>
      %swap3A_239 = arith.constant 0 : index
      %swap3A_240 = arith.constant 0 : index
      %swap3A_241 = vector.load %arg15[%swap3A_239, %swap3A_240] : memref<1x1xf32, #tpu.memory_space<vmem>>, vector<1x1xf32>
      tpu.vector_store %arg15[%swap3A_239, %swap3A_240], %div3A_238 {strides = array<i32>} : memref<1x1xf32, #tpu.memory_space<vmem>>, vector<1x1xf32>,
    } else {
    }
    return
  }
  func.func @transform_0(%arg0: i32) -> (i32, i32) {
    %c0_i32 = arith.constant 0 : i32
    %c0_i32_0 = arith.constant 0 : i32
    return %arg0, %c0_i32 : i32, i32
  }
  func.func @transform_1(%arg0: i32) -> (i32, i32) {
    %c0_i32 = arith.constant 0 : i32
    %c0_i32_0 = arith.constant 0 : i32
    return %arg0, %c0_i32 : i32, i32
  }
  func.func @transform_2(%arg0: i32) -> (i32, i32) {
    %c0_i32 = arith.constant 0 : i32
    %c0_i32_0 = arith.constant 0 : i32
    return %arg0, %c0_i32 : i32, i32
  }
  func.func @transform_3(%arg0: i32) -> (i32, i32) {
    %c0_i32 = arith.constant 0 : i32
    %c0_i32_0 = arith.constant 0 : i32
    %c0_i32_1 = arith.constant 0 : i32
    return %c0_i32, %c0_i32_0 : i32, i32
  }
  func.func @transform_4(%arg0: i32) -> i32 {
    %c0_i32 = arith.constant 0 : i32
    %c0_i32_0 = arith.constant 0 : i32
    return %c0_i32 : i32
  }
  func.func @transform_5(%arg0: i32) -> (i32, i32, i32) {
    %c0_i32 = arith.constant 0 : i32
    %c0_i32_0 = arith.constant 0 : i32
    %c0_i32_1 = arith.constant 0 : i32
    %c0_i32_2 = arith.constant 0 : i32
    return %c0_i32, %c0_i32_0, %c0_i32_1 : i32, i32, i32
  }
  func.func @transform_6(%arg0: i32) -> (i32, i32, i32) {
    %c0_i32 = arith.constant 0 : i32
    %c0_i32_0 = arith.constant 0 : i32
    %c0_i32_1 = arith.constant 0 : i32
    %c0_i32_2 = arith.constant 0 : i32
    return %c0_i32, %c0_i32_0, %c0_i32_1 : i32, i32, i32
  }
  func.func @transform_7(%arg0: i32) -> (i32, i32, i32) {
    %c0_i32 = arith.constant 0 : i32
    %c0_i32_0 = arith.constant 0 : i32
    %c0_i32_1 = arith.constant 0 : i32
    %c0_i32_2 = arith.constant 0 : i32
    return %c0_i32, %c0_i32_0, %c0_i32_1 : i32, i32, i32
  }
  func.func @transform_8(%arg0: i32) -> (i32, i32, i32) {
    %c0_i32 = arith.constant 0 : i32
    %c0_i32_0 = arith.constant 0 : i32
    %c0_i32_1 = arith.constant 0 : i32
    %c0_i32_2 = arith.constant 0 : i32
    return %c0_i32, %c0_i32_0, %c0_i32_1 : i32, i32, i32
  }
  func.func @transform_9(%arg0: i32) -> (i32, i32) {
    %c0_i32 = arith.constant 0 : i32
    %c0_i32_0 = arith.constant 0 : i32
    %c0_i32_1 = arith.constant 0 : i32
    return %c0_i32, %c0_i32_0 : i32, i32
  }
  func.func @transform_10(%arg0: i32) -> (i32, i32) {
    %c0_i32 = arith.constant 0 : i32
    %c0_i32_0 = arith.constant 0 : i32
    %c0_i32_1 = arith.constant 0 : i32
    return %c0_i32, %c0_i32_0 : i32, i32
  }
  func.func @transform_11(%arg0: i32) -> (i32, i32) {
    %c0_i32 = arith.constant 0 : i32
    %c0_i32_0 = arith.constant 0 : i32
    %c0_i32_1 = arith.constant 0 : i32
    return %c0_i32, %c0_i32_0 : i32, i32
  }
  func.func @transform_12(%arg0: i32) -> (i32, i32) {
    %c0_i32 = arith.constant 0 : i32
    %c0_i32_0 = arith.constant 0 : i32
    %c0_i32_1 = arith.constant 0 : i32
    return %c0_i32, %c0_i32_0 : i32, i32
  }
  func.func @transform_13(%arg0: i32) -> (i32, i32) {
    %c0_i32 = arith.constant 0 : i32
    %c0_i32_0 = arith.constant 0 : i32
    %c0_i32_1 = arith.constant 0 : i32
    return %c0_i32, %c0_i32_0 : i32, i32
  }
  func.func @transform_14(%arg0: i32) -> (i32, i32) {
    %c0_i32 = arith.constant 0 : i32
    %c0_i32_0 = arith.constant 0 : i32
    %c0_i32_1 = arith.constant 0 : i32
    return %c0_i32, %c0_i32_0 : i32, i32
  }
}

</mosaic_0001>

<sc_bundles>
// kernel: kernel.16.cloned.1.call-start
scs
__scs_entry_jumppad:
0x0: {  	(pc) =	sbr.rel $0x88, $3  }
0x1: {  	(tag) =	ssettag $0x0;
	lr =	simm.s32 $0x1  }
0x2: {  	[smem:$0x3F8E] =	sst lr;
	_ =	strace $0xD0000000  }
0x3: {  	_ = 	snop  }
0x4: {  	_ = 	snop  }
0x5: {  	_ = 	snop  }
0x6: {  	_ = 	snop  }
0x7: {  	_ = 	snop  }
__scs_overlays_trampoline_lowered:
0x8: {  	[smem:$0x3F9D] =	sst s0  }
0x9: {  	[smem:$0x3F9E] =	sst s1  }
0xa: {  	[smem:$0x3F9F] =	sst s2  }
0xb: {  	[smem:$0x3FA0] =	sst s3  }
0xc: {  	[smem:$0x3FA1] =	sst s4  }
0xd: {  	[smem:$0x3FA2] =	sst s5  }
0xe: {  	[smem:$0x3FA3] =	sst s6  }
0xf: {  	[smem:$0x3FA4] =	sst s7  }
0x10: {  	[smem:$0x3FA5] =	sst s8  }
0x11: {  	[smem:$0x3FA6] =	sst s9;
	s0 =	simm.s32 @!p0 $0x0  }
0x12: {  	s1 =	sld [smem:$0x3F8C];
	s0 =	simm.s32 @p0 $0x1  }
0x13: {  	[smem:$0x3FA7] =	sst s0;
	s0 =	simm.s32 @!p1 $0x0  }
0x14: {  	s2 =	sld [smem:$0x3F8B];
	s0 =	simm.s32 @p1 $0x1  }
0x15: {  	[smem:$0x3FA8] =	sst s0;
	s0 =	simm.s32 @!p2 $0x0  }
0x16: {  	s3 =	sld [smem:$0x3FDB];
	s0 =	simm.s32 @p2 $0x1  }
0x17: {  	s4 =	simm.s32 $0x1BF5;
	[smem:$0x3FAA] =	sst s0  }
0x18: {  	s0 =	sld [smem:$0x3F8D];
	_ =	swait.ge [sflag:s4], $0x0  }
0x19: {  	s7 =	sld [smem:$0x3F8E]  }
0x1a: {  	s8 =	sadd.s32 $0xFFFFE003, lr  }
0x1b: {  	s9 =	sadd.s32 $0xFFFFFEF7, lr;
	s5 =	simm.s32 $0xFFFFFFFF;
	p2 =	slt.u32 s8, $0xFFFFF086  }
0x1c: {  	p1 =	slt.u32 s9, $0xF7A;
	s5 =	simm.s32 @!p2 $0x0  }
0x1d: {  	s5 =	simm.s32 @p1 $0x1;
	p0 =	seq.s32 s7, s2  }
0x1e: {  	s7 =	smul.u32 @!p0 $0xF7A, s2;
	p2 =	seq.s32 @!p0 s5, $0x0  }
0x1f: {  	s9 =	smul.u32 $0xF7A, s1;
	s8 =	simm.s32 @!p0 $0x1BF5;
	p2 =	por !p2, p0  }
0x20: {  	[sflag:s8] =	ssyncset.s32 @!p0 $0xFFFFF086;
	s6 =	sadd.s32 @!p0 s3, s7;
	s7 =	simm.s32 @!p0 $0x108  }
0x21: {  	s3 =	sadd.s32 s3, s9;
	s6 =	sadd.s32 @!p0 $0x88, s6;
	s7 =	simm.s32 @p2 $0x1082  }
0x22: {  	[simem:s7], [sflag:s8] =	dma.local @!p0 [hbm:s6], $0xF7A  }
0x23: {  	s9 =	sor.u32 $0xD0000000, s2;
	s6 =	simm.s32 $0x108;
	_ =	swait.ge @!p0 [sflag:s8], $0x0  }
0x24: {  	s3 =	sadd.s32 $0x88, s3;
	s6 =	simm.s32 @!p1 $0x1082;
	[sflag:s4] =	ssyncset.s32 $0xFFFFF086  }
0x25: {  	[simem:s6], [sflag:s4] =	dma.local [hbm:s3], $0xF7A  }
0x26: {  	[smem:$0x3F8E] =	sst s1;
	(tag) =	ssettag s2;
	_ =	strace s9  }
0x27: {  	s1 =	sld [smem:$0x3F9E]  }
0x28: {  	s2 =	sld [smem:$0x3F9F]  }
0x29: {  	s4 =	sld [smem:$0x3FA1]  }
0x2a: {  	p0 =	seq.s32 s5, $0x0;
	s5 =	sld [smem:$0x3FA2]  }
0x2b: {  	s6 =	sld [smem:$0x3FA3]  }
0x2c: {  	s7 =	sld [smem:$0x3FA4]  }
0x2d: {  	s3 =	simm.s32 $0x108;
	s8 =	sld [smem:$0x3FA5]  }
0x2e: {  	s3 =	simm.s32 @!p0 $0x1082;
	s9 =	sld [smem:$0x3FA6]  }
0x2f: {  	lr =	sadd.s32 s0, s3;
	s0 =	sld [smem:$0x3F9D]  }
0x30: {  	s3 =	sld [smem:$0x3FA0]  }
0x31: {  	[smem:$0x3FA9] =	sst s10  }
0x32: {  	s10 =	sld [smem:$0x3FA7];
	_ =	sdelay $0x3  }
0x33: {  	p0 =	seq.s32 s10, $0x1;
	s10 =	sld [smem:$0x3FA9];
	_ =	sdelay $0x3  }
0x34: {  	[smem:$0x3FA9] =	sst s10  }
0x35: {  	s10 =	sld [smem:$0x3FA8];
	_ =	sdelay $0x3  }
0x36: {  	p1 =	seq.s32 s10, $0x1;
	s10 =	sld [smem:$0x3FA9];
	_ =	sdelay $0x3  }
0x37: {  	[smem:$0x3FA9] =	sst s10  }
0x38: {  	s10 =	sld [smem:$0x3FAA]  }
0x39: {  	_ = 	snop;
	(pc) =	sbr.ind lr, $3  }
0x3a: {  	_ = 	snop  }
0x3b: {  	_ = 	snop  }
0x3c: {  	p2 =	seq.s32 s10, $0x1;
	s10 =	sld [smem:$0x3FA9]  }
0x3d: {  	_ =	shalt  }
0x3e: {  	_ =	shalt  }
0x3f: {  	_ =	shalt  }
0x40: {  	_ =	shalt  }
0x41: {  	_ =	shalt  }
0x42: {  	_ =	shalt  }
0x43: {  	_ =	shalt  }
0x44: {  	_ =	shalt  }
0x45: {  	_ =	shalt  }
0x46: {  	_ =	shalt  }
0x47: {  	_ =	shalt  }
0x48: {  	_ =	shalt  }
0x49: {  	_ =	shalt  }
0x4a: {  	_ =	shalt  }
0x4b: {  	_ =	shalt  }
0x4c: {  	_ =	shalt  }
0x4d: {  	_ =	shalt  }
0x4e: {  	_ =	shalt  }
0x4f: {  	_ =	shalt  }
0x50: {  	_ =	shalt  }
0x51: {  	_ =	shalt  }
0x52: {  	_ =	shalt  }
0x53: {  	_ =	shalt  }
0x54: {  	_ =	shalt  }
0x55: {  	_ =	shalt  }
0x56: {  	_ =	shalt  }
0x57: {  	_ =	shalt  }
0x58: {  	_ =	shalt  }
0x59: {  	_ =	shalt  }
0x5a: {  	_ =	shalt  }
0x5b: {  	_ =	shalt  }
0x5c: {  	_ =	shalt  }
0x5d: {  	_ =	shalt  }
0x5e: {  	_ =	shalt  }
0x5f: {  	_ =	shalt  }
0x60: {  	_ =	shalt  }
0x61: {  	_ =	shalt  }
0x62: {  	_ =	shalt  }
0x63: {  	_ =	shalt  }
0x64: {  	_ =	shalt  }
0x65: {  	_ =	shalt  }
0x66: {  	_ =	shalt  }
0x67: {  	_ =	shalt  }
0x68: {  	_ =	shalt  }
0x69: {  	_ =	shalt  }
0x6a: {  	_ =	shalt  }
0x6b: {  	_ =	shalt  }
0x6c: {  	_ =	shalt  }
0x6d: {  	_ =	shalt  }
0x6e: {  	_ =	shalt  }
0x6f: {  	_ =	shalt  }
0x70: {  	_ =	shalt  }
0x71: {  	_ =	shalt  }
0x72: {  	_ =	shalt  }
0x73: {  	_ =	shalt  }
0x74: {  	_ =	shalt  }
0x75: {  	_ =	shalt  }
0x76: {  	_ =	shalt  }
0x77: {  	_ =	shalt  }
0x78: {  	_ =	shalt  }
0x79: {  	_ =	shalt  }
0x7a: {  	_ =	shalt  }
0x7b: {  	_ =	shalt  }
0x7c: {  	_ =	shalt  }
0x7d: {  	_ =	shalt  }
0x7e: {  	_ =	shalt  }
0x7f: {  	_ =	shalt  }
0x80: {  	_ =	shalt  }
0x81: {  	_ =	shalt  }
0x82: {  	_ =	shalt  }
0x83: {  	_ =	shalt  }
0x84: {  	_ =	shalt  }
0x85: {  	_ =	shalt  }
0x86: {  	_ =	shalt  }
0x87: {  	_ =	shalt  }
.Lfunc_end0:
.L_simem_size_0:
called_computation_lowered:
.L_overlay_start_0:
0x88: {  	s2 =	sld [smem:$0x3FD9]  }
0x89: {  	s3 =	sld [smem:$0x3FFE];
	_ =	sdelay $0x1  }
0x8a: {  	s1 =	srdreg.scid  }
0x8b: {  	s0 =	sand.u32 $0x1, s1  }
0x8c: {  	s16 =	sshll.u32 s0, $0xA;
	s2 =	sadd.s32 s3, s2  }
0x8d: {  	s2 =	sadd.s32 s2, s16  }
0x8e: {  	[smem:$0x3FB5] =	sst s2  }
0x8f: {  	_ = 	snop  }
0x90: {  	(tm) =	ssettm $0x1  }
0x91: {  	s17 =	sld [smem:$0x3FFB];
	_ =	sdelay $0x3  }
0x92: {  	_ =	strace s17  }
0x93: {  	s2 =	sld [smem:$0x3FFC];
	_ =	sdelay $0x3  }
0x94: {  	_ =	strace s2  }
0x95: {  	s2 =	sld [smem:$0x3FFD];
	_ =	sdelay $0x3  }
0x96: {  	_ =	strace s2  }
0x97: {  	_ =	strace $0x8FFFFFFF  }
0x98: {  	s18 =	sld [smem:$0x3FDB];
	_ =	sdelay $0x1  }
0x99: {  	s19 =	simm.s32 $_scs_section_size  }
0x9a: {  	s4 =	simm.s32 $_size__tile_overlayer_lowered;
	s5 =	simm.s32 $_tile_overlayer_lowered  }
0x9b: {  	s22 =	simm.s32 $0x1BFF;
	s21 =	sshll.u32 s5, $0x1;
	s2 =	sadd.s32 s19, s18  }
0x9c: {  	s6 =	simm.s32 $0x0;
	s20 =	sshll.u32 s4, $0x1;
	s4 =	sadd.s32 s21, s2  }
0x9d: {  	[timem:s6], [sflag:s22] =	dma.local [hbm:s4], s20  }
0x9e: {  	_ =	swait.ge [sflag:s22], s20  }
0x9f: {  	s3 =	ssub.s32 $0x0, s20;
	[sflag:s22] =	ssyncset.done $0x0  }
0xa0: {  	[sflag:s22] =	ssyncadd.s32 s3;
	_ =	sdelay $0x1  }
0xa1: {  	s23 =	simm.s32 $0x1B8B  }
0xa2: {  	_ =	swait.ge [sflag:s23], $0x1  }
0xa3: {  	[sflag:s23] =	ssyncset.done $0x0  }
0xa4: {  	s25 =	simm.s32 $0x1B8E;
	s24 =	sld [smem:$0x3FFE];
	[sflag:s23] =	ssyncadd.s32 $0xFFFFFFFF  }
0xa5: {  	s26 =	simm.s32 $execute0_lowered;
	[smem:$0x3FD2] =	sst s25  }
0xa6: {  	s4 =	sshll.u32 s26, $0x1;
	_ =	strace $0x80000046;
	[dreg:$0x1] =	wrdreg $0xFFFFFFFF  }
0xa7: {  	s28 =	simm.s32 $_size_execute0_lowered;
	s2 =	sadd.s32 s2, s4;
	[dreg:$0x0] =	wrdreg $0x0  }
0xa8: {  	s4 =	sshll.u32 s28, $0x1;
	[dreg:$0x2] =	wrdreg s2  }
0xa9: {  	[dreg:$0x3] =	wrdreg s4  }
0xaa: {  	[dreg:$0x4] =	wrdreg $0xC0  }
0xab: {  	_ =	task [dreg:s6], $0x5FFFF  }
0xac: {  	[dreg:$0x1] =	wrdreg $0xFFFFFFFF  }
0xad: {  	[dreg:$0x0] =	wrdreg $0x60  }
0xae: {  	[dreg:$0x2] =	wrdreg s24  }
0xaf: {  	[dreg:$0x3] =	wrdreg $0xA8000  }
0xb0: {  	[dreg:$0x4] =	wrdreg $0x9  }
0xb1: {  	_ =	task.clear_ibuf [dreg:s6], $0x5FFFF;
	_ =	strace $0x90000046  }
0xb2: {  	s29 =	simm.s32 $0x9;
	_ =	strace $0x80000048  }
0xb3: {  	_ =	swait.ge [sflag:s29], $0x1  }
0xb4: {  	[sflag:s29] =	ssyncadd.s32 $0xFFFFFFFF  }
0xb5: {  	_ =	strace $0x90000048  }
0xb6: {  	_ =	sfence  }
0xb7: {  	s30 =	sld [smem:$0x0];
	_ =	sdelay $0x2  }
0xb8: {  	s31 =	sshll.u32 s1, $0xD;
	s1 =	sshrl.u32 s1, $0x2  }
0xb9: {  	s3 =	sand.u32 $0x4000, s31;
	s1 =	sadd.s32 s1, s30  }
0xba: {  	s0 =	sor.u32 s3, s0;
	s1 =	sshll.u32 s1, $0x11  }
0xbb: {  	s0 =	sor.u32 s1, s0  }
0xbc: {  	s0 =	sadd.s32 $0x8F2B, s0  }
0xbd: {  	[sflag:s0] =	ssyncadd.remote.s32 $0x1  }
0xbe: {  	_ =	sfence.sel $0xFFFF  }
0xbf: {  	[dreg:$0x0] =	wrdreg $0xFFFFFFFF;
	(pc) =	sbr.abs _section_cstart, $3  }
0xc0: {  	[dreg:$0x1] =	wrdreg $0xFFFFFFFF  }
0xc1: {  	_ =	task.clear_ibuf [dreg:s6], $0x2FFFF;
	_ =	strace $0x9FFFFFFF  }
0xc2: {  	(tm) =	ssettm $0x7FFFFFFF  }
0xc3: {  	_ =	shalt  }
tec
execute0_lowered:
.L_overlay_start_1:
0x0: {  	(tag) =	ssettag $0x1  }
0x1: {  	s6 =	rddreg [dreg:$0x0]  }
0x2: {  	s2 =	rddreg [dreg:$0x1]  }
0x3: {  	s0 =	srdreg.scid;
	s1 =	rddreg [dreg:$0x2]  }
0x4: {  	s3 =	simm.s32 $0x0;
	s14 =	simm.s32 $0x5;
	s15 =	simm.s32 $0x1400  }
0x5: {  	s16 =	simm.s32 $0x7D;
	s17 =	simm.s32 $0x2800;
	s18 =	simm.s32 $0x1  }
0x6: {  	s19 =	simm.s32 $0x80;
	s20 =	simm.s32 $0x6800;
	s7 =	sand.u32 $0x1, s0  }
0x7: {  	s21 =	simm.s32 $0x2;
	s0 =	stileid.u32;
	s4 =	smul.u32 $0x28000, s7  }
0x8: {  	s22 =	simm.s32 $0x3;
	s23 =	simm.s32 $0x100;
	s5 =	smul.u32 $0x2800, s0  }
0x9: {  	s24 =	simm.s32 $0x1480;
	s25 =	simm.s32 $0x4;
	s8 =	smul.u32 $0x140000, s7  }
0xa: {  	s26 =	simm.s32 $0x0;
	[smem:$0x7FF] =	sst s3;
	s10 =	smul.u32 $0x14000, s0  }
0xb: {  	_ =	strace $0x80000047;
	s28 =	smul.u32 $0x50000, s0;
	s7 =	ssub.s32 $0x2, s7  }
0xc: {  	s31 =	sshll.u32 s0, $0x6;
	s29 =	sshrl.u32 s7, $0x1;
	s4 =	sadd.s32 s4, s5  }
0xd: {  	s5 =	sshrl.u32 s5, $0x3;
	s8 =	sadd.s32 s10, s8;
	s30 =	ssub.s32 s7, s29  }
0xe: {  	s9 =	sshrl.u32 s4, $0x3;
	s4 =	sadd.s32 $0x61E00, s6;
	s12 =	sadd.s32 s5, s6  }
.Ltmp0:
0xf: {  	s5 =	sadd.s32 $0x19A600, s6;
	s8 =	sshrl.u32 s8, $0x3;
	(pc) =	sbr.rel .LBB2_1-.Ltmp0, $4  }
0x10: {  	s11 =	sadd.s32 s9, s6;
	s8 =	sadd.s32 s8, s6;
	s9 =	sshrl.u32 s28, $0x2  }
0x11: {  	s6 =	sor.u32 $0x1C05, s31;
	s10 =	sadd.s32 $0x5CE00, s12;
	s12 =	sadd.s32 $0x5D080, s12  }
0x12: {  	s13 =	sadd.s32 s9, s2;
	s7 =	sadd.s32 $0x19CE00, s8;
	s8 =	smax.u32 s30, $0x1  }
0x13: {  	s9 =	sadd.s32 $0x52E00, s11;
	s11 =	sadd.s32 $0x53080, s11;
	s13 =	sshrl.u32 s13, $0x3  }
.LBB2_7:
0x14: {  	[spmem:s2] =	stream.indirect.scatter.add.f32 [tilespmem:s20], [sflag:$0x4], $0x80, s30, s16, $0xb8;
	[tilespmem:$0x1E800] =	vst v63  }
0x15: {  	_ =	swait.ge [sflag:s22], $0x3E80  }
0x16: {  	[sflag:s22] =	ssyncset.done $0x0  }
0x17: {  	[sflag:s22] =	ssyncadd.s32 $0xFFFFC180  }
0x18: {  	_ =	swait.ge [sflag:s25], $0x3E80  }
0x19: {  	s26 =	sadd.s32 $0x1, s26;
	[sflag:s25] =	ssyncset.done $0x0  }
0x1a: {  	p0 =	sne.s32 s26, s8;
	[sflag:s25] =	ssyncadd.s32 $0xFFFFC180  }
.Ltmp1:
0x1b: {  	[bflag:$0x0] =	sbarrier.arrive $0xFFFF;
	(pc) =	sbr.rel @!p0 .LBB2_8-.Ltmp1, $4  }
0x1c: {  	[hbm:s7], [sflag:s6] =	dma.local [spmem:s13], $0x2800  }
0x1d: {  	_ =	swait.ge [sflag:s14], $0x2800  }
0x1e: {  	[sflag:s14] =	ssyncset.done $0x0  }
0x1f: {  	[sflag:s14] =	ssyncadd.s32 $0xFFFFD800  }
.LBB2_1:
0x20: {  	[spmem:s13], [sflag:s6] =	dma.local [hbm:s5], $0x2800  }
0x21: {  	_ =	swait.ge [sflag:s14], $0x2800  }
0x22: {  	[sflag:s14] =	ssyncset.done $0x0  }
0x23: {  	[sflag:s14] =	ssyncadd.s32 $0xFFFFD800  }
0x24: {  	[bflag:$0x0] =	sbarrier.arrive $0xFFFF  }
0x25: {  	[tilespmem:s3], [sflag:$0x5] =	stream.linear.gather [hbm4b:s9+s3], $0x1400, $0x38;
	[tilespmem:$0x1E800] =	vst v63  }
0x26: {  	_ =	swait.ge [sflag:s14], $0x1400  }
0x27: {  	[sflag:s14] =	ssyncset.done $0x0  }
0x28: {  	[sflag:s14] =	ssyncadd.s32 $0xFFFFEC00  }
0x29: {  	[tilespmem:s15], [sflag:$0x5] =	stream.linear.gather [hbm4b:s10+s3], $0x1400, $0x38;
	[tilespmem:$0x1E800] =	vst v63  }
0x2a: {  	_ =	swait.ge [sflag:s14], $0x1400  }
0x2b: {  	[sflag:s14] =	ssyncset.done $0x0  }
0x2c: {  	[sflag:s14] =	ssyncadd.s32 $0xFFFFEC00  }
0x2d: {  	[tilespmem:s17], [sflag:$0x1] =	stream.indirect.gather [hbm4b:s4+s16], $0x80, s3, s16, $0xb8;
	[tilespmem:$0x1E800] =	vst v63  }
0x2e: {  	_ =	swait.ge [sflag:s18], $0x3E80  }
0x2f: {  	[sflag:s18] =	ssyncset.done $0x0  }
0x30: {  	[sflag:s18] =	ssyncadd.s32 $0xFFFFC180  }
0x31: {  	[tilespmem:s20], [sflag:$0x2] =	stream.indirect.gather [hbm4b:s4+s16], $0x80, s19, s16, $0xb8;
	[tilespmem:$0x1E800] =	vst v63  }
0x32: {  	_ = 	snop  }
0x33: {  	[spmem:s2] =	stream.indirect.scatter.add.f32 [tilespmem:s17], [sflag:$0x3], $0x80, s15, s16, $0xb8;
	[tilespmem:$0x1E800] =	vst v63  }
0x34: {  	_ =	swait.ge [sflag:s21], $0x3E80  }
0x35: {  	[sflag:s21] =	ssyncset.done $0x0  }
0x36: {  	[sflag:s21] =	ssyncadd.s32 $0xFFFFC180  }
0x37: {  	_ =	swait.ge [sflag:s22], $0x3E80  }
0x38: {  	[sflag:s22] =	ssyncset.done $0x0  }
0x39: {  	[sflag:s22] =	ssyncadd.s32 $0xFFFFC180  }
0x3a: {  	[tilespmem:s17], [sflag:$0x1] =	stream.indirect.gather [hbm4b:s4+s16], $0x80, s23, s16, $0xb8;
	[tilespmem:$0x1E800] =	vst v63  }
0x3b: {  	s28 =	simm.s32 $0xFFFFB800  }
0x3c: {  	[spmem:s2] =	stream.indirect.scatter.add.f32 [tilespmem:s20], [sflag:$0x4], $0x80, s24, s16, $0xb8;
	[tilespmem:$0x1E800] =	vst v63  }
.LBB2_2:
0x3d: {  	_ =	swait.ge [sflag:s18], $0x3E80  }
0x3e: {  	[sflag:s18] =	ssyncset.done $0x0  }
0x3f: {  	[sflag:s18] =	ssyncadd.s32 $0xFFFFC180  }
0x40: {  	_ =	swait.ge [sflag:s25], $0x3E80  }
0x41: {  	s29 =	sshra.s32 s28, $0x2;
	[sflag:s25] =	ssyncset.done $0x0  }
0x42: {  	p0 =	seq.s32 s28, $0x0;
	s30 =	sadd.s32 $0x1380, s29;
	[sflag:s25] =	ssyncadd.s32 $0xFFFFC180  }
0x43: {  	[tilespmem:s20], [sflag:$0x2] =	stream.indirect.gather [hbm4b:s4+s16], $0x80, s30, s16, $0xb8;
	[tilespmem:$0x1E800] =	vst v63  }
.Ltmp2:
0x44: {  	s30 =	sadd.s32 $0x2700, s29;
	(pc) =	sbr.rel @p0 .LBB2_4-.Ltmp2, $4  }
0x45: {  	[spmem:s2] =	stream.indirect.scatter.add.f32 [tilespmem:s17], [sflag:$0x3], $0x80, s30, s16, $0xb8;
	[tilespmem:$0x1E800] =	vst v63  }
0x46: {  	_ =	swait.ge [sflag:s21], $0x3E80  }
0x47: {  	[sflag:s21] =	ssyncset.done $0x0  }
0x48: {  	s30 =	sadd.s32 $0x2780, s29;
	[sflag:s21] =	ssyncadd.s32 $0xFFFFC180  }
0x49: {  	_ =	swait.ge [sflag:s22], $0x3E80  }
.Ltmp3:
0x4a: {  	[sflag:s22] =	ssyncset.done $0x0;
	(pc) =	sbr.rel .LBB2_2-.Ltmp3, $4  }
0x4b: {  	s29 =	sadd.s32 $0x1400, s29;
	[sflag:s22] =	ssyncadd.s32 $0xFFFFC180  }
0x4c: {  	[tilespmem:s17], [sflag:$0x1] =	stream.indirect.gather [hbm4b:s4+s16], $0x80, s29, s16, $0xb8;
	[tilespmem:$0x1E800] =	vst v63  }
0x4d: {  	s28 =	sadd.s32 $0x400, s28  }
0x4e: {  	[spmem:s2] =	stream.indirect.scatter.add.f32 [tilespmem:s20], [sflag:$0x4], $0x80, s30, s16, $0xb8;
	[tilespmem:$0x1E800] =	vst v63  }
.LBB2_4:
0x4f: {  	[spmem:s2] =	stream.indirect.scatter.add.f32 [tilespmem:s20], [sflag:$0x4], $0x80, s30, s16, $0xb8;
	[tilespmem:$0x1E800] =	vst v63  }
0x50: {  	_ =	swait.ge [sflag:s22], $0x3E80  }
0x51: {  	[sflag:s22] =	ssyncset.done $0x0  }
0x52: {  	[sflag:s22] =	ssyncadd.s32 $0xFFFFC180  }
0x53: {  	_ =	swait.ge [sflag:s25], $0x3E80  }
0x54: {  	[sflag:s25] =	ssyncset.done $0x0  }
0x55: {  	[sflag:s25] =	ssyncadd.s32 $0xFFFFC180  }
0x56: {  	[tilespmem:s3], [sflag:$0x5] =	stream.linear.gather [hbm4b:s11+s3], $0x1400, $0x38;
	[tilespmem:$0x1E800] =	vst v63  }
0x57: {  	_ =	swait.ge [sflag:s14], $0x1400  }
0x58: {  	[sflag:s14] =	ssyncset.done $0x0  }
0x59: {  	[sflag:s14] =	ssyncadd.s32 $0xFFFFEC00  }
0x5a: {  	[tilespmem:s15], [sflag:$0x5] =	stream.linear.gather [hbm4b:s12+s3], $0x1400, $0x38;
	[tilespmem:$0x1E800] =	vst v63  }
0x5b: {  	_ =	swait.ge [sflag:s14], $0x1400  }
0x5c: {  	[sflag:s14] =	ssyncset.done $0x0  }
0x5d: {  	[sflag:s14] =	ssyncadd.s32 $0xFFFFEC00  }
0x5e: {  	[tilespmem:s17], [sflag:$0x1] =	stream.indirect.gather [hbm4b:s4+s16], $0x80, s3, s16, $0xb8;
	[tilespmem:$0x1E800] =	vst v63  }
0x5f: {  	_ =	swait.ge [sflag:s18], $0x3E80  }
0x60: {  	[sflag:s18] =	ssyncset.done $0x0  }
0x61: {  	[sflag:s18] =	ssyncadd.s32 $0xFFFFC180  }
0x62: {  	[tilespmem:s20], [sflag:$0x2] =	stream.indirect.gather [hbm4b:s4+s16], $0x80, s19, s16, $0xb8;
	[tilespmem:$0x1E800] =	vst v63  }
0x63: {  	_ = 	snop  }
0x64: {  	[spmem:s2] =	stream.indirect.scatter.add.f32 [tilespmem:s17], [sflag:$0x3], $0x80, s15, s16, $0xb8;
	[tilespmem:$0x1E800] =	vst v63  }
0x65: {  	_ =	swait.ge [sflag:s21], $0x3E80  }
0x66: {  	[sflag:s21] =	ssyncset.done $0x0  }
0x67: {  	[sflag:s21] =	ssyncadd.s32 $0xFFFFC180  }
0x68: {  	_ =	swait.ge [sflag:s22], $0x3E80  }
0x69: {  	[sflag:s22] =	ssyncset.done $0x0  }
0x6a: {  	[sflag:s22] =	ssyncadd.s32 $0xFFFFC180  }
0x6b: {  	[tilespmem:s17], [sflag:$0x1] =	stream.indirect.gather [hbm4b:s4+s16], $0x80, s23, s16, $0xb8;
	[tilespmem:$0x1E800] =	vst v63  }
0x6c: {  	s28 =	simm.s32 $0xFFFFB800  }
0x6d: {  	[spmem:s2] =	stream.indirect.scatter.add.f32 [tilespmem:s20], [sflag:$0x4], $0x80, s24, s16, $0xb8;
	[tilespmem:$0x1E800] =	vst v63  }
.LBB2_5:
0x6e: {  	_ =	swait.ge [sflag:s18], $0x3E80  }
0x6f: {  	[sflag:s18] =	ssyncset.done $0x0  }
0x70: {  	[sflag:s18] =	ssyncadd.s32 $0xFFFFC180  }
0x71: {  	_ =	swait.ge [sflag:s25], $0x3E80  }
0x72: {  	s29 =	sshra.s32 s28, $0x2;
	[sflag:s25] =	ssyncset.done $0x0  }
0x73: {  	p0 =	seq.s32 s28, $0x0;
	s30 =	sadd.s32 $0x1380, s29;
	[sflag:s25] =	ssyncadd.s32 $0xFFFFC180  }
0x74: {  	[tilespmem:s20], [sflag:$0x2] =	stream.indirect.gather [hbm4b:s4+s16], $0x80, s30, s16, $0xb8;
	[tilespmem:$0x1E800] =	vst v63  }
.Ltmp4:
0x75: {  	s30 =	sadd.s32 $0x2700, s29;
	(pc) =	sbr.rel @p0 .LBB2_7-.Ltmp4, $4  }
0x76: {  	[spmem:s2] =	stream.indirect.scatter.add.f32 [tilespmem:s17], [sflag:$0x3], $0x80, s30, s16, $0xb8;
	[tilespmem:$0x1E800] =	vst v63  }
0x77: {  	_ =	swait.ge [sflag:s21], $0x3E80  }
0x78: {  	[sflag:s21] =	ssyncset.done $0x0  }
0x79: {  	s30 =	sadd.s32 $0x2780, s29;
	[sflag:s21] =	ssyncadd.s32 $0xFFFFC180  }
0x7a: {  	_ =	swait.ge [sflag:s22], $0x3E80  }
.Ltmp5:
0x7b: {  	[sflag:s22] =	ssyncset.done $0x0;
	(pc) =	sbr.rel .LBB2_5-.Ltmp5, $4  }
0x7c: {  	s29 =	sadd.s32 $0x1400, s29;
	[sflag:s22] =	ssyncadd.s32 $0xFFFFC180  }
0x7d: {  	[tilespmem:s17], [sflag:$0x1] =	stream.indirect.gather [hbm4b:s4+s16], $0x80, s29, s16, $0xb8;
	[tilespmem:$0x1E800] =	vst v63  }
0x7e: {  	s28 =	sadd.s32 $0x400, s28  }
0x7f: {  	[spmem:s2] =	stream.indirect.scatter.add.f32 [tilespmem:s20], [sflag:$0x4], $0x80, s30, s16, $0xb8;
	[tilespmem:$0x1E800] =	vst v63  }
.LBB2_8:
0x80: {  	_ =	sfence.sel $0x180000  }
0x81: {  	[bflag:$0x0] =	sbarrier.arrive $0xFFFF  }
0x82: {  	p0 =	sne.s32 s0, $0x0;
	_ =	strace $0x90000047  }
0x83: {  	s0 =	sadd.s32 @!p0 $0x100000, s1;
	[bflag:$0x2] =	sbarrier.arrive $0xFFFF  }
0x84: {  	[sflag:s0] =	ssyncadd.tile.s32 @!p0 $0x1;
	_ =	shalt  }
.Lfunc_end2:
_tile_overlayer_lowered:
.L_overlay_start_2:
0x85: {  	(tag) =	ssettag $0x2  }
0x86: {  	s0 =	rddreg [dreg:$0x0];
	s2 =	stileid.u32  }
0x87: {  	s1 =	rddreg [dreg:$0x1];
	p0 =	sne.s32 s2, $0x0  }
0x88: {  	s3 =	rddreg [dreg:$0x2];
	[bflag:$0x3] =	sbarrier.arrive $0xFFFF;
	s2 =	simm.s32 @!p0 $0x1C05  }
0x89: {  	[timem:s3], [sflag:s2] =	dma.local @!p0 [hbm:s0], s1  }
0x8a: {  	s0 =	simm.s32 @!p0 $0x5  }
0x8b: {  	_ =	swait.ge @!p0 [sflag:s0], s1  }
0x8c: {  	s1 =	ssub.s32 @!p0 $0x0, s1;
	[sflag:s0] =	ssyncset.done @!p0 $0x0  }
0x8d: {  	[sflag:s0] =	ssyncadd.s32 @!p0 s1  }
0x8e: {  	[bflag:$0x3] =	sbarrier.arrive $0xFFFF  }
0x8f: {  	_ =	shalt  }

// kernel: kernel.19.cloned.1.call-start
scs
__scs_entry_jumppad:
0x0: {  	(pc) =	sbr.rel $0x88, $3  }
0x1: {  	(tag) =	ssettag $0x0;
	lr =	simm.s32 $0x1  }
0x2: {  	[smem:$0x3F8E] =	sst lr;
	_ =	strace $0xD0000000  }
0x3: {  	_ = 	snop  }
0x4: {  	_ = 	snop  }
0x5: {  	_ = 	snop  }
0x6: {  	_ = 	snop  }
0x7: {  	_ = 	snop  }
__scs_overlays_trampoline_lowered:
0x8: {  	[smem:$0x3F9D] =	sst s0  }
0x9: {  	[smem:$0x3F9E] =	sst s1  }
0xa: {  	[smem:$0x3F9F] =	sst s2  }
0xb: {  	[smem:$0x3FA0] =	sst s3  }
0xc: {  	[smem:$0x3FA1] =	sst s4  }
0xd: {  	[smem:$0x3FA2] =	sst s5  }
0xe: {  	[smem:$0x3FA3] =	sst s6  }
0xf: {  	[smem:$0x3FA4] =	sst s7  }
0x10: {  	[smem:$0x3FA5] =	sst s8  }
0x11: {  	[smem:$0x3FA6] =	sst s9;
	s0 =	simm.s32 @!p0 $0x0  }
0x12: {  	s1 =	sld [smem:$0x3F8C];
	s0 =	simm.s32 @p0 $0x1  }
0x13: {  	[smem:$0x3FA7] =	sst s0;
	s0 =	simm.s32 @!p1 $0x0  }
0x14: {  	s2 =	sld [smem:$0x3F8B];
	s0 =	simm.s32 @p1 $0x1  }
0x15: {  	[smem:$0x3FA8] =	sst s0;
	s0 =	simm.s32 @!p2 $0x0  }
0x16: {  	s3 =	sld [smem:$0x3FDB];
	s0 =	simm.s32 @p2 $0x1  }
0x17: {  	s4 =	simm.s32 $0x1BF5;
	[smem:$0x3FAA] =	sst s0  }
0x18: {  	s0 =	sld [smem:$0x3F8D];
	_ =	swait.ge [sflag:s4], $0x0  }
0x19: {  	s7 =	sld [smem:$0x3F8E]  }
0x1a: {  	s8 =	sadd.s32 $0xFFFFE003, lr  }
0x1b: {  	s9 =	sadd.s32 $0xFFFFFEF7, lr;
	s5 =	simm.s32 $0xFFFFFFFF;
	p2 =	slt.u32 s8, $0xFFFFF086  }
0x1c: {  	p1 =	slt.u32 s9, $0xF7A;
	s5 =	simm.s32 @!p2 $0x0  }
0x1d: {  	s5 =	simm.s32 @p1 $0x1;
	p0 =	seq.s32 s7, s2  }
0x1e: {  	s7 =	smul.u32 @!p0 $0xF7A, s2;
	p2 =	seq.s32 @!p0 s5, $0x0  }
0x1f: {  	s9 =	smul.u32 $0xF7A, s1;
	s8 =	simm.s32 @!p0 $0x1BF5;
	p2 =	por !p2, p0  }
0x20: {  	[sflag:s8] =	ssyncset.s32 @!p0 $0xFFFFF086;
	s6 =	sadd.s32 @!p0 s3, s7;
	s7 =	simm.s32 @!p0 $0x108  }
0x21: {  	s3 =	sadd.s32 s3, s9;
	s6 =	sadd.s32 @!p0 $0x88, s6;
	s7 =	simm.s32 @p2 $0x1082  }
0x22: {  	[simem:s7], [sflag:s8] =	dma.local @!p0 [hbm:s6], $0xF7A  }
0x23: {  	s9 =	sor.u32 $0xD0000000, s2;
	s6 =	simm.s32 $0x108;
	_ =	swait.ge @!p0 [sflag:s8], $0x0  }
0x24: {  	s3 =	sadd.s32 $0x88, s3;
	s6 =	simm.s32 @!p1 $0x1082;
	[sflag:s4] =	ssyncset.s32 $0xFFFFF086  }
0x25: {  	[simem:s6], [sflag:s4] =	dma.local [hbm:s3], $0xF7A  }
0x26: {  	[smem:$0x3F8E] =	sst s1;
	(tag) =	ssettag s2;
	_ =	strace s9  }
0x27: {  	s1 =	sld [smem:$0x3F9E]  }
0x28: {  	s2 =	sld [smem:$0x3F9F]  }
0x29: {  	s4 =	sld [smem:$0x3FA1]  }
0x2a: {  	p0 =	seq.s32 s5, $0x0;
	s5 =	sld [smem:$0x3FA2]  }
0x2b: {  	s6 =	sld [smem:$0x3FA3]  }
0x2c: {  	s7 =	sld [smem:$0x3FA4]  }
0x2d: {  	s3 =	simm.s32 $0x108;
	s8 =	sld [smem:$0x3FA5]  }
0x2e: {  	s3 =	simm.s32 @!p0 $0x1082;
	s9 =	sld [smem:$0x3FA6]  }
0x2f: {  	lr =	sadd.s32 s0, s3;
	s0 =	sld [smem:$0x3F9D]  }
0x30: {  	s3 =	sld [smem:$0x3FA0]  }
0x31: {  	[smem:$0x3FA9] =	sst s10  }
0x32: {  	s10 =	sld [smem:$0x3FA7];
	_ =	sdelay $0x3  }
0x33: {  	p0 =	seq.s32 s10, $0x1;
	s10 =	sld [smem:$0x3FA9];
	_ =	sdelay $0x3  }
0x34: {  	[smem:$0x3FA9] =	sst s10  }
0x35: {  	s10 =	sld [smem:$0x3FA8];
	_ =	sdelay $0x3  }
0x36: {  	p1 =	seq.s32 s10, $0x1;
	s10 =	sld [smem:$0x3FA9];
	_ =	sdelay $0x3  }
0x37: {  	[smem:$0x3FA9] =	sst s10  }
0x38: {  	s10 =	sld [smem:$0x3FAA]  }
0x39: {  	_ = 	snop;
	(pc) =	sbr.ind lr, $3  }
0x3a: {  	_ = 	snop  }
0x3b: {  	_ = 	snop  }
0x3c: {  	p2 =	seq.s32 s10, $0x1;
	s10 =	sld [smem:$0x3FA9]  }
0x3d: {  	_ =	shalt  }
0x3e: {  	_ =	shalt  }
0x3f: {  	_ =	shalt  }
0x40: {  	_ =	shalt  }
0x41: {  	_ =	shalt  }
0x42: {  	_ =	shalt  }
0x43: {  	_ =	shalt  }
0x44: {  	_ =	shalt  }
0x45: {  	_ =	shalt  }
0x46: {  	_ =	shalt  }
0x47: {  	_ =	shalt  }
0x48: {  	_ =	shalt  }
0x49: {  	_ =	shalt  }
0x4a: {  	_ =	shalt  }
0x4b: {  	_ =	shalt  }
0x4c: {  	_ =	shalt  }
0x4d: {  	_ =	shalt  }
0x4e: {  	_ =	shalt  }
0x4f: {  	_ =	shalt  }
0x50: {  	_ =	shalt  }
0x51: {  	_ =	shalt  }
0x52: {  	_ =	shalt  }
0x53: {  	_ =	shalt  }
0x54: {  	_ =	shalt  }
0x55: {  	_ =	shalt  }
0x56: {  	_ =	shalt  }
0x57: {  	_ =	shalt  }
0x58: {  	_ =	shalt  }
0x59: {  	_ =	shalt  }
0x5a: {  	_ =	shalt  }
0x5b: {  	_ =	shalt  }
0x5c: {  	_ =	shalt  }
0x5d: {  	_ =	shalt  }
0x5e: {  	_ =	shalt  }
0x5f: {  	_ =	shalt  }
0x60: {  	_ =	shalt  }
0x61: {  	_ =	shalt  }
0x62: {  	_ =	shalt  }
0x63: {  	_ =	shalt  }
0x64: {  	_ =	shalt  }
0x65: {  	_ =	shalt  }
0x66: {  	_ =	shalt  }
0x67: {  	_ =	shalt  }
0x68: {  	_ =	shalt  }
0x69: {  	_ =	shalt  }
0x6a: {  	_ =	shalt  }
0x6b: {  	_ =	shalt  }
0x6c: {  	_ =	shalt  }
0x6d: {  	_ =	shalt  }
0x6e: {  	_ =	shalt  }
0x6f: {  	_ =	shalt  }
0x70: {  	_ =	shalt  }
0x71: {  	_ =	shalt  }
0x72: {  	_ =	shalt  }
0x73: {  	_ =	shalt  }
0x74: {  	_ =	shalt  }
0x75: {  	_ =	shalt  }
0x76: {  	_ =	shalt  }
0x77: {  	_ =	shalt  }
0x78: {  	_ =	shalt  }
0x79: {  	_ =	shalt  }
0x7a: {  	_ =	shalt  }
0x7b: {  	_ =	shalt  }
0x7c: {  	_ =	shalt  }
0x7d: {  	_ =	shalt  }
0x7e: {  	_ =	shalt  }
0x7f: {  	_ =	shalt  }
0x80: {  	_ =	shalt  }
0x81: {  	_ =	shalt  }
0x82: {  	_ =	shalt  }
0x83: {  	_ =	shalt  }
0x84: {  	_ =	shalt  }
0x85: {  	_ =	shalt  }
0x86: {  	_ =	shalt  }
0x87: {  	_ =	shalt  }
.Lfunc_end0:
.L_simem_size_0:
called_computation.1_lowered:
.L_overlay_start_0:
0x88: {  	s2 =	sld [smem:$0x3FD9]  }
0x89: {  	s3 =	sld [smem:$0x3FFE];
	_ =	sdelay $0x1  }
0x8a: {  	s1 =	srdreg.scid  }
0x8b: {  	s0 =	sand.u32 $0x1, s1  }
0x8c: {  	s16 =	sshll.u32 s0, $0xA;
	s2 =	sadd.s32 s3, s2  }
0x8d: {  	s2 =	sadd.s32 s2, s16  }
0x8e: {  	[smem:$0x3FB5] =	sst s2  }
0x8f: {  	_ = 	snop  }
0x90: {  	(tm) =	ssettm $0x1  }
0x91: {  	s17 =	sld [smem:$0x3FFB];
	_ =	sdelay $0x3  }
0x92: {  	_ =	strace s17  }
0x93: {  	s2 =	sld [smem:$0x3FFC];
	_ =	sdelay $0x3  }
0x94: {  	_ =	strace s2  }
0x95: {  	s2 =	sld [smem:$0x3FFD];
	_ =	sdelay $0x3  }
0x96: {  	_ =	strace s2  }
0x97: {  	_ =	strace $0x8FFFFFFF  }
0x98: {  	s18 =	sld [smem:$0x3FDB];
	_ =	sdelay $0x1  }
0x99: {  	s19 =	simm.s32 $_scs_section_size  }
0x9a: {  	s4 =	simm.s32 $_size__tile_overlayer_lowered;
	s5 =	simm.s32 $_tile_overlayer_lowered  }
0x9b: {  	s22 =	simm.s32 $0x1BFF;
	s21 =	sshll.u32 s5, $0x1;
	s2 =	sadd.s32 s19, s18  }
0x9c: {  	s6 =	simm.s32 $0x0;
	s20 =	sshll.u32 s4, $0x1;
	s4 =	sadd.s32 s21, s2  }
0x9d: {  	[timem:s6], [sflag:s22] =	dma.local [hbm:s4], s20  }
0x9e: {  	_ =	swait.ge [sflag:s22], s20  }
0x9f: {  	s3 =	ssub.s32 $0x0, s20;
	[sflag:s22] =	ssyncset.done $0x0  }
0xa0: {  	[sflag:s22] =	ssyncadd.s32 s3;
	_ =	sdelay $0x1  }
0xa1: {  	s23 =	simm.s32 $0x1B8B  }
0xa2: {  	_ =	swait.ge [sflag:s23], $0x1  }
0xa3: {  	[sflag:s23] =	ssyncset.done $0x0  }
0xa4: {  	s25 =	simm.s32 $0x1B8E;
	s24 =	sld [smem:$0x3FFE];
	[sflag:s23] =	ssyncadd.s32 $0xFFFFFFFF  }
0xa5: {  	s26 =	simm.s32 $execute0_lowered;
	[smem:$0x3FD2] =	sst s25  }
0xa6: {  	s4 =	sshll.u32 s26, $0x1;
	_ =	strace $0x80000049;
	[dreg:$0x1] =	wrdreg $0xFFFFFFFF  }
0xa7: {  	s28 =	simm.s32 $_size_execute0_lowered;
	s2 =	sadd.s32 s2, s4;
	[dreg:$0x0] =	wrdreg $0x0  }
0xa8: {  	s4 =	sshll.u32 s28, $0x1;
	[dreg:$0x2] =	wrdreg s2  }
0xa9: {  	[dreg:$0x3] =	wrdreg s4  }
0xaa: {  	[dreg:$0x4] =	wrdreg $0xC0  }
0xab: {  	_ =	task [dreg:s6], $0x5FFFF  }
0xac: {  	[dreg:$0x1] =	wrdreg $0xFFFFFFFF  }
0xad: {  	[dreg:$0x0] =	wrdreg $0x60  }
0xae: {  	[dreg:$0x2] =	wrdreg s24  }
0xaf: {  	[dreg:$0x3] =	wrdreg $0xA8000  }
0xb0: {  	[dreg:$0x4] =	wrdreg $0x9  }
0xb1: {  	_ =	task.clear_ibuf [dreg:s6], $0x5FFFF;
	_ =	strace $0x90000049  }
0xb2: {  	s29 =	simm.s32 $0x9;
	_ =	strace $0x8000004B  }
0xb3: {  	_ =	swait.ge [sflag:s29], $0x1  }
0xb4: {  	[sflag:s29] =	ssyncadd.s32 $0xFFFFFFFF  }
0xb5: {  	_ =	strace $0x9000004B  }
0xb6: {  	_ =	sfence  }
0xb7: {  	s30 =	sld [smem:$0x0];
	_ =	sdelay $0x2  }
0xb8: {  	s31 =	sshll.u32 s1, $0xD;
	s1 =	sshrl.u32 s1, $0x2  }
0xb9: {  	s3 =	sand.u32 $0x4000, s31;
	s1 =	sadd.s32 s1, s30  }
0xba: {  	s0 =	sor.u32 s3, s0;
	s1 =	sshll.u32 s1, $0x11  }
0xbb: {  	s0 =	sor.u32 s1, s0  }
0xbc: {  	s0 =	sadd.s32 $0x8F2B, s0  }
0xbd: {  	[sflag:s0] =	ssyncadd.remote.s32 $0x1  }
0xbe: {  	_ =	sfence.sel $0xFFFF  }
0xbf: {  	[dreg:$0x0] =	wrdreg $0xFFFFFFFF;
	(pc) =	sbr.abs _section_cstart, $3  }
0xc0: {  	[dreg:$0x1] =	wrdreg $0xFFFFFFFF  }
0xc1: {  	_ =	task.clear_ibuf [dreg:s6], $0x2FFFF;
	_ =	strace $0x9FFFFFFF  }
0xc2: {  	(tm) =	ssettm $0x7FFFFFFF  }
0xc3: {  	_ =	shalt  }
tec
execute0_lowered:
.L_overlay_start_1:
0x0: {  	(tag) =	ssettag $0x1  }
0x1: {  	s6 =	rddreg [dreg:$0x0]  }
0x2: {  	s2 =	rddreg [dreg:$0x1]  }
0x3: {  	s0 =	srdreg.scid;
	s1 =	rddreg [dreg:$0x2]  }
0x4: {  	s3 =	simm.s32 $0x0;
	s14 =	simm.s32 $0x5;
	s15 =	simm.s32 $0x1400  }
0x5: {  	s16 =	simm.s32 $0x7D;
	s17 =	simm.s32 $0x2800;
	s18 =	simm.s32 $0x1  }
0x6: {  	s19 =	simm.s32 $0x80;
	s20 =	simm.s32 $0x6800;
	s7 =	sand.u32 $0x1, s0  }
0x7: {  	s21 =	simm.s32 $0x2;
	s0 =	stileid.u32;
	s4 =	smul.u32 $0x28000, s7  }
0x8: {  	s22 =	simm.s32 $0x3;
	s23 =	simm.s32 $0x100;
	s5 =	smul.u32 $0x2800, s0  }
0x9: {  	s24 =	simm.s32 $0x1480;
	s25 =	simm.s32 $0x4;
	s8 =	smul.u32 $0x140000, s7  }
0xa: {  	s26 =	simm.s32 $0x0;
	[smem:$0x7FF] =	sst s3;
	s10 =	smul.u32 $0x14000, s0  }
0xb: {  	_ =	strace $0x8000004A;
	s28 =	smul.u32 $0x50000, s0;
	s7 =	ssub.s32 $0x2, s7  }
0xc: {  	s31 =	sshll.u32 s0, $0x6;
	s29 =	sshrl.u32 s7, $0x1;
	s4 =	sadd.s32 s4, s5  }
0xd: {  	s5 =	sshrl.u32 s5, $0x3;
	s8 =	sadd.s32 s10, s8;
	s30 =	ssub.s32 s7, s29  }
0xe: {  	s9 =	sshrl.u32 s4, $0x3;
	s4 =	sadd.s32 $0x61E00, s6;
	s12 =	sadd.s32 s5, s6  }
.Ltmp0:
0xf: {  	s5 =	sadd.s32 $0x19A600, s6;
	s8 =	sshrl.u32 s8, $0x3;
	(pc) =	sbr.rel .LBB2_1-.Ltmp0, $4  }
0x10: {  	s11 =	sadd.s32 s9, s6;
	s8 =	sadd.s32 s8, s6;
	s9 =	sshrl.u32 s28, $0x2  }
0x11: {  	s6 =	sor.u32 $0x1C05, s31;
	s10 =	sadd.s32 $0x5CE00, s12;
	s12 =	sadd.s32 $0x5D080, s12  }
0x12: {  	s13 =	sadd.s32 s9, s2;
	s7 =	sadd.s32 $0x19CE00, s8;
	s8 =	smax.u32 s30, $0x1  }
0x13: {  	s9 =	sadd.s32 $0x52E00, s11;
	s11 =	sadd.s32 $0x53080, s11;
	s13 =	sshrl.u32 s13, $0x3  }
.LBB2_7:
0x14: {  	[spmem:s2] =	stream.indirect.scatter.add.f32 [tilespmem:s20], [sflag:$0x4], $0x80, s30, s16, $0xb8;
	[tilespmem:$0x1E800] =	vst v63  }
0x15: {  	_ =	swait.ge [sflag:s22], $0x3E80  }
0x16: {  	[sflag:s22] =	ssyncset.done $0x0  }
0x17: {  	[sflag:s22] =	ssyncadd.s32 $0xFFFFC180  }
0x18: {  	_ =	swait.ge [sflag:s25], $0x3E80  }
0x19: {  	s26 =	sadd.s32 $0x1, s26;
	[sflag:s25] =	ssyncset.done $0x0  }
0x1a: {  	p0 =	sne.s32 s26, s8;
	[sflag:s25] =	ssyncadd.s32 $0xFFFFC180  }
.Ltmp1:
0x1b: {  	[bflag:$0x0] =	sbarrier.arrive $0xFFFF;
	(pc) =	sbr.rel @!p0 .LBB2_8-.Ltmp1, $4  }
0x1c: {  	[hbm:s7], [sflag:s6] =	dma.local [spmem:s13], $0x2800  }
0x1d: {  	_ =	swait.ge [sflag:s14], $0x2800  }
0x1e: {  	[sflag:s14] =	ssyncset.done $0x0  }
0x1f: {  	[sflag:s14] =	ssyncadd.s32 $0xFFFFD800  }
.LBB2_1:
0x20: {  	[spmem:s13], [sflag:s6] =	dma.local [hbm:s5], $0x2800  }
0x21: {  	_ =	swait.ge [sflag:s14], $0x2800  }
0x22: {  	[sflag:s14] =	ssyncset.done $0x0  }
0x23: {  	[sflag:s14] =	ssyncadd.s32 $0xFFFFD800  }
0x24: {  	[bflag:$0x0] =	sbarrier.arrive $0xFFFF  }
0x25: {  	[tilespmem:s3], [sflag:$0x5] =	stream.linear.gather [hbm4b:s9+s3], $0x1400, $0x38;
	[tilespmem:$0x1E800] =	vst v63  }
0x26: {  	_ =	swait.ge [sflag:s14], $0x1400  }
0x27: {  	[sflag:s14] =	ssyncset.done $0x0  }
0x28: {  	[sflag:s14] =	ssyncadd.s32 $0xFFFFEC00  }
0x29: {  	[tilespmem:s15], [sflag:$0x5] =	stream.linear.gather [hbm4b:s10+s3], $0x1400, $0x38;
	[tilespmem:$0x1E800] =	vst v63  }
0x2a: {  	_ =	swait.ge [sflag:s14], $0x1400  }
0x2b: {  	[sflag:s14] =	ssyncset.done $0x0  }
0x2c: {  	[sflag:s14] =	ssyncadd.s32 $0xFFFFEC00  }
0x2d: {  	[tilespmem:s17], [sflag:$0x1] =	stream.indirect.gather [hbm4b:s4+s16], $0x80, s3, s16, $0xb8;
	[tilespmem:$0x1E800] =	vst v63  }
0x2e: {  	_ =	swait.ge [sflag:s18], $0x3E80  }
0x2f: {  	[sflag:s18] =	ssyncset.done $0x0  }
0x30: {  	[sflag:s18] =	ssyncadd.s32 $0xFFFFC180  }
0x31: {  	[tilespmem:s20], [sflag:$0x2] =	stream.indirect.gather [hbm4b:s4+s16], $0x80, s19, s16, $0xb8;
	[tilespmem:$0x1E800] =	vst v63  }
0x32: {  	_ = 	snop  }
0x33: {  	[spmem:s2] =	stream.indirect.scatter.add.f32 [tilespmem:s17], [sflag:$0x3], $0x80, s15, s16, $0xb8;
	[tilespmem:$0x1E800] =	vst v63  }
0x34: {  	_ =	swait.ge [sflag:s21], $0x3E80  }
0x35: {  	[sflag:s21] =	ssyncset.done $0x0  }
0x36: {  	[sflag:s21] =	ssyncadd.s32 $0xFFFFC180  }
0x37: {  	_ =	swait.ge [sflag:s22], $0x3E80  }
0x38: {  	[sflag:s22] =	ssyncset.done $0x0  }
0x39: {  	[sflag:s22] =	ssyncadd.s32 $0xFFFFC180  }
0x3a: {  	[tilespmem:s17], [sflag:$0x1] =	stream.indirect.gather [hbm4b:s4+s16], $0x80, s23, s16, $0xb8;
	[tilespmem:$0x1E800] =	vst v63  }
0x3b: {  	s28 =	simm.s32 $0xFFFFB800  }
0x3c: {  	[spmem:s2] =	stream.indirect.scatter.add.f32 [tilespmem:s20], [sflag:$0x4], $0x80, s24, s16, $0xb8;
	[tilespmem:$0x1E800] =	vst v63  }
.LBB2_2:
0x3d: {  	_ =	swait.ge [sflag:s18], $0x3E80  }
0x3e: {  	[sflag:s18] =	ssyncset.done $0x0  }
0x3f: {  	[sflag:s18] =	ssyncadd.s32 $0xFFFFC180  }
0x40: {  	_ =	swait.ge [sflag:s25], $0x3E80  }
0x41: {  	s29 =	sshra.s32 s28, $0x2;
	[sflag:s25] =	ssyncset.done $0x0  }
0x42: {  	p0 =	seq.s32 s28, $0x0;
	s30 =	sadd.s32 $0x1380, s29;
	[sflag:s25] =	ssyncadd.s32 $0xFFFFC180  }
0x43: {  	[tilespmem:s20], [sflag:$0x2] =	stream.indirect.gather [hbm4b:s4+s16], $0x80, s30, s16, $0xb8;
	[tilespmem:$0x1E800] =	vst v63  }
.Ltmp2:
0x44: {  	s30 =	sadd.s32 $0x2700, s29;
	(pc) =	sbr.rel @p0 .LBB2_4-.Ltmp2, $4  }
0x45: {  	[spmem:s2] =	stream.indirect.scatter.add.f32 [tilespmem:s17], [sflag:$0x3], $0x80, s30, s16, $0xb8;
	[tilespmem:$0x1E800] =	vst v63  }
0x46: {  	_ =	swait.ge [sflag:s21], $0x3E80  }
0x47: {  	[sflag:s21] =	ssyncset.done $0x0  }
0x48: {  	s30 =	sadd.s32 $0x2780, s29;
	[sflag:s21] =	ssyncadd.s32 $0xFFFFC180  }
0x49: {  	_ =	swait.ge [sflag:s22], $0x3E80  }
.Ltmp3:
0x4a: {  	[sflag:s22] =	ssyncset.done $0x0;
	(pc) =	sbr.rel .LBB2_2-.Ltmp3, $4  }
0x4b: {  	s29 =	sadd.s32 $0x1400, s29;
	[sflag:s22] =	ssyncadd.s32 $0xFFFFC180  }
0x4c: {  	[tilespmem:s17], [sflag:$0x1] =	stream.indirect.gather [hbm4b:s4+s16], $0x80, s29, s16, $0xb8;
	[tilespmem:$0x1E800] =	vst v63  }
0x4d: {  	s28 =	sadd.s32 $0x400, s28  }
0x4e: {  	[spmem:s2] =	stream.indirect.scatter.add.f32 [tilespmem:s20], [sflag:$0x4], $0x80, s30, s16, $0xb8;
	[tilespmem:$0x1E800] =	vst v63  }
.LBB2_4:
0x4f: {  	[spmem:s2] =	stream.indirect.scatter.add.f32 [tilespmem:s20], [sflag:$0x4], $0x80, s30, s16, $0xb8;
	[tilespmem:$0x1E800] =	vst v63  }
0x50: {  	_ =	swait.ge [sflag:s22], $0x3E80  }
0x51: {  	[sflag:s22] =	ssyncset.done $0x0  }
0x52: {  	[sflag:s22] =	ssyncadd.s32 $0xFFFFC180  }
0x53: {  	_ =	swait.ge [sflag:s25], $0x3E80  }
0x54: {  	[sflag:s25] =	ssyncset.done $0x0  }
0x55: {  	[sflag:s25] =	ssyncadd.s32 $0xFFFFC180  }
0x56: {  	[tilespmem:s3], [sflag:$0x5] =	stream.linear.gather [hbm4b:s11+s3], $0x1400, $0x38;
	[tilespmem:$0x1E800] =	vst v63  }
0x57: {  	_ =	swait.ge [sflag:s14], $0x1400  }
0x58: {  	[sflag:s14] =	ssyncset.done $0x0  }
0x59: {  	[sflag:s14] =	ssyncadd.s32 $0xFFFFEC00  }
0x5a: {  	[tilespmem:s15], [sflag:$0x5] =	stream.linear.gather [hbm4b:s12+s3], $0x1400, $0x38;
	[tilespmem:$0x1E800] =	vst v63  }
0x5b: {  	_ =	swait.ge [sflag:s14], $0x1400  }
0x5c: {  	[sflag:s14] =	ssyncset.done $0x0  }
0x5d: {  	[sflag:s14] =	ssyncadd.s32 $0xFFFFEC00  }
0x5e: {  	[tilespmem:s17], [sflag:$0x1] =	stream.indirect.gather [hbm4b:s4+s16], $0x80, s3, s16, $0xb8;
	[tilespmem:$0x1E800] =	vst v63  }
0x5f: {  	_ =	swait.ge [sflag:s18], $0x3E80  }
0x60: {  	[sflag:s18] =	ssyncset.done $0x0  }
0x61: {  	[sflag:s18] =	ssyncadd.s32 $0xFFFFC180  }
0x62: {  	[tilespmem:s20], [sflag:$0x2] =	stream.indirect.gather [hbm4b:s4+s16], $0x80, s19, s16, $0xb8;
	[tilespmem:$0x1E800] =	vst v63  }
0x63: {  	_ = 	snop  }
0x64: {  	[spmem:s2] =	stream.indirect.scatter.add.f32 [tilespmem:s17], [sflag:$0x3], $0x80, s15, s16, $0xb8;
	[tilespmem:$0x1E800] =	vst v63  }
0x65: {  	_ =	swait.ge [sflag:s21], $0x3E80  }
0x66: {  	[sflag:s21] =	ssyncset.done $0x0  }
0x67: {  	[sflag:s21] =	ssyncadd.s32 $0xFFFFC180  }
0x68: {  	_ =	swait.ge [sflag:s22], $0x3E80  }
0x69: {  	[sflag:s22] =	ssyncset.done $0x0  }
0x6a: {  	[sflag:s22] =	ssyncadd.s32 $0xFFFFC180  }
0x6b: {  	[tilespmem:s17], [sflag:$0x1] =	stream.indirect.gather [hbm4b:s4+s16], $0x80, s23, s16, $0xb8;
	[tilespmem:$0x1E800] =	vst v63  }
0x6c: {  	s28 =	simm.s32 $0xFFFFB800  }
0x6d: {  	[spmem:s2] =	stream.indirect.scatter.add.f32 [tilespmem:s20], [sflag:$0x4], $0x80, s24, s16, $0xb8;
	[tilespmem:$0x1E800] =	vst v63  }
.LBB2_5:
0x6e: {  	_ =	swait.ge [sflag:s18], $0x3E80  }
0x6f: {  	[sflag:s18] =	ssyncset.done $0x0  }
0x70: {  	[sflag:s18] =	ssyncadd.s32 $0xFFFFC180  }
0x71: {  	_ =	swait.ge [sflag:s25], $0x3E80  }
0x72: {  	s29 =	sshra.s32 s28, $0x2;
	[sflag:s25] =	ssyncset.done $0x0  }
0x73: {  	p0 =	seq.s32 s28, $0x0;
	s30 =	sadd.s32 $0x1380, s29;
	[sflag:s25] =	ssyncadd.s32 $0xFFFFC180  }
0x74: {  	[tilespmem:s20], [sflag:$0x2] =	stream.indirect.gather [hbm4b:s4+s16], $0x80, s30, s16, $0xb8;
	[tilespmem:$0x1E800] =	vst v63  }
.Ltmp4:
0x75: {  	s30 =	sadd.s32 $0x2700, s29;
	(pc) =	sbr.rel @p0 .LBB2_7-.Ltmp4, $4  }
0x76: {  	[spmem:s2] =	stream.indirect.scatter.add.f32 [tilespmem:s17], [sflag:$0x3], $0x80, s30, s16, $0xb8;
	[tilespmem:$0x1E800] =	vst v63  }
0x77: {  	_ =	swait.ge [sflag:s21], $0x3E80  }
0x78: {  	[sflag:s21] =	ssyncset.done $0x0  }
0x79: {  	s30 =	sadd.s32 $0x2780, s29;
	[sflag:s21] =	ssyncadd.s32 $0xFFFFC180  }
0x7a: {  	_ =	swait.ge [sflag:s22], $0x3E80  }
.Ltmp5:
0x7b: {  	[sflag:s22] =	ssyncset.done $0x0;
	(pc) =	sbr.rel .LBB2_5-.Ltmp5, $4  }
0x7c: {  	s29 =	sadd.s32 $0x1400, s29;
	[sflag:s22] =	ssyncadd.s32 $0xFFFFC180  }
0x7d: {  	[tilespmem:s17], [sflag:$0x1] =	stream.indirect.gather [hbm4b:s4+s16], $0x80, s29, s16, $0xb8;
	[tilespmem:$0x1E800] =	vst v63  }
0x7e: {  	s28 =	sadd.s32 $0x400, s28  }
0x7f: {  	[spmem:s2] =	stream.indirect.scatter.add.f32 [tilespmem:s20], [sflag:$0x4], $0x80, s30, s16, $0xb8;
	[tilespmem:$0x1E800] =	vst v63  }
.LBB2_8:
0x80: {  	_ =	sfence.sel $0x180000  }
0x81: {  	[bflag:$0x0] =	sbarrier.arrive $0xFFFF  }
0x82: {  	p0 =	sne.s32 s0, $0x0;
	_ =	strace $0x9000004A  }
0x83: {  	s0 =	sadd.s32 @!p0 $0x100000, s1;
	[bflag:$0x2] =	sbarrier.arrive $0xFFFF  }
0x84: {  	[sflag:s0] =	ssyncadd.tile.s32 @!p0 $0x1;
	_ =	shalt  }
.Lfunc_end2:
_tile_overlayer_lowered:
.L_overlay_start_2:
0x85: {  	(tag) =	ssettag $0x2  }
0x86: {  	s0 =	rddreg [dreg:$0x0];
	s2 =	stileid.u32  }
0x87: {  	s1 =	rddreg [dreg:$0x1];
	p0 =	sne.s32 s2, $0x0  }
0x88: {  	s3 =	rddreg [dreg:$0x2];
	[bflag:$0x3] =	sbarrier.arrive $0xFFFF;
	s2 =	simm.s32 @!p0 $0x1C05  }
0x89: {  	[timem:s3], [sflag:s2] =	dma.local @!p0 [hbm:s0], s1  }
0x8a: {  	s0 =	simm.s32 @!p0 $0x5  }
0x8b: {  	_ =	swait.ge @!p0 [sflag:s0], s1  }
0x8c: {  	s1 =	ssub.s32 @!p0 $0x0, s1;
	[sflag:s0] =	ssyncset.done @!p0 $0x0  }
0x8d: {  	[sflag:s0] =	ssyncadd.s32 @!p0 s1  }
0x8e: {  	[bflag:$0x3] =	sbarrier.arrive $0xFFFF  }
0x8f: {  	_ =	shalt  }

// kernel: kernel.22.cloned.1.call-start
scs
__scs_entry_jumppad:
0x0: {  	(pc) =	sbr.rel $0x88, $3  }
0x1: {  	(tag) =	ssettag $0x0;
	lr =	simm.s32 $0x1  }
0x2: {  	[smem:$0x3F8E] =	sst lr;
	_ =	strace $0xD0000000  }
0x3: {  	_ = 	snop  }
0x4: {  	_ = 	snop  }
0x5: {  	_ = 	snop  }
0x6: {  	_ = 	snop  }
0x7: {  	_ = 	snop  }
__scs_overlays_trampoline_lowered:
0x8: {  	[smem:$0x3F9D] =	sst s0  }
0x9: {  	[smem:$0x3F9E] =	sst s1  }
0xa: {  	[smem:$0x3F9F] =	sst s2  }
0xb: {  	[smem:$0x3FA0] =	sst s3  }
0xc: {  	[smem:$0x3FA1] =	sst s4  }
0xd: {  	[smem:$0x3FA2] =	sst s5  }
0xe: {  	[smem:$0x3FA3] =	sst s6  }
0xf: {  	[smem:$0x3FA4] =	sst s7  }
0x10: {  	[smem:$0x3FA5] =	sst s8  }
0x11: {  	[smem:$0x3FA6] =	sst s9;
	s0 =	simm.s32 @!p0 $0x0  }
0x12: {  	s1 =	sld [smem:$0x3F8C];
	s0 =	simm.s32 @p0 $0x1  }
0x13: {  	[smem:$0x3FA7] =	sst s0;
	s0 =	simm.s32 @!p1 $0x0  }
0x14: {  	s2 =	sld [smem:$0x3F8B];
	s0 =	simm.s32 @p1 $0x1  }
0x15: {  	[smem:$0x3FA8] =	sst s0;
	s0 =	simm.s32 @!p2 $0x0  }
0x16: {  	s3 =	sld [smem:$0x3FDB];
	s0 =	simm.s32 @p2 $0x1  }
0x17: {  	s4 =	simm.s32 $0x1BF5;
	[smem:$0x3FAA] =	sst s0  }
0x18: {  	s0 =	sld [smem:$0x3F8D];
	_ =	swait.ge [sflag:s4], $0x0  }
0x19: {  	s7 =	sld [smem:$0x3F8E]  }
0x1a: {  	s8 =	sadd.s32 $0xFFFFE003, lr  }
0x1b: {  	s9 =	sadd.s32 $0xFFFFFEF7, lr;
	s5 =	simm.s32 $0xFFFFFFFF;
	p2 =	slt.u32 s8, $0xFFFFF086  }
0x1c: {  	p1 =	slt.u32 s9, $0xF7A;
	s5 =	simm.s32 @!p2 $0x0  }
0x1d: {  	s5 =	simm.s32 @p1 $0x1;
	p0 =	seq.s32 s7, s2  }
0x1e: {  	s7 =	smul.u32 @!p0 $0xF7A, s2;
	p2 =	seq.s32 @!p0 s5, $0x0  }
0x1f: {  	s9 =	smul.u32 $0xF7A, s1;
	s8 =	simm.s32 @!p0 $0x1BF5;
	p2 =	por !p2, p0  }
0x20: {  	[sflag:s8] =	ssyncset.s32 @!p0 $0xFFFFF086;
	s6 =	sadd.s32 @!p0 s3, s7;
	s7 =	simm.s32 @!p0 $0x108  }
0x21: {  	s3 =	sadd.s32 s3, s9;
	s6 =	sadd.s32 @!p0 $0x88, s6;
	s7 =	simm.s32 @p2 $0x1082  }
0x22: {  	[simem:s7], [sflag:s8] =	dma.local @!p0 [hbm:s6], $0xF7A  }
0x23: {  	s9 =	sor.u32 $0xD0000000, s2;
	s6 =	simm.s32 $0x108;
	_ =	swait.ge @!p0 [sflag:s8], $0x0  }
0x24: {  	s3 =	sadd.s32 $0x88, s3;
	s6 =	simm.s32 @!p1 $0x1082;
	[sflag:s4] =	ssyncset.s32 $0xFFFFF086  }
0x25: {  	[simem:s6], [sflag:s4] =	dma.local [hbm:s3], $0xF7A  }
0x26: {  	[smem:$0x3F8E] =	sst s1;
	(tag) =	ssettag s2;
	_ =	strace s9  }
0x27: {  	s1 =	sld [smem:$0x3F9E]  }
0x28: {  	s2 =	sld [smem:$0x3F9F]  }
0x29: {  	s4 =	sld [smem:$0x3FA1]  }
0x2a: {  	p0 =	seq.s32 s5, $0x0;
	s5 =	sld [smem:$0x3FA2]  }
0x2b: {  	s6 =	sld [smem:$0x3FA3]  }
0x2c: {  	s7 =	sld [smem:$0x3FA4]  }
0x2d: {  	s3 =	simm.s32 $0x108;
	s8 =	sld [smem:$0x3FA5]  }
0x2e: {  	s3 =	simm.s32 @!p0 $0x1082;
	s9 =	sld [smem:$0x3FA6]  }
0x2f: {  	lr =	sadd.s32 s0, s3;
	s0 =	sld [smem:$0x3F9D]  }
0x30: {  	s3 =	sld [smem:$0x3FA0]  }
0x31: {  	[smem:$0x3FA9] =	sst s10  }
0x32: {  	s10 =	sld [smem:$0x3FA7];
	_ =	sdelay $0x3  }
0x33: {  	p0 =	seq.s32 s10, $0x1;
	s10 =	sld [smem:$0x3FA9];
	_ =	sdelay $0x3  }
0x34: {  	[smem:$0x3FA9] =	sst s10  }
0x35: {  	s10 =	sld [smem:$0x3FA8];
	_ =	sdelay $0x3  }
0x36: {  	p1 =	seq.s32 s10, $0x1;
	s10 =	sld [smem:$0x3FA9];
	_ =	sdelay $0x3  }
0x37: {  	[smem:$0x3FA9] =	sst s10  }
0x38: {  	s10 =	sld [smem:$0x3FAA]  }
0x39: {  	_ = 	snop;
	(pc) =	sbr.ind lr, $3  }
0x3a: {  	_ = 	snop  }
0x3b: {  	_ = 	snop  }
0x3c: {  	p2 =	seq.s32 s10, $0x1;
	s10 =	sld [smem:$0x3FA9]  }
0x3d: {  	_ =	shalt  }
0x3e: {  	_ =	shalt  }
0x3f: {  	_ =	shalt  }
0x40: {  	_ =	shalt  }
0x41: {  	_ =	shalt  }
0x42: {  	_ =	shalt  }
0x43: {  	_ =	shalt  }
0x44: {  	_ =	shalt  }
0x45: {  	_ =	shalt  }
0x46: {  	_ =	shalt  }
0x47: {  	_ =	shalt  }
0x48: {  	_ =	shalt  }
0x49: {  	_ =	shalt  }
0x4a: {  	_ =	shalt  }
0x4b: {  	_ =	shalt  }
0x4c: {  	_ =	shalt  }
0x4d: {  	_ =	shalt  }
0x4e: {  	_ =	shalt  }
0x4f: {  	_ =	shalt  }
0x50: {  	_ =	shalt  }
0x51: {  	_ =	shalt  }
0x52: {  	_ =	shalt  }
0x53: {  	_ =	shalt  }
0x54: {  	_ =	shalt  }
0x55: {  	_ =	shalt  }
0x56: {  	_ =	shalt  }
0x57: {  	_ =	shalt  }
0x58: {  	_ =	shalt  }
0x59: {  	_ =	shalt  }
0x5a: {  	_ =	shalt  }
0x5b: {  	_ =	shalt  }
0x5c: {  	_ =	shalt  }
0x5d: {  	_ =	shalt  }
0x5e: {  	_ =	shalt  }
0x5f: {  	_ =	shalt  }
0x60: {  	_ =	shalt  }
0x61: {  	_ =	shalt  }
0x62: {  	_ =	shalt  }
0x63: {  	_ =	shalt  }
0x64: {  	_ =	shalt  }
0x65: {  	_ =	shalt  }
0x66: {  	_ =	shalt  }
0x67: {  	_ =	shalt  }
0x68: {  	_ =	shalt  }
0x69: {  	_ =	shalt  }
0x6a: {  	_ =	shalt  }
0x6b: {  	_ =	shalt  }
0x6c: {  	_ =	shalt  }
0x6d: {  	_ =	shalt  }
0x6e: {  	_ =	shalt  }
0x6f: {  	_ =	shalt  }
0x70: {  	_ =	shalt  }
0x71: {  	_ =	shalt  }
0x72: {  	_ =	shalt  }
0x73: {  	_ =	shalt  }
0x74: {  	_ =	shalt  }
0x75: {  	_ =	shalt  }
0x76: {  	_ =	shalt  }
0x77: {  	_ =	shalt  }
0x78: {  	_ =	shalt  }
0x79: {  	_ =	shalt  }
0x7a: {  	_ =	shalt  }
0x7b: {  	_ =	shalt  }
0x7c: {  	_ =	shalt  }
0x7d: {  	_ =	shalt  }
0x7e: {  	_ =	shalt  }
0x7f: {  	_ =	shalt  }
0x80: {  	_ =	shalt  }
0x81: {  	_ =	shalt  }
0x82: {  	_ =	shalt  }
0x83: {  	_ =	shalt  }
0x84: {  	_ =	shalt  }
0x85: {  	_ =	shalt  }
0x86: {  	_ =	shalt  }
0x87: {  	_ =	shalt  }
.Lfunc_end0:
.L_simem_size_0:
called_computation.2_lowered:
.L_overlay_start_0:
0x88: {  	s2 =	sld [smem:$0x3FD9]  }
0x89: {  	s3 =	sld [smem:$0x3FFE];
	_ =	sdelay $0x1  }
0x8a: {  	s1 =	srdreg.scid  }
0x8b: {  	s0 =	sand.u32 $0x1, s1  }
0x8c: {  	s16 =	sshll.u32 s0, $0xA;
	s2 =	sadd.s32 s3, s2  }
0x8d: {  	s2 =	sadd.s32 s2, s16  }
0x8e: {  	[smem:$0x3FB5] =	sst s2  }
0x8f: {  	_ = 	snop  }
0x90: {  	(tm) =	ssettm $0x1  }
0x91: {  	s17 =	sld [smem:$0x3FFB];
	_ =	sdelay $0x3  }
0x92: {  	_ =	strace s17  }
0x93: {  	s2 =	sld [smem:$0x3FFC];
	_ =	sdelay $0x3  }
0x94: {  	_ =	strace s2  }
0x95: {  	s2 =	sld [smem:$0x3FFD];
	_ =	sdelay $0x3  }
0x96: {  	_ =	strace s2  }
0x97: {  	_ =	strace $0x8FFFFFFF  }
0x98: {  	s18 =	sld [smem:$0x3FDB];
	_ =	sdelay $0x1  }
0x99: {  	s19 =	simm.s32 $_scs_section_size  }
0x9a: {  	s4 =	simm.s32 $_size__tile_overlayer_lowered;
	s5 =	simm.s32 $_tile_overlayer_lowered  }
0x9b: {  	s22 =	simm.s32 $0x1BFF;
	s21 =	sshll.u32 s5, $0x1;
	s2 =	sadd.s32 s19, s18  }
0x9c: {  	s6 =	simm.s32 $0x0;
	s20 =	sshll.u32 s4, $0x1;
	s4 =	sadd.s32 s21, s2  }
0x9d: {  	[timem:s6], [sflag:s22] =	dma.local [hbm:s4], s20  }
0x9e: {  	_ =	swait.ge [sflag:s22], s20  }
0x9f: {  	s3 =	ssub.s32 $0x0, s20;
	[sflag:s22] =	ssyncset.done $0x0  }
0xa0: {  	[sflag:s22] =	ssyncadd.s32 s3;
	_ =	sdelay $0x1  }
0xa1: {  	s23 =	simm.s32 $0x1B8B  }
0xa2: {  	_ =	swait.ge [sflag:s23], $0x1  }
0xa3: {  	[sflag:s23] =	ssyncset.done $0x0  }
0xa4: {  	s25 =	simm.s32 $0x1B8E;
	s24 =	sld [smem:$0x3FFE];
	[sflag:s23] =	ssyncadd.s32 $0xFFFFFFFF  }
0xa5: {  	s26 =	simm.s32 $execute0_lowered;
	[smem:$0x3FD2] =	sst s25  }
0xa6: {  	s4 =	sshll.u32 s26, $0x1;
	_ =	strace $0x8000004C;
	[dreg:$0x1] =	wrdreg $0xFFFFFFFF  }
0xa7: {  	s28 =	simm.s32 $_size_execute0_lowered;
	s2 =	sadd.s32 s2, s4;
	[dreg:$0x0] =	wrdreg $0x0  }
0xa8: {  	s4 =	sshll.u32 s28, $0x1;
	[dreg:$0x2] =	wrdreg s2  }
0xa9: {  	[dreg:$0x3] =	wrdreg s4  }
0xaa: {  	[dreg:$0x4] =	wrdreg $0xC0  }
0xab: {  	_ =	task [dreg:s6], $0x5FFFF  }
0xac: {  	[dreg:$0x1] =	wrdreg $0xFFFFFFFF  }
0xad: {  	[dreg:$0x0] =	wrdreg $0x60  }
0xae: {  	[dreg:$0x2] =	wrdreg s24  }
0xaf: {  	[dreg:$0x3] =	wrdreg $0xA8000  }
0xb0: {  	[dreg:$0x4] =	wrdreg $0x9  }
0xb1: {  	_ =	task.clear_ibuf [dreg:s6], $0x5FFFF;
	_ =	strace $0x9000004C  }
0xb2: {  	s29 =	simm.s32 $0x9;
	_ =	strace $0x8000004E  }
0xb3: {  	_ =	swait.ge [sflag:s29], $0x1  }
0xb4: {  	[sflag:s29] =	ssyncadd.s32 $0xFFFFFFFF  }
0xb5: {  	_ =	strace $0x9000004E  }
0xb6: {  	_ =	sfence  }
0xb7: {  	s30 =	sld [smem:$0x0];
	_ =	sdelay $0x2  }
0xb8: {  	s31 =	sshll.u32 s1, $0xD;
	s1 =	sshrl.u32 s1, $0x2  }
0xb9: {  	s3 =	sand.u32 $0x4000, s31;
	s1 =	sadd.s32 s1, s30  }
0xba: {  	s0 =	sor.u32 s3, s0;
	s1 =	sshll.u32 s1, $0x11  }
0xbb: {  	s0 =	sor.u32 s1, s0  }
0xbc: {  	s0 =	sadd.s32 $0x8F2B, s0  }
0xbd: {  	[sflag:s0] =	ssyncadd.remote.s32 $0x1  }
0xbe: {  	_ =	sfence.sel $0xFFFF  }
0xbf: {  	[dreg:$0x0] =	wrdreg $0xFFFFFFFF;
	(pc) =	sbr.abs _section_cstart, $3  }
0xc0: {  	[dreg:$0x1] =	wrdreg $0xFFFFFFFF  }
0xc1: {  	_ =	task.clear_ibuf [dreg:s6], $0x2FFFF;
	_ =	strace $0x9FFFFFFF  }
0xc2: {  	(tm) =	ssettm $0x7FFFFFFF  }
0xc3: {  	_ =	shalt  }
tec
execute0_lowered:
.L_overlay_start_1:
0x0: {  	(tag) =	ssettag $0x1  }
0x1: {  	s6 =	rddreg [dreg:$0x0]  }
0x2: {  	s2 =	rddreg [dreg:$0x1]  }
0x3: {  	s0 =	srdreg.scid;
	s1 =	rddreg [dreg:$0x2]  }
0x4: {  	s3 =	simm.s32 $0x0;
	s14 =	simm.s32 $0x5;
	s15 =	simm.s32 $0x1400  }
0x5: {  	s16 =	simm.s32 $0x7D;
	s17 =	simm.s32 $0x2800;
	s18 =	simm.s32 $0x1  }
0x6: {  	s19 =	simm.s32 $0x80;
	s20 =	simm.s32 $0x6800;
	s7 =	sand.u32 $0x1, s0  }
0x7: {  	s21 =	simm.s32 $0x2;
	s0 =	stileid.u32;
	s4 =	smul.u32 $0x28000, s7  }
0x8: {  	s22 =	simm.s32 $0x3;
	s23 =	simm.s32 $0x100;
	s5 =	smul.u32 $0x2800, s0  }
0x9: {  	s24 =	simm.s32 $0x1480;
	s25 =	simm.s32 $0x4;
	s8 =	smul.u32 $0x140000, s7  }
0xa: {  	s26 =	simm.s32 $0x0;
	[smem:$0x7FF] =	sst s3;
	s10 =	smul.u32 $0x14000, s0  }
0xb: {  	_ =	strace $0x8000004D;
	s28 =	smul.u32 $0x50000, s0;
	s7 =	ssub.s32 $0x2, s7  }
0xc: {  	s31 =	sshll.u32 s0, $0x6;
	s29 =	sshrl.u32 s7, $0x1;
	s4 =	sadd.s32 s4, s5  }
0xd: {  	s5 =	sshrl.u32 s5, $0x3;
	s8 =	sadd.s32 s10, s8;
	s30 =	ssub.s32 s7, s29  }
0xe: {  	s9 =	sshrl.u32 s4, $0x3;
	s4 =	sadd.s32 $0x61E00, s6;
	s12 =	sadd.s32 s5, s6  }
.Ltmp0:
0xf: {  	s5 =	sadd.s32 $0x19A600, s6;
	s8 =	sshrl.u32 s8, $0x3;
	(pc) =	sbr.rel .LBB2_1-.Ltmp0, $4  }
0x10: {  	s11 =	sadd.s32 s9, s6;
	s8 =	sadd.s32 s8, s6;
	s9 =	sshrl.u32 s28, $0x2  }
0x11: {  	s6 =	sor.u32 $0x1C05, s31;
	s10 =	sadd.s32 $0x5CE00, s12;
	s12 =	sadd.s32 $0x5D080, s12  }
0x12: {  	s13 =	sadd.s32 s9, s2;
	s7 =	sadd.s32 $0x19CE00, s8;
	s8 =	smax.u32 s30, $0x1  }
0x13: {  	s9 =	sadd.s32 $0x52E00, s11;
	s11 =	sadd.s32 $0x53080, s11;
	s13 =	sshrl.u32 s13, $0x3  }
.LBB2_7:
0x14: {  	[spmem:s2] =	stream.indirect.scatter.add.f32 [tilespmem:s20], [sflag:$0x4], $0x80, s30, s16, $0xb8;
	[tilespmem:$0x1E800] =	vst v63  }
0x15: {  	_ =	swait.ge [sflag:s22], $0x3E80  }
0x16: {  	[sflag:s22] =	ssyncset.done $0x0  }
0x17: {  	[sflag:s22] =	ssyncadd.s32 $0xFFFFC180  }
0x18: {  	_ =	swait.ge [sflag:s25], $0x3E80  }
0x19: {  	s26 =	sadd.s32 $0x1, s26;
	[sflag:s25] =	ssyncset.done $0x0  }
0x1a: {  	p0 =	sne.s32 s26, s8;
	[sflag:s25] =	ssyncadd.s32 $0xFFFFC180  }
.Ltmp1:
0x1b: {  	[bflag:$0x0] =	sbarrier.arrive $0xFFFF;
	(pc) =	sbr.rel @!p0 .LBB2_8-.Ltmp1, $4  }
0x1c: {  	[hbm:s7], [sflag:s6] =	dma.local [spmem:s13], $0x2800  }
0x1d: {  	_ =	swait.ge [sflag:s14], $0x2800  }
0x1e: {  	[sflag:s14] =	ssyncset.done $0x0  }
0x1f: {  	[sflag:s14] =	ssyncadd.s32 $0xFFFFD800  }
.LBB2_1:
0x20: {  	[spmem:s13], [sflag:s6] =	dma.local [hbm:s5], $0x2800  }
0x21: {  	_ =	swait.ge [sflag:s14], $0x2800  }
0x22: {  	[sflag:s14] =	ssyncset.done $0x0  }
0x23: {  	[sflag:s14] =	ssyncadd.s32 $0xFFFFD800  }
0x24: {  	[bflag:$0x0] =	sbarrier.arrive $0xFFFF  }
0x25: {  	[tilespmem:s3], [sflag:$0x5] =	stream.linear.gather [hbm4b:s9+s3], $0x1400, $0x38;
	[tilespmem:$0x1E800] =	vst v63  }
0x26: {  	_ =	swait.ge [sflag:s14], $0x1400  }
0x27: {  	[sflag:s14] =	ssyncset.done $0x0  }
0x28: {  	[sflag:s14] =	ssyncadd.s32 $0xFFFFEC00  }
0x29: {  	[tilespmem:s15], [sflag:$0x5] =	stream.linear.gather [hbm4b:s10+s3], $0x1400, $0x38;
	[tilespmem:$0x1E800] =	vst v63  }
0x2a: {  	_ =	swait.ge [sflag:s14], $0x1400  }
0x2b: {  	[sflag:s14] =	ssyncset.done $0x0  }
0x2c: {  	[sflag:s14] =	ssyncadd.s32 $0xFFFFEC00  }
0x2d: {  	[tilespmem:s17], [sflag:$0x1] =	stream.indirect.gather [hbm4b:s4+s16], $0x80, s3, s16, $0xb8;
	[tilespmem:$0x1E800] =	vst v63  }
0x2e: {  	_ =	swait.ge [sflag:s18], $0x3E80  }
0x2f: {  	[sflag:s18] =	ssyncset.done $0x0  }
0x30: {  	[sflag:s18] =	ssyncadd.s32 $0xFFFFC180  }
0x31: {  	[tilespmem:s20], [sflag:$0x2] =	stream.indirect.gather [hbm4b:s4+s16], $0x80, s19, s16, $0xb8;
	[tilespmem:$0x1E800] =	vst v63  }
0x32: {  	_ = 	snop  }
0x33: {  	[spmem:s2] =	stream.indirect.scatter.add.f32 [tilespmem:s17], [sflag:$0x3], $0x80, s15, s16, $0xb8;
	[tilespmem:$0x1E800] =	vst v63  }
0x34: {  	_ =	swait.ge [sflag:s21], $0x3E80  }
0x35: {  	[sflag:s21] =	ssyncset.done $0x0  }
0x36: {  	[sflag:s21] =	ssyncadd.s32 $0xFFFFC180  }
0x37: {  	_ =	swait.ge [sflag:s22], $0x3E80  }
0x38: {  	[sflag:s22] =	ssyncset.done $0x0  }
0x39: {  	[sflag:s22] =	ssyncadd.s32 $0xFFFFC180  }
0x3a: {  	[tilespmem:s17], [sflag:$0x1] =	stream.indirect.gather [hbm4b:s4+s16], $0x80, s23, s16, $0xb8;
	[tilespmem:$0x1E800] =	vst v63  }
0x3b: {  	s28 =	simm.s32 $0xFFFFB800  }
0x3c: {  	[spmem:s2] =	stream.indirect.scatter.add.f32 [tilespmem:s20], [sflag:$0x4], $0x80, s24, s16, $0xb8;
	[tilespmem:$0x1E800] =	vst v63  }
.LBB2_2:
0x3d: {  	_ =	swait.ge [sflag:s18], $0x3E80  }
0x3e: {  	[sflag:s18] =	ssyncset.done $0x0  }
0x3f: {  	[sflag:s18] =	ssyncadd.s32 $0xFFFFC180  }
0x40: {  	_ =	swait.ge [sflag:s25], $0x3E80  }
0x41: {  	s29 =	sshra.s32 s28, $0x2;
	[sflag:s25] =	ssyncset.done $0x0  }
0x42: {  	p0 =	seq.s32 s28, $0x0;
	s30 =	sadd.s32 $0x1380, s29;
	[sflag:s25] =	ssyncadd.s32 $0xFFFFC180  }
0x43: {  	[tilespmem:s20], [sflag:$0x2] =	stream.indirect.gather [hbm4b:s4+s16], $0x80, s30, s16, $0xb8;
	[tilespmem:$0x1E800] =	vst v63  }
.Ltmp2:
0x44: {  	s30 =	sadd.s32 $0x2700, s29;
	(pc) =	sbr.rel @p0 .LBB2_4-.Ltmp2, $4  }
0x45: {  	[spmem:s2] =	stream.indirect.scatter.add.f32 [tilespmem:s17], [sflag:$0x3], $0x80, s30, s16, $0xb8;
	[tilespmem:$0x1E800] =	vst v63  }
0x46: {  	_ =	swait.ge [sflag:s21], $0x3E80  }
0x47: {  	[sflag:s21] =	ssyncset.done $0x0  }
0x48: {  	s30 =	sadd.s32 $0x2780, s29;
	[sflag:s21] =	ssyncadd.s32 $0xFFFFC180  }
0x49: {  	_ =	swait.ge [sflag:s22], $0x3E80  }
.Ltmp3:
0x4a: {  	[sflag:s22] =	ssyncset.done $0x0;
	(pc) =	sbr.rel .LBB2_2-.Ltmp3, $4  }
0x4b: {  	s29 =	sadd.s32 $0x1400, s29;
	[sflag:s22] =	ssyncadd.s32 $0xFFFFC180  }
0x4c: {  	[tilespmem:s17], [sflag:$0x1] =	stream.indirect.gather [hbm4b:s4+s16], $0x80, s29, s16, $0xb8;
	[tilespmem:$0x1E800] =	vst v63  }
0x4d: {  	s28 =	sadd.s32 $0x400, s28  }
0x4e: {  	[spmem:s2] =	stream.indirect.scatter.add.f32 [tilespmem:s20], [sflag:$0x4], $0x80, s30, s16, $0xb8;
	[tilespmem:$0x1E800] =	vst v63  }
.LBB2_4:
0x4f: {  	[spmem:s2] =	stream.indirect.scatter.add.f32 [tilespmem:s20], [sflag:$0x4], $0x80, s30, s16, $0xb8;
	[tilespmem:$0x1E800] =	vst v63  }
0x50: {  	_ =	swait.ge [sflag:s22], $0x3E80  }
0x51: {  	[sflag:s22] =	ssyncset.done $0x0  }
0x52: {  	[sflag:s22] =	ssyncadd.s32 $0xFFFFC180  }
0x53: {  	_ =	swait.ge [sflag:s25], $0x3E80  }
0x54: {  	[sflag:s25] =	ssyncset.done $0x0  }
0x55: {  	[sflag:s25] =	ssyncadd.s32 $0xFFFFC180  }
0x56: {  	[tilespmem:s3], [sflag:$0x5] =	stream.linear.gather [hbm4b:s11+s3], $0x1400, $0x38;
	[tilespmem:$0x1E800] =	vst v63  }
0x57: {  	_ =	swait.ge [sflag:s14], $0x1400  }
0x58: {  	[sflag:s14] =	ssyncset.done $0x0  }
0x59: {  	[sflag:s14] =	ssyncadd.s32 $0xFFFFEC00  }
0x5a: {  	[tilespmem:s15], [sflag:$0x5] =	stream.linear.gather [hbm4b:s12+s3], $0x1400, $0x38;
	[tilespmem:$0x1E800] =	vst v63  }
0x5b: {  	_ =	swait.ge [sflag:s14], $0x1400  }
0x5c: {  	[sflag:s14] =	ssyncset.done $0x0  }
0x5d: {  	[sflag:s14] =	ssyncadd.s32 $0xFFFFEC00  }
0x5e: {  	[tilespmem:s17], [sflag:$0x1] =	stream.indirect.gather [hbm4b:s4+s16], $0x80, s3, s16, $0xb8;
	[tilespmem:$0x1E800] =	vst v63  }
0x5f: {  	_ =	swait.ge [sflag:s18], $0x3E80  }
0x60: {  	[sflag:s18] =	ssyncset.done $0x0  }
0x61: {  	[sflag:s18] =	ssyncadd.s32 $0xFFFFC180  }
0x62: {  	[tilespmem:s20], [sflag:$0x2] =	stream.indirect.gather [hbm4b:s4+s16], $0x80, s19, s16, $0xb8;
	[tilespmem:$0x1E800] =	vst v63  }
0x63: {  	_ = 	snop  }
0x64: {  	[spmem:s2] =	stream.indirect.scatter.add.f32 [tilespmem:s17], [sflag:$0x3], $0x80, s15, s16, $0xb8;
	[tilespmem:$0x1E800] =	vst v63  }
0x65: {  	_ =	swait.ge [sflag:s21], $0x3E80  }
0x66: {  	[sflag:s21] =	ssyncset.done $0x0  }
0x67: {  	[sflag:s21] =	ssyncadd.s32 $0xFFFFC180  }
0x68: {  	_ =	swait.ge [sflag:s22], $0x3E80  }
0x69: {  	[sflag:s22] =	ssyncset.done $0x0  }
0x6a: {  	[sflag:s22] =	ssyncadd.s32 $0xFFFFC180  }
0x6b: {  	[tilespmem:s17], [sflag:$0x1] =	stream.indirect.gather [hbm4b:s4+s16], $0x80, s23, s16, $0xb8;
	[tilespmem:$0x1E800] =	vst v63  }
0x6c: {  	s28 =	simm.s32 $0xFFFFB800  }
0x6d: {  	[spmem:s2] =	stream.indirect.scatter.add.f32 [tilespmem:s20], [sflag:$0x4], $0x80, s24, s16, $0xb8;
	[tilespmem:$0x1E800] =	vst v63  }
.LBB2_5:
0x6e: {  	_ =	swait.ge [sflag:s18], $0x3E80  }
0x6f: {  	[sflag:s18] =	ssyncset.done $0x0  }
0x70: {  	[sflag:s18] =	ssyncadd.s32 $0xFFFFC180  }
0x71: {  	_ =	swait.ge [sflag:s25], $0x3E80  }
0x72: {  	s29 =	sshra.s32 s28, $0x2;
	[sflag:s25] =	ssyncset.done $0x0  }
0x73: {  	p0 =	seq.s32 s28, $0x0;
	s30 =	sadd.s32 $0x1380, s29;
	[sflag:s25] =	ssyncadd.s32 $0xFFFFC180  }
0x74: {  	[tilespmem:s20], [sflag:$0x2] =	stream.indirect.gather [hbm4b:s4+s16], $0x80, s30, s16, $0xb8;
	[tilespmem:$0x1E800] =	vst v63  }
.Ltmp4:
0x75: {  	s30 =	sadd.s32 $0x2700, s29;
	(pc) =	sbr.rel @p0 .LBB2_7-.Ltmp4, $4  }
0x76: {  	[spmem:s2] =	stream.indirect.scatter.add.f32 [tilespmem:s17], [sflag:$0x3], $0x80, s30, s16, $0xb8;
	[tilespmem:$0x1E800] =	vst v63  }
0x77: {  	_ =	swait.ge [sflag:s21], $0x3E80  }
0x78: {  	[sflag:s21] =	ssyncset.done $0x0  }
0x79: {  	s30 =	sadd.s32 $0x2780, s29;
	[sflag:s21] =	ssyncadd.s32 $0xFFFFC180  }
0x7a: {  	_ =	swait.ge [sflag:s22], $0x3E80  }
.Ltmp5:
0x7b: {  	[sflag:s22] =	ssyncset.done $0x0;
	(pc) =	sbr.rel .LBB2_5-.Ltmp5, $4  }
0x7c: {  	s29 =	sadd.s32 $0x1400, s29;
	[sflag:s22] =	ssyncadd.s32 $0xFFFFC180  }
0x7d: {  	[tilespmem:s17], [sflag:$0x1] =	stream.indirect.gather [hbm4b:s4+s16], $0x80, s29, s16, $0xb8;
	[tilespmem:$0x1E800] =	vst v63  }
0x7e: {  	s28 =	sadd.s32 $0x400, s28  }
0x7f: {  	[spmem:s2] =	stream.indirect.scatter.add.f32 [tilespmem:s20], [sflag:$0x4], $0x80, s30, s16, $0xb8;
	[tilespmem:$0x1E800] =	vst v63  }
.LBB2_8:
0x80: {  	_ =	sfence.sel $0x180000  }
0x81: {  	[bflag:$0x0] =	sbarrier.arrive $0xFFFF  }
0x82: {  	p0 =	sne.s32 s0, $0x0;
	_ =	strace $0x9000004D  }
0x83: {  	s0 =	sadd.s32 @!p0 $0x100000, s1;
	[bflag:$0x2] =	sbarrier.arrive $0xFFFF  }
0x84: {  	[sflag:s0] =	ssyncadd.tile.s32 @!p0 $0x1;
	_ =	shalt  }
.Lfunc_end2:
_tile_overlayer_lowered:
.L_overlay_start_2:
0x85: {  	(tag) =	ssettag $0x2  }
0x86: {  	s0 =	rddreg [dreg:$0x0];
	s2 =	stileid.u32  }
0x87: {  	s1 =	rddreg [dreg:$0x1];
	p0 =	sne.s32 s2, $0x0  }
0x88: {  	s3 =	rddreg [dreg:$0x2];
	[bflag:$0x3] =	sbarrier.arrive $0xFFFF;
	s2 =	simm.s32 @!p0 $0x1C05  }
0x89: {  	[timem:s3], [sflag:s2] =	dma.local @!p0 [hbm:s0], s1  }
0x8a: {  	s0 =	simm.s32 @!p0 $0x5  }
0x8b: {  	_ =	swait.ge @!p0 [sflag:s0], s1  }
0x8c: {  	s1 =	ssub.s32 @!p0 $0x0, s1;
	[sflag:s0] =	ssyncset.done @!p0 $0x0  }
0x8d: {  	[sflag:s0] =	ssyncadd.s32 @!p0 s1  }
0x8e: {  	[bflag:$0x3] =	sbarrier.arrive $0xFFFF  }
0x8f: {  	_ =	shalt  }

// kernel: kernel.25.cloned.1.call-start
scs
__scs_entry_jumppad:
0x0: {  	(pc) =	sbr.rel $0x88, $3  }
0x1: {  	(tag) =	ssettag $0x0;
	lr =	simm.s32 $0x1  }
0x2: {  	[smem:$0x3F8E] =	sst lr;
	_ =	strace $0xD0000000  }
0x3: {  	_ = 	snop  }
0x4: {  	_ = 	snop  }
0x5: {  	_ = 	snop  }
0x6: {  	_ = 	snop  }
0x7: {  	_ = 	snop  }
__scs_overlays_trampoline_lowered:
0x8: {  	[smem:$0x3F9D] =	sst s0  }
0x9: {  	[smem:$0x3F9E] =	sst s1  }
0xa: {  	[smem:$0x3F9F] =	sst s2  }
0xb: {  	[smem:$0x3FA0] =	sst s3  }
0xc: {  	[smem:$0x3FA1] =	sst s4  }
0xd: {  	[smem:$0x3FA2] =	sst s5  }
0xe: {  	[smem:$0x3FA3] =	sst s6  }
0xf: {  	[smem:$0x3FA4] =	sst s7  }
0x10: {  	[smem:$0x3FA5] =	sst s8  }
0x11: {  	[smem:$0x3FA6] =	sst s9;
	s0 =	simm.s32 @!p0 $0x0  }
0x12: {  	s1 =	sld [smem:$0x3F8C];
	s0 =	simm.s32 @p0 $0x1  }
0x13: {  	[smem:$0x3FA7] =	sst s0;
	s0 =	simm.s32 @!p1 $0x0  }
0x14: {  	s2 =	sld [smem:$0x3F8B];
	s0 =	simm.s32 @p1 $0x1  }
0x15: {  	[smem:$0x3FA8] =	sst s0;
	s0 =	simm.s32 @!p2 $0x0  }
0x16: {  	s3 =	sld [smem:$0x3FDB];
	s0 =	simm.s32 @p2 $0x1  }
0x17: {  	s4 =	simm.s32 $0x1BF5;
	[smem:$0x3FAA] =	sst s0  }
0x18: {  	s0 =	sld [smem:$0x3F8D];
	_ =	swait.ge [sflag:s4], $0x0  }
0x19: {  	s7 =	sld [smem:$0x3F8E]  }
0x1a: {  	s8 =	sadd.s32 $0xFFFFE003, lr  }
0x1b: {  	s9 =	sadd.s32 $0xFFFFFEF7, lr;
	s5 =	simm.s32 $0xFFFFFFFF;
	p2 =	slt.u32 s8, $0xFFFFF086  }
0x1c: {  	p1 =	slt.u32 s9, $0xF7A;
	s5 =	simm.s32 @!p2 $0x0  }
0x1d: {  	s5 =	simm.s32 @p1 $0x1;
	p0 =	seq.s32 s7, s2  }
0x1e: {  	s7 =	smul.u32 @!p0 $0xF7A, s2;
	p2 =	seq.s32 @!p0 s5, $0x0  }
0x1f: {  	s9 =	smul.u32 $0xF7A, s1;
	s8 =	simm.s32 @!p0 $0x1BF5;
	p2 =	por !p2, p0  }
0x20: {  	[sflag:s8] =	ssyncset.s32 @!p0 $0xFFFFF086;
	s6 =	sadd.s32 @!p0 s3, s7;
	s7 =	simm.s32 @!p0 $0x108  }
0x21: {  	s3 =	sadd.s32 s3, s9;
	s6 =	sadd.s32 @!p0 $0x88, s6;
	s7 =	simm.s32 @p2 $0x1082  }
0x22: {  	[simem:s7], [sflag:s8] =	dma.local @!p0 [hbm:s6], $0xF7A  }
0x23: {  	s9 =	sor.u32 $0xD0000000, s2;
	s6 =	simm.s32 $0x108;
	_ =	swait.ge @!p0 [sflag:s8], $0x0  }
0x24: {  	s3 =	sadd.s32 $0x88, s3;
	s6 =	simm.s32 @!p1 $0x1082;
	[sflag:s4] =	ssyncset.s32 $0xFFFFF086  }
0x25: {  	[simem:s6], [sflag:s4] =	dma.local [hbm:s3], $0xF7A  }
0x26: {  	[smem:$0x3F8E] =	sst s1;
	(tag) =	ssettag s2;
	_ =	strace s9  }
0x27: {  	s1 =	sld [smem:$0x3F9E]  }
0x28: {  	s2 =	sld [smem:$0x3F9F]  }
0x29: {  	s4 =	sld [smem:$0x3FA1]  }
0x2a: {  	p0 =	seq.s32 s5, $0x0;
	s5 =	sld [smem:$0x3FA2]  }
0x2b: {  	s6 =	sld [smem:$0x3FA3]  }
0x2c: {  	s7 =	sld [smem:$0x3FA4]  }
0x2d: {  	s3 =	simm.s32 $0x108;
	s8 =	sld [smem:$0x3FA5]  }
0x2e: {  	s3 =	simm.s32 @!p0 $0x1082;
	s9 =	sld [smem:$0x3FA6]  }
0x2f: {  	lr =	sadd.s32 s0, s3;
	s0 =	sld [smem:$0x3F9D]  }
0x30: {  	s3 =	sld [smem:$0x3FA0]  }
0x31: {  	[smem:$0x3FA9] =	sst s10  }
0x32: {  	s10 =	sld [smem:$0x3FA7];
	_ =	sdelay $0x3  }
0x33: {  	p0 =	seq.s32 s10, $0x1;
	s10 =	sld [smem:$0x3FA9];
	_ =	sdelay $0x3  }
0x34: {  	[smem:$0x3FA9] =	sst s10  }
0x35: {  	s10 =	sld [smem:$0x3FA8];
	_ =	sdelay $0x3  }
0x36: {  	p1 =	seq.s32 s10, $0x1;
	s10 =	sld [smem:$0x3FA9];
	_ =	sdelay $0x3  }
0x37: {  	[smem:$0x3FA9] =	sst s10  }
0x38: {  	s10 =	sld [smem:$0x3FAA]  }
0x39: {  	_ = 	snop;
	(pc) =	sbr.ind lr, $3  }
0x3a: {  	_ = 	snop  }
0x3b: {  	_ = 	snop  }
0x3c: {  	p2 =	seq.s32 s10, $0x1;
	s10 =	sld [smem:$0x3FA9]  }
0x3d: {  	_ =	shalt  }
0x3e: {  	_ =	shalt  }
0x3f: {  	_ =	shalt  }
0x40: {  	_ =	shalt  }
0x41: {  	_ =	shalt  }
0x42: {  	_ =	shalt  }
0x43: {  	_ =	shalt  }
0x44: {  	_ =	shalt  }
0x45: {  	_ =	shalt  }
0x46: {  	_ =	shalt  }
0x47: {  	_ =	shalt  }
0x48: {  	_ =	shalt  }
0x49: {  	_ =	shalt  }
0x4a: {  	_ =	shalt  }
0x4b: {  	_ =	shalt  }
0x4c: {  	_ =	shalt  }
0x4d: {  	_ =	shalt  }
0x4e: {  	_ =	shalt  }
0x4f: {  	_ =	shalt  }
0x50: {  	_ =	shalt  }
0x51: {  	_ =	shalt  }
0x52: {  	_ =	shalt  }
0x53: {  	_ =	shalt  }
0x54: {  	_ =	shalt  }
0x55: {  	_ =	shalt  }
0x56: {  	_ =	shalt  }
0x57: {  	_ =	shalt  }
0x58: {  	_ =	shalt  }
0x59: {  	_ =	shalt  }
0x5a: {  	_ =	shalt  }
0x5b: {  	_ =	shalt  }
0x5c: {  	_ =	shalt  }
0x5d: {  	_ =	shalt  }
0x5e: {  	_ =	shalt  }
0x5f: {  	_ =	shalt  }
0x60: {  	_ =	shalt  }
0x61: {  	_ =	shalt  }
0x62: {  	_ =	shalt  }
0x63: {  	_ =	shalt  }
0x64: {  	_ =	shalt  }
0x65: {  	_ =	shalt  }
0x66: {  	_ =	shalt  }
0x67: {  	_ =	shalt  }
0x68: {  	_ =	shalt  }
0x69: {  	_ =	shalt  }
0x6a: {  	_ =	shalt  }
0x6b: {  	_ =	shalt  }
0x6c: {  	_ =	shalt  }
0x6d: {  	_ =	shalt  }
0x6e: {  	_ =	shalt  }
0x6f: {  	_ =	shalt  }
0x70: {  	_ =	shalt  }
0x71: {  	_ =	shalt  }
0x72: {  	_ =	shalt  }
0x73: {  	_ =	shalt  }
0x74: {  	_ =	shalt  }
0x75: {  	_ =	shalt  }
0x76: {  	_ =	shalt  }
0x77: {  	_ =	shalt  }
0x78: {  	_ =	shalt  }
0x79: {  	_ =	shalt  }
0x7a: {  	_ =	shalt  }
0x7b: {  	_ =	shalt  }
0x7c: {  	_ =	shalt  }
0x7d: {  	_ =	shalt  }
0x7e: {  	_ =	shalt  }
0x7f: {  	_ =	shalt  }
0x80: {  	_ =	shalt  }
0x81: {  	_ =	shalt  }
0x82: {  	_ =	shalt  }
0x83: {  	_ =	shalt  }
0x84: {  	_ =	shalt  }
0x85: {  	_ =	shalt  }
0x86: {  	_ =	shalt  }
0x87: {  	_ =	shalt  }
.Lfunc_end0:
.L_simem_size_0:
called_computation.3_lowered:
.L_overlay_start_0:
0x88: {  	s2 =	sld [smem:$0x3FD9]  }
0x89: {  	s3 =	sld [smem:$0x3FFE];
	_ =	sdelay $0x1  }
0x8a: {  	s1 =	srdreg.scid  }
0x8b: {  	s0 =	sand.u32 $0x1, s1  }
0x8c: {  	s16 =	sshll.u32 s0, $0xA;
	s2 =	sadd.s32 s3, s2  }
0x8d: {  	s2 =	sadd.s32 s2, s16  }
0x8e: {  	[smem:$0x3FB5] =	sst s2  }
0x8f: {  	_ = 	snop  }
0x90: {  	(tm) =	ssettm $0x1  }
0x91: {  	s17 =	sld [smem:$0x3FFB];
	_ =	sdelay $0x3  }
0x92: {  	_ =	strace s17  }
0x93: {  	s2 =	sld [smem:$0x3FFC];
	_ =	sdelay $0x3  }
0x94: {  	_ =	strace s2  }
0x95: {  	s2 =	sld [smem:$0x3FFD];
	_ =	sdelay $0x3  }
0x96: {  	_ =	strace s2  }
0x97: {  	_ =	strace $0x8FFFFFFF  }
0x98: {  	s18 =	sld [smem:$0x3FDB];
	_ =	sdelay $0x1  }
0x99: {  	s19 =	simm.s32 $_scs_section_size  }
0x9a: {  	s4 =	simm.s32 $_size__tile_overlayer_lowered;
	s5 =	simm.s32 $_tile_overlayer_lowered  }
0x9b: {  	s22 =	simm.s32 $0x1BFF;
	s21 =	sshll.u32 s5, $0x1;
	s2 =	sadd.s32 s19, s18  }
0x9c: {  	s6 =	simm.s32 $0x0;
	s20 =	sshll.u32 s4, $0x1;
	s4 =	sadd.s32 s21, s2  }
0x9d: {  	[timem:s6], [sflag:s22] =	dma.local [hbm:s4], s20  }
0x9e: {  	_ =	swait.ge [sflag:s22], s20  }
0x9f: {  	s3 =	ssub.s32 $0x0, s20;
	[sflag:s22] =	ssyncset.done $0x0  }
0xa0: {  	[sflag:s22] =	ssyncadd.s32 s3;
	_ =	sdelay $0x1  }
0xa1: {  	s23 =	simm.s32 $0x1B8B  }
0xa2: {  	_ =	swait.ge [sflag:s23], $0x1  }
0xa3: {  	[sflag:s23] =	ssyncset.done $0x0  }
0xa4: {  	s25 =	simm.s32 $0x1B8E;
	s24 =	sld [smem:$0x3FFE];
	[sflag:s23] =	ssyncadd.s32 $0xFFFFFFFF  }
0xa5: {  	s26 =	simm.s32 $execute0_lowered;
	[smem:$0x3FD2] =	sst s25  }
0xa6: {  	s4 =	sshll.u32 s26, $0x1;
	_ =	strace $0x8000004F;
	[dreg:$0x1] =	wrdreg $0xFFFFFFFF  }
0xa7: {  	s28 =	simm.s32 $_size_execute0_lowered;
	s2 =	sadd.s32 s2, s4;
	[dreg:$0x0] =	wrdreg $0x0  }
0xa8: {  	s4 =	sshll.u32 s28, $0x1;
	[dreg:$0x2] =	wrdreg s2  }
0xa9: {  	[dreg:$0x3] =	wrdreg s4  }
0xaa: {  	[dreg:$0x4] =	wrdreg $0xC0  }
0xab: {  	_ =	task [dreg:s6], $0x5FFFF  }
0xac: {  	[dreg:$0x1] =	wrdreg $0xFFFFFFFF  }
0xad: {  	[dreg:$0x0] =	wrdreg $0x60  }
0xae: {  	[dreg:$0x2] =	wrdreg s24  }
0xaf: {  	[dreg:$0x3] =	wrdreg $0xA8000  }
0xb0: {  	[dreg:$0x4] =	wrdreg $0x9  }
0xb1: {  	_ =	task.clear_ibuf [dreg:s6], $0x5FFFF;
	_ =	strace $0x9000004F  }
0xb2: {  	s29 =	simm.s32 $0x9;
	_ =	strace $0x80000051  }
0xb3: {  	_ =	swait.ge [sflag:s29], $0x1  }
0xb4: {  	[sflag:s29] =	ssyncadd.s32 $0xFFFFFFFF  }
0xb5: {  	_ =	strace $0x90000051  }
0xb6: {  	_ =	sfence  }
0xb7: {  	s30 =	sld [smem:$0x0];
	_ =	sdelay $0x2  }
0xb8: {  	s31 =	sshll.u32 s1, $0xD;
	s1 =	sshrl.u32 s1, $0x2  }
0xb9: {  	s3 =	sand.u32 $0x4000, s31;
	s1 =	sadd.s32 s1, s30  }
0xba: {  	s0 =	sor.u32 s3, s0;
	s1 =	sshll.u32 s1, $0x11  }
0xbb: {  	s0 =	sor.u32 s1, s0  }
0xbc: {  	s0 =	sadd.s32 $0x8F2B, s0  }
0xbd: {  	[sflag:s0] =	ssyncadd.remote.s32 $0x1  }
0xbe: {  	_ =	sfence.sel $0xFFFF  }
0xbf: {  	[dreg:$0x0] =	wrdreg $0xFFFFFFFF;
	(pc) =	sbr.abs _section_cstart, $3  }
0xc0: {  	[dreg:$0x1] =	wrdreg $0xFFFFFFFF  }
0xc1: {  	_ =	task.clear_ibuf [dreg:s6], $0x2FFFF;
	_ =	strace $0x9FFFFFFF  }
0xc2: {  	(tm) =	ssettm $0x7FFFFFFF  }
0xc3: {  	_ =	shalt  }
tec
execute0_lowered:
.L_overlay_start_1:
0x0: {  	(tag) =	ssettag $0x1  }
0x1: {  	s6 =	rddreg [dreg:$0x0]  }
0x2: {  	s2 =	rddreg [dreg:$0x1]  }
0x3: {  	s0 =	srdreg.scid;
	s1 =	rddreg [dreg:$0x2]  }
0x4: {  	s3 =	simm.s32 $0x0;
	s14 =	simm.s32 $0x5;
	s15 =	simm.s32 $0x1400  }
0x5: {  	s16 =	simm.s32 $0x7D;
	s17 =	simm.s32 $0x2800;
	s18 =	simm.s32 $0x1  }
0x6: {  	s19 =	simm.s32 $0x80;
	s20 =	simm.s32 $0x6800;
	s7 =	sand.u32 $0x1, s0  }
0x7: {  	s21 =	simm.s32 $0x2;
	s0 =	stileid.u32;
	s4 =	smul.u32 $0x28000, s7  }
0x8: {  	s22 =	simm.s32 $0x3;
	s23 =	simm.s32 $0x100;
	s5 =	smul.u32 $0x2800, s0  }
0x9: {  	s24 =	simm.s32 $0x1480;
	s25 =	simm.s32 $0x4;
	s8 =	smul.u32 $0x140000, s7  }
0xa: {  	s26 =	simm.s32 $0x0;
	[smem:$0x7FF] =	sst s3;
	s10 =	smul.u32 $0x14000, s0  }
0xb: {  	_ =	strace $0x80000050;
	s28 =	smul.u32 $0x50000, s0;
	s7 =	ssub.s32 $0x2, s7  }
0xc: {  	s31 =	sshll.u32 s0, $0x6;
	s29 =	sshrl.u32 s7, $0x1;
	s4 =	sadd.s32 s4, s5  }
0xd: {  	s5 =	sshrl.u32 s5, $0x3;
	s8 =	sadd.s32 s10, s8;
	s30 =	ssub.s32 s7, s29  }
0xe: {  	s9 =	sshrl.u32 s4, $0x3;
	s4 =	sadd.s32 $0x61E00, s6;
	s12 =	sadd.s32 s5, s6  }
.Ltmp0:
0xf: {  	s5 =	sadd.s32 $0x19A600, s6;
	s8 =	sshrl.u32 s8, $0x3;
	(pc) =	sbr.rel .LBB2_1-.Ltmp0, $4  }
0x10: {  	s11 =	sadd.s32 s9, s6;
	s8 =	sadd.s32 s8, s6;
	s9 =	sshrl.u32 s28, $0x2  }
0x11: {  	s6 =	sor.u32 $0x1C05, s31;
	s10 =	sadd.s32 $0x5CE00, s12;
	s12 =	sadd.s32 $0x5D080, s12  }
0x12: {  	s13 =	sadd.s32 s9, s2;
	s7 =	sadd.s32 $0x19CE00, s8;
	s8 =	smax.u32 s30, $0x1  }
0x13: {  	s9 =	sadd.s32 $0x52E00, s11;
	s11 =	sadd.s32 $0x53080, s11;
	s13 =	sshrl.u32 s13, $0x3  }
.LBB2_7:
0x14: {  	[spmem:s2] =	stream.indirect.scatter.add.f32 [tilespmem:s20], [sflag:$0x4], $0x80, s30, s16, $0xb8;
	[tilespmem:$0x1E800] =	vst v63  }
0x15: {  	_ =	swait.ge [sflag:s22], $0x3E80  }
0x16: {  	[sflag:s22] =	ssyncset.done $0x0  }
0x17: {  	[sflag:s22] =	ssyncadd.s32 $0xFFFFC180  }
0x18: {  	_ =	swait.ge [sflag:s25], $0x3E80  }
0x19: {  	s26 =	sadd.s32 $0x1, s26;
	[sflag:s25] =	ssyncset.done $0x0  }
0x1a: {  	p0 =	sne.s32 s26, s8;
	[sflag:s25] =	ssyncadd.s32 $0xFFFFC180  }
.Ltmp1:
0x1b: {  	[bflag:$0x0] =	sbarrier.arrive $0xFFFF;
	(pc) =	sbr.rel @!p0 .LBB2_8-.Ltmp1, $4  }
0x1c: {  	[hbm:s7], [sflag:s6] =	dma.local [spmem:s13], $0x2800  }
0x1d: {  	_ =	swait.ge [sflag:s14], $0x2800  }
0x1e: {  	[sflag:s14] =	ssyncset.done $0x0  }
0x1f: {  	[sflag:s14] =	ssyncadd.s32 $0xFFFFD800  }
.LBB2_1:
0x20: {  	[spmem:s13], [sflag:s6] =	dma.local [hbm:s5], $0x2800  }
0x21: {  	_ =	swait.ge [sflag:s14], $0x2800  }
0x22: {  	[sflag:s14] =	ssyncset.done $0x0  }
0x23: {  	[sflag:s14] =	ssyncadd.s32 $0xFFFFD800  }
0x24: {  	[bflag:$0x0] =	sbarrier.arrive $0xFFFF  }
0x25: {  	[tilespmem:s3], [sflag:$0x5] =	stream.linear.gather [hbm4b:s9+s3], $0x1400, $0x38;
	[tilespmem:$0x1E800] =	vst v63  }
0x26: {  	_ =	swait.ge [sflag:s14], $0x1400  }
0x27: {  	[sflag:s14] =	ssyncset.done $0x0  }
0x28: {  	[sflag:s14] =	ssyncadd.s32 $0xFFFFEC00  }
0x29: {  	[tilespmem:s15], [sflag:$0x5] =	stream.linear.gather [hbm4b:s10+s3], $0x1400, $0x38;
	[tilespmem:$0x1E800] =	vst v63  }
0x2a: {  	_ =	swait.ge [sflag:s14], $0x1400  }
0x2b: {  	[sflag:s14] =	ssyncset.done $0x0  }
0x2c: {  	[sflag:s14] =	ssyncadd.s32 $0xFFFFEC00  }
0x2d: {  	[tilespmem:s17], [sflag:$0x1] =	stream.indirect.gather [hbm4b:s4+s16], $0x80, s3, s16, $0xb8;
	[tilespmem:$0x1E800] =	vst v63  }
0x2e: {  	_ =	swait.ge [sflag:s18], $0x3E80  }
0x2f: {  	[sflag:s18] =	ssyncset.done $0x0  }
0x30: {  	[sflag:s18] =	ssyncadd.s32 $0xFFFFC180  }
0x31: {  	[tilespmem:s20], [sflag:$0x2] =	stream.indirect.gather [hbm4b:s4+s16], $0x80, s19, s16, $0xb8;
	[tilespmem:$0x1E800] =	vst v63  }
0x32: {  	_ = 	snop  }
0x33: {  	[spmem:s2] =	stream.indirect.scatter.add.f32 [tilespmem:s17], [sflag:$0x3], $0x80, s15, s16, $0xb8;
	[tilespmem:$0x1E800] =	vst v63  }
0x34: {  	_ =	swait.ge [sflag:s21], $0x3E80  }
0x35: {  	[sflag:s21] =	ssyncset.done $0x0  }
0x36: {  	[sflag:s21] =	ssyncadd.s32 $0xFFFFC180  }
0x37: {  	_ =	swait.ge [sflag:s22], $0x3E80  }
0x38: {  	[sflag:s22] =	ssyncset.done $0x0  }
0x39: {  	[sflag:s22] =	ssyncadd.s32 $0xFFFFC180  }
0x3a: {  	[tilespmem:s17], [sflag:$0x1] =	stream.indirect.gather [hbm4b:s4+s16], $0x80, s23, s16, $0xb8;
	[tilespmem:$0x1E800] =	vst v63  }
0x3b: {  	s28 =	simm.s32 $0xFFFFB800  }
0x3c: {  	[spmem:s2] =	stream.indirect.scatter.add.f32 [tilespmem:s20], [sflag:$0x4], $0x80, s24, s16, $0xb8;
	[tilespmem:$0x1E800] =	vst v63  }
.LBB2_2:
0x3d: {  	_ =	swait.ge [sflag:s18], $0x3E80  }
0x3e: {  	[sflag:s18] =	ssyncset.done $0x0  }
0x3f: {  	[sflag:s18] =	ssyncadd.s32 $0xFFFFC180  }
0x40: {  	_ =	swait.ge [sflag:s25], $0x3E80  }
0x41: {  	s29 =	sshra.s32 s28, $0x2;
	[sflag:s25] =	ssyncset.done $0x0  }
0x42: {  	p0 =	seq.s32 s28, $0x0;
	s30 =	sadd.s32 $0x1380, s29;
	[sflag:s25] =	ssyncadd.s32 $0xFFFFC180  }
0x43: {  	[tilespmem:s20], [sflag:$0x2] =	stream.indirect.gather [hbm4b:s4+s16], $0x80, s30, s16, $0xb8;
	[tilespmem:$0x1E800] =	vst v63  }
.Ltmp2:
0x44: {  	s30 =	sadd.s32 $0x2700, s29;
	(pc) =	sbr.rel @p0 .LBB2_4-.Ltmp2, $4  }
0x45: {  	[spmem:s2] =	stream.indirect.scatter.add.f32 [tilespmem:s17], [sflag:$0x3], $0x80, s30, s16, $0xb8;
	[tilespmem:$0x1E800] =	vst v63  }
0x46: {  	_ =	swait.ge [sflag:s21], $0x3E80  }
0x47: {  	[sflag:s21] =	ssyncset.done $0x0  }
0x48: {  	s30 =	sadd.s32 $0x2780, s29;
	[sflag:s21] =	ssyncadd.s32 $0xFFFFC180  }
0x49: {  	_ =	swait.ge [sflag:s22], $0x3E80  }
.Ltmp3:
0x4a: {  	[sflag:s22] =	ssyncset.done $0x0;
	(pc) =	sbr.rel .LBB2_2-.Ltmp3, $4  }
0x4b: {  	s29 =	sadd.s32 $0x1400, s29;
	[sflag:s22] =	ssyncadd.s32 $0xFFFFC180  }
0x4c: {  	[tilespmem:s17], [sflag:$0x1] =	stream.indirect.gather [hbm4b:s4+s16], $0x80, s29, s16, $0xb8;
	[tilespmem:$0x1E800] =	vst v63  }
0x4d: {  	s28 =	sadd.s32 $0x400, s28  }
0x4e: {  	[spmem:s2] =	stream.indirect.scatter.add.f32 [tilespmem:s20], [sflag:$0x4], $0x80, s30, s16, $0xb8;
	[tilespmem:$0x1E800] =	vst v63  }
.LBB2_4:
0x4f: {  	[spmem:s2] =	stream.indirect.scatter.add.f32 [tilespmem:s20], [sflag:$0x4], $0x80, s30, s16, $0xb8;
	[tilespmem:$0x1E800] =	vst v63  }
0x50: {  	_ =	swait.ge [sflag:s22], $0x3E80  }
0x51: {  	[sflag:s22] =	ssyncset.done $0x0  }
0x52: {  	[sflag:s22] =	ssyncadd.s32 $0xFFFFC180  }
0x53: {  	_ =	swait.ge [sflag:s25], $0x3E80  }
0x54: {  	[sflag:s25] =	ssyncset.done $0x0  }
0x55: {  	[sflag:s25] =	ssyncadd.s32 $0xFFFFC180  }
0x56: {  	[tilespmem:s3], [sflag:$0x5] =	stream.linear.gather [hbm4b:s11+s3], $0x1400, $0x38;
	[tilespmem:$0x1E800] =	vst v63  }
0x57: {  	_ =	swait.ge [sflag:s14], $0x1400  }
0x58: {  	[sflag:s14] =	ssyncset.done $0x0  }
0x59: {  	[sflag:s14] =	ssyncadd.s32 $0xFFFFEC00  }
0x5a: {  	[tilespmem:s15], [sflag:$0x5] =	stream.linear.gather [hbm4b:s12+s3], $0x1400, $0x38;
	[tilespmem:$0x1E800] =	vst v63  }
0x5b: {  	_ =	swait.ge [sflag:s14], $0x1400  }
0x5c: {  	[sflag:s14] =	ssyncset.done $0x0  }
0x5d: {  	[sflag:s14] =	ssyncadd.s32 $0xFFFFEC00  }
0x5e: {  	[tilespmem:s17], [sflag:$0x1] =	stream.indirect.gather [hbm4b:s4+s16], $0x80, s3, s16, $0xb8;
	[tilespmem:$0x1E800] =	vst v63  }
0x5f: {  	_ =	swait.ge [sflag:s18], $0x3E80  }
0x60: {  	[sflag:s18] =	ssyncset.done $0x0  }
0x61: {  	[sflag:s18] =	ssyncadd.s32 $0xFFFFC180  }
0x62: {  	[tilespmem:s20], [sflag:$0x2] =	stream.indirect.gather [hbm4b:s4+s16], $0x80, s19, s16, $0xb8;
	[tilespmem:$0x1E800] =	vst v63  }
0x63: {  	_ = 	snop  }
0x64: {  	[spmem:s2] =	stream.indirect.scatter.add.f32 [tilespmem:s17], [sflag:$0x3], $0x80, s15, s16, $0xb8;
	[tilespmem:$0x1E800] =	vst v63  }
0x65: {  	_ =	swait.ge [sflag:s21], $0x3E80  }
0x66: {  	[sflag:s21] =	ssyncset.done $0x0  }
0x67: {  	[sflag:s21] =	ssyncadd.s32 $0xFFFFC180  }
0x68: {  	_ =	swait.ge [sflag:s22], $0x3E80  }
0x69: {  	[sflag:s22] =	ssyncset.done $0x0  }
0x6a: {  	[sflag:s22] =	ssyncadd.s32 $0xFFFFC180  }
0x6b: {  	[tilespmem:s17], [sflag:$0x1] =	stream.indirect.gather [hbm4b:s4+s16], $0x80, s23, s16, $0xb8;
	[tilespmem:$0x1E800] =	vst v63  }
0x6c: {  	s28 =	simm.s32 $0xFFFFB800  }
0x6d: {  	[spmem:s2] =	stream.indirect.scatter.add.f32 [tilespmem:s20], [sflag:$0x4], $0x80, s24, s16, $0xb8;
	[tilespmem:$0x1E800] =	vst v63  }
.LBB2_5:
0x6e: {  	_ =	swait.ge [sflag:s18], $0x3E80  }
0x6f: {  	[sflag:s18] =	ssyncset.done $0x0  }
0x70: {  	[sflag:s18] =	ssyncadd.s32 $0xFFFFC180  }
0x71: {  	_ =	swait.ge [sflag:s25], $0x3E80  }
0x72: {  	s29 =	sshra.s32 s28, $0x2;
	[sflag:s25] =	ssyncset.done $0x0  }
0x73: {  	p0 =	seq.s32 s28, $0x0;
	s30 =	sadd.s32 $0x1380, s29;
	[sflag:s25] =	ssyncadd.s32 $0xFFFFC180  }
0x74: {  	[tilespmem:s20], [sflag:$0x2] =	stream.indirect.gather [hbm4b:s4+s16], $0x80, s30, s16, $0xb8;
	[tilespmem:$0x1E800] =	vst v63  }
.Ltmp4:
0x75: {  	s30 =	sadd.s32 $0x2700, s29;
	(pc) =	sbr.rel @p0 .LBB2_7-.Ltmp4, $4  }
0x76: {  	[spmem:s2] =	stream.indirect.scatter.add.f32 [tilespmem:s17], [sflag:$0x3], $0x80, s30, s16, $0xb8;
	[tilespmem:$0x1E800] =	vst v63  }
0x77: {  	_ =	swait.ge [sflag:s21], $0x3E80  }
0x78: {  	[sflag:s21] =	ssyncset.done $0x0  }
0x79: {  	s30 =	sadd.s32 $0x2780, s29;
	[sflag:s21] =	ssyncadd.s32 $0xFFFFC180  }
0x7a: {  	_ =	swait.ge [sflag:s22], $0x3E80  }
.Ltmp5:
0x7b: {  	[sflag:s22] =	ssyncset.done $0x0;
	(pc) =	sbr.rel .LBB2_5-.Ltmp5, $4  }
0x7c: {  	s29 =	sadd.s32 $0x1400, s29;
	[sflag:s22] =	ssyncadd.s32 $0xFFFFC180  }
0x7d: {  	[tilespmem:s17], [sflag:$0x1] =	stream.indirect.gather [hbm4b:s4+s16], $0x80, s29, s16, $0xb8;
	[tilespmem:$0x1E800] =	vst v63  }
0x7e: {  	s28 =	sadd.s32 $0x400, s28  }
0x7f: {  	[spmem:s2] =	stream.indirect.scatter.add.f32 [tilespmem:s20], [sflag:$0x4], $0x80, s30, s16, $0xb8;
	[tilespmem:$0x1E800] =	vst v63  }
.LBB2_8:
0x80: {  	_ =	sfence.sel $0x180000  }
0x81: {  	[bflag:$0x0] =	sbarrier.arrive $0xFFFF  }
0x82: {  	p0 =	sne.s32 s0, $0x0;
	_ =	strace $0x90000050  }
0x83: {  	s0 =	sadd.s32 @!p0 $0x100000, s1;
	[bflag:$0x2] =	sbarrier.arrive $0xFFFF  }
0x84: {  	[sflag:s0] =	ssyncadd.tile.s32 @!p0 $0x1;
	_ =	shalt  }
.Lfunc_end2:
_tile_overlayer_lowered:
.L_overlay_start_2:
0x85: {  	(tag) =	ssettag $0x2  }
0x86: {  	s0 =	rddreg [dreg:$0x0];
	s2 =	stileid.u32  }
0x87: {  	s1 =	rddreg [dreg:$0x1];
	p0 =	sne.s32 s2, $0x0  }
0x88: {  	s3 =	rddreg [dreg:$0x2];
	[bflag:$0x3] =	sbarrier.arrive $0xFFFF;
	s2 =	simm.s32 @!p0 $0x1C05  }
0x89: {  	[timem:s3], [sflag:s2] =	dma.local @!p0 [hbm:s0], s1  }
0x8a: {  	s0 =	simm.s32 @!p0 $0x5  }
0x8b: {  	_ =	swait.ge @!p0 [sflag:s0], s1  }
0x8c: {  	s1 =	ssub.s32 @!p0 $0x0, s1;
	[sflag:s0] =	ssyncset.done @!p0 $0x0  }
0x8d: {  	[sflag:s0] =	ssyncadd.s32 @!p0 s1  }
0x8e: {  	[bflag:$0x3] =	sbarrier.arrive $0xFFFF  }
0x8f: {  	_ =	shalt  }

// kernel: kernel.28.cloned.1.call-start
scs
__scs_entry_jumppad:
0x0: {  	(pc) =	sbr.rel $0x88, $3  }
0x1: {  	(tag) =	ssettag $0x0;
	lr =	simm.s32 $0x1  }
0x2: {  	[smem:$0x3F8E] =	sst lr;
	_ =	strace $0xD0000000  }
0x3: {  	_ = 	snop  }
0x4: {  	_ = 	snop  }
0x5: {  	_ = 	snop  }
0x6: {  	_ = 	snop  }
0x7: {  	_ = 	snop  }
__scs_overlays_trampoline_lowered:
0x8: {  	[smem:$0x3F9D] =	sst s0  }
0x9: {  	[smem:$0x3F9E] =	sst s1  }
0xa: {  	[smem:$0x3F9F] =	sst s2  }
0xb: {  	[smem:$0x3FA0] =	sst s3  }
0xc: {  	[smem:$0x3FA1] =	sst s4  }
0xd: {  	[smem:$0x3FA2] =	sst s5  }
0xe: {  	[smem:$0x3FA3] =	sst s6  }
0xf: {  	[smem:$0x3FA4] =	sst s7  }
0x10: {  	[smem:$0x3FA5] =	sst s8  }
0x11: {  	[smem:$0x3FA6] =	sst s9;
	s0 =	simm.s32 @!p0 $0x0  }
0x12: {  	s1 =	sld [smem:$0x3F8C];
	s0 =	simm.s32 @p0 $0x1  }
0x13: {  	[smem:$0x3FA7] =	sst s0;
	s0 =	simm.s32 @!p1 $0x0  }
0x14: {  	s2 =	sld [smem:$0x3F8B];
	s0 =	simm.s32 @p1 $0x1  }
0x15: {  	[smem:$0x3FA8] =	sst s0;
	s0 =	simm.s32 @!p2 $0x0  }
0x16: {  	s3 =	sld [smem:$0x3FDB];
	s0 =	simm.s32 @p2 $0x1  }
0x17: {  	s4 =	simm.s32 $0x1BF5;
	[smem:$0x3FAA] =	sst s0  }
0x18: {  	s0 =	sld [smem:$0x3F8D];
	_ =	swait.ge [sflag:s4], $0x0  }
0x19: {  	s7 =	sld [smem:$0x3F8E]  }
0x1a: {  	s8 =	sadd.s32 $0xFFFFE003, lr  }
0x1b: {  	s9 =	sadd.s32 $0xFFFFFEF7, lr;
	s5 =	simm.s32 $0xFFFFFFFF;
	p2 =	slt.u32 s8, $0xFFFFF086  }
0x1c: {  	p1 =	slt.u32 s9, $0xF7A;
	s5 =	simm.s32 @!p2 $0x0  }
0x1d: {  	s5 =	simm.s32 @p1 $0x1;
	p0 =	seq.s32 s7, s2  }
0x1e: {  	s7 =	smul.u32 @!p0 $0xF7A, s2;
	p2 =	seq.s32 @!p0 s5, $0x0  }
0x1f: {  	s9 =	smul.u32 $0xF7A, s1;
	s8 =	simm.s32 @!p0 $0x1BF5;
	p2 =	por !p2, p0  }
0x20: {  	[sflag:s8] =	ssyncset.s32 @!p0 $0xFFFFF086;
	s6 =	sadd.s32 @!p0 s3, s7;
	s7 =	simm.s32 @!p0 $0x108  }
0x21: {  	s3 =	sadd.s32 s3, s9;
	s6 =	sadd.s32 @!p0 $0x88, s6;
	s7 =	simm.s32 @p2 $0x1082  }
0x22: {  	[simem:s7], [sflag:s8] =	dma.local @!p0 [hbm:s6], $0xF7A  }
0x23: {  	s9 =	sor.u32 $0xD0000000, s2;
	s6 =	simm.s32 $0x108;
	_ =	swait.ge @!p0 [sflag:s8], $0x0  }
0x24: {  	s3 =	sadd.s32 $0x88, s3;
	s6 =	simm.s32 @!p1 $0x1082;
	[sflag:s4] =	ssyncset.s32 $0xFFFFF086  }
0x25: {  	[simem:s6], [sflag:s4] =	dma.local [hbm:s3], $0xF7A  }
0x26: {  	[smem:$0x3F8E] =	sst s1;
	(tag) =	ssettag s2;
	_ =	strace s9  }
0x27: {  	s1 =	sld [smem:$0x3F9E]  }
0x28: {  	s2 =	sld [smem:$0x3F9F]  }
0x29: {  	s4 =	sld [smem:$0x3FA1]  }
0x2a: {  	p0 =	seq.s32 s5, $0x0;
	s5 =	sld [smem:$0x3FA2]  }
0x2b: {  	s6 =	sld [smem:$0x3FA3]  }
0x2c: {  	s7 =	sld [smem:$0x3FA4]  }
0x2d: {  	s3 =	simm.s32 $0x108;
	s8 =	sld [smem:$0x3FA5]  }
0x2e: {  	s3 =	simm.s32 @!p0 $0x1082;
	s9 =	sld [smem:$0x3FA6]  }
0x2f: {  	lr =	sadd.s32 s0, s3;
	s0 =	sld [smem:$0x3F9D]  }
0x30: {  	s3 =	sld [smem:$0x3FA0]  }
0x31: {  	[smem:$0x3FA9] =	sst s10  }
0x32: {  	s10 =	sld [smem:$0x3FA7];
	_ =	sdelay $0x3  }
0x33: {  	p0 =	seq.s32 s10, $0x1;
	s10 =	sld [smem:$0x3FA9];
	_ =	sdelay $0x3  }
0x34: {  	[smem:$0x3FA9] =	sst s10  }
0x35: {  	s10 =	sld [smem:$0x3FA8];
	_ =	sdelay $0x3  }
0x36: {  	p1 =	seq.s32 s10, $0x1;
	s10 =	sld [smem:$0x3FA9];
	_ =	sdelay $0x3  }
0x37: {  	[smem:$0x3FA9] =	sst s10  }
0x38: {  	s10 =	sld [smem:$0x3FAA]  }
0x39: {  	_ = 	snop;
	(pc) =	sbr.ind lr, $3  }
0x3a: {  	_ = 	snop  }
0x3b: {  	_ = 	snop  }
0x3c: {  	p2 =	seq.s32 s10, $0x1;
	s10 =	sld [smem:$0x3FA9]  }
0x3d: {  	_ =	shalt  }
0x3e: {  	_ =	shalt  }
0x3f: {  	_ =	shalt  }
0x40: {  	_ =	shalt  }
0x41: {  	_ =	shalt  }
0x42: {  	_ =	shalt  }
0x43: {  	_ =	shalt  }
0x44: {  	_ =	shalt  }
0x45: {  	_ =	shalt  }
0x46: {  	_ =	shalt  }
0x47: {  	_ =	shalt  }
0x48: {  	_ =	shalt  }
0x49: {  	_ =	shalt  }
0x4a: {  	_ =	shalt  }
0x4b: {  	_ =	shalt  }
0x4c: {  	_ =	shalt  }
0x4d: {  	_ =	shalt  }
0x4e: {  	_ =	shalt  }
0x4f: {  	_ =	shalt  }
0x50: {  	_ =	shalt  }
0x51: {  	_ =	shalt  }
0x52: {  	_ =	shalt  }
0x53: {  	_ =	shalt  }
0x54: {  	_ =	shalt  }
0x55: {  	_ =	shalt  }
0x56: {  	_ =	shalt  }
0x57: {  	_ =	shalt  }
0x58: {  	_ =	shalt  }
0x59: {  	_ =	shalt  }
0x5a: {  	_ =	shalt  }
0x5b: {  	_ =	shalt  }
0x5c: {  	_ =	shalt  }
0x5d: {  	_ =	shalt  }
0x5e: {  	_ =	shalt  }
0x5f: {  	_ =	shalt  }
0x60: {  	_ =	shalt  }
0x61: {  	_ =	shalt  }
0x62: {  	_ =	shalt  }
0x63: {  	_ =	shalt  }
0x64: {  	_ =	shalt  }
0x65: {  	_ =	shalt  }
0x66: {  	_ =	shalt  }
0x67: {  	_ =	shalt  }
0x68: {  	_ =	shalt  }
0x69: {  	_ =	shalt  }
0x6a: {  	_ =	shalt  }
0x6b: {  	_ =	shalt  }
0x6c: {  	_ =	shalt  }
0x6d: {  	_ =	shalt  }
0x6e: {  	_ =	shalt  }
0x6f: {  	_ =	shalt  }
0x70: {  	_ =	shalt  }
0x71: {  	_ =	shalt  }
0x72: {  	_ =	shalt  }
0x73: {  	_ =	shalt  }
0x74: {  	_ =	shalt  }
0x75: {  	_ =	shalt  }
0x76: {  	_ =	shalt  }
0x77: {  	_ =	shalt  }
0x78: {  	_ =	shalt  }
0x79: {  	_ =	shalt  }
0x7a: {  	_ =	shalt  }
0x7b: {  	_ =	shalt  }
0x7c: {  	_ =	shalt  }
0x7d: {  	_ =	shalt  }
0x7e: {  	_ =	shalt  }
0x7f: {  	_ =	shalt  }
0x80: {  	_ =	shalt  }
0x81: {  	_ =	shalt  }
0x82: {  	_ =	shalt  }
0x83: {  	_ =	shalt  }
0x84: {  	_ =	shalt  }
0x85: {  	_ =	shalt  }
0x86: {  	_ =	shalt  }
0x87: {  	_ =	shalt  }
.Lfunc_end0:
.L_simem_size_0:
called_computation.4_lowered:
.L_overlay_start_0:
0x88: {  	s2 =	sld [smem:$0x3FD9]  }
0x89: {  	s3 =	sld [smem:$0x3FFE];
	_ =	sdelay $0x1  }
0x8a: {  	s1 =	srdreg.scid  }
0x8b: {  	s0 =	sand.u32 $0x1, s1  }
0x8c: {  	s16 =	sshll.u32 s0, $0xA;
	s2 =	sadd.s32 s3, s2  }
0x8d: {  	s2 =	sadd.s32 s2, s16  }
0x8e: {  	[smem:$0x3FB5] =	sst s2  }
0x8f: {  	_ = 	snop  }
0x90: {  	(tm) =	ssettm $0x1  }
0x91: {  	s17 =	sld [smem:$0x3FFB];
	_ =	sdelay $0x3  }
0x92: {  	_ =	strace s17  }
0x93: {  	s2 =	sld [smem:$0x3FFC];
	_ =	sdelay $0x3  }
0x94: {  	_ =	strace s2  }
0x95: {  	s2 =	sld [smem:$0x3FFD];
	_ =	sdelay $0x3  }
0x96: {  	_ =	strace s2  }
0x97: {  	_ =	strace $0x8FFFFFFF  }
0x98: {  	s18 =	sld [smem:$0x3FDB];
	_ =	sdelay $0x1  }
0x99: {  	s19 =	simm.s32 $_scs_section_size  }
0x9a: {  	s4 =	simm.s32 $_size__tile_overlayer_lowered;
	s5 =	simm.s32 $_tile_overlayer_lowered  }
0x9b: {  	s22 =	simm.s32 $0x1BFF;
	s21 =	sshll.u32 s5, $0x1;
	s2 =	sadd.s32 s19, s18  }
0x9c: {  	s6 =	simm.s32 $0x0;
	s20 =	sshll.u32 s4, $0x1;
	s4 =	sadd.s32 s21, s2  }
0x9d: {  	[timem:s6], [sflag:s22] =	dma.local [hbm:s4], s20  }
0x9e: {  	_ =	swait.ge [sflag:s22], s20  }
0x9f: {  	s3 =	ssub.s32 $0x0, s20;
	[sflag:s22] =	ssyncset.done $0x0  }
0xa0: {  	[sflag:s22] =	ssyncadd.s32 s3;
	_ =	sdelay $0x1  }
0xa1: {  	s23 =	simm.s32 $0x1B8B  }
0xa2: {  	_ =	swait.ge [sflag:s23], $0x1  }
0xa3: {  	[sflag:s23] =	ssyncset.done $0x0  }
0xa4: {  	s25 =	simm.s32 $0x1B8E;
	s24 =	sld [smem:$0x3FFE];
	[sflag:s23] =	ssyncadd.s32 $0xFFFFFFFF  }
0xa5: {  	s26 =	simm.s32 $execute0_lowered;
	[smem:$0x3FD2] =	sst s25  }
0xa6: {  	s4 =	sshll.u32 s26, $0x1;
	_ =	strace $0x80000052;
	[dreg:$0x1] =	wrdreg $0xFFFFFFFF  }
0xa7: {  	s28 =	simm.s32 $_size_execute0_lowered;
	s2 =	sadd.s32 s2, s4;
	[dreg:$0x0] =	wrdreg $0x0  }
0xa8: {  	s4 =	sshll.u32 s28, $0x1;
	[dreg:$0x2] =	wrdreg s2  }
0xa9: {  	[dreg:$0x3] =	wrdreg s4  }
0xaa: {  	[dreg:$0x4] =	wrdreg $0xC0  }
0xab: {  	_ =	task [dreg:s6], $0x5FFFF  }
0xac: {  	[dreg:$0x1] =	wrdreg $0xFFFFFFFF  }
0xad: {  	[dreg:$0x0] =	wrdreg $0x60  }
0xae: {  	[dreg:$0x2] =	wrdreg s24  }
0xaf: {  	[dreg:$0x3] =	wrdreg $0xA8000  }
0xb0: {  	[dreg:$0x4] =	wrdreg $0x9  }
0xb1: {  	_ =	task.clear_ibuf [dreg:s6], $0x5FFFF;
	_ =	strace $0x90000052  }
0xb2: {  	s29 =	simm.s32 $0x9;
	_ =	strace $0x80000054  }
0xb3: {  	_ =	swait.ge [sflag:s29], $0x1  }
0xb4: {  	[sflag:s29] =	ssyncadd.s32 $0xFFFFFFFF  }
0xb5: {  	_ =	strace $0x90000054  }
0xb6: {  	_ =	sfence  }
0xb7: {  	s30 =	sld [smem:$0x0];
	_ =	sdelay $0x2  }
0xb8: {  	s31 =	sshll.u32 s1, $0xD;
	s1 =	sshrl.u32 s1, $0x2  }
0xb9: {  	s3 =	sand.u32 $0x4000, s31;
	s1 =	sadd.s32 s1, s30  }
0xba: {  	s0 =	sor.u32 s3, s0;
	s1 =	sshll.u32 s1, $0x11  }
0xbb: {  	s0 =	sor.u32 s1, s0  }
0xbc: {  	s0 =	sadd.s32 $0x8F2B, s0  }
0xbd: {  	[sflag:s0] =	ssyncadd.remote.s32 $0x1  }
0xbe: {  	_ =	sfence.sel $0xFFFF  }
0xbf: {  	[dreg:$0x0] =	wrdreg $0xFFFFFFFF;
	(pc) =	sbr.abs _section_cstart, $3  }
0xc0: {  	[dreg:$0x1] =	wrdreg $0xFFFFFFFF  }
0xc1: {  	_ =	task.clear_ibuf [dreg:s6], $0x2FFFF;
	_ =	strace $0x9FFFFFFF  }
0xc2: {  	(tm) =	ssettm $0x7FFFFFFF  }
0xc3: {  	_ =	shalt  }
tec
execute0_lowered:
.L_overlay_start_1:
0x0: {  	(tag) =	ssettag $0x1  }
0x1: {  	s6 =	rddreg [dreg:$0x0]  }
0x2: {  	s2 =	rddreg [dreg:$0x1]  }
0x3: {  	s0 =	srdreg.scid;
	s1 =	rddreg [dreg:$0x2]  }
0x4: {  	s3 =	simm.s32 $0x0;
	s14 =	simm.s32 $0x5;
	s15 =	simm.s32 $0x1400  }
0x5: {  	s16 =	simm.s32 $0x7D;
	s17 =	simm.s32 $0x2800;
	s18 =	simm.s32 $0x1  }
0x6: {  	s19 =	simm.s32 $0x80;
	s20 =	simm.s32 $0x6800;
	s7 =	sand.u32 $0x1, s0  }
0x7: {  	s21 =	simm.s32 $0x2;
	s0 =	stileid.u32;
	s4 =	smul.u32 $0x28000, s7  }
0x8: {  	s22 =	simm.s32 $0x3;
	s23 =	simm.s32 $0x100;
	s5 =	smul.u32 $0x2800, s0  }
0x9: {  	s24 =	simm.s32 $0x1480;
	s25 =	simm.s32 $0x4;
	s8 =	smul.u32 $0x140000, s7  }
0xa: {  	s26 =	simm.s32 $0x0;
	[smem:$0x7FF] =	sst s3;
	s10 =	smul.u32 $0x14000, s0  }
0xb: {  	_ =	strace $0x80000053;
	s28 =	smul.u32 $0x50000, s0;
	s7 =	ssub.s32 $0x2, s7  }
0xc: {  	s31 =	sshll.u32 s0, $0x6;
	s29 =	sshrl.u32 s7, $0x1;
	s4 =	sadd.s32 s4, s5  }
0xd: {  	s5 =	sshrl.u32 s5, $0x3;
	s8 =	sadd.s32 s10, s8;
	s30 =	ssub.s32 s7, s29  }
0xe: {  	s9 =	sshrl.u32 s4, $0x3;
	s4 =	sadd.s32 $0x61E00, s6;
	s12 =	sadd.s32 s5, s6  }
.Ltmp0:
0xf: {  	s5 =	sadd.s32 $0x19A600, s6;
	s8 =	sshrl.u32 s8, $0x3;
	(pc) =	sbr.rel .LBB2_1-.Ltmp0, $4  }
0x10: {  	s11 =	sadd.s32 s9, s6;
	s8 =	sadd.s32 s8, s6;
	s9 =	sshrl.u32 s28, $0x2  }
0x11: {  	s6 =	sor.u32 $0x1C05, s31;
	s10 =	sadd.s32 $0x5CE00, s12;
	s12 =	sadd.s32 $0x5D080, s12  }
0x12: {  	s13 =	sadd.s32 s9, s2;
	s7 =	sadd.s32 $0x19CE00, s8;
	s8 =	smax.u32 s30, $0x1  }
0x13: {  	s9 =	sadd.s32 $0x52E00, s11;
	s11 =	sadd.s32 $0x53080, s11;
	s13 =	sshrl.u32 s13, $0x3  }
.LBB2_7:
0x14: {  	[spmem:s2] =	stream.indirect.scatter.add.f32 [tilespmem:s20], [sflag:$0x4], $0x80, s30, s16, $0xb8;
	[tilespmem:$0x1E800] =	vst v63  }
0x15: {  	_ =	swait.ge [sflag:s22], $0x3E80  }
0x16: {  	[sflag:s22] =	ssyncset.done $0x0  }
0x17: {  	[sflag:s22] =	ssyncadd.s32 $0xFFFFC180  }
0x18: {  	_ =	swait.ge [sflag:s25], $0x3E80  }
0x19: {  	s26 =	sadd.s32 $0x1, s26;
	[sflag:s25] =	ssyncset.done $0x0  }
0x1a: {  	p0 =	sne.s32 s26, s8;
	[sflag:s25] =	ssyncadd.s32 $0xFFFFC180  }
.Ltmp1:
0x1b: {  	[bflag:$0x0] =	sbarrier.arrive $0xFFFF;
	(pc) =	sbr.rel @!p0 .LBB2_8-.Ltmp1, $4  }
0x1c: {  	[hbm:s7], [sflag:s6] =	dma.local [spmem:s13], $0x2800  }
0x1d: {  	_ =	swait.ge [sflag:s14], $0x2800  }
0x1e: {  	[sflag:s14] =	ssyncset.done $0x0  }
0x1f: {  	[sflag:s14] =	ssyncadd.s32 $0xFFFFD800  }
.LBB2_1:
0x20: {  	[spmem:s13], [sflag:s6] =	dma.local [hbm:s5], $0x2800  }
0x21: {  	_ =	swait.ge [sflag:s14], $0x2800  }
0x22: {  	[sflag:s14] =	ssyncset.done $0x0  }
0x23: {  	[sflag:s14] =	ssyncadd.s32 $0xFFFFD800  }
0x24: {  	[bflag:$0x0] =	sbarrier.arrive $0xFFFF  }
0x25: {  	[tilespmem:s3], [sflag:$0x5] =	stream.linear.gather [hbm4b:s9+s3], $0x1400, $0x38;
	[tilespmem:$0x1E800] =	vst v63  }
0x26: {  	_ =	swait.ge [sflag:s14], $0x1400  }
0x27: {  	[sflag:s14] =	ssyncset.done $0x0  }
0x28: {  	[sflag:s14] =	ssyncadd.s32 $0xFFFFEC00  }
0x29: {  	[tilespmem:s15], [sflag:$0x5] =	stream.linear.gather [hbm4b:s10+s3], $0x1400, $0x38;
	[tilespmem:$0x1E800] =	vst v63  }
0x2a: {  	_ =	swait.ge [sflag:s14], $0x1400  }
0x2b: {  	[sflag:s14] =	ssyncset.done $0x0  }
0x2c: {  	[sflag:s14] =	ssyncadd.s32 $0xFFFFEC00  }
0x2d: {  	[tilespmem:s17], [sflag:$0x1] =	stream.indirect.gather [hbm4b:s4+s16], $0x80, s3, s16, $0xb8;
	[tilespmem:$0x1E800] =	vst v63  }
0x2e: {  	_ =	swait.ge [sflag:s18], $0x3E80  }
0x2f: {  	[sflag:s18] =	ssyncset.done $0x0  }
0x30: {  	[sflag:s18] =	ssyncadd.s32 $0xFFFFC180  }
0x31: {  	[tilespmem:s20], [sflag:$0x2] =	stream.indirect.gather [hbm4b:s4+s16], $0x80, s19, s16, $0xb8;
	[tilespmem:$0x1E800] =	vst v63  }
0x32: {  	_ = 	snop  }
0x33: {  	[spmem:s2] =	stream.indirect.scatter.add.f32 [tilespmem:s17], [sflag:$0x3], $0x80, s15, s16, $0xb8;
	[tilespmem:$0x1E800] =	vst v63  }
0x34: {  	_ =	swait.ge [sflag:s21], $0x3E80  }
0x35: {  	[sflag:s21] =	ssyncset.done $0x0  }
0x36: {  	[sflag:s21] =	ssyncadd.s32 $0xFFFFC180  }
0x37: {  	_ =	swait.ge [sflag:s22], $0x3E80  }
0x38: {  	[sflag:s22] =	ssyncset.done $0x0  }
0x39: {  	[sflag:s22] =	ssyncadd.s32 $0xFFFFC180  }
0x3a: {  	[tilespmem:s17], [sflag:$0x1] =	stream.indirect.gather [hbm4b:s4+s16], $0x80, s23, s16, $0xb8;
	[tilespmem:$0x1E800] =	vst v63  }
0x3b: {  	s28 =	simm.s32 $0xFFFFB800  }
0x3c: {  	[spmem:s2] =	stream.indirect.scatter.add.f32 [tilespmem:s20], [sflag:$0x4], $0x80, s24, s16, $0xb8;
	[tilespmem:$0x1E800] =	vst v63  }
.LBB2_2:
0x3d: {  	_ =	swait.ge [sflag:s18], $0x3E80  }
0x3e: {  	[sflag:s18] =	ssyncset.done $0x0  }
0x3f: {  	[sflag:s18] =	ssyncadd.s32 $0xFFFFC180  }
0x40: {  	_ =	swait.ge [sflag:s25], $0x3E80  }
0x41: {  	s29 =	sshra.s32 s28, $0x2;
	[sflag:s25] =	ssyncset.done $0x0  }
0x42: {  	p0 =	seq.s32 s28, $0x0;
	s30 =	sadd.s32 $0x1380, s29;
	[sflag:s25] =	ssyncadd.s32 $0xFFFFC180  }
0x43: {  	[tilespmem:s20], [sflag:$0x2] =	stream.indirect.gather [hbm4b:s4+s16], $0x80, s30, s16, $0xb8;
	[tilespmem:$0x1E800] =	vst v63  }
.Ltmp2:
0x44: {  	s30 =	sadd.s32 $0x2700, s29;
	(pc) =	sbr.rel @p0 .LBB2_4-.Ltmp2, $4  }
0x45: {  	[spmem:s2] =	stream.indirect.scatter.add.f32 [tilespmem:s17], [sflag:$0x3], $0x80, s30, s16, $0xb8;
	[tilespmem:$0x1E800] =	vst v63  }
0x46: {  	_ =	swait.ge [sflag:s21], $0x3E80  }
0x47: {  	[sflag:s21] =	ssyncset.done $0x0  }
0x48: {  	s30 =	sadd.s32 $0x2780, s29;
	[sflag:s21] =	ssyncadd.s32 $0xFFFFC180  }
0x49: {  	_ =	swait.ge [sflag:s22], $0x3E80  }
.Ltmp3:
0x4a: {  	[sflag:s22] =	ssyncset.done $0x0;
	(pc) =	sbr.rel .LBB2_2-.Ltmp3, $4  }
0x4b: {  	s29 =	sadd.s32 $0x1400, s29;
	[sflag:s22] =	ssyncadd.s32 $0xFFFFC180  }
0x4c: {  	[tilespmem:s17], [sflag:$0x1] =	stream.indirect.gather [hbm4b:s4+s16], $0x80, s29, s16, $0xb8;
	[tilespmem:$0x1E800] =	vst v63  }
0x4d: {  	s28 =	sadd.s32 $0x400, s28  }
0x4e: {  	[spmem:s2] =	stream.indirect.scatter.add.f32 [tilespmem:s20], [sflag:$0x4], $0x80, s30, s16, $0xb8;
	[tilespmem:$0x1E800] =	vst v63  }
.LBB2_4:
0x4f: {  	[spmem:s2] =	stream.indirect.scatter.add.f32 [tilespmem:s20], [sflag:$0x4], $0x80, s30, s16, $0xb8;
	[tilespmem:$0x1E800] =	vst v63  }
0x50: {  	_ =	swait.ge [sflag:s22], $0x3E80  }
0x51: {  	[sflag:s22] =	ssyncset.done $0x0  }
0x52: {  	[sflag:s22] =	ssyncadd.s32 $0xFFFFC180  }
0x53: {  	_ =	swait.ge [sflag:s25], $0x3E80  }
0x54: {  	[sflag:s25] =	ssyncset.done $0x0  }
0x55: {  	[sflag:s25] =	ssyncadd.s32 $0xFFFFC180  }
0x56: {  	[tilespmem:s3], [sflag:$0x5] =	stream.linear.gather [hbm4b:s11+s3], $0x1400, $0x38;
	[tilespmem:$0x1E800] =	vst v63  }
0x57: {  	_ =	swait.ge [sflag:s14], $0x1400  }
0x58: {  	[sflag:s14] =	ssyncset.done $0x0  }
0x59: {  	[sflag:s14] =	ssyncadd.s32 $0xFFFFEC00  }
0x5a: {  	[tilespmem:s15], [sflag:$0x5] =	stream.linear.gather [hbm4b:s12+s3], $0x1400, $0x38;
	[tilespmem:$0x1E800] =	vst v63  }
0x5b: {  	_ =	swait.ge [sflag:s14], $0x1400  }
0x5c: {  	[sflag:s14] =	ssyncset.done $0x0  }
0x5d: {  	[sflag:s14] =	ssyncadd.s32 $0xFFFFEC00  }
0x5e: {  	[tilespmem:s17], [sflag:$0x1] =	stream.indirect.gather [hbm4b:s4+s16], $0x80, s3, s16, $0xb8;
	[tilespmem:$0x1E800] =	vst v63  }
0x5f: {  	_ =	swait.ge [sflag:s18], $0x3E80  }
0x60: {  	[sflag:s18] =	ssyncset.done $0x0  }
0x61: {  	[sflag:s18] =	ssyncadd.s32 $0xFFFFC180  }
0x62: {  	[tilespmem:s20], [sflag:$0x2] =	stream.indirect.gather [hbm4b:s4+s16], $0x80, s19, s16, $0xb8;
	[tilespmem:$0x1E800] =	vst v63  }
0x63: {  	_ = 	snop  }
0x64: {  	[spmem:s2] =	stream.indirect.scatter.add.f32 [tilespmem:s17], [sflag:$0x3], $0x80, s15, s16, $0xb8;
	[tilespmem:$0x1E800] =	vst v63  }
0x65: {  	_ =	swait.ge [sflag:s21], $0x3E80  }
0x66: {  	[sflag:s21] =	ssyncset.done $0x0  }
0x67: {  	[sflag:s21] =	ssyncadd.s32 $0xFFFFC180  }
0x68: {  	_ =	swait.ge [sflag:s22], $0x3E80  }
0x69: {  	[sflag:s22] =	ssyncset.done $0x0  }
0x6a: {  	[sflag:s22] =	ssyncadd.s32 $0xFFFFC180  }
0x6b: {  	[tilespmem:s17], [sflag:$0x1] =	stream.indirect.gather [hbm4b:s4+s16], $0x80, s23, s16, $0xb8;
	[tilespmem:$0x1E800] =	vst v63  }
0x6c: {  	s28 =	simm.s32 $0xFFFFB800  }
0x6d: {  	[spmem:s2] =	stream.indirect.scatter.add.f32 [tilespmem:s20], [sflag:$0x4], $0x80, s24, s16, $0xb8;
	[tilespmem:$0x1E800] =	vst v63  }
.LBB2_5:
0x6e: {  	_ =	swait.ge [sflag:s18], $0x3E80  }
0x6f: {  	[sflag:s18] =	ssyncset.done $0x0  }
0x70: {  	[sflag:s18] =	ssyncadd.s32 $0xFFFFC180  }
0x71: {  	_ =	swait.ge [sflag:s25], $0x3E80  }
0x72: {  	s29 =	sshra.s32 s28, $0x2;
	[sflag:s25] =	ssyncset.done $0x0  }
0x73: {  	p0 =	seq.s32 s28, $0x0;
	s30 =	sadd.s32 $0x1380, s29;
	[sflag:s25] =	ssyncadd.s32 $0xFFFFC180  }
0x74: {  	[tilespmem:s20], [sflag:$0x2] =	stream.indirect.gather [hbm4b:s4+s16], $0x80, s30, s16, $0xb8;
	[tilespmem:$0x1E800] =	vst v63  }
.Ltmp4:
0x75: {  	s30 =	sadd.s32 $0x2700, s29;
	(pc) =	sbr.rel @p0 .LBB2_7-.Ltmp4, $4  }
0x76: {  	[spmem:s2] =	stream.indirect.scatter.add.f32 [tilespmem:s17], [sflag:$0x3], $0x80, s30, s16, $0xb8;
	[tilespmem:$0x1E800] =	vst v63  }
0x77: {  	_ =	swait.ge [sflag:s21], $0x3E80  }
0x78: {  	[sflag:s21] =	ssyncset.done $0x0  }
0x79: {  	s30 =	sadd.s32 $0x2780, s29;
	[sflag:s21] =	ssyncadd.s32 $0xFFFFC180  }
0x7a: {  	_ =	swait.ge [sflag:s22], $0x3E80  }
.Ltmp5:
0x7b: {  	[sflag:s22] =	ssyncset.done $0x0;
	(pc) =	sbr.rel .LBB2_5-.Ltmp5, $4  }
0x7c: {  	s29 =	sadd.s32 $0x1400, s29;
	[sflag:s22] =	ssyncadd.s32 $0xFFFFC180  }
0x7d: {  	[tilespmem:s17], [sflag:$0x1] =	stream.indirect.gather [hbm4b:s4+s16], $0x80, s29, s16, $0xb8;
	[tilespmem:$0x1E800] =	vst v63  }
0x7e: {  	s28 =	sadd.s32 $0x400, s28  }
0x7f: {  	[spmem:s2] =	stream.indirect.scatter.add.f32 [tilespmem:s20], [sflag:$0x4], $0x80, s30, s16, $0xb8;
	[tilespmem:$0x1E800] =	vst v63  }
.LBB2_8:
0x80: {  	_ =	sfence.sel $0x180000  }
0x81: {  	[bflag:$0x0] =	sbarrier.arrive $0xFFFF  }
0x82: {  	p0 =	sne.s32 s0, $0x0;
	_ =	strace $0x90000053  }
0x83: {  	s0 =	sadd.s32 @!p0 $0x100000, s1;
	[bflag:$0x2] =	sbarrier.arrive $0xFFFF  }
0x84: {  	[sflag:s0] =	ssyncadd.tile.s32 @!p0 $0x1;
	_ =	shalt  }
.Lfunc_end2:
_tile_overlayer_lowered:
.L_overlay_start_2:
0x85: {  	(tag) =	ssettag $0x2  }
0x86: {  	s0 =	rddreg [dreg:$0x0];
	s2 =	stileid.u32  }
0x87: {  	s1 =	rddreg [dreg:$0x1];
	p0 =	sne.s32 s2, $0x0  }
0x88: {  	s3 =	rddreg [dreg:$0x2];
	[bflag:$0x3] =	sbarrier.arrive $0xFFFF;
	s2 =	simm.s32 @!p0 $0x1C05  }
0x89: {  	[timem:s3], [sflag:s2] =	dma.local @!p0 [hbm:s0], s1  }
0x8a: {  	s0 =	simm.s32 @!p0 $0x5  }
0x8b: {  	_ =	swait.ge @!p0 [sflag:s0], s1  }
0x8c: {  	s1 =	ssub.s32 @!p0 $0x0, s1;
	[sflag:s0] =	ssyncset.done @!p0 $0x0  }
0x8d: {  	[sflag:s0] =	ssyncadd.s32 @!p0 s1  }
0x8e: {  	[bflag:$0x3] =	sbarrier.arrive $0xFFFF  }
0x8f: {  	_ =	shalt  }

// kernel: kernel.31.cloned.1.call-start
scs
__scs_entry_jumppad:
0x0: {  	(pc) =	sbr.rel $0x88, $3  }
0x1: {  	(tag) =	ssettag $0x0;
	lr =	simm.s32 $0x1  }
0x2: {  	[smem:$0x3F8E] =	sst lr;
	_ =	strace $0xD0000000  }
0x3: {  	_ = 	snop  }
0x4: {  	_ = 	snop  }
0x5: {  	_ = 	snop  }
0x6: {  	_ = 	snop  }
0x7: {  	_ = 	snop  }
__scs_overlays_trampoline_lowered:
0x8: {  	[smem:$0x3F9D] =	sst s0  }
0x9: {  	[smem:$0x3F9E] =	sst s1  }
0xa: {  	[smem:$0x3F9F] =	sst s2  }
0xb: {  	[smem:$0x3FA0] =	sst s3  }
0xc: {  	[smem:$0x3FA1] =	sst s4  }
0xd: {  	[smem:$0x3FA2] =	sst s5  }
0xe: {  	[smem:$0x3FA3] =	sst s6  }
0xf: {  	[smem:$0x3FA4] =	sst s7  }
0x10: {  	[smem:$0x3FA5] =	sst s8  }
0x11: {  	[smem:$0x3FA6] =	sst s9;
	s0 =	simm.s32 @!p0 $0x0  }
0x12: {  	s1 =	sld [smem:$0x3F8C];
	s0 =	simm.s32 @p0 $0x1  }
0x13: {  	[smem:$0x3FA7] =	sst s0;
	s0 =	simm.s32 @!p1 $0x0  }
0x14: {  	s2 =	sld [smem:$0x3F8B];
	s0 =	simm.s32 @p1 $0x1  }
0x15: {  	[smem:$0x3FA8] =	sst s0;
	s0 =	simm.s32 @!p2 $0x0  }
0x16: {  	s3 =	sld [smem:$0x3FDB];
	s0 =	simm.s32 @p2 $0x1  }
0x17: {  	s4 =	simm.s32 $0x1BF5;
	[smem:$0x3FAA] =	sst s0  }
0x18: {  	s0 =	sld [smem:$0x3F8D];
	_ =	swait.ge [sflag:s4], $0x0  }
0x19: {  	s7 =	sld [smem:$0x3F8E]  }
0x1a: {  	s8 =	sadd.s32 $0xFFFFE003, lr  }
0x1b: {  	s9 =	sadd.s32 $0xFFFFFEF7, lr;
	s5 =	simm.s32 $0xFFFFFFFF;
	p2 =	slt.u32 s8, $0xFFFFF086  }
0x1c: {  	p1 =	slt.u32 s9, $0xF7A;
	s5 =	simm.s32 @!p2 $0x0  }
0x1d: {  	s5 =	simm.s32 @p1 $0x1;
	p0 =	seq.s32 s7, s2  }
0x1e: {  	s7 =	smul.u32 @!p0 $0xF7A, s2;
	p2 =	seq.s32 @!p0 s5, $0x0  }
0x1f: {  	s9 =	smul.u32 $0xF7A, s1;
	s8 =	simm.s32 @!p0 $0x1BF5;
	p2 =	por !p2, p0  }
0x20: {  	[sflag:s8] =	ssyncset.s32 @!p0 $0xFFFFF086;
	s6 =	sadd.s32 @!p0 s3, s7;
	s7 =	simm.s32 @!p0 $0x108  }
0x21: {  	s3 =	sadd.s32 s3, s9;
	s6 =	sadd.s32 @!p0 $0x88, s6;
	s7 =	simm.s32 @p2 $0x1082  }
0x22: {  	[simem:s7], [sflag:s8] =	dma.local @!p0 [hbm:s6], $0xF7A  }
0x23: {  	s9 =	sor.u32 $0xD0000000, s2;
	s6 =	simm.s32 $0x108;
	_ =	swait.ge @!p0 [sflag:s8], $0x0  }
0x24: {  	s3 =	sadd.s32 $0x88, s3;
	s6 =	simm.s32 @!p1 $0x1082;
	[sflag:s4] =	ssyncset.s32 $0xFFFFF086  }
0x25: {  	[simem:s6], [sflag:s4] =	dma.local [hbm:s3], $0xF7A  }
0x26: {  	[smem:$0x3F8E] =	sst s1;
	(tag) =	ssettag s2;
	_ =	strace s9  }
0x27: {  	s1 =	sld [smem:$0x3F9E]  }
0x28: {  	s2 =	sld [smem:$0x3F9F]  }
0x29: {  	s4 =	sld [smem:$0x3FA1]  }
0x2a: {  	p0 =	seq.s32 s5, $0x0;
	s5 =	sld [smem:$0x3FA2]  }
0x2b: {  	s6 =	sld [smem:$0x3FA3]  }
0x2c: {  	s7 =	sld [smem:$0x3FA4]  }
0x2d: {  	s3 =	simm.s32 $0x108;
	s8 =	sld [smem:$0x3FA5]  }
0x2e: {  	s3 =	simm.s32 @!p0 $0x1082;
	s9 =	sld [smem:$0x3FA6]  }
0x2f: {  	lr =	sadd.s32 s0, s3;
	s0 =	sld [smem:$0x3F9D]  }
0x30: {  	s3 =	sld [smem:$0x3FA0]  }
0x31: {  	[smem:$0x3FA9] =	sst s10  }
0x32: {  	s10 =	sld [smem:$0x3FA7];
	_ =	sdelay $0x3  }
0x33: {  	p0 =	seq.s32 s10, $0x1;
	s10 =	sld [smem:$0x3FA9];
	_ =	sdelay $0x3  }
0x34: {  	[smem:$0x3FA9] =	sst s10  }
0x35: {  	s10 =	sld [smem:$0x3FA8];
	_ =	sdelay $0x3  }
0x36: {  	p1 =	seq.s32 s10, $0x1;
	s10 =	sld [smem:$0x3FA9];
	_ =	sdelay $0x3  }
0x37: {  	[smem:$0x3FA9] =	sst s10  }
0x38: {  	s10 =	sld [smem:$0x3FAA]  }
0x39: {  	_ = 	snop;
	(pc) =	sbr.ind lr, $3  }
0x3a: {  	_ = 	snop  }
0x3b: {  	_ = 	snop  }
0x3c: {  	p2 =	seq.s32 s10, $0x1;
	s10 =	sld [smem:$0x3FA9]  }
0x3d: {  	_ =	shalt  }
0x3e: {  	_ =	shalt  }
0x3f: {  	_ =	shalt  }
0x40: {  	_ =	shalt  }
0x41: {  	_ =	shalt  }
0x42: {  	_ =	shalt  }
0x43: {  	_ =	shalt  }
0x44: {  	_ =	shalt  }
0x45: {  	_ =	shalt  }
0x46: {  	_ =	shalt  }
0x47: {  	_ =	shalt  }
0x48: {  	_ =	shalt  }
0x49: {  	_ =	shalt  }
0x4a: {  	_ =	shalt  }
0x4b: {  	_ =	shalt  }
0x4c: {  	_ =	shalt  }
0x4d: {  	_ =	shalt  }
0x4e: {  	_ =	shalt  }
0x4f: {  	_ =	shalt  }
0x50: {  	_ =	shalt  }
0x51: {  	_ =	shalt  }
0x52: {  	_ =	shalt  }
0x53: {  	_ =	shalt  }
0x54: {  	_ =	shalt  }
0x55: {  	_ =	shalt  }
0x56: {  	_ =	shalt  }
0x57: {  	_ =	shalt  }
0x58: {  	_ =	shalt  }
0x59: {  	_ =	shalt  }
0x5a: {  	_ =	shalt  }
0x5b: {  	_ =	shalt  }
0x5c: {  	_ =	shalt  }
0x5d: {  	_ =	shalt  }
0x5e: {  	_ =	shalt  }
0x5f: {  	_ =	shalt  }
0x60: {  	_ =	shalt  }
0x61: {  	_ =	shalt  }
0x62: {  	_ =	shalt  }
0x63: {  	_ =	shalt  }
0x64: {  	_ =	shalt  }
0x65: {  	_ =	shalt  }
0x66: {  	_ =	shalt  }
0x67: {  	_ =	shalt  }
0x68: {  	_ =	shalt  }
0x69: {  	_ =	shalt  }
0x6a: {  	_ =	shalt  }
0x6b: {  	_ =	shalt  }
0x6c: {  	_ =	shalt  }
0x6d: {  	_ =	shalt  }
0x6e: {  	_ =	shalt  }
0x6f: {  	_ =	shalt  }
0x70: {  	_ =	shalt  }
0x71: {  	_ =	shalt  }
0x72: {  	_ =	shalt  }
0x73: {  	_ =	shalt  }
0x74: {  	_ =	shalt  }
0x75: {  	_ =	shalt  }
0x76: {  	_ =	shalt  }
0x77: {  	_ =	shalt  }
0x78: {  	_ =	shalt  }
0x79: {  	_ =	shalt  }
0x7a: {  	_ =	shalt  }
0x7b: {  	_ =	shalt  }
0x7c: {  	_ =	shalt  }
0x7d: {  	_ =	shalt  }
0x7e: {  	_ =	shalt  }
0x7f: {  	_ =	shalt  }
0x80: {  	_ =	shalt  }
0x81: {  	_ =	shalt  }
0x82: {  	_ =	shalt  }
0x83: {  	_ =	shalt  }
0x84: {  	_ =	shalt  }
0x85: {  	_ =	shalt  }
0x86: {  	_ =	shalt  }
0x87: {  	_ =	shalt  }
.Lfunc_end0:
.L_simem_size_0:
called_computation.5_lowered:
.L_overlay_start_0:
0x88: {  	s2 =	sld [smem:$0x3FD9]  }
0x89: {  	s3 =	sld [smem:$0x3FFE];
	_ =	sdelay $0x1  }
0x8a: {  	s1 =	srdreg.scid  }
0x8b: {  	s0 =	sand.u32 $0x1, s1  }
0x8c: {  	s16 =	sshll.u32 s0, $0xA;
	s2 =	sadd.s32 s3, s2  }
0x8d: {  	s2 =	sadd.s32 s2, s16  }
0x8e: {  	[smem:$0x3FB5] =	sst s2  }
0x8f: {  	_ = 	snop  }
0x90: {  	(tm) =	ssettm $0x1  }
0x91: {  	s17 =	sld [smem:$0x3FFB];
	_ =	sdelay $0x3  }
0x92: {  	_ =	strace s17  }
0x93: {  	s2 =	sld [smem:$0x3FFC];
	_ =	sdelay $0x3  }
0x94: {  	_ =	strace s2  }
0x95: {  	s2 =	sld [smem:$0x3FFD];
	_ =	sdelay $0x3  }
0x96: {  	_ =	strace s2  }
0x97: {  	_ =	strace $0x8FFFFFFF  }
0x98: {  	s18 =	sld [smem:$0x3FDB];
	_ =	sdelay $0x1  }
0x99: {  	s19 =	simm.s32 $_scs_section_size  }
0x9a: {  	s4 =	simm.s32 $_size__tile_overlayer_lowered;
	s5 =	simm.s32 $_tile_overlayer_lowered  }
0x9b: {  	s22 =	simm.s32 $0x1BFF;
	s21 =	sshll.u32 s5, $0x1;
	s2 =	sadd.s32 s19, s18  }
0x9c: {  	s6 =	simm.s32 $0x0;
	s20 =	sshll.u32 s4, $0x1;
	s4 =	sadd.s32 s21, s2  }
0x9d: {  	[timem:s6], [sflag:s22] =	dma.local [hbm:s4], s20  }
0x9e: {  	_ =	swait.ge [sflag:s22], s20  }
0x9f: {  	s3 =	ssub.s32 $0x0, s20;
	[sflag:s22] =	ssyncset.done $0x0  }
0xa0: {  	[sflag:s22] =	ssyncadd.s32 s3;
	_ =	sdelay $0x1  }
0xa1: {  	s23 =	simm.s32 $0x1B8B  }
0xa2: {  	_ =	swait.ge [sflag:s23], $0x1  }
0xa3: {  	[sflag:s23] =	ssyncset.done $0x0  }
0xa4: {  	s25 =	simm.s32 $0x1B8E;
	s24 =	sld [smem:$0x3FFE];
	[sflag:s23] =	ssyncadd.s32 $0xFFFFFFFF  }
0xa5: {  	s26 =	simm.s32 $execute0_lowered;
	[smem:$0x3FD2] =	sst s25  }
0xa6: {  	s4 =	sshll.u32 s26, $0x1;
	_ =	strace $0x80000055;
	[dreg:$0x1] =	wrdreg $0xFFFFFFFF  }
0xa7: {  	s28 =	simm.s32 $_size_execute0_lowered;
	s2 =	sadd.s32 s2, s4;
	[dreg:$0x0] =	wrdreg $0x0  }
0xa8: {  	s4 =	sshll.u32 s28, $0x1;
	[dreg:$0x2] =	wrdreg s2  }
0xa9: {  	[dreg:$0x3] =	wrdreg s4  }
0xaa: {  	[dreg:$0x4] =	wrdreg $0xC0  }
0xab: {  	_ =	task [dreg:s6], $0x5FFFF  }
0xac: {  	[dreg:$0x1] =	wrdreg $0xFFFFFFFF  }
0xad: {  	[dreg:$0x0] =	wrdreg $0x60  }
0xae: {  	[dreg:$0x2] =	wrdreg s24  }
0xaf: {  	[dreg:$0x3] =	wrdreg $0xA8000  }
0xb0: {  	[dreg:$0x4] =	wrdreg $0x9  }
0xb1: {  	_ =	task.clear_ibuf [dreg:s6], $0x5FFFF;
	_ =	strace $0x90000055  }
0xb2: {  	s29 =	simm.s32 $0x9;
	_ =	strace $0x80000057  }
0xb3: {  	_ =	swait.ge [sflag:s29], $0x1  }
0xb4: {  	[sflag:s29] =	ssyncadd.s32 $0xFFFFFFFF  }
0xb5: {  	_ =	strace $0x90000057  }
0xb6: {  	_ =	sfence  }
0xb7: {  	s30 =	sld [smem:$0x0];
	_ =	sdelay $0x2  }
0xb8: {  	s31 =	sshll.u32 s1, $0xD;
	s1 =	sshrl.u32 s1, $0x2  }
0xb9: {  	s3 =	sand.u32 $0x4000, s31;
	s1 =	sadd.s32 s1, s30  }
0xba: {  	s0 =	sor.u32 s3, s0;
	s1 =	sshll.u32 s1, $0x11  }
0xbb: {  	s0 =	sor.u32 s1, s0  }
0xbc: {  	s0 =	sadd.s32 $0x8F2B, s0  }
0xbd: {  	[sflag:s0] =	ssyncadd.remote.s32 $0x1  }
0xbe: {  	_ =	sfence.sel $0xFFFF  }
0xbf: {  	[dreg:$0x0] =	wrdreg $0xFFFFFFFF;
	(pc) =	sbr.abs _section_cstart, $3  }
0xc0: {  	[dreg:$0x1] =	wrdreg $0xFFFFFFFF  }
0xc1: {  	_ =	task.clear_ibuf [dreg:s6], $0x2FFFF;
	_ =	strace $0x9FFFFFFF  }
0xc2: {  	(tm) =	ssettm $0x7FFFFFFF  }
0xc3: {  	_ =	shalt  }
tec
execute0_lowered:
.L_overlay_start_1:
0x0: {  	(tag) =	ssettag $0x1  }
0x1: {  	s6 =	rddreg [dreg:$0x0]  }
0x2: {  	s2 =	rddreg [dreg:$0x1]  }
0x3: {  	s0 =	srdreg.scid;
	s1 =	rddreg [dreg:$0x2]  }
0x4: {  	s3 =	simm.s32 $0x0;
	s14 =	simm.s32 $0x5;
	s15 =	simm.s32 $0x1400  }
0x5: {  	s16 =	simm.s32 $0x7D;
	s17 =	simm.s32 $0x2800;
	s18 =	simm.s32 $0x1  }
0x6: {  	s19 =	simm.s32 $0x80;
	s20 =	simm.s32 $0x6800;
	s7 =	sand.u32 $0x1, s0  }
0x7: {  	s21 =	simm.s32 $0x2;
	s0 =	stileid.u32;
	s4 =	smul.u32 $0x28000, s7  }
0x8: {  	s22 =	simm.s32 $0x3;
	s23 =	simm.s32 $0x100;
	s5 =	smul.u32 $0x2800, s0  }
0x9: {  	s24 =	simm.s32 $0x1480;
	s25 =	simm.s32 $0x4;
	s8 =	smul.u32 $0x140000, s7  }
0xa: {  	s26 =	simm.s32 $0x0;
	[smem:$0x7FF] =	sst s3;
	s10 =	smul.u32 $0x14000, s0  }
0xb: {  	_ =	strace $0x80000056;
	s28 =	smul.u32 $0x50000, s0;
	s7 =	ssub.s32 $0x2, s7  }
0xc: {  	s31 =	sshll.u32 s0, $0x6;
	s29 =	sshrl.u32 s7, $0x1;
	s4 =	sadd.s32 s4, s5  }
0xd: {  	s5 =	sshrl.u32 s5, $0x3;
	s8 =	sadd.s32 s10, s8;
	s30 =	ssub.s32 s7, s29  }
0xe: {  	s9 =	sshrl.u32 s4, $0x3;
	s4 =	sadd.s32 $0x61E00, s6;
	s12 =	sadd.s32 s5, s6  }
.Ltmp0:
0xf: {  	s5 =	sadd.s32 $0x19A600, s6;
	s8 =	sshrl.u32 s8, $0x3;
	(pc) =	sbr.rel .LBB2_1-.Ltmp0, $4  }
0x10: {  	s11 =	sadd.s32 s9, s6;
	s8 =	sadd.s32 s8, s6;
	s9 =	sshrl.u32 s28, $0x2  }
0x11: {  	s6 =	sor.u32 $0x1C05, s31;
	s10 =	sadd.s32 $0x5CE00, s12;
	s12 =	sadd.s32 $0x5D080, s12  }
0x12: {  	s13 =	sadd.s32 s9, s2;
	s7 =	sadd.s32 $0x1EB000, s8;
	s8 =	smax.u32 s30, $0x1  }
0x13: {  	s9 =	sadd.s32 $0x52E00, s11;
	s11 =	sadd.s32 $0x53080, s11;
	s13 =	sshrl.u32 s13, $0x3  }
.LBB2_7:
0x14: {  	[spmem:s2] =	stream.indirect.scatter.add.f32 [tilespmem:s20], [sflag:$0x4], $0x80, s30, s16, $0xb8;
	[tilespmem:$0x1E800] =	vst v63  }
0x15: {  	_ =	swait.ge [sflag:s22], $0x3E80  }
0x16: {  	[sflag:s22] =	ssyncset.done $0x0  }
0x17: {  	[sflag:s22] =	ssyncadd.s32 $0xFFFFC180  }
0x18: {  	_ =	swait.ge [sflag:s25], $0x3E80  }
0x19: {  	s26 =	sadd.s32 $0x1, s26;
	[sflag:s25] =	ssyncset.done $0x0  }
0x1a: {  	p0 =	sne.s32 s26, s8;
	[sflag:s25] =	ssyncadd.s32 $0xFFFFC180  }
.Ltmp1:
0x1b: {  	[bflag:$0x0] =	sbarrier.arrive $0xFFFF;
	(pc) =	sbr.rel @!p0 .LBB2_8-.Ltmp1, $4  }
0x1c: {  	[hbm:s7], [sflag:s6] =	dma.local [spmem:s13], $0x2800  }
0x1d: {  	_ =	swait.ge [sflag:s14], $0x2800  }
0x1e: {  	[sflag:s14] =	ssyncset.done $0x0  }
0x1f: {  	[sflag:s14] =	ssyncadd.s32 $0xFFFFD800  }
.LBB2_1:
0x20: {  	[spmem:s13], [sflag:s6] =	dma.local [hbm:s5], $0x2800  }
0x21: {  	_ =	swait.ge [sflag:s14], $0x2800  }
0x22: {  	[sflag:s14] =	ssyncset.done $0x0  }
0x23: {  	[sflag:s14] =	ssyncadd.s32 $0xFFFFD800  }
0x24: {  	[bflag:$0x0] =	sbarrier.arrive $0xFFFF  }
0x25: {  	[tilespmem:s3], [sflag:$0x5] =	stream.linear.gather [hbm4b:s9+s3], $0x1400, $0x38;
	[tilespmem:$0x1E800] =	vst v63  }
0x26: {  	_ =	swait.ge [sflag:s14], $0x1400  }
0x27: {  	[sflag:s14] =	ssyncset.done $0x0  }
0x28: {  	[sflag:s14] =	ssyncadd.s32 $0xFFFFEC00  }
0x29: {  	[tilespmem:s15], [sflag:$0x5] =	stream.linear.gather [hbm4b:s10+s3], $0x1400, $0x38;
	[tilespmem:$0x1E800] =	vst v63  }
0x2a: {  	_ =	swait.ge [sflag:s14], $0x1400  }
0x2b: {  	[sflag:s14] =	ssyncset.done $0x0  }
0x2c: {  	[sflag:s14] =	ssyncadd.s32 $0xFFFFEC00  }
0x2d: {  	[tilespmem:s17], [sflag:$0x1] =	stream.indirect.gather [hbm4b:s4+s16], $0x80, s3, s16, $0xb8;
	[tilespmem:$0x1E800] =	vst v63  }
0x2e: {  	_ =	swait.ge [sflag:s18], $0x3E80  }
0x2f: {  	[sflag:s18] =	ssyncset.done $0x0  }
0x30: {  	[sflag:s18] =	ssyncadd.s32 $0xFFFFC180  }
0x31: {  	[tilespmem:s20], [sflag:$0x2] =	stream.indirect.gather [hbm4b:s4+s16], $0x80, s19, s16, $0xb8;
	[tilespmem:$0x1E800] =	vst v63  }
0x32: {  	_ = 	snop  }
0x33: {  	[spmem:s2] =	stream.indirect.scatter.add.f32 [tilespmem:s17], [sflag:$0x3], $0x80, s15, s16, $0xb8;
	[tilespmem:$0x1E800] =	vst v63  }
0x34: {  	_ =	swait.ge [sflag:s21], $0x3E80  }
0x35: {  	[sflag:s21] =	ssyncset.done $0x0  }
0x36: {  	[sflag:s21] =	ssyncadd.s32 $0xFFFFC180  }
0x37: {  	_ =	swait.ge [sflag:s22], $0x3E80  }
0x38: {  	[sflag:s22] =	ssyncset.done $0x0  }
0x39: {  	[sflag:s22] =	ssyncadd.s32 $0xFFFFC180  }
0x3a: {  	[tilespmem:s17], [sflag:$0x1] =	stream.indirect.gather [hbm4b:s4+s16], $0x80, s23, s16, $0xb8;
	[tilespmem:$0x1E800] =	vst v63  }
0x3b: {  	s28 =	simm.s32 $0xFFFFB800  }
0x3c: {  	[spmem:s2] =	stream.indirect.scatter.add.f32 [tilespmem:s20], [sflag:$0x4], $0x80, s24, s16, $0xb8;
	[tilespmem:$0x1E800] =	vst v63  }
.LBB2_2:
0x3d: {  	_ =	swait.ge [sflag:s18], $0x3E80  }
0x3e: {  	[sflag:s18] =	ssyncset.done $0x0  }
0x3f: {  	[sflag:s18] =	ssyncadd.s32 $0xFFFFC180  }
0x40: {  	_ =	swait.ge [sflag:s25], $0x3E80  }
0x41: {  	s29 =	sshra.s32 s28, $0x2;
	[sflag:s25] =	ssyncset.done $0x0  }
0x42: {  	p0 =	seq.s32 s28, $0x0;
	s30 =	sadd.s32 $0x1380, s29;
	[sflag:s25] =	ssyncadd.s32 $0xFFFFC180  }
0x43: {  	[tilespmem:s20], [sflag:$0x2] =	stream.indirect.gather [hbm4b:s4+s16], $0x80, s30, s16, $0xb8;
	[tilespmem:$0x1E800] =	vst v63  }
.Ltmp2:
0x44: {  	s30 =	sadd.s32 $0x2700, s29;
	(pc) =	sbr.rel @p0 .LBB2_4-.Ltmp2, $4  }
0x45: {  	[spmem:s2] =	stream.indirect.scatter.add.f32 [tilespmem:s17], [sflag:$0x3], $0x80, s30, s16, $0xb8;
	[tilespmem:$0x1E800] =	vst v63  }
0x46: {  	_ =	swait.ge [sflag:s21], $0x3E80  }
0x47: {  	[sflag:s21] =	ssyncset.done $0x0  }
0x48: {  	s30 =	sadd.s32 $0x2780, s29;
	[sflag:s21] =	ssyncadd.s32 $0xFFFFC180  }
0x49: {  	_ =	swait.ge [sflag:s22], $0x3E80  }
.Ltmp3:
0x4a: {  	[sflag:s22] =	ssyncset.done $0x0;
	(pc) =	sbr.rel .LBB2_2-.Ltmp3, $4  }
0x4b: {  	s29 =	sadd.s32 $0x1400, s29;
	[sflag:s22] =	ssyncadd.s32 $0xFFFFC180  }
0x4c: {  	[tilespmem:s17], [sflag:$0x1] =	stream.indirect.gather [hbm4b:s4+s16], $0x80, s29, s16, $0xb8;
	[tilespmem:$0x1E800] =	vst v63  }
0x4d: {  	s28 =	sadd.s32 $0x400, s28  }
0x4e: {  	[spmem:s2] =	stream.indirect.scatter.add.f32 [tilespmem:s20], [sflag:$0x4], $0x80, s30, s16, $0xb8;
	[tilespmem:$0x1E800] =	vst v63  }
.LBB2_4:
0x4f: {  	[spmem:s2] =	stream.indirect.scatter.add.f32 [tilespmem:s20], [sflag:$0x4], $0x80, s30, s16, $0xb8;
	[tilespmem:$0x1E800] =	vst v63  }
0x50: {  	_ =	swait.ge [sflag:s22], $0x3E80  }
0x51: {  	[sflag:s22] =	ssyncset.done $0x0  }
0x52: {  	[sflag:s22] =	ssyncadd.s32 $0xFFFFC180  }
0x53: {  	_ =	swait.ge [sflag:s25], $0x3E80  }
0x54: {  	[sflag:s25] =	ssyncset.done $0x0  }
0x55: {  	[sflag:s25] =	ssyncadd.s32 $0xFFFFC180  }
0x56: {  	[tilespmem:s3], [sflag:$0x5] =	stream.linear.gather [hbm4b:s11+s3], $0x1400, $0x38;
	[tilespmem:$0x1E800] =	vst v63  }
0x57: {  	_ =	swait.ge [sflag:s14], $0x1400  }
0x58: {  	[sflag:s14] =	ssyncset.done $0x0  }
0x59: {  	[sflag:s14] =	ssyncadd.s32 $0xFFFFEC00  }
0x5a: {  	[tilespmem:s15], [sflag:$0x5] =	stream.linear.gather [hbm4b:s12+s3], $0x1400, $0x38;
	[tilespmem:$0x1E800] =	vst v63  }
0x5b: {  	_ =	swait.ge [sflag:s14], $0x1400  }
0x5c: {  	[sflag:s14] =	ssyncset.done $0x0  }
0x5d: {  	[sflag:s14] =	ssyncadd.s32 $0xFFFFEC00  }
0x5e: {  	[tilespmem:s17], [sflag:$0x1] =	stream.indirect.gather [hbm4b:s4+s16], $0x80, s3, s16, $0xb8;
	[tilespmem:$0x1E800] =	vst v63  }
0x5f: {  	_ =	swait.ge [sflag:s18], $0x3E80  }
0x60: {  	[sflag:s18] =	ssyncset.done $0x0  }
0x61: {  	[sflag:s18] =	ssyncadd.s32 $0xFFFFC180  }
0x62: {  	[tilespmem:s20], [sflag:$0x2] =	stream.indirect.gather [hbm4b:s4+s16], $0x80, s19, s16, $0xb8;
	[tilespmem:$0x1E800] =	vst v63  }
0x63: {  	_ = 	snop  }
0x64: {  	[spmem:s2] =	stream.indirect.scatter.add.f32 [tilespmem:s17], [sflag:$0x3], $0x80, s15, s16, $0xb8;
	[tilespmem:$0x1E800] =	vst v63  }
0x65: {  	_ =	swait.ge [sflag:s21], $0x3E80  }
0x66: {  	[sflag:s21] =	ssyncset.done $0x0  }
0x67: {  	[sflag:s21] =	ssyncadd.s32 $0xFFFFC180  }
0x68: {  	_ =	swait.ge [sflag:s22], $0x3E80  }
0x69: {  	[sflag:s22] =	ssyncset.done $0x0  }
0x6a: {  	[sflag:s22] =	ssyncadd.s32 $0xFFFFC180  }
0x6b: {  	[tilespmem:s17], [sflag:$0x1] =	stream.indirect.gather [hbm4b:s4+s16], $0x80, s23, s16, $0xb8;
	[tilespmem:$0x1E800] =	vst v63  }
0x6c: {  	s28 =	simm.s32 $0xFFFFB800  }
0x6d: {  	[spmem:s2] =	stream.indirect.scatter.add.f32 [tilespmem:s20], [sflag:$0x4], $0x80, s24, s16, $0xb8;
	[tilespmem:$0x1E800] =	vst v63  }
.LBB2_5:
0x6e: {  	_ =	swait.ge [sflag:s18], $0x3E80  }
0x6f: {  	[sflag:s18] =	ssyncset.done $0x0  }
0x70: {  	[sflag:s18] =	ssyncadd.s32 $0xFFFFC180  }
0x71: {  	_ =	swait.ge [sflag:s25], $0x3E80  }
0x72: {  	s29 =	sshra.s32 s28, $0x2;
	[sflag:s25] =	ssyncset.done $0x0  }
0x73: {  	p0 =	seq.s32 s28, $0x0;
	s30 =	sadd.s32 $0x1380, s29;
	[sflag:s25] =	ssyncadd.s32 $0xFFFFC180  }
0x74: {  	[tilespmem:s20], [sflag:$0x2] =	stream.indirect.gather [hbm4b:s4+s16], $0x80, s30, s16, $0xb8;
	[tilespmem:$0x1E800] =	vst v63  }
.Ltmp4:
0x75: {  	s30 =	sadd.s32 $0x2700, s29;
	(pc) =	sbr.rel @p0 .LBB2_7-.Ltmp4, $4  }
0x76: {  	[spmem:s2] =	stream.indirect.scatter.add.f32 [tilespmem:s17], [sflag:$0x3], $0x80, s30, s16, $0xb8;
	[tilespmem:$0x1E800] =	vst v63  }
0x77: {  	_ =	swait.ge [sflag:s21], $0x3E80  }
0x78: {  	[sflag:s21] =	ssyncset.done $0x0  }
0x79: {  	s30 =	sadd.s32 $0x2780, s29;
	[sflag:s21] =	ssyncadd.s32 $0xFFFFC180  }
0x7a: {  	_ =	swait.ge [sflag:s22], $0x3E80  }
.Ltmp5:
0x7b: {  	[sflag:s22] =	ssyncset.done $0x0;
	(pc) =	sbr.rel .LBB2_5-.Ltmp5, $4  }
0x7c: {  	s29 =	sadd.s32 $0x1400, s29;
	[sflag:s22] =	ssyncadd.s32 $0xFFFFC180  }
0x7d: {  	[tilespmem:s17], [sflag:$0x1] =	stream.indirect.gather [hbm4b:s4+s16], $0x80, s29, s16, $0xb8;
	[tilespmem:$0x1E800] =	vst v63  }
0x7e: {  	s28 =	sadd.s32 $0x400, s28  }
0x7f: {  	[spmem:s2] =	stream.indirect.scatter.add.f32 [tilespmem:s20], [sflag:$0x4], $0x80, s30, s16, $0xb8;
	[tilespmem:$0x1E800] =	vst v63  }
.LBB2_8:
0x80: {  	_ =	sfence.sel $0x180000  }
0x81: {  	[bflag:$0x0] =	sbarrier.arrive $0xFFFF  }
0x82: {  	p0 =	sne.s32 s0, $0x0;
	_ =	strace $0x90000056  }
0x83: {  	s0 =	sadd.s32 @!p0 $0x100000, s1;
	[bflag:$0x2] =	sbarrier.arrive $0xFFFF  }
0x84: {  	[sflag:s0] =	ssyncadd.tile.s32 @!p0 $0x1;
	_ =	shalt  }
.Lfunc_end2:
_tile_overlayer_lowered:
.L_overlay_start_2:
0x85: {  	(tag) =	ssettag $0x2  }
0x86: {  	s0 =	rddreg [dreg:$0x0];
	s2 =	stileid.u32  }
0x87: {  	s1 =	rddreg [dreg:$0x1];
	p0 =	sne.s32 s2, $0x0  }
0x88: {  	s3 =	rddreg [dreg:$0x2];
	[bflag:$0x3] =	sbarrier.arrive $0xFFFF;
	s2 =	simm.s32 @!p0 $0x1C05  }
0x89: {  	[timem:s3], [sflag:s2] =	dma.local @!p0 [hbm:s0], s1  }
0x8a: {  	s0 =	simm.s32 @!p0 $0x5  }
0x8b: {  	_ =	swait.ge @!p0 [sflag:s0], s1  }
0x8c: {  	s1 =	ssub.s32 @!p0 $0x0, s1;
	[sflag:s0] =	ssyncset.done @!p0 $0x0  }
0x8d: {  	[sflag:s0] =	ssyncadd.s32 @!p0 s1  }
0x8e: {  	[bflag:$0x3] =	sbarrier.arrive $0xFFFF  }
0x8f: {  	_ =	shalt  }

</sc_bundles>
